<compile_context>
chip_gen: v7x
topology: tpu7x:2x2x1
jax: 0.10.2.dev20260603
libtpu: 0.0.44.dev20260713+nightly
codegen_flags: <defaults>
</compile_context>

<pallas_src>
import functools

import jax
import jax.numpy as jnp
from jax import lax
from jax.experimental import pallas as pl
from jax.experimental.pallas import tpu as pltpu
from jax.experimental.pallas import tpu_sc as plsc

N = 100000
SUB = 512
NCORE = 2
NSUB = 16
NW = NCORE * NSUB
JUNK = 224
NR = N + JUNK
RPT = NR // NSUB
BN = 2000
HI = lax.Precision.HIGHEST

_mesh = plsc.VectorSubcoreMesh(
    core_axis_name="c", subcore_axis_name="s",
    num_cores=NCORE, num_subcores=NSUB)


def _edge_loop(src_h, dst_h, gather_ref, acc, srcv, dstv, rowsv,
               sg0, sg1, ss0, ss1, base, steps):
  sg = (sg0, sg1)
  ss = (ss0, ss1)
  assert steps % 2 == 0

  def drain_gather(b):
    pltpu.make_async_copy(gather_ref.at[srcv.at[b]], rowsv.at[b], sg[b]).wait()

  def fire_scatter(b):
    pltpu.async_copy(rowsv.at[b], acc.at[dstv.at[b]], ss[b], add=True)

  def drain_scatter(b):
    pltpu.make_async_copy(rowsv.at[b], acc.at[dstv.at[b]], ss[b]).wait()

  def fire(g, b, drain_prev):
    @pl.when(g < steps)
    def _():
      if drain_prev:
        drain_scatter(b)
      row0 = base + g
      pltpu.sync_copy(src_h.at[row0], srcv.at[b])
      pltpu.sync_copy(dst_h.at[row0], dstv.at[b])
      pltpu.async_copy(gather_ref.at[srcv.at[b]], rowsv.at[b], sg[b])

  fire(0, 0, False)
  fire(1, 1, False)

  def body(i2, carry):
    for b in (0, 1):
      g = i2 * 2 + b
      drain_gather(b)
      fire_scatter(b)
      fire(g + 2, b, True)
    return carry
  lax.fori_loop(0, steps // 2, body, 0)
  drain_scatter(0)
  drain_scatter(1)


def _agg0_body(src_h, dst_h, t16_h, z16_h, out_h, acc, srcv, dstv, rowsv,
               sg0, sg1, ss0, ss1):
  c = lax.axis_index("c")
  s = lax.axis_index("s")
  pltpu.sync_copy(z16_h.at[pl.ds(s * RPT, RPT)], acc.at[pl.ds(s * RPT, RPT)])
  plsc.subcore_barrier()
  nrows = src_h.shape[0]
  steps = nrows // NW
  w = c * NSUB + s
  _edge_loop(src_h, dst_h, t16_h, acc, srcv, dstv, rowsv, sg0, sg1, ss0, ss1,
             w * steps, steps)
  plsc.subcore_barrier()
  pltpu.sync_copy(acc.at[pl.ds(s * RPT, RPT)],
                  out_h.at[pl.ds(c * NR + s * RPT, RPT)])


def _agg1_body(src_h, dst_h, h0_h, h1_h, h2_h, h3_h, z16_h, out_h,
               acc, srcv, dstv, rowsv, sg0, sg1, ss0, ss1):
  c = lax.axis_index("c")
  s = lax.axis_index("s")
  nrows = src_h.shape[0]
  steps = nrows // NSUB
  base = s * steps

  def one_pass(h_ref, g):
    pltpu.sync_copy(z16_h.at[pl.ds(s * RPT, RPT)], acc.at[pl.ds(s * RPT, RPT)])
    plsc.subcore_barrier()
    _edge_loop(src_h, dst_h, h_ref, acc, srcv, dstv, rowsv,
               sg0, sg1, ss0, ss1, base, steps)
    plsc.subcore_barrier()
    pltpu.sync_copy(acc.at[pl.ds(s * RPT, RPT)],
                    out_h.at[pl.ds(g * NR + s * RPT, RPT)])
    plsc.subcore_barrier()

  @pl.when(c == 0)
  def _():
    one_pass(h0_h, 0)
    one_pass(h1_h, 1)

  @pl.when(c == 1)
  def _():
    one_pass(h2_h, 2)
    one_pass(h3_h, 3)


_SC_PARAMS = pltpu.CompilerParams(use_tc_tiling_on_sc=False)

_agg0 = functools.partial(
    pl.kernel, _agg0_body,
    out_type=jax.ShapeDtypeStruct((2 * NR, 16), jnp.float32),
    mesh=_mesh,
    compiler_params=_SC_PARAMS,
    scratch_types=[
        pltpu.VMEM_SHARED((NR, 16), jnp.float32),
        pltpu.VMEM((2, SUB), jnp.int32),
        pltpu.VMEM((2, SUB), jnp.int32),
        pltpu.VMEM((2, SUB, 16), jnp.float32),
        pltpu.SemaphoreType.DMA,
        pltpu.SemaphoreType.DMA,
        pltpu.SemaphoreType.DMA,
        pltpu.SemaphoreType.DMA,
    ])()

_agg1 = functools.partial(
    pl.kernel, _agg1_body,
    out_type=jax.ShapeDtypeStruct((4 * NR, 16), jnp.float32),
    mesh=_mesh,
    compiler_params=_SC_PARAMS,
    scratch_types=[
        pltpu.VMEM_SHARED((NR, 16), jnp.float32),
        pltpu.VMEM((2, SUB), jnp.int32),
        pltpu.VMEM((2, SUB), jnp.int32),
        pltpu.VMEM((2, SUB, 16), jnp.float32),
        pltpu.SemaphoreType.DMA,
        pltpu.SemaphoreType.DMA,
        pltpu.SemaphoreType.DMA,
        pltpu.SemaphoreType.DMA,
    ])()


def _mlp0_body(t16, acc, w0, b0, w1, b1, h0o, h1o, h2o, h3o, p0o, p1o):
  i = pl.program_id(0)
  a = acc[0][:, 0:4] + acc[1][:, 0:4]
  deg = jnp.maximum(a[:, 3:4], 1.0)
  t = t16[:, 0:4]
  m = t + a / deg
  h = jnp.maximum(jnp.dot(m, w0[...], precision=HI) + b0[...], 0.0)
  hh = jnp.maximum(jnp.dot(h, w1[...], precision=HI) + b1[...], 0.0)
  h0o[...] = hh[:, 0:16]
  h1o[...] = hh[:, 16:32]
  h2o[...] = hh[:, 32:48]
  h3o[...] = hh[:, 48:64]

  @pl.when(i == 0)
  def _():
    p0o[...] = jnp.zeros_like(p0o)
    p1o[...] = jnp.zeros_like(p1o)
  p0o[...] += jnp.sum(t, axis=0, keepdims=True)
  p1o[...] += jnp.sum(hh, axis=0, keepdims=True)


def _mlp1_body(h0, h1, h2, h3, s4, acc, v0, c0, v1, c1, p2o):
  i = pl.program_id(0)
  a = acc[0][:, 0:4] + acc[1][:, 0:4]
  deg = jnp.maximum(a[:, 3:4], 1.0)
  hcat = jnp.concatenate([h0[...], h1[...], h2[...], h3[...]], axis=1)
  scat = jnp.concatenate([s4[0], s4[1], s4[2], s4[3]], axis=1)
  m = hcat + scat / deg
  h = jnp.maximum(jnp.dot(m, v0[...], precision=HI) + c0[...], 0.0)
  hh = jnp.maximum(jnp.dot(h, v1[...], precision=HI) + c1[...], 0.0)

  @pl.when(i == 0)
  def _():
    p2o[...] = jnp.zeros_like(p2o)
  p2o[...] += jnp.sum(hh, axis=0, keepdims=True)


_SELU_ALPHA = 1.6732632423543772
_SELU_SCALE = 1.0507009873554805


def _head_body(p0, p1, p2, lw0, lw1, lw2, lb, lng, lnb,
               f1w, f1b, f21w, f21b, f22w, f22b, muo, lvo):
  score = (jnp.dot(p0[...], lw0[...], precision=HI)
           + jnp.dot(p1[...], lw1[...], precision=HI)
           + jnp.dot(p2[...], lw2[...], precision=HI) + lb[...])
  mu_ln = jnp.mean(score, axis=-1, keepdims=True)
  d = score - mu_ln
  var = jnp.mean(d * d, axis=-1, keepdims=True)
  cc = d * lax.rsqrt(var + 1e-5) * lng[...] + lnb[...]
  z = jnp.dot(cc, f1w[...], precision=HI) + f1b[...]
  hh = _SELU_SCALE * jnp.where(z > 0, z, _SELU_ALPHA * (jnp.exp(z) - 1.0))
  muo[...] = jnp.dot(hh, f21w[...], precision=HI) + f21b[...]
  lvo[...] = jnp.dot(hh, f22w[...], precision=HI) + f22b[...]


def _fold_bn(w, b, g, bb):
  s = (1.0 + 1e-5) ** -0.5
  return w * (g * s)[None, :], (b * g * s + bb)[None, :]


def kernel(T, edge_index, params):
  f32 = jnp.float32
  p = params

  c0p, c1p = p['conv0'], p['conv1']
  W0, B0 = _fold_bn(c0p['w0'], c0p['b0'], c0p['bn0_g'], c0p['bn0_b'])
  W1, B1 = _fold_bn(c0p['w1'], c0p['b1'], c0p['an_g'], c0p['an_b'])
  V0, C0 = _fold_bn(c1p['w0'], c1p['b0'], c1p['bn0_g'], c1p['bn0_b'])
  V1, C1 = _fold_bn(c1p['w1'], c1p['b1'], c1p['an_g'], c1p['an_b'])
  W0p = jnp.concatenate([W0, jnp.zeros((1, 64), f32)], axis=0)

  Ee = edge_index.shape[1]
  tot = NW * SUB
  ep = -(-Ee // tot) * tot
  pad = ep - Ee
  ar = jnp.arange(pad, dtype=jnp.int32)
  src = jnp.concatenate([edge_index[0], (ar * 131) % N]).reshape(ep // SUB, SUB)
  dst = jnp.concatenate([edge_index[1], N + (ar % JUNK)]).reshape(ep // SUB, SUB)
  T16 = jnp.concatenate([T, jnp.ones((N, 1), f32),
                         jnp.zeros((N, 12), f32)], axis=1)
  z16 = jnp.zeros((NR, 16), f32)

  acc0 = _agg0(src, dst, T16, z16).reshape(2, NR, 16)

  grid = N // BN
  wspec = lambda r, c: pl.BlockSpec((r, c), lambda i: (0, 0))
  hspec = pl.BlockSpec((BN, 16), lambda i: (i, 0))
  h1g0, h1g1, h1g2, h1g3, p0, p1 = pl.pallas_call(
      _mlp0_body,
      grid=(grid,),
      in_specs=[
          pl.BlockSpec((BN, 16), lambda i: (i, 0)),
          pl.BlockSpec((2, BN, 16), lambda i: (0, i, 0)),
          wspec(4, 64), wspec(1, 64), wspec(64, 64), wspec(1, 64),
      ],
      out_specs=[hspec, hspec, hspec, hspec,
                 pl.BlockSpec((1, 4), lambda i: (0, 0)),
                 pl.BlockSpec((1, 64), lambda i: (0, 0))],
      out_shape=[jax.ShapeDtypeStruct((N, 16), f32)] * 4
      + [jax.ShapeDtypeStruct((1, 4), f32), jax.ShapeDtypeStruct((1, 64), f32)],
  )(T16, acc0, W0p, B0, W1, B1)

  s1 = _agg1(src, dst, h1g0, h1g1, h1g2, h1g3, z16).reshape(4, NR, 16)

  p2 = pl.pallas_call(
      _mlp1_body,
      grid=(grid,),
      in_specs=[
          hspec, hspec, hspec, hspec,
          pl.BlockSpec((4, BN, 16), lambda i: (0, i, 0)),
          pl.BlockSpec((2, BN, 16), lambda i: (0, i, 0)),
          wspec(64, 64), wspec(1, 64), wspec(64, 64), wspec(1, 64),
      ],
      out_specs=pl.BlockSpec((1, 64), lambda i: (0, 0)),
      out_shape=jax.ShapeDtypeStruct((1, 64), f32),
  )(h1g0, h1g1, h1g2, h1g3, s1, acc0, V0, C0, V1, C1)

  lw0p = jnp.concatenate([p['lp_w0'], jnp.zeros((1, 128), f32)], axis=0)
  lb = (p['lp_b0'] + p['lp_b1'] + p['lp_b2']).reshape(1, 128)
  mu, logvar = pl.pallas_call(
      _head_body,
      grid=(1,),
      in_specs=[wspec(1, 4), wspec(1, 64), wspec(1, 64),
                wspec(4, 128), wspec(64, 128), wspec(64, 128),
                wspec(1, 128), wspec(1, 128), wspec(1, 128),
                wspec(128, 256), wspec(1, 256),
                wspec(256, 128), wspec(1, 128),
                wspec(256, 128), wspec(1, 128)],
      out_specs=[wspec(1, 128), wspec(1, 128)],
      out_shape=[jax.ShapeDtypeStruct((1, 128), f32)] * 2,
  )(p0, p1, p2, lw0p, p['lp_w1'], p['lp_w2'], lb,
    p['ln_g'].reshape(1, 128), p['ln_b'].reshape(1, 128),
    p['fc1_w'], p['fc1_b'].reshape(1, 256),
    p['fc21_w'], p['fc21_b'].reshape(1, 128),
    p['fc22_w'], p['fc22_b'].reshape(1, 128))
  return (mu, mu, logvar)

# --- scband reference (transcript-rebuilt; emitter-appended) ---
"""Pipeline reference for scband-prob-traffic-gin-25134148616282 (READ-ONLY COPY).

The authoritative reference and input builder live on the scoring server;
editing this copy changes nothing except your own understanding.
"""

import jax, jax.numpy as jnp
import numpy as np

N = 100000
E = 3200000
BN_EPS = 1e-5
LN_EPS = 1e-5


def _bn_eval(x, g, b):
    # BatchNorm in eval mode with running_mean=0, running_var=1
    return x / jnp.sqrt(1.0 + BN_EPS) * g + b


def _lin_init(k, fan_in, fan_out):
    kw, kb = jax.random.split(k)
    w = jax.random.normal(kw, (fan_in, fan_out), dtype=jnp.float32) * (1.0 / np.sqrt(fan_in))
    b = jnp.zeros((fan_out,), dtype=jnp.float32)
    return w, b


def setup_inputs(seed: int = 0) -> dict:
    key = jax.random.key(seed)
    ks = jax.random.split(key, 16)
    T = jax.random.normal(ks[0], (N, 3), dtype=jnp.float32)
    edge_index = jax.random.randint(ks[1], (2, E), 0, N, dtype=jnp.int32)

    def conv_params(k, din):
        k0, k1 = jax.random.split(k)
        w0, b0 = _lin_init(k0, din, 64)
        w1, b1 = _lin_init(k1, 64, 64)
        return {
            'w0': w0, 'b0': b0,
            'bn0_g': jnp.ones((64,), jnp.float32), 'bn0_b': jnp.zeros((64,), jnp.float32),
            'w1': w1, 'b1': b1,
            'an_g': jnp.ones((64,), jnp.float32), 'an_b': jnp.zeros((64,), jnp.float32),
        }

    lp_w0, lp_b0 = _lin_init(ks[4], 3, 128)
    lp_w1, lp_b1 = _lin_init(ks[5], 64, 128)
    lp_w2, lp_b2 = _lin_init(ks[6], 64, 128)
    fc1_w, fc1_b = _lin_init(ks[7], 128, 256)
    fc21_w, fc21_b = _lin_init(ks[8], 256, 128)
    fc22_w, fc22_b = _lin_init(ks[9], 256, 128)

    params = {
        'conv0': conv_params(ks[2], 3),
        'conv1': conv_params(ks[3], 64),
        'lp_w0': lp_w0, 'lp_b0': lp_b0,
        'lp_w1': lp_w1, 'lp_b1': lp_b1,
        'lp_w2': lp_w2, 'lp_b2': lp_b2,
        'ln_g': jnp.ones((128,), jnp.float32), 'ln_b': jnp.zeros((128,), jnp.float32),
        'fc1_w': fc1_w, 'fc1_b': fc1_b,
        'fc21_w': fc21_w, 'fc21_b': fc21_b,
        'fc22_w': fc22_w, 'fc22_b': fc22_b,
    }
    return {'T': T, 'edge_index': edge_index, 'params': params}


def reference(T, edge_index, params):
    src = edge_index[0]
    dst = edge_index[1]

    deg = jnp.zeros((N,), jnp.float32).at[dst].add(1.0)
    deg = jnp.maximum(deg, 1.0)

    def agg_mean(h):
        s = jnp.zeros((N, h.shape[1]), h.dtype).at[dst].add(jnp.take(h, src, axis=0))
        return s / deg[:, None]

    def gin_layer(h, p):
        # GINConv with learn_eps=False (eps=0), mean neighbor pooling
        m = h + agg_mean(h)
        # MLP (2 layers) with BN+ReLU between
        h1 = jax.nn.relu(_bn_eval(m @ p['w0'] + p['b0'], p['bn0_g'], p['bn0_b']))
        h2 = h1 @ p['w1'] + p['b1']
        # ApplyNodeFunc: BN + ReLU after MLP
        return jax.nn.relu(_bn_eval(h2, p['an_g'], p['an_b']))

    h0 = T
    h1 = gin_layer(h0, params['conv0'])
    h2 = gin_layer(h1, params['conv1'])

    # graph_pooling_type='sum': sum-pool each layer's node reps (single graph -> (1, d))
    p0 = jnp.sum(h0, axis=0, keepdims=True)
    p1 = jnp.sum(h1, axis=0, keepdims=True)
    p2 = jnp.sum(h2, axis=0, keepdims=True)
    score = (p0 @ params['lp_w0'] + params['lp_b0']) \
          + (p1 @ params['lp_w1'] + params['lp_b1']) \
          + (p2 @ params['lp_w2'] + params['lp_b2'])

    # LayerNorm(128)
    mu_ln = jnp.mean(score, axis=-1, keepdims=True)
    var_ln = jnp.var(score, axis=-1, keepdims=True)
    c = (score - mu_ln) / jnp.sqrt(var_ln + LN_EPS) * params['ln_g'] + params['ln_b']

    # MLP2 with selu (dropout is identity in eval)
    hh = jax.nn.selu(c @ params['fc1_w'] + params['fc1_b'])
    mu = hh @ params['fc21_w'] + params['fc21_b']
    logvar = hh @ params['fc22_w'] + params['fc22_b']
    # eval mode: reparameterize returns mu
    return (mu, mu, logvar)

if __name__ == "__main__":
    import jax
    _d = setup_inputs()
    print(jax.jit(kernel)(*tuple(_d.values())))

</pallas_src>

<mosaic_0001>
#map = affine_map<(d0, d1) -> (0, 0)>
module attributes {stable_mosaic.version = 14 : i64} {
  func.func @_agg1_body(%arg0: i32, %arg1: i32, %arg2: memref<6272x512xi32, #tpu.memory_space<hbm>>, %arg3: memref<6272x512xi32, #tpu.memory_space<hbm>>, %arg4: memref<100000x16xf32, #tpu.memory_space<hbm>>, %arg5: memref<100000x16xf32, #tpu.memory_space<hbm>>, %arg6: memref<100000x16xf32, #tpu.memory_space<hbm>>, %arg7: memref<100000x16xf32, #tpu.memory_space<hbm>>, %arg8: memref<100224x16xf32, #tpu.memory_space<hbm>>, %arg9: memref<400896x16xf32, #tpu.memory_space<hbm>>, %arg10: memref<100224x16xf32, #tpu.memory_space<vmem_shared>>, %arg11: memref<2x512xi32, #tpu.memory_space<vmem>>, %arg12: memref<2x512xi32, #tpu.memory_space<vmem>>, %arg13: memref<2x512x16xf32, #tpu.memory_space<vmem>>, %arg14: memref<!tpu.dma_semaphore, #tpu.memory_space<semaphore_mem>>, %arg15: memref<!tpu.dma_semaphore, #tpu.memory_space<semaphore_mem>>, %arg16: memref<!tpu.dma_semaphore, #tpu.memory_space<semaphore_mem>>, %arg17: memref<!tpu.dma_semaphore, #tpu.memory_space<semaphore_mem>>) attributes {dimension_semantics = [#tpu.dimension_semantics<core_parallel>, #tpu.dimension_semantics<subcore_parallel>], iteration_bounds = array<i64: 2, 16>, scalar_prefetch = 0 : i64, scratch_operands = 8 : i64, tpu.core_type = #tpu.core_type<sc_vector_subcore>, window_params = [{transform_indices = #map}, {transform_indices = #map}, {transform_indices = #map}, {transform_indices = #map}, {transform_indices = #map}, {transform_indices = #map}, {transform_indices = #map}, {transform_indices = #map}]} {
    %mul3A = arith.constant 392 : i32
    %mul3A_0 = arith.muli %arg1, %mul3A : i32
    %eq3A = arith.constant 0 : i32
    %eq3A_1 = arith.cmpi eq, %arg0, %eq3A : i32
    %convert_element_type3A = arith.extui %eq3A_1 : i1 to i32
    %cond3A = arith.constant 0 : i32
    %cond3A_2 = arith.cmpi ne, %convert_element_type3A, %cond3A : i32
    scf.if %cond3A_2 {
      %mul3A_8 = arith.constant 6264 : i32
      %mul3A_9 = arith.muli %arg1, %mul3A_8 : i32
      %mul3A_10 = arith.constant 6264 : i32
      %mul3A_11 = arith.muli %arg1, %mul3A_10 : i32
      "tpu.region"() ({
        %run_scoped3A_152 = tpu.sem_alloc : memref<!tpu.dma_semaphore, #tpu.memory_space<semaphore_mem>>
        %dma_start3A_153 = arith.constant 0 : i32
        %dma_start3A_154 = tpu.memref_slice %arg10[%mul3A_11, %dma_start3A_153] : memref<100224x16xf32, #tpu.memory_space<vmem_shared>> -> memref<6264x16xf32, #tpu.memory_space<vmem_shared>>
        %dma_start3A_155 = arith.constant 0 : i32
        %dma_start3A_156 = tpu.memref_slice %arg8[%mul3A_9, %dma_start3A_155] : memref<100224x16xf32, #tpu.memory_space<hbm>> -> memref<6264x16xf32, #tpu.memory_space<hbm>>
        tpu.enqueue_dma source(%dma_start3A_156 : memref<6264x16xf32, #tpu.memory_space<hbm>>) target(%dma_start3A_154 : memref<6264x16xf32, #tpu.memory_space<vmem_shared>>) target_semaphore(%run_scoped3A_152 : memref<!tpu.dma_semaphore, #tpu.memory_space<semaphore_mem>>)
        %dma_wait3A_157 = arith.constant 0 : i32
        %dma_wait3A_158 = tpu.memref_slice %arg10[%mul3A_11, %dma_wait3A_157] : memref<100224x16xf32, #tpu.memory_space<vmem_shared>> -> memref<6264x16xf32, #tpu.memory_space<vmem_shared>>
        %dma_wait3A_159 = arith.constant 0 : i32
        %dma_wait3A_160 = tpu.memref_slice %arg8[%mul3A_9, %dma_wait3A_159] : memref<100224x16xf32, #tpu.memory_space<hbm>> -> memref<6264x16xf32, #tpu.memory_space<hbm>>
        tpu.wait_dma2 semaphore(%run_scoped3A_152 : memref<!tpu.dma_semaphore, #tpu.memory_space<semaphore_mem>>) src(%dma_wait3A_160 : memref<6264x16xf32, #tpu.memory_space<hbm>>) dst(%dma_wait3A_158 : memref<6264x16xf32, #tpu.memory_space<vmem_shared>>)
        tpu.yield
      }) : () -> ()
      %barrier3A = arith.constant 0 : index
      tpu.barrier barrier_id(%barrier3A)
      %add3A = arith.constant 0 : i32
      %add3A_12 = arith.addi %mul3A_0, %add3A : i32
      %run_scoped3A = arith.constant 0 : i32
      "tpu.region"() ({
        %run_scoped3A_152 = tpu.sem_alloc : memref<!tpu.dma_semaphore, #tpu.memory_space<semaphore_mem>>
        %dma_start3A_153 = arith.constant 0 : i32
        %dma_start3A_154 = tpu.memref_slice %arg11[%run_scoped3A, %dma_start3A_153] : memref<2x512xi32, #tpu.memory_space<vmem>> -> memref<1x512xi32, #tpu.memory_space<vmem>>
        %dma_start3A_155 = tpu.memref_squeeze %dma_start3A_154 : memref<1x512xi32, #tpu.memory_space<vmem>> -> memref<512xi32, #tpu.memory_space<vmem>>
        %dma_start3A_156 = arith.constant 0 : i32
        %dma_start3A_157 = tpu.memref_slice %arg2[%add3A_12, %dma_start3A_156] : memref<6272x512xi32, #tpu.memory_space<hbm>> -> memref<1x512xi32, #tpu.memory_space<hbm>>
        %dma_start3A_158 = tpu.memref_squeeze %dma_start3A_157 : memref<1x512xi32, #tpu.memory_space<hbm>> -> memref<512xi32, #tpu.memory_space<hbm>>
        %dma_start3A_159 = arith.constant 0 : i32
        %dma_start3A_160 = tpu.memref_slice %arg11[%run_scoped3A, %dma_start3A_159] : memref<2x512xi32, #tpu.memory_space<vmem>> -> memref<1x512xi32, #tpu.memory_space<vmem>>
        %dma_start3A_161 = tpu.memref_squeeze %dma_start3A_160 : memref<1x512xi32, #tpu.memory_space<vmem>> -> memref<512xi32, #tpu.memory_space<vmem>>
        %dma_start3A_162 = arith.constant 0 : i32
        %dma_start3A_163 = tpu.memref_slice %arg2[%add3A_12, %dma_start3A_162] : memref<6272x512xi32, #tpu.memory_space<hbm>> -> memref<1x512xi32, #tpu.memory_space<hbm>>
        %dma_start3A_164 = tpu.memref_squeeze %dma_start3A_163 : memref<1x512xi32, #tpu.memory_space<hbm>> -> memref<512xi32, #tpu.memory_space<hbm>>
        tpu.enqueue_dma source(%dma_start3A_164 : memref<512xi32, #tpu.memory_space<hbm>>) target(%dma_start3A_161 : memref<512xi32, #tpu.memory_space<vmem>>) target_semaphore(%run_scoped3A_152 : memref<!tpu.dma_semaphore, #tpu.memory_space<semaphore_mem>>)
        %dma_wait3A_165 = arith.constant 0 : i32
        %dma_wait3A_166 = tpu.memref_slice %arg11[%run_scoped3A, %dma_wait3A_165] : memref<2x512xi32, #tpu.memory_space<vmem>> -> memref<1x512xi32, #tpu.memory_space<vmem>>
        %dma_wait3A_167 = tpu.memref_squeeze %dma_wait3A_166 : memref<1x512xi32, #tpu.memory_space<vmem>> -> memref<512xi32, #tpu.memory_space<vmem>>
        %dma_wait3A_168 = arith.constant 0 : i32
        %dma_wait3A_169 = tpu.memref_slice %arg2[%add3A_12, %dma_wait3A_168] : memref<6272x512xi32, #tpu.memory_space<hbm>> -> memref<1x512xi32, #tpu.memory_space<hbm>>
        %dma_wait3A_170 = tpu.memref_squeeze %dma_wait3A_169 : memref<1x512xi32, #tpu.memory_space<hbm>> -> memref<512xi32, #tpu.memory_space<hbm>>
        %dma_wait3A_171 = arith.constant 0 : i32
        %dma_wait3A_172 = tpu.memref_slice %arg11[%run_scoped3A, %dma_wait3A_171] : memref<2x512xi32, #tpu.memory_space<vmem>> -> memref<1x512xi32, #tpu.memory_space<vmem>>
        %dma_wait3A_173 = tpu.memref_squeeze %dma_wait3A_172 : memref<1x512xi32, #tpu.memory_space<vmem>> -> memref<512xi32, #tpu.memory_space<vmem>>
        %dma_wait3A_174 = arith.constant 0 : i32
        %dma_wait3A_175 = tpu.memref_slice %arg2[%add3A_12, %dma_wait3A_174] : memref<6272x512xi32, #tpu.memory_space<hbm>> -> memref<1x512xi32, #tpu.memory_space<hbm>>
        %dma_wait3A_176 = tpu.memref_squeeze %dma_wait3A_175 : memref<1x512xi32, #tpu.memory_space<hbm>> -> memref<512xi32, #tpu.memory_space<hbm>>
        tpu.wait_dma2 semaphore(%run_scoped3A_152 : memref<!tpu.dma_semaphore, #tpu.memory_space<semaphore_mem>>) src(%dma_wait3A_176 : memref<512xi32, #tpu.memory_space<hbm>>) dst(%dma_wait3A_173 : memref<512xi32, #tpu.memory_space<vmem>>)
        tpu.yield
      }) : () -> ()
      %run_scoped3A_13 = arith.constant 0 : i32
      "tpu.region"() ({
        %run_scoped3A_152 = tpu.sem_alloc : memref<!tpu.dma_semaphore, #tpu.memory_space<semaphore_mem>>
        %dma_start3A_153 = arith.constant 0 : i32
        %dma_start3A_154 = tpu.memref_slice %arg12[%run_scoped3A_13, %dma_start3A_153] : memref<2x512xi32, #tpu.memory_space<vmem>> -> memref<1x512xi32, #tpu.memory_space<vmem>>
        %dma_start3A_155 = tpu.memref_squeeze %dma_start3A_154 : memref<1x512xi32, #tpu.memory_space<vmem>> -> memref<512xi32, #tpu.memory_space<vmem>>
        %dma_start3A_156 = arith.constant 0 : i32
        %dma_start3A_157 = tpu.memref_slice %arg3[%add3A_12, %dma_start3A_156] : memref<6272x512xi32, #tpu.memory_space<hbm>> -> memref<1x512xi32, #tpu.memory_space<hbm>>
        %dma_start3A_158 = tpu.memref_squeeze %dma_start3A_157 : memref<1x512xi32, #tpu.memory_space<hbm>> -> memref<512xi32, #tpu.memory_space<hbm>>
        %dma_start3A_159 = arith.constant 0 : i32
        %dma_start3A_160 = tpu.memref_slice %arg12[%run_scoped3A_13, %dma_start3A_159] : memref<2x512xi32, #tpu.memory_space<vmem>> -> memref<1x512xi32, #tpu.memory_space<vmem>>
        %dma_start3A_161 = tpu.memref_squeeze %dma_start3A_160 : memref<1x512xi32, #tpu.memory_space<vmem>> -> memref<512xi32, #tpu.memory_space<vmem>>
        %dma_start3A_162 = arith.constant 0 : i32
        %dma_start3A_163 = tpu.memref_slice %arg3[%add3A_12, %dma_start3A_162] : memref<6272x512xi32, #tpu.memory_space<hbm>> -> memref<1x512xi32, #tpu.memory_space<hbm>>
        %dma_start3A_164 = tpu.memref_squeeze %dma_start3A_163 : memref<1x512xi32, #tpu.memory_space<hbm>> -> memref<512xi32, #tpu.memory_space<hbm>>
        tpu.enqueue_dma source(%dma_start3A_164 : memref<512xi32, #tpu.memory_space<hbm>>) target(%dma_start3A_161 : memref<512xi32, #tpu.memory_space<vmem>>) target_semaphore(%run_scoped3A_152 : memref<!tpu.dma_semaphore, #tpu.memory_space<semaphore_mem>>)
        %dma_wait3A_165 = arith.constant 0 : i32
        %dma_wait3A_166 = tpu.memref_slice %arg12[%run_scoped3A_13, %dma_wait3A_165] : memref<2x512xi32, #tpu.memory_space<vmem>> -> memref<1x512xi32, #tpu.memory_space<vmem>>
        %dma_wait3A_167 = tpu.memref_squeeze %dma_wait3A_166 : memref<1x512xi32, #tpu.memory_space<vmem>> -> memref<512xi32, #tpu.memory_space<vmem>>
        %dma_wait3A_168 = arith.constant 0 : i32
        %dma_wait3A_169 = tpu.memref_slice %arg3[%add3A_12, %dma_wait3A_168] : memref<6272x512xi32, #tpu.memory_space<hbm>> -> memref<1x512xi32, #tpu.memory_space<hbm>>
        %dma_wait3A_170 = tpu.memref_squeeze %dma_wait3A_169 : memref<1x512xi32, #tpu.memory_space<hbm>> -> memref<512xi32, #tpu.memory_space<hbm>>
        %dma_wait3A_171 = arith.constant 0 : i32
        %dma_wait3A_172 = tpu.memref_slice %arg12[%run_scoped3A_13, %dma_wait3A_171] : memref<2x512xi32, #tpu.memory_space<vmem>> -> memref<1x512xi32, #tpu.memory_space<vmem>>
        %dma_wait3A_173 = tpu.memref_squeeze %dma_wait3A_172 : memref<1x512xi32, #tpu.memory_space<vmem>> -> memref<512xi32, #tpu.memory_space<vmem>>
        %dma_wait3A_174 = arith.constant 0 : i32
        %dma_wait3A_175 = tpu.memref_slice %arg3[%add3A_12, %dma_wait3A_174] : memref<6272x512xi32, #tpu.memory_space<hbm>> -> memref<1x512xi32, #tpu.memory_space<hbm>>
        %dma_wait3A_176 = tpu.memref_squeeze %dma_wait3A_175 : memref<1x512xi32, #tpu.memory_space<hbm>> -> memref<512xi32, #tpu.memory_space<hbm>>
        tpu.wait_dma2 semaphore(%run_scoped3A_152 : memref<!tpu.dma_semaphore, #tpu.memory_space<semaphore_mem>>) src(%dma_wait3A_176 : memref<512xi32, #tpu.memory_space<hbm>>) dst(%dma_wait3A_173 : memref<512xi32, #tpu.memory_space<vmem>>)
        tpu.yield
      }) : () -> ()
      %dma_start3A = arith.constant 0 : i32
      %dma_start3A_14 = arith.constant 0 : i32
      %dma_start3A_15 = arith.constant 0 : i32
      %dma_start3A_16 = arith.constant 0 : i32
      %dma_start3A_17 = tpu.memref_slice %arg13[%dma_start3A_14, %dma_start3A_15, %dma_start3A_16] : memref<2x512x16xf32, #tpu.memory_space<vmem>> -> memref<1x512x16xf32, #tpu.memory_space<vmem>>
      %dma_start3A_18 = tpu.memref_squeeze %dma_start3A_17 : memref<1x512x16xf32, #tpu.memory_space<vmem>> -> memref<512x16xf32, #tpu.memory_space<vmem>>
      %dma_start3A_19 = arith.constant 0 : i32
      %dma_start3A_20 = tpu.memref_slice %arg11[%dma_start3A, %dma_start3A_19] : memref<2x512xi32, #tpu.memory_space<vmem>> -> memref<1x512xi32, #tpu.memory_space<vmem>>
      %dma_start3A_21 = tpu.memref_squeeze %dma_start3A_20 : memref<1x512xi32, #tpu.memory_space<vmem>> -> memref<512xi32, #tpu.memory_space<vmem>>
      %dma_start3A_22 = arith.constant 0 : i32
      %dma_start3A_23 = arith.constant 0 : i32
      %dma_start3A_24 = tpu.memref_slice %arg4[%dma_start3A_22, %dma_start3A_23] : memref<100000x16xf32, #tpu.memory_space<hbm>> -> memref<100000x16xf32, #tpu.memory_space<hbm>>
      tpu.enqueue_indirect_dma source(%dma_start3A_24 : memref<100000x16xf32, #tpu.memory_space<hbm>>) target(%dma_start3A_18 : memref<512x16xf32, #tpu.memory_space<vmem>>) offsets(%dma_start3A_21 : memref<512xi32, #tpu.memory_space<vmem>>) semaphore(%arg14 : memref<!tpu.dma_semaphore, #tpu.memory_space<semaphore_mem>>)
      %add3A_25 = arith.constant 1 : i32
      %add3A_26 = arith.addi %mul3A_0, %add3A_25 : i32
      %run_scoped3A_27 = arith.constant 1 : i32
      "tpu.region"() ({
        %run_scoped3A_152 = tpu.sem_alloc : memref<!tpu.dma_semaphore, #tpu.memory_space<semaphore_mem>>
        %dma_start3A_153 = arith.constant 0 : i32
        %dma_start3A_154 = tpu.memref_slice %arg11[%run_scoped3A_27, %dma_start3A_153] : memref<2x512xi32, #tpu.memory_space<vmem>> -> memref<1x512xi32, #tpu.memory_space<vmem>>
        %dma_start3A_155 = tpu.memref_squeeze %dma_start3A_154 : memref<1x512xi32, #tpu.memory_space<vmem>> -> memref<512xi32, #tpu.memory_space<vmem>>
        %dma_start3A_156 = arith.constant 0 : i32
        %dma_start3A_157 = tpu.memref_slice %arg2[%add3A_26, %dma_start3A_156] : memref<6272x512xi32, #tpu.memory_space<hbm>> -> memref<1x512xi32, #tpu.memory_space<hbm>>
        %dma_start3A_158 = tpu.memref_squeeze %dma_start3A_157 : memref<1x512xi32, #tpu.memory_space<hbm>> -> memref<512xi32, #tpu.memory_space<hbm>>
        %dma_start3A_159 = arith.constant 0 : i32
        %dma_start3A_160 = tpu.memref_slice %arg11[%run_scoped3A_27, %dma_start3A_159] : memref<2x512xi32, #tpu.memory_space<vmem>> -> memref<1x512xi32, #tpu.memory_space<vmem>>
        %dma_start3A_161 = tpu.memref_squeeze %dma_start3A_160 : memref<1x512xi32, #tpu.memory_space<vmem>> -> memref<512xi32, #tpu.memory_space<vmem>>
        %dma_start3A_162 = arith.constant 0 : i32
        %dma_start3A_163 = tpu.memref_slice %arg2[%add3A_26, %dma_start3A_162] : memref<6272x512xi32, #tpu.memory_space<hbm>> -> memref<1x512xi32, #tpu.memory_space<hbm>>
        %dma_start3A_164 = tpu.memref_squeeze %dma_start3A_163 : memref<1x512xi32, #tpu.memory_space<hbm>> -> memref<512xi32, #tpu.memory_space<hbm>>
        tpu.enqueue_dma source(%dma_start3A_164 : memref<512xi32, #tpu.memory_space<hbm>>) target(%dma_start3A_161 : memref<512xi32, #tpu.memory_space<vmem>>) target_semaphore(%run_scoped3A_152 : memref<!tpu.dma_semaphore, #tpu.memory_space<semaphore_mem>>)
        %dma_wait3A_165 = arith.constant 0 : i32
        %dma_wait3A_166 = tpu.memref_slice %arg11[%run_scoped3A_27, %dma_wait3A_165] : memref<2x512xi32, #tpu.memory_space<vmem>> -> memref<1x512xi32, #tpu.memory_space<vmem>>
        %dma_wait3A_167 = tpu.memref_squeeze %dma_wait3A_166 : memref<1x512xi32, #tpu.memory_space<vmem>> -> memref<512xi32, #tpu.memory_space<vmem>>
        %dma_wait3A_168 = arith.constant 0 : i32
        %dma_wait3A_169 = tpu.memref_slice %arg2[%add3A_26, %dma_wait3A_168] : memref<6272x512xi32, #tpu.memory_space<hbm>> -> memref<1x512xi32, #tpu.memory_space<hbm>>
        %dma_wait3A_170 = tpu.memref_squeeze %dma_wait3A_169 : memref<1x512xi32, #tpu.memory_space<hbm>> -> memref<512xi32, #tpu.memory_space<hbm>>
        %dma_wait3A_171 = arith.constant 0 : i32
        %dma_wait3A_172 = tpu.memref_slice %arg11[%run_scoped3A_27, %dma_wait3A_171] : memref<2x512xi32, #tpu.memory_space<vmem>> -> memref<1x512xi32, #tpu.memory_space<vmem>>
        %dma_wait3A_173 = tpu.memref_squeeze %dma_wait3A_172 : memref<1x512xi32, #tpu.memory_space<vmem>> -> memref<512xi32, #tpu.memory_space<vmem>>
        %dma_wait3A_174 = arith.constant 0 : i32
        %dma_wait3A_175 = tpu.memref_slice %arg2[%add3A_26, %dma_wait3A_174] : memref<6272x512xi32, #tpu.memory_space<hbm>> -> memref<1x512xi32, #tpu.memory_space<hbm>>
        %dma_wait3A_176 = tpu.memref_squeeze %dma_wait3A_175 : memref<1x512xi32, #tpu.memory_space<hbm>> -> memref<512xi32, #tpu.memory_space<hbm>>
        tpu.wait_dma2 semaphore(%run_scoped3A_152 : memref<!tpu.dma_semaphore, #tpu.memory_space<semaphore_mem>>) src(%dma_wait3A_176 : memref<512xi32, #tpu.memory_space<hbm>>) dst(%dma_wait3A_173 : memref<512xi32, #tpu.memory_space<vmem>>)
        tpu.yield
      }) : () -> ()
      %run_scoped3A_28 = arith.constant 1 : i32
      "tpu.region"() ({
        %run_scoped3A_152 = tpu.sem_alloc : memref<!tpu.dma_semaphore, #tpu.memory_space<semaphore_mem>>
        %dma_start3A_153 = arith.constant 0 : i32
        %dma_start3A_154 = tpu.memref_slice %arg12[%run_scoped3A_28, %dma_start3A_153] : memref<2x512xi32, #tpu.memory_space<vmem>> -> memref<1x512xi32, #tpu.memory_space<vmem>>
        %dma_start3A_155 = tpu.memref_squeeze %dma_start3A_154 : memref<1x512xi32, #tpu.memory_space<vmem>> -> memref<512xi32, #tpu.memory_space<vmem>>
        %dma_start3A_156 = arith.constant 0 : i32
        %dma_start3A_157 = tpu.memref_slice %arg3[%add3A_26, %dma_start3A_156] : memref<6272x512xi32, #tpu.memory_space<hbm>> -> memref<1x512xi32, #tpu.memory_space<hbm>>
        %dma_start3A_158 = tpu.memref_squeeze %dma_start3A_157 : memref<1x512xi32, #tpu.memory_space<hbm>> -> memref<512xi32, #tpu.memory_space<hbm>>
        %dma_start3A_159 = arith.constant 0 : i32
        %dma_start3A_160 = tpu.memref_slice %arg12[%run_scoped3A_28, %dma_start3A_159] : memref<2x512xi32, #tpu.memory_space<vmem>> -> memref<1x512xi32, #tpu.memory_space<vmem>>
        %dma_start3A_161 = tpu.memref_squeeze %dma_start3A_160 : memref<1x512xi32, #tpu.memory_space<vmem>> -> memref<512xi32, #tpu.memory_space<vmem>>
        %dma_start3A_162 = arith.constant 0 : i32
        %dma_start3A_163 = tpu.memref_slice %arg3[%add3A_26, %dma_start3A_162] : memref<6272x512xi32, #tpu.memory_space<hbm>> -> memref<1x512xi32, #tpu.memory_space<hbm>>
        %dma_start3A_164 = tpu.memref_squeeze %dma_start3A_163 : memref<1x512xi32, #tpu.memory_space<hbm>> -> memref<512xi32, #tpu.memory_space<hbm>>
        tpu.enqueue_dma source(%dma_start3A_164 : memref<512xi32, #tpu.memory_space<hbm>>) target(%dma_start3A_161 : memref<512xi32, #tpu.memory_space<vmem>>) target_semaphore(%run_scoped3A_152 : memref<!tpu.dma_semaphore, #tpu.memory_space<semaphore_mem>>)
        %dma_wait3A_165 = arith.constant 0 : i32
        %dma_wait3A_166 = tpu.memref_slice %arg12[%run_scoped3A_28, %dma_wait3A_165] : memref<2x512xi32, #tpu.memory_space<vmem>> -> memref<1x512xi32, #tpu.memory_space<vmem>>
        %dma_wait3A_167 = tpu.memref_squeeze %dma_wait3A_166 : memref<1x512xi32, #tpu.memory_space<vmem>> -> memref<512xi32, #tpu.memory_space<vmem>>
        %dma_wait3A_168 = arith.constant 0 : i32
        %dma_wait3A_169 = tpu.memref_slice %arg3[%add3A_26, %dma_wait3A_168] : memref<6272x512xi32, #tpu.memory_space<hbm>> -> memref<1x512xi32, #tpu.memory_space<hbm>>
        %dma_wait3A_170 = tpu.memref_squeeze %dma_wait3A_169 : memref<1x512xi32, #tpu.memory_space<hbm>> -> memref<512xi32, #tpu.memory_space<hbm>>
        %dma_wait3A_171 = arith.constant 0 : i32
        %dma_wait3A_172 = tpu.memref_slice %arg12[%run_scoped3A_28, %dma_wait3A_171] : memref<2x512xi32, #tpu.memory_space<vmem>> -> memref<1x512xi32, #tpu.memory_space<vmem>>
        %dma_wait3A_173 = tpu.memref_squeeze %dma_wait3A_172 : memref<1x512xi32, #tpu.memory_space<vmem>> -> memref<512xi32, #tpu.memory_space<vmem>>
        %dma_wait3A_174 = arith.constant 0 : i32
        %dma_wait3A_175 = tpu.memref_slice %arg3[%add3A_26, %dma_wait3A_174] : memref<6272x512xi32, #tpu.memory_space<hbm>> -> memref<1x512xi32, #tpu.memory_space<hbm>>
        %dma_wait3A_176 = tpu.memref_squeeze %dma_wait3A_175 : memref<1x512xi32, #tpu.memory_space<hbm>> -> memref<512xi32, #tpu.memory_space<hbm>>
        tpu.wait_dma2 semaphore(%run_scoped3A_152 : memref<!tpu.dma_semaphore, #tpu.memory_space<semaphore_mem>>) src(%dma_wait3A_176 : memref<512xi32, #tpu.memory_space<hbm>>) dst(%dma_wait3A_173 : memref<512xi32, #tpu.memory_space<vmem>>)
        tpu.yield
      }) : () -> ()
      %dma_start3A_29 = arith.constant 1 : i32
      %dma_start3A_30 = arith.constant 1 : i32
      %dma_start3A_31 = arith.constant 0 : i32
      %dma_start3A_32 = arith.constant 0 : i32
      %dma_start3A_33 = tpu.memref_slice %arg13[%dma_start3A_30, %dma_start3A_31, %dma_start3A_32] : memref<2x512x16xf32, #tpu.memory_space<vmem>> -> memref<1x512x16xf32, #tpu.memory_space<vmem>>
      %dma_start3A_34 = tpu.memref_squeeze %dma_start3A_33 : memref<1x512x16xf32, #tpu.memory_space<vmem>> -> memref<512x16xf32, #tpu.memory_space<vmem>>
      %dma_start3A_35 = arith.constant 0 : i32
      %dma_start3A_36 = tpu.memref_slice %arg11[%dma_start3A_29, %dma_start3A_35] : memref<2x512xi32, #tpu.memory_space<vmem>> -> memref<1x512xi32, #tpu.memory_space<vmem>>
      %dma_start3A_37 = tpu.memref_squeeze %dma_start3A_36 : memref<1x512xi32, #tpu.memory_space<vmem>> -> memref<512xi32, #tpu.memory_space<vmem>>
      %dma_start3A_38 = arith.constant 0 : i32
      %dma_start3A_39 = arith.constant 0 : i32
      %dma_start3A_40 = tpu.memref_slice %arg4[%dma_start3A_38, %dma_start3A_39] : memref<100000x16xf32, #tpu.memory_space<hbm>> -> memref<100000x16xf32, #tpu.memory_space<hbm>>
      tpu.enqueue_indirect_dma source(%dma_start3A_40 : memref<100000x16xf32, #tpu.memory_space<hbm>>) target(%dma_start3A_34 : memref<512x16xf32, #tpu.memory_space<vmem>>) offsets(%dma_start3A_37 : memref<512xi32, #tpu.memory_space<vmem>>) semaphore(%arg15 : memref<!tpu.dma_semaphore, #tpu.memory_space<semaphore_mem>>)
      %scan3A = arith.constant 0 : i32
      %scan3A_41 = arith.constant 0 : i32
      %scan3A_42 = arith.constant 196 : i32
      %scan3A_43 = arith.addi %scan3A_41, %scan3A_42 : i32
      %scan3A_44 = arith.constant 1 : i32
      scf.for %scan3A_152 = %scan3A_41 to %scan3A_43 step %scan3A_44  : i32 {
        %mul3A_153 = arith.constant 2 : i32
        %mul3A_154 = arith.muli %scan3A_152, %mul3A_153 : i32
        %add3A_155 = arith.constant 0 : i32
        %add3A_156 = arith.addi %mul3A_154, %add3A_155 : i32
        %dma_wait3A_157 = arith.constant 0 : i32
        %dma_wait3A_158 = arith.constant 0 : i32
        %dma_wait3A_159 = arith.constant 0 : i32
        %dma_wait3A_160 = arith.constant 0 : i32
        %dma_wait3A_161 = tpu.memref_slice %arg13[%dma_wait3A_158, %dma_wait3A_159, %dma_wait3A_160] : memref<2x512x16xf32, #tpu.memory_space<vmem>> -> memref<1x512x16xf32, #tpu.memory_space<vmem>>
        %dma_wait3A_162 = tpu.memref_squeeze %dma_wait3A_161 : memref<1x512x16xf32, #tpu.memory_space<vmem>> -> memref<512x16xf32, #tpu.memory_space<vmem>>
        %dma_wait3A_163 = arith.constant 0 : i32
        %dma_wait3A_164 = tpu.memref_slice %arg11[%dma_wait3A_157, %dma_wait3A_163] : memref<2x512xi32, #tpu.memory_space<vmem>> -> memref<1x512xi32, #tpu.memory_space<vmem>>
        %dma_wait3A_165 = tpu.memref_squeeze %dma_wait3A_164 : memref<1x512xi32, #tpu.memory_space<vmem>> -> memref<512xi32, #tpu.memory_space<vmem>>
        %dma_wait3A_166 = arith.constant 0 : i32
        %dma_wait3A_167 = arith.constant 0 : i32
        %dma_wait3A_168 = tpu.memref_slice %arg4[%dma_wait3A_166, %dma_wait3A_167] : memref<100000x16xf32, #tpu.memory_space<hbm>> -> memref<100000x16xf32, #tpu.memory_space<hbm>>
        tpu.wait_indirect_dma semaphore(%arg14 : memref<!tpu.dma_semaphore, #tpu.memory_space<semaphore_mem>>) src(%dma_wait3A_168 : memref<100000x16xf32, #tpu.memory_space<hbm>>) dst(%dma_wait3A_162 : memref<512x16xf32, #tpu.memory_space<vmem>>)
        %dma_start3A_169 = arith.constant 0 : i32
        %dma_start3A_170 = arith.constant 0 : i32
        %dma_start3A_171 = arith.constant 0 : i32
        %dma_start3A_172 = arith.constant 0 : i32
        %dma_start3A_173 = tpu.memref_slice %arg13[%dma_start3A_169, %dma_start3A_171, %dma_start3A_172] : memref<2x512x16xf32, #tpu.memory_space<vmem>> -> memref<1x512x16xf32, #tpu.memory_space<vmem>>
        %dma_start3A_174 = tpu.memref_squeeze %dma_start3A_173 : memref<1x512x16xf32, #tpu.memory_space<vmem>> -> memref<512x16xf32, #tpu.memory_space<vmem>>
        %dma_start3A_175 = arith.constant 0 : i32
        %dma_start3A_176 = tpu.memref_slice %arg12[%dma_start3A_170, %dma_start3A_175] : memref<2x512xi32, #tpu.memory_space<vmem>> -> memref<1x512xi32, #tpu.memory_space<vmem>>
        %dma_start3A_177 = tpu.memref_squeeze %dma_start3A_176 : memref<1x512xi32, #tpu.memory_space<vmem>> -> memref<512xi32, #tpu.memory_space<vmem>>
        %dma_start3A_178 = arith.constant 0 : i32
        %dma_start3A_179 = arith.constant 0 : i32
        %dma_start3A_180 = tpu.memref_slice %arg10[%dma_start3A_178, %dma_start3A_179] : memref<100224x16xf32, #tpu.memory_space<vmem_shared>> -> memref<100224x16xf32, #tpu.memory_space<vmem_shared>>
        tpu.enqueue_indirect_dma source(%dma_start3A_174 : memref<512x16xf32, #tpu.memory_space<vmem>>) target(%dma_start3A_180 : memref<100224x16xf32, #tpu.memory_space<vmem_shared>>) offsets(%dma_start3A_177 : memref<512xi32, #tpu.memory_space<vmem>>) semaphore(%arg16 : memref<!tpu.dma_semaphore, #tpu.memory_space<semaphore_mem>>) {add = true}
        %add3A_181 = arith.constant 2 : i32
        %add3A_182 = arith.addi %add3A_156, %add3A_181 : i32
        %lt3A = arith.constant 392 : i32
        %lt3A_183 = arith.cmpi slt, %add3A_182, %lt3A : i32
        %convert_element_type3A_184 = arith.extui %lt3A_183 : i1 to i32
        %cond3A_185 = arith.constant 0 : i32
        %cond3A_186 = arith.cmpi ne, %convert_element_type3A_184, %cond3A_185 : i32
        scf.if %cond3A_186 {
          %dma_wait3A_222 = arith.constant 0 : i32
          %dma_wait3A_223 = arith.constant 0 : i32
          %dma_wait3A_224 = arith.constant 0 : i32
          %dma_wait3A_225 = arith.constant 0 : i32
          %dma_wait3A_226 = tpu.memref_slice %arg13[%dma_wait3A_222, %dma_wait3A_224, %dma_wait3A_225] : memref<2x512x16xf32, #tpu.memory_space<vmem>> -> memref<1x512x16xf32, #tpu.memory_space<vmem>>
          %dma_wait3A_227 = tpu.memref_squeeze %dma_wait3A_226 : memref<1x512x16xf32, #tpu.memory_space<vmem>> -> memref<512x16xf32, #tpu.memory_space<vmem>>
          %dma_wait3A_228 = arith.constant 0 : i32
          %dma_wait3A_229 = tpu.memref_slice %arg12[%dma_wait3A_223, %dma_wait3A_228] : memref<2x512xi32, #tpu.memory_space<vmem>> -> memref<1x512xi32, #tpu.memory_space<vmem>>
          %dma_wait3A_230 = tpu.memref_squeeze %dma_wait3A_229 : memref<1x512xi32, #tpu.memory_space<vmem>> -> memref<512xi32, #tpu.memory_space<vmem>>
          %dma_wait3A_231 = arith.constant 0 : i32
          %dma_wait3A_232 = arith.constant 0 : i32
          %dma_wait3A_233 = tpu.memref_slice %arg10[%dma_wait3A_231, %dma_wait3A_232] : memref<100224x16xf32, #tpu.memory_space<vmem_shared>> -> memref<100224x16xf32, #tpu.memory_space<vmem_shared>>
          tpu.wait_indirect_dma semaphore(%arg16 : memref<!tpu.dma_semaphore, #tpu.memory_space<semaphore_mem>>) src(%dma_wait3A_227 : memref<512x16xf32, #tpu.memory_space<vmem>>) dst(%dma_wait3A_233 : memref<100224x16xf32, #tpu.memory_space<vmem_shared>>)
          %add3A_234 = arith.addi %mul3A_0, %add3A_182 : i32
          %run_scoped3A_235 = arith.constant 0 : i32
          "tpu.region"() ({
            %run_scoped3A_249 = tpu.sem_alloc : memref<!tpu.dma_semaphore, #tpu.memory_space<semaphore_mem>>
            %dma_start3A_250 = arith.constant 0 : i32
            %dma_start3A_251 = tpu.memref_slice %arg11[%run_scoped3A_235, %dma_start3A_250] : memref<2x512xi32, #tpu.memory_space<vmem>> -> memref<1x512xi32, #tpu.memory_space<vmem>>
            %dma_start3A_252 = tpu.memref_squeeze %dma_start3A_251 : memref<1x512xi32, #tpu.memory_space<vmem>> -> memref<512xi32, #tpu.memory_space<vmem>>
            %dma_start3A_253 = arith.constant 0 : i32
            %dma_start3A_254 = tpu.memref_slice %arg2[%add3A_234, %dma_start3A_253] : memref<6272x512xi32, #tpu.memory_space<hbm>> -> memref<1x512xi32, #tpu.memory_space<hbm>>
            %dma_start3A_255 = tpu.memref_squeeze %dma_start3A_254 : memref<1x512xi32, #tpu.memory_space<hbm>> -> memref<512xi32, #tpu.memory_space<hbm>>
            %dma_start3A_256 = arith.constant 0 : i32
            %dma_start3A_257 = tpu.memref_slice %arg11[%run_scoped3A_235, %dma_start3A_256] : memref<2x512xi32, #tpu.memory_space<vmem>> -> memref<1x512xi32, #tpu.memory_space<vmem>>
            %dma_start3A_258 = tpu.memref_squeeze %dma_start3A_257 : memref<1x512xi32, #tpu.memory_space<vmem>> -> memref<512xi32, #tpu.memory_space<vmem>>
            %dma_start3A_259 = arith.constant 0 : i32
            %dma_start3A_260 = tpu.memref_slice %arg2[%add3A_234, %dma_start3A_259] : memref<6272x512xi32, #tpu.memory_space<hbm>> -> memref<1x512xi32, #tpu.memory_space<hbm>>
            %dma_start3A_261 = tpu.memref_squeeze %dma_start3A_260 : memref<1x512xi32, #tpu.memory_space<hbm>> -> memref<512xi32, #tpu.memory_space<hbm>>
            tpu.enqueue_dma source(%dma_start3A_261 : memref<512xi32, #tpu.memory_space<hbm>>) target(%dma_start3A_258 : memref<512xi32, #tpu.memory_space<vmem>>) target_semaphore(%run_scoped3A_249 : memref<!tpu.dma_semaphore, #tpu.memory_space<semaphore_mem>>)
            %dma_wait3A_262 = arith.constant 0 : i32
            %dma_wait3A_263 = tpu.memref_slice %arg11[%run_scoped3A_235, %dma_wait3A_262] : memref<2x512xi32, #tpu.memory_space<vmem>> -> memref<1x512xi32, #tpu.memory_space<vmem>>
            %dma_wait3A_264 = tpu.memref_squeeze %dma_wait3A_263 : memref<1x512xi32, #tpu.memory_space<vmem>> -> memref<512xi32, #tpu.memory_space<vmem>>
            %dma_wait3A_265 = arith.constant 0 : i32
            %dma_wait3A_266 = tpu.memref_slice %arg2[%add3A_234, %dma_wait3A_265] : memref<6272x512xi32, #tpu.memory_space<hbm>> -> memref<1x512xi32, #tpu.memory_space<hbm>>
            %dma_wait3A_267 = tpu.memref_squeeze %dma_wait3A_266 : memref<1x512xi32, #tpu.memory_space<hbm>> -> memref<512xi32, #tpu.memory_space<hbm>>
            %dma_wait3A_268 = arith.constant 0 : i32
            %dma_wait3A_269 = tpu.memref_slice %arg11[%run_scoped3A_235, %dma_wait3A_268] : memref<2x512xi32, #tpu.memory_space<vmem>> -> memref<1x512xi32, #tpu.memory_space<vmem>>
            %dma_wait3A_270 = tpu.memref_squeeze %dma_wait3A_269 : memref<1x512xi32, #tpu.memory_space<vmem>> -> memref<512xi32, #tpu.memory_space<vmem>>
            %dma_wait3A_271 = arith.constant 0 : i32
            %dma_wait3A_272 = tpu.memref_slice %arg2[%add3A_234, %dma_wait3A_271] : memref<6272x512xi32, #tpu.memory_space<hbm>> -> memref<1x512xi32, #tpu.memory_space<hbm>>
            %dma_wait3A_273 = tpu.memref_squeeze %dma_wait3A_272 : memref<1x512xi32, #tpu.memory_space<hbm>> -> memref<512xi32, #tpu.memory_space<hbm>>
            tpu.wait_dma2 semaphore(%run_scoped3A_249 : memref<!tpu.dma_semaphore, #tpu.memory_space<semaphore_mem>>) src(%dma_wait3A_273 : memref<512xi32, #tpu.memory_space<hbm>>) dst(%dma_wait3A_270 : memref<512xi32, #tpu.memory_space<vmem>>)
            tpu.yield
          }) : () -> ()
          %run_scoped3A_236 = arith.constant 0 : i32
          "tpu.region"() ({
            %run_scoped3A_249 = tpu.sem_alloc : memref<!tpu.dma_semaphore, #tpu.memory_space<semaphore_mem>>
            %dma_start3A_250 = arith.constant 0 : i32
            %dma_start3A_251 = tpu.memref_slice %arg12[%run_scoped3A_236, %dma_start3A_250] : memref<2x512xi32, #tpu.memory_space<vmem>> -> memref<1x512xi32, #tpu.memory_space<vmem>>
            %dma_start3A_252 = tpu.memref_squeeze %dma_start3A_251 : memref<1x512xi32, #tpu.memory_space<vmem>> -> memref<512xi32, #tpu.memory_space<vmem>>
            %dma_start3A_253 = arith.constant 0 : i32
            %dma_start3A_254 = tpu.memref_slice %arg3[%add3A_234, %dma_start3A_253] : memref<6272x512xi32, #tpu.memory_space<hbm>> -> memref<1x512xi32, #tpu.memory_space<hbm>>
            %dma_start3A_255 = tpu.memref_squeeze %dma_start3A_254 : memref<1x512xi32, #tpu.memory_space<hbm>> -> memref<512xi32, #tpu.memory_space<hbm>>
            %dma_start3A_256 = arith.constant 0 : i32
            %dma_start3A_257 = tpu.memref_slice %arg12[%run_scoped3A_236, %dma_start3A_256] : memref<2x512xi32, #tpu.memory_space<vmem>> -> memref<1x512xi32, #tpu.memory_space<vmem>>
            %dma_start3A_258 = tpu.memref_squeeze %dma_start3A_257 : memref<1x512xi32, #tpu.memory_space<vmem>> -> memref<512xi32, #tpu.memory_space<vmem>>
            %dma_start3A_259 = arith.constant 0 : i32
            %dma_start3A_260 = tpu.memref_slice %arg3[%add3A_234, %dma_start3A_259] : memref<6272x512xi32, #tpu.memory_space<hbm>> -> memref<1x512xi32, #tpu.memory_space<hbm>>
            %dma_start3A_261 = tpu.memref_squeeze %dma_start3A_260 : memref<1x512xi32, #tpu.memory_space<hbm>> -> memref<512xi32, #tpu.memory_space<hbm>>
            tpu.enqueue_dma source(%dma_start3A_261 : memref<512xi32, #tpu.memory_space<hbm>>) target(%dma_start3A_258 : memref<512xi32, #tpu.memory_space<vmem>>) target_semaphore(%run_scoped3A_249 : memref<!tpu.dma_semaphore, #tpu.memory_space<semaphore_mem>>)
            %dma_wait3A_262 = arith.constant 0 : i32
            %dma_wait3A_263 = tpu.memref_slice %arg12[%run_scoped3A_236, %dma_wait3A_262] : memref<2x512xi32, #tpu.memory_space<vmem>> -> memref<1x512xi32, #tpu.memory_space<vmem>>
            %dma_wait3A_264 = tpu.memref_squeeze %dma_wait3A_263 : memref<1x512xi32, #tpu.memory_space<vmem>> -> memref<512xi32, #tpu.memory_space<vmem>>
            %dma_wait3A_265 = arith.constant 0 : i32
            %dma_wait3A_266 = tpu.memref_slice %arg3[%add3A_234, %dma_wait3A_265] : memref<6272x512xi32, #tpu.memory_space<hbm>> -> memref<1x512xi32, #tpu.memory_space<hbm>>
            %dma_wait3A_267 = tpu.memref_squeeze %dma_wait3A_266 : memref<1x512xi32, #tpu.memory_space<hbm>> -> memref<512xi32, #tpu.memory_space<hbm>>
            %dma_wait3A_268 = arith.constant 0 : i32
            %dma_wait3A_269 = tpu.memref_slice %arg12[%run_scoped3A_236, %dma_wait3A_268] : memref<2x512xi32, #tpu.memory_space<vmem>> -> memref<1x512xi32, #tpu.memory_space<vmem>>
            %dma_wait3A_270 = tpu.memref_squeeze %dma_wait3A_269 : memref<1x512xi32, #tpu.memory_space<vmem>> -> memref<512xi32, #tpu.memory_space<vmem>>
            %dma_wait3A_271 = arith.constant 0 : i32
            %dma_wait3A_272 = tpu.memref_slice %arg3[%add3A_234, %dma_wait3A_271] : memref<6272x512xi32, #tpu.memory_space<hbm>> -> memref<1x512xi32, #tpu.memory_space<hbm>>
            %dma_wait3A_273 = tpu.memref_squeeze %dma_wait3A_272 : memref<1x512xi32, #tpu.memory_space<hbm>> -> memref<512xi32, #tpu.memory_space<hbm>>
            tpu.wait_dma2 semaphore(%run_scoped3A_249 : memref<!tpu.dma_semaphore, #tpu.memory_space<semaphore_mem>>) src(%dma_wait3A_273 : memref<512xi32, #tpu.memory_space<hbm>>) dst(%dma_wait3A_270 : memref<512xi32, #tpu.memory_space<vmem>>)
            tpu.yield
          }) : () -> ()
          %dma_start3A_237 = arith.constant 0 : i32
          %dma_start3A_238 = arith.constant 0 : i32
          %dma_start3A_239 = arith.constant 0 : i32
          %dma_start3A_240 = arith.constant 0 : i32
          %dma_start3A_241 = tpu.memref_slice %arg13[%dma_start3A_238, %dma_start3A_239, %dma_start3A_240] : memref<2x512x16xf32, #tpu.memory_space<vmem>> -> memref<1x512x16xf32, #tpu.memory_space<vmem>>
          %dma_start3A_242 = tpu.memref_squeeze %dma_start3A_241 : memref<1x512x16xf32, #tpu.memory_space<vmem>> -> memref<512x16xf32, #tpu.memory_space<vmem>>
          %dma_start3A_243 = arith.constant 0 : i32
          %dma_start3A_244 = tpu.memref_slice %arg11[%dma_start3A_237, %dma_start3A_243] : memref<2x512xi32, #tpu.memory_space<vmem>> -> memref<1x512xi32, #tpu.memory_space<vmem>>
          %dma_start3A_245 = tpu.memref_squeeze %dma_start3A_244 : memref<1x512xi32, #tpu.memory_space<vmem>> -> memref<512xi32, #tpu.memory_space<vmem>>
          %dma_start3A_246 = arith.constant 0 : i32
          %dma_start3A_247 = arith.constant 0 : i32
          %dma_start3A_248 = tpu.memref_slice %arg4[%dma_start3A_246, %dma_start3A_247] : memref<100000x16xf32, #tpu.memory_space<hbm>> -> memref<100000x16xf32, #tpu.memory_space<hbm>>
          tpu.enqueue_indirect_dma source(%dma_start3A_248 : memref<100000x16xf32, #tpu.memory_space<hbm>>) target(%dma_start3A_242 : memref<512x16xf32, #tpu.memory_space<vmem>>) offsets(%dma_start3A_245 : memref<512xi32, #tpu.memory_space<vmem>>) semaphore(%arg14 : memref<!tpu.dma_semaphore, #tpu.memory_space<semaphore_mem>>)
        } else {
        }
        %mul3A_187 = arith.constant 2 : i32
        %mul3A_188 = arith.muli %scan3A_152, %mul3A_187 : i32
        %add3A_189 = arith.constant 1 : i32
        %add3A_190 = arith.addi %mul3A_188, %add3A_189 : i32
        %dma_wait3A_191 = arith.constant 1 : i32
        %dma_wait3A_192 = arith.constant 1 : i32
        %dma_wait3A_193 = arith.constant 0 : i32
        %dma_wait3A_194 = arith.constant 0 : i32
        %dma_wait3A_195 = tpu.memref_slice %arg13[%dma_wait3A_192, %dma_wait3A_193, %dma_wait3A_194] : memref<2x512x16xf32, #tpu.memory_space<vmem>> -> memref<1x512x16xf32, #tpu.memory_space<vmem>>
        %dma_wait3A_196 = tpu.memref_squeeze %dma_wait3A_195 : memref<1x512x16xf32, #tpu.memory_space<vmem>> -> memref<512x16xf32, #tpu.memory_space<vmem>>
        %dma_wait3A_197 = arith.constant 0 : i32
        %dma_wait3A_198 = tpu.memref_slice %arg11[%dma_wait3A_191, %dma_wait3A_197] : memref<2x512xi32, #tpu.memory_space<vmem>> -> memref<1x512xi32, #tpu.memory_space<vmem>>
        %dma_wait3A_199 = tpu.memref_squeeze %dma_wait3A_198 : memref<1x512xi32, #tpu.memory_space<vmem>> -> memref<512xi32, #tpu.memory_space<vmem>>
        %dma_wait3A_200 = arith.constant 0 : i32
        %dma_wait3A_201 = arith.constant 0 : i32
        %dma_wait3A_202 = tpu.memref_slice %arg4[%dma_wait3A_200, %dma_wait3A_201] : memref<100000x16xf32, #tpu.memory_space<hbm>> -> memref<100000x16xf32, #tpu.memory_space<hbm>>
        tpu.wait_indirect_dma semaphore(%arg15 : memref<!tpu.dma_semaphore, #tpu.memory_space<semaphore_mem>>) src(%dma_wait3A_202 : memref<100000x16xf32, #tpu.memory_space<hbm>>) dst(%dma_wait3A_196 : memref<512x16xf32, #tpu.memory_space<vmem>>)
        %dma_start3A_203 = arith.constant 1 : i32
        %dma_start3A_204 = arith.constant 1 : i32
        %dma_start3A_205 = arith.constant 0 : i32
        %dma_start3A_206 = arith.constant 0 : i32
        %dma_start3A_207 = tpu.memref_slice %arg13[%dma_start3A_203, %dma_start3A_205, %dma_start3A_206] : memref<2x512x16xf32, #tpu.memory_space<vmem>> -> memref<1x512x16xf32, #tpu.memory_space<vmem>>
        %dma_start3A_208 = tpu.memref_squeeze %dma_start3A_207 : memref<1x512x16xf32, #tpu.memory_space<vmem>> -> memref<512x16xf32, #tpu.memory_space<vmem>>
        %dma_start3A_209 = arith.constant 0 : i32
        %dma_start3A_210 = tpu.memref_slice %arg12[%dma_start3A_204, %dma_start3A_209] : memref<2x512xi32, #tpu.memory_space<vmem>> -> memref<1x512xi32, #tpu.memory_space<vmem>>
        %dma_start3A_211 = tpu.memref_squeeze %dma_start3A_210 : memref<1x512xi32, #tpu.memory_space<vmem>> -> memref<512xi32, #tpu.memory_space<vmem>>
        %dma_start3A_212 = arith.constant 0 : i32
        %dma_start3A_213 = arith.constant 0 : i32
        %dma_start3A_214 = tpu.memref_slice %arg10[%dma_start3A_212, %dma_start3A_213] : memref<100224x16xf32, #tpu.memory_space<vmem_shared>> -> memref<100224x16xf32, #tpu.memory_space<vmem_shared>>
        tpu.enqueue_indirect_dma source(%dma_start3A_208 : memref<512x16xf32, #tpu.memory_space<vmem>>) target(%dma_start3A_214 : memref<100224x16xf32, #tpu.memory_space<vmem_shared>>) offsets(%dma_start3A_211 : memref<512xi32, #tpu.memory_space<vmem>>) semaphore(%arg17 : memref<!tpu.dma_semaphore, #tpu.memory_space<semaphore_mem>>) {add = true}
        %add3A_215 = arith.constant 2 : i32
        %add3A_216 = arith.addi %add3A_190, %add3A_215 : i32
        %lt3A_217 = arith.constant 392 : i32
        %lt3A_218 = arith.cmpi slt, %add3A_216, %lt3A_217 : i32
        %convert_element_type3A_219 = arith.extui %lt3A_218 : i1 to i32
        %cond3A_220 = arith.constant 0 : i32
        %cond3A_221 = arith.cmpi ne, %convert_element_type3A_219, %cond3A_220 : i32
        scf.if %cond3A_221 {
          %dma_wait3A_222 = arith.constant 1 : i32
          %dma_wait3A_223 = arith.constant 1 : i32
          %dma_wait3A_224 = arith.constant 0 : i32
          %dma_wait3A_225 = arith.constant 0 : i32
          %dma_wait3A_226 = tpu.memref_slice %arg13[%dma_wait3A_222, %dma_wait3A_224, %dma_wait3A_225] : memref<2x512x16xf32, #tpu.memory_space<vmem>> -> memref<1x512x16xf32, #tpu.memory_space<vmem>>
          %dma_wait3A_227 = tpu.memref_squeeze %dma_wait3A_226 : memref<1x512x16xf32, #tpu.memory_space<vmem>> -> memref<512x16xf32, #tpu.memory_space<vmem>>
          %dma_wait3A_228 = arith.constant 0 : i32
          %dma_wait3A_229 = tpu.memref_slice %arg12[%dma_wait3A_223, %dma_wait3A_228] : memref<2x512xi32, #tpu.memory_space<vmem>> -> memref<1x512xi32, #tpu.memory_space<vmem>>
          %dma_wait3A_230 = tpu.memref_squeeze %dma_wait3A_229 : memref<1x512xi32, #tpu.memory_space<vmem>> -> memref<512xi32, #tpu.memory_space<vmem>>
          %dma_wait3A_231 = arith.constant 0 : i32
          %dma_wait3A_232 = arith.constant 0 : i32
          %dma_wait3A_233 = tpu.memref_slice %arg10[%dma_wait3A_231, %dma_wait3A_232] : memref<100224x16xf32, #tpu.memory_space<vmem_shared>> -> memref<100224x16xf32, #tpu.memory_space<vmem_shared>>
          tpu.wait_indirect_dma semaphore(%arg17 : memref<!tpu.dma_semaphore, #tpu.memory_space<semaphore_mem>>) src(%dma_wait3A_227 : memref<512x16xf32, #tpu.memory_space<vmem>>) dst(%dma_wait3A_233 : memref<100224x16xf32, #tpu.memory_space<vmem_shared>>)
          %add3A_234 = arith.addi %mul3A_0, %add3A_216 : i32
          %run_scoped3A_235 = arith.constant 1 : i32
          "tpu.region"() ({
            %run_scoped3A_249 = tpu.sem_alloc : memref<!tpu.dma_semaphore, #tpu.memory_space<semaphore_mem>>
            %dma_start3A_250 = arith.constant 0 : i32
            %dma_start3A_251 = tpu.memref_slice %arg11[%run_scoped3A_235, %dma_start3A_250] : memref<2x512xi32, #tpu.memory_space<vmem>> -> memref<1x512xi32, #tpu.memory_space<vmem>>
            %dma_start3A_252 = tpu.memref_squeeze %dma_start3A_251 : memref<1x512xi32, #tpu.memory_space<vmem>> -> memref<512xi32, #tpu.memory_space<vmem>>
            %dma_start3A_253 = arith.constant 0 : i32
            %dma_start3A_254 = tpu.memref_slice %arg2[%add3A_234, %dma_start3A_253] : memref<6272x512xi32, #tpu.memory_space<hbm>> -> memref<1x512xi32, #tpu.memory_space<hbm>>
            %dma_start3A_255 = tpu.memref_squeeze %dma_start3A_254 : memref<1x512xi32, #tpu.memory_space<hbm>> -> memref<512xi32, #tpu.memory_space<hbm>>
            %dma_start3A_256 = arith.constant 0 : i32
            %dma_start3A_257 = tpu.memref_slice %arg11[%run_scoped3A_235, %dma_start3A_256] : memref<2x512xi32, #tpu.memory_space<vmem>> -> memref<1x512xi32, #tpu.memory_space<vmem>>
            %dma_start3A_258 = tpu.memref_squeeze %dma_start3A_257 : memref<1x512xi32, #tpu.memory_space<vmem>> -> memref<512xi32, #tpu.memory_space<vmem>>
            %dma_start3A_259 = arith.constant 0 : i32
            %dma_start3A_260 = tpu.memref_slice %arg2[%add3A_234, %dma_start3A_259] : memref<6272x512xi32, #tpu.memory_space<hbm>> -> memref<1x512xi32, #tpu.memory_space<hbm>>
            %dma_start3A_261 = tpu.memref_squeeze %dma_start3A_260 : memref<1x512xi32, #tpu.memory_space<hbm>> -> memref<512xi32, #tpu.memory_space<hbm>>
            tpu.enqueue_dma source(%dma_start3A_261 : memref<512xi32, #tpu.memory_space<hbm>>) target(%dma_start3A_258 : memref<512xi32, #tpu.memory_space<vmem>>) target_semaphore(%run_scoped3A_249 : memref<!tpu.dma_semaphore, #tpu.memory_space<semaphore_mem>>)
            %dma_wait3A_262 = arith.constant 0 : i32
            %dma_wait3A_263 = tpu.memref_slice %arg11[%run_scoped3A_235, %dma_wait3A_262] : memref<2x512xi32, #tpu.memory_space<vmem>> -> memref<1x512xi32, #tpu.memory_space<vmem>>
            %dma_wait3A_264 = tpu.memref_squeeze %dma_wait3A_263 : memref<1x512xi32, #tpu.memory_space<vmem>> -> memref<512xi32, #tpu.memory_space<vmem>>
            %dma_wait3A_265 = arith.constant 0 : i32
            %dma_wait3A_266 = tpu.memref_slice %arg2[%add3A_234, %dma_wait3A_265] : memref<6272x512xi32, #tpu.memory_space<hbm>> -> memref<1x512xi32, #tpu.memory_space<hbm>>
            %dma_wait3A_267 = tpu.memref_squeeze %dma_wait3A_266 : memref<1x512xi32, #tpu.memory_space<hbm>> -> memref<512xi32, #tpu.memory_space<hbm>>
            %dma_wait3A_268 = arith.constant 0 : i32
            %dma_wait3A_269 = tpu.memref_slice %arg11[%run_scoped3A_235, %dma_wait3A_268] : memref<2x512xi32, #tpu.memory_space<vmem>> -> memref<1x512xi32, #tpu.memory_space<vmem>>
            %dma_wait3A_270 = tpu.memref_squeeze %dma_wait3A_269 : memref<1x512xi32, #tpu.memory_space<vmem>> -> memref<512xi32, #tpu.memory_space<vmem>>
            %dma_wait3A_271 = arith.constant 0 : i32
            %dma_wait3A_272 = tpu.memref_slice %arg2[%add3A_234, %dma_wait3A_271] : memref<6272x512xi32, #tpu.memory_space<hbm>> -> memref<1x512xi32, #tpu.memory_space<hbm>>
            %dma_wait3A_273 = tpu.memref_squeeze %dma_wait3A_272 : memref<1x512xi32, #tpu.memory_space<hbm>> -> memref<512xi32, #tpu.memory_space<hbm>>
            tpu.wait_dma2 semaphore(%run_scoped3A_249 : memref<!tpu.dma_semaphore, #tpu.memory_space<semaphore_mem>>) src(%dma_wait3A_273 : memref<512xi32, #tpu.memory_space<hbm>>) dst(%dma_wait3A_270 : memref<512xi32, #tpu.memory_space<vmem>>)
            tpu.yield
          }) : () -> ()
          %run_scoped3A_236 = arith.constant 1 : i32
          "tpu.region"() ({
            %run_scoped3A_249 = tpu.sem_alloc : memref<!tpu.dma_semaphore, #tpu.memory_space<semaphore_mem>>
            %dma_start3A_250 = arith.constant 0 : i32
            %dma_start3A_251 = tpu.memref_slice %arg12[%run_scoped3A_236, %dma_start3A_250] : memref<2x512xi32, #tpu.memory_space<vmem>> -> memref<1x512xi32, #tpu.memory_space<vmem>>
            %dma_start3A_252 = tpu.memref_squeeze %dma_start3A_251 : memref<1x512xi32, #tpu.memory_space<vmem>> -> memref<512xi32, #tpu.memory_space<vmem>>
            %dma_start3A_253 = arith.constant 0 : i32
            %dma_start3A_254 = tpu.memref_slice %arg3[%add3A_234, %dma_start3A_253] : memref<6272x512xi32, #tpu.memory_space<hbm>> -> memref<1x512xi32, #tpu.memory_space<hbm>>
            %dma_start3A_255 = tpu.memref_squeeze %dma_start3A_254 : memref<1x512xi32, #tpu.memory_space<hbm>> -> memref<512xi32, #tpu.memory_space<hbm>>
            %dma_start3A_256 = arith.constant 0 : i32
            %dma_start3A_257 = tpu.memref_slice %arg12[%run_scoped3A_236, %dma_start3A_256] : memref<2x512xi32, #tpu.memory_space<vmem>> -> memref<1x512xi32, #tpu.memory_space<vmem>>
            %dma_start3A_258 = tpu.memref_squeeze %dma_start3A_257 : memref<1x512xi32, #tpu.memory_space<vmem>> -> memref<512xi32, #tpu.memory_space<vmem>>
            %dma_start3A_259 = arith.constant 0 : i32
            %dma_start3A_260 = tpu.memref_slice %arg3[%add3A_234, %dma_start3A_259] : memref<6272x512xi32, #tpu.memory_space<hbm>> -> memref<1x512xi32, #tpu.memory_space<hbm>>
            %dma_start3A_261 = tpu.memref_squeeze %dma_start3A_260 : memref<1x512xi32, #tpu.memory_space<hbm>> -> memref<512xi32, #tpu.memory_space<hbm>>
            tpu.enqueue_dma source(%dma_start3A_261 : memref<512xi32, #tpu.memory_space<hbm>>) target(%dma_start3A_258 : memref<512xi32, #tpu.memory_space<vmem>>) target_semaphore(%run_scoped3A_249 : memref<!tpu.dma_semaphore, #tpu.memory_space<semaphore_mem>>)
            %dma_wait3A_262 = arith.constant 0 : i32
            %dma_wait3A_263 = tpu.memref_slice %arg12[%run_scoped3A_236, %dma_wait3A_262] : memref<2x512xi32, #tpu.memory_space<vmem>> -> memref<1x512xi32, #tpu.memory_space<vmem>>
            %dma_wait3A_264 = tpu.memref_squeeze %dma_wait3A_263 : memref<1x512xi32, #tpu.memory_space<vmem>> -> memref<512xi32, #tpu.memory_space<vmem>>
            %dma_wait3A_265 = arith.constant 0 : i32
            %dma_wait3A_266 = tpu.memref_slice %arg3[%add3A_234, %dma_wait3A_265] : memref<6272x512xi32, #tpu.memory_space<hbm>> -> memref<1x512xi32, #tpu.memory_space<hbm>>
            %dma_wait3A_267 = tpu.memref_squeeze %dma_wait3A_266 : memref<1x512xi32, #tpu.memory_space<hbm>> -> memref<512xi32, #tpu.memory_space<hbm>>
            %dma_wait3A_268 = arith.constant 0 : i32
            %dma_wait3A_269 = tpu.memref_slice %arg12[%run_scoped3A_236, %dma_wait3A_268] : memref<2x512xi32, #tpu.memory_space<vmem>> -> memref<1x512xi32, #tpu.memory_space<vmem>>
            %dma_wait3A_270 = tpu.memref_squeeze %dma_wait3A_269 : memref<1x512xi32, #tpu.memory_space<vmem>> -> memref<512xi32, #tpu.memory_space<vmem>>
            %dma_wait3A_271 = arith.constant 0 : i32
            %dma_wait3A_272 = tpu.memref_slice %arg3[%add3A_234, %dma_wait3A_271] : memref<6272x512xi32, #tpu.memory_space<hbm>> -> memref<1x512xi32, #tpu.memory_space<hbm>>
            %dma_wait3A_273 = tpu.memref_squeeze %dma_wait3A_272 : memref<1x512xi32, #tpu.memory_space<hbm>> -> memref<512xi32, #tpu.memory_space<hbm>>
            tpu.wait_dma2 semaphore(%run_scoped3A_249 : memref<!tpu.dma_semaphore, #tpu.memory_space<semaphore_mem>>) src(%dma_wait3A_273 : memref<512xi32, #tpu.memory_space<hbm>>) dst(%dma_wait3A_270 : memref<512xi32, #tpu.memory_space<vmem>>)
            tpu.yield
          }) : () -> ()
          %dma_start3A_237 = arith.constant 1 : i32
          %dma_start3A_238 = arith.constant 1 : i32
          %dma_start3A_239 = arith.constant 0 : i32
          %dma_start3A_240 = arith.constant 0 : i32
          %dma_start3A_241 = tpu.memref_slice %arg13[%dma_start3A_238, %dma_start3A_239, %dma_start3A_240] : memref<2x512x16xf32, #tpu.memory_space<vmem>> -> memref<1x512x16xf32, #tpu.memory_space<vmem>>
          %dma_start3A_242 = tpu.memref_squeeze %dma_start3A_241 : memref<1x512x16xf32, #tpu.memory_space<vmem>> -> memref<512x16xf32, #tpu.memory_space<vmem>>
          %dma_start3A_243 = arith.constant 0 : i32
          %dma_start3A_244 = tpu.memref_slice %arg11[%dma_start3A_237, %dma_start3A_243] : memref<2x512xi32, #tpu.memory_space<vmem>> -> memref<1x512xi32, #tpu.memory_space<vmem>>
          %dma_start3A_245 = tpu.memref_squeeze %dma_start3A_244 : memref<1x512xi32, #tpu.memory_space<vmem>> -> memref<512xi32, #tpu.memory_space<vmem>>
          %dma_start3A_246 = arith.constant 0 : i32
          %dma_start3A_247 = arith.constant 0 : i32
          %dma_start3A_248 = tpu.memref_slice %arg4[%dma_start3A_246, %dma_start3A_247] : memref<100000x16xf32, #tpu.memory_space<hbm>> -> memref<100000x16xf32, #tpu.memory_space<hbm>>
          tpu.enqueue_indirect_dma source(%dma_start3A_248 : memref<100000x16xf32, #tpu.memory_space<hbm>>) target(%dma_start3A_242 : memref<512x16xf32, #tpu.memory_space<vmem>>) offsets(%dma_start3A_245 : memref<512xi32, #tpu.memory_space<vmem>>) semaphore(%arg15 : memref<!tpu.dma_semaphore, #tpu.memory_space<semaphore_mem>>)
        } else {
        }
      }
      %scan3A_45 = arith.constant 196 : i32
      %dma_wait3A = arith.constant 0 : i32
      %dma_wait3A_46 = arith.constant 0 : i32
      %dma_wait3A_47 = arith.constant 0 : i32
      %dma_wait3A_48 = arith.constant 0 : i32
      %dma_wait3A_49 = tpu.memref_slice %arg13[%dma_wait3A, %dma_wait3A_47, %dma_wait3A_48] : memref<2x512x16xf32, #tpu.memory_space<vmem>> -> memref<1x512x16xf32, #tpu.memory_space<vmem>>
      %dma_wait3A_50 = tpu.memref_squeeze %dma_wait3A_49 : memref<1x512x16xf32, #tpu.memory_space<vmem>> -> memref<512x16xf32, #tpu.memory_space<vmem>>
      %dma_wait3A_51 = arith.constant 0 : i32
      %dma_wait3A_52 = tpu.memref_slice %arg12[%dma_wait3A_46, %dma_wait3A_51] : memref<2x512xi32, #tpu.memory_space<vmem>> -> memref<1x512xi32, #tpu.memory_space<vmem>>
      %dma_wait3A_53 = tpu.memref_squeeze %dma_wait3A_52 : memref<1x512xi32, #tpu.memory_space<vmem>> -> memref<512xi32, #tpu.memory_space<vmem>>
      %dma_wait3A_54 = arith.constant 0 : i32
      %dma_wait3A_55 = arith.constant 0 : i32
      %dma_wait3A_56 = tpu.memref_slice %arg10[%dma_wait3A_54, %dma_wait3A_55] : memref<100224x16xf32, #tpu.memory_space<vmem_shared>> -> memref<100224x16xf32, #tpu.memory_space<vmem_shared>>
      tpu.wait_indirect_dma semaphore(%arg16 : memref<!tpu.dma_semaphore, #tpu.memory_space<semaphore_mem>>) src(%dma_wait3A_50 : memref<512x16xf32, #tpu.memory_space<vmem>>) dst(%dma_wait3A_56 : memref<100224x16xf32, #tpu.memory_space<vmem_shared>>)
      %dma_wait3A_57 = arith.constant 1 : i32
      %dma_wait3A_58 = arith.constant 1 : i32
      %dma_wait3A_59 = arith.constant 0 : i32
      %dma_wait3A_60 = arith.constant 0 : i32
      %dma_wait3A_61 = tpu.memref_slice %arg13[%dma_wait3A_57, %dma_wait3A_59, %dma_wait3A_60] : memref<2x512x16xf32, #tpu.memory_space<vmem>> -> memref<1x512x16xf32, #tpu.memory_space<vmem>>
      %dma_wait3A_62 = tpu.memref_squeeze %dma_wait3A_61 : memref<1x512x16xf32, #tpu.memory_space<vmem>> -> memref<512x16xf32, #tpu.memory_space<vmem>>
      %dma_wait3A_63 = arith.constant 0 : i32
      %dma_wait3A_64 = tpu.memref_slice %arg12[%dma_wait3A_58, %dma_wait3A_63] : memref<2x512xi32, #tpu.memory_space<vmem>> -> memref<1x512xi32, #tpu.memory_space<vmem>>
      %dma_wait3A_65 = tpu.memref_squeeze %dma_wait3A_64 : memref<1x512xi32, #tpu.memory_space<vmem>> -> memref<512xi32, #tpu.memory_space<vmem>>
      %dma_wait3A_66 = arith.constant 0 : i32
      %dma_wait3A_67 = arith.constant 0 : i32
      %dma_wait3A_68 = tpu.memref_slice %arg10[%dma_wait3A_66, %dma_wait3A_67] : memref<100224x16xf32, #tpu.memory_space<vmem_shared>> -> memref<100224x16xf32, #tpu.memory_space<vmem_shared>>
      tpu.wait_indirect_dma semaphore(%arg17 : memref<!tpu.dma_semaphore, #tpu.memory_space<semaphore_mem>>) src(%dma_wait3A_62 : memref<512x16xf32, #tpu.memory_space<vmem>>) dst(%dma_wait3A_68 : memref<100224x16xf32, #tpu.memory_space<vmem_shared>>)
      %barrier3A_69 = arith.constant 0 : index
      tpu.barrier barrier_id(%barrier3A_69)
      %mul3A_70 = arith.constant 6264 : i32
      %mul3A_71 = arith.muli %arg1, %mul3A_70 : i32
      %mul3A_72 = arith.constant 6264 : i32
      %mul3A_73 = arith.muli %arg1, %mul3A_72 : i32
      %add3A_74 = arith.constant 0 : i32
      %add3A_75 = arith.addi %add3A_74, %mul3A_73 : i32
      "tpu.region"() ({
        %run_scoped3A_152 = tpu.sem_alloc : memref<!tpu.dma_semaphore, #tpu.memory_space<semaphore_mem>>
        %dma_start3A_153 = arith.constant 0 : i32
        %dma_start3A_154 = tpu.memref_slice %arg9[%add3A_75, %dma_start3A_153] : memref<400896x16xf32, #tpu.memory_space<hbm>> -> memref<6264x16xf32, #tpu.memory_space<hbm>>
        %dma_start3A_155 = arith.constant 0 : i32
        %dma_start3A_156 = tpu.memref_slice %arg10[%mul3A_71, %dma_start3A_155] : memref<100224x16xf32, #tpu.memory_space<vmem_shared>> -> memref<6264x16xf32, #tpu.memory_space<vmem_shared>>
        tpu.enqueue_dma source(%dma_start3A_156 : memref<6264x16xf32, #tpu.memory_space<vmem_shared>>) target(%dma_start3A_154 : memref<6264x16xf32, #tpu.memory_space<hbm>>) target_semaphore(%run_scoped3A_152 : memref<!tpu.dma_semaphore, #tpu.memory_space<semaphore_mem>>)
        %dma_wait3A_157 = arith.constant 0 : i32
        %dma_wait3A_158 = tpu.memref_slice %arg9[%add3A_75, %dma_wait3A_157] : memref<400896x16xf32, #tpu.memory_space<hbm>> -> memref<6264x16xf32, #tpu.memory_space<hbm>>
        %dma_wait3A_159 = arith.constant 0 : i32
        %dma_wait3A_160 = tpu.memref_slice %arg10[%mul3A_71, %dma_wait3A_159] : memref<100224x16xf32, #tpu.memory_space<vmem_shared>> -> memref<6264x16xf32, #tpu.memory_space<vmem_shared>>
        tpu.wait_dma2 semaphore(%run_scoped3A_152 : memref<!tpu.dma_semaphore, #tpu.memory_space<semaphore_mem>>) src(%dma_wait3A_160 : memref<6264x16xf32, #tpu.memory_space<vmem_shared>>) dst(%dma_wait3A_158 : memref<6264x16xf32, #tpu.memory_space<hbm>>)
        tpu.yield
      }) : () -> ()
      %barrier3A_76 = arith.constant 0 : index
      tpu.barrier barrier_id(%barrier3A_76)
      %mul3A_77 = arith.constant 6264 : i32
      %mul3A_78 = arith.muli %arg1, %mul3A_77 : i32
      %mul3A_79 = arith.constant 6264 : i32
      %mul3A_80 = arith.muli %arg1, %mul3A_79 : i32
      "tpu.region"() ({
        %run_scoped3A_152 = tpu.sem_alloc : memref<!tpu.dma_semaphore, #tpu.memory_space<semaphore_mem>>
        %dma_start3A_153 = arith.constant 0 : i32
        %dma_start3A_154 = tpu.memref_slice %arg10[%mul3A_80, %dma_start3A_153] : memref<100224x16xf32, #tpu.memory_space<vmem_shared>> -> memref<6264x16xf32, #tpu.memory_space<vmem_shared>>
        %dma_start3A_155 = arith.constant 0 : i32
        %dma_start3A_156 = tpu.memref_slice %arg8[%mul3A_78, %dma_start3A_155] : memref<100224x16xf32, #tpu.memory_space<hbm>> -> memref<6264x16xf32, #tpu.memory_space<hbm>>
        tpu.enqueue_dma source(%dma_start3A_156 : memref<6264x16xf32, #tpu.memory_space<hbm>>) target(%dma_start3A_154 : memref<6264x16xf32, #tpu.memory_space<vmem_shared>>) target_semaphore(%run_scoped3A_152 : memref<!tpu.dma_semaphore, #tpu.memory_space<semaphore_mem>>)
        %dma_wait3A_157 = arith.constant 0 : i32
        %dma_wait3A_158 = tpu.memref_slice %arg10[%mul3A_80, %dma_wait3A_157] : memref<100224x16xf32, #tpu.memory_space<vmem_shared>> -> memref<6264x16xf32, #tpu.memory_space<vmem_shared>>
        %dma_wait3A_159 = arith.constant 0 : i32
        %dma_wait3A_160 = tpu.memref_slice %arg8[%mul3A_78, %dma_wait3A_159] : memref<100224x16xf32, #tpu.memory_space<hbm>> -> memref<6264x16xf32, #tpu.memory_space<hbm>>
        tpu.wait_dma2 semaphore(%run_scoped3A_152 : memref<!tpu.dma_semaphore, #tpu.memory_space<semaphore_mem>>) src(%dma_wait3A_160 : memref<6264x16xf32, #tpu.memory_space<hbm>>) dst(%dma_wait3A_158 : memref<6264x16xf32, #tpu.memory_space<vmem_shared>>)
        tpu.yield
      }) : () -> ()
      %barrier3A_81 = arith.constant 0 : index
      tpu.barrier barrier_id(%barrier3A_81)
      %add3A_82 = arith.constant 0 : i32
      %add3A_83 = arith.addi %mul3A_0, %add3A_82 : i32
      %run_scoped3A_84 = arith.constant 0 : i32
      "tpu.region"() ({
        %run_scoped3A_152 = tpu.sem_alloc : memref<!tpu.dma_semaphore, #tpu.memory_space<semaphore_mem>>
        %dma_start3A_153 = arith.constant 0 : i32
        %dma_start3A_154 = tpu.memref_slice %arg11[%run_scoped3A_84, %dma_start3A_153] : memref<2x512xi32, #tpu.memory_space<vmem>> -> memref<1x512xi32, #tpu.memory_space<vmem>>
        %dma_start3A_155 = tpu.memref_squeeze %dma_start3A_154 : memref<1x512xi32, #tpu.memory_space<vmem>> -> memref<512xi32, #tpu.memory_space<vmem>>
        %dma_start3A_156 = arith.constant 0 : i32
        %dma_start3A_157 = tpu.memref_slice %arg2[%add3A_83, %dma_start3A_156] : memref<6272x512xi32, #tpu.memory_space<hbm>> -> memref<1x512xi32, #tpu.memory_space<hbm>>
        %dma_start3A_158 = tpu.memref_squeeze %dma_start3A_157 : memref<1x512xi32, #tpu.memory_space<hbm>> -> memref<512xi32, #tpu.memory_space<hbm>>
        %dma_start3A_159 = arith.constant 0 : i32
        %dma_start3A_160 = tpu.memref_slice %arg11[%run_scoped3A_84, %dma_start3A_159] : memref<2x512xi32, #tpu.memory_space<vmem>> -> memref<1x512xi32, #tpu.memory_space<vmem>>
        %dma_start3A_161 = tpu.memref_squeeze %dma_start3A_160 : memref<1x512xi32, #tpu.memory_space<vmem>> -> memref<512xi32, #tpu.memory_space<vmem>>
        %dma_start3A_162 = arith.constant 0 : i32
        %dma_start3A_163 = tpu.memref_slice %arg2[%add3A_83, %dma_start3A_162] : memref<6272x512xi32, #tpu.memory_space<hbm>> -> memref<1x512xi32, #tpu.memory_space<hbm>>
        %dma_start3A_164 = tpu.memref_squeeze %dma_start3A_163 : memref<1x512xi32, #tpu.memory_space<hbm>> -> memref<512xi32, #tpu.memory_space<hbm>>
        tpu.enqueue_dma source(%dma_start3A_164 : memref<512xi32, #tpu.memory_space<hbm>>) target(%dma_start3A_161 : memref<512xi32, #tpu.memory_space<vmem>>) target_semaphore(%run_scoped3A_152 : memref<!tpu.dma_semaphore, #tpu.memory_space<semaphore_mem>>)
        %dma_wait3A_165 = arith.constant 0 : i32
        %dma_wait3A_166 = tpu.memref_slice %arg11[%run_scoped3A_84, %dma_wait3A_165] : memref<2x512xi32, #tpu.memory_space<vmem>> -> memref<1x512xi32, #tpu.memory_space<vmem>>
        %dma_wait3A_167 = tpu.memref_squeeze %dma_wait3A_166 : memref<1x512xi32, #tpu.memory_space<vmem>> -> memref<512xi32, #tpu.memory_space<vmem>>
        %dma_wait3A_168 = arith.constant 0 : i32
        %dma_wait3A_169 = tpu.memref_slice %arg2[%add3A_83, %dma_wait3A_168] : memref<6272x512xi32, #tpu.memory_space<hbm>> -> memref<1x512xi32, #tpu.memory_space<hbm>>
        %dma_wait3A_170 = tpu.memref_squeeze %dma_wait3A_169 : memref<1x512xi32, #tpu.memory_space<hbm>> -> memref<512xi32, #tpu.memory_space<hbm>>
        %dma_wait3A_171 = arith.constant 0 : i32
        %dma_wait3A_172 = tpu.memref_slice %arg11[%run_scoped3A_84, %dma_wait3A_171] : memref<2x512xi32, #tpu.memory_space<vmem>> -> memref<1x512xi32, #tpu.memory_space<vmem>>
        %dma_wait3A_173 = tpu.memref_squeeze %dma_wait3A_172 : memref<1x512xi32, #tpu.memory_space<vmem>> -> memref<512xi32, #tpu.memory_space<vmem>>
        %dma_wait3A_174 = arith.constant 0 : i32
        %dma_wait3A_175 = tpu.memref_slice %arg2[%add3A_83, %dma_wait3A_174] : memref<6272x512xi32, #tpu.memory_space<hbm>> -> memref<1x512xi32, #tpu.memory_space<hbm>>
        %dma_wait3A_176 = tpu.memref_squeeze %dma_wait3A_175 : memref<1x512xi32, #tpu.memory_space<hbm>> -> memref<512xi32, #tpu.memory_space<hbm>>
        tpu.wait_dma2 semaphore(%run_scoped3A_152 : memref<!tpu.dma_semaphore, #tpu.memory_space<semaphore_mem>>) src(%dma_wait3A_176 : memref<512xi32, #tpu.memory_space<hbm>>) dst(%dma_wait3A_173 : memref<512xi32, #tpu.memory_space<vmem>>)
        tpu.yield
      }) : () -> ()
      %run_scoped3A_85 = arith.constant 0 : i32
      "tpu.region"() ({
        %run_scoped3A_152 = tpu.sem_alloc : memref<!tpu.dma_semaphore, #tpu.memory_space<semaphore_mem>>
        %dma_start3A_153 = arith.constant 0 : i32
        %dma_start3A_154 = tpu.memref_slice %arg12[%run_scoped3A_85, %dma_start3A_153] : memref<2x512xi32, #tpu.memory_space<vmem>> -> memref<1x512xi32, #tpu.memory_space<vmem>>
        %dma_start3A_155 = tpu.memref_squeeze %dma_start3A_154 : memref<1x512xi32, #tpu.memory_space<vmem>> -> memref<512xi32, #tpu.memory_space<vmem>>
        %dma_start3A_156 = arith.constant 0 : i32
        %dma_start3A_157 = tpu.memref_slice %arg3[%add3A_83, %dma_start3A_156] : memref<6272x512xi32, #tpu.memory_space<hbm>> -> memref<1x512xi32, #tpu.memory_space<hbm>>
        %dma_start3A_158 = tpu.memref_squeeze %dma_start3A_157 : memref<1x512xi32, #tpu.memory_space<hbm>> -> memref<512xi32, #tpu.memory_space<hbm>>
        %dma_start3A_159 = arith.constant 0 : i32
        %dma_start3A_160 = tpu.memref_slice %arg12[%run_scoped3A_85, %dma_start3A_159] : memref<2x512xi32, #tpu.memory_space<vmem>> -> memref<1x512xi32, #tpu.memory_space<vmem>>
        %dma_start3A_161 = tpu.memref_squeeze %dma_start3A_160 : memref<1x512xi32, #tpu.memory_space<vmem>> -> memref<512xi32, #tpu.memory_space<vmem>>
        %dma_start3A_162 = arith.constant 0 : i32
        %dma_start3A_163 = tpu.memref_slice %arg3[%add3A_83, %dma_start3A_162] : memref<6272x512xi32, #tpu.memory_space<hbm>> -> memref<1x512xi32, #tpu.memory_space<hbm>>
        %dma_start3A_164 = tpu.memref_squeeze %dma_start3A_163 : memref<1x512xi32, #tpu.memory_space<hbm>> -> memref<512xi32, #tpu.memory_space<hbm>>
        tpu.enqueue_dma source(%dma_start3A_164 : memref<512xi32, #tpu.memory_space<hbm>>) target(%dma_start3A_161 : memref<512xi32, #tpu.memory_space<vmem>>) target_semaphore(%run_scoped3A_152 : memref<!tpu.dma_semaphore, #tpu.memory_space<semaphore_mem>>)
        %dma_wait3A_165 = arith.constant 0 : i32
        %dma_wait3A_166 = tpu.memref_slice %arg12[%run_scoped3A_85, %dma_wait3A_165] : memref<2x512xi32, #tpu.memory_space<vmem>> -> memref<1x512xi32, #tpu.memory_space<vmem>>
        %dma_wait3A_167 = tpu.memref_squeeze %dma_wait3A_166 : memref<1x512xi32, #tpu.memory_space<vmem>> -> memref<512xi32, #tpu.memory_space<vmem>>
        %dma_wait3A_168 = arith.constant 0 : i32
        %dma_wait3A_169 = tpu.memref_slice %arg3[%add3A_83, %dma_wait3A_168] : memref<6272x512xi32, #tpu.memory_space<hbm>> -> memref<1x512xi32, #tpu.memory_space<hbm>>
        %dma_wait3A_170 = tpu.memref_squeeze %dma_wait3A_169 : memref<1x512xi32, #tpu.memory_space<hbm>> -> memref<512xi32, #tpu.memory_space<hbm>>
        %dma_wait3A_171 = arith.constant 0 : i32
        %dma_wait3A_172 = tpu.memref_slice %arg12[%run_scoped3A_85, %dma_wait3A_171] : memref<2x512xi32, #tpu.memory_space<vmem>> -> memref<1x512xi32, #tpu.memory_space<vmem>>
        %dma_wait3A_173 = tpu.memref_squeeze %dma_wait3A_172 : memref<1x512xi32, #tpu.memory_space<vmem>> -> memref<512xi32, #tpu.memory_space<vmem>>
        %dma_wait3A_174 = arith.constant 0 : i32
        %dma_wait3A_175 = tpu.memref_slice %arg3[%add3A_83, %dma_wait3A_174] : memref<6272x512xi32, #tpu.memory_space<hbm>> -> memref<1x512xi32, #tpu.memory_space<hbm>>
        %dma_wait3A_176 = tpu.memref_squeeze %dma_wait3A_175 : memref<1x512xi32, #tpu.memory_space<hbm>> -> memref<512xi32, #tpu.memory_space<hbm>>
        tpu.wait_dma2 semaphore(%run_scoped3A_152 : memref<!tpu.dma_semaphore, #tpu.memory_space<semaphore_mem>>) src(%dma_wait3A_176 : memref<512xi32, #tpu.memory_space<hbm>>) dst(%dma_wait3A_173 : memref<512xi32, #tpu.memory_space<vmem>>)
        tpu.yield
      }) : () -> ()
      %dma_start3A_86 = arith.constant 0 : i32
      %dma_start3A_87 = arith.constant 0 : i32
      %dma_start3A_88 = arith.constant 0 : i32
      %dma_start3A_89 = arith.constant 0 : i32
      %dma_start3A_90 = tpu.memref_slice %arg13[%dma_start3A_87, %dma_start3A_88, %dma_start3A_89] : memref<2x512x16xf32, #tpu.memory_space<vmem>> -> memref<1x512x16xf32, #tpu.memory_space<vmem>>
      %dma_start3A_91 = tpu.memref_squeeze %dma_start3A_90 : memref<1x512x16xf32, #tpu.memory_space<vmem>> -> memref<512x16xf32, #tpu.memory_space<vmem>>
      %dma_start3A_92 = arith.constant 0 : i32
      %dma_start3A_93 = tpu.memref_slice %arg11[%dma_start3A_86, %dma_start3A_92] : memref<2x512xi32, #tpu.memory_space<vmem>> -> memref<1x512xi32, #tpu.memory_space<vmem>>
      %dma_start3A_94 = tpu.memref_squeeze %dma_start3A_93 : memref<1x512xi32, #tpu.memory_space<vmem>> -> memref<512xi32, #tpu.memory_space<vmem>>
      %dma_start3A_95 = arith.constant 0 : i32
      %dma_start3A_96 = arith.constant 0 : i32
      %dma_start3A_97 = tpu.memref_slice %arg5[%dma_start3A_95, %dma_start3A_96] : memref<100000x16xf32, #tpu.memory_space<hbm>> -> memref<100000x16xf32, #tpu.memory_space<hbm>>
      tpu.enqueue_indirect_dma source(%dma_start3A_97 : memref<100000x16xf32, #tpu.memory_space<hbm>>) target(%dma_start3A_91 : memref<512x16xf32, #tpu.memory_space<vmem>>) offsets(%dma_start3A_94 : memref<512xi32, #tpu.memory_space<vmem>>) semaphore(%arg14 : memref<!tpu.dma_semaphore, #tpu.memory_space<semaphore_mem>>)
      %add3A_98 = arith.constant 1 : i32
      %add3A_99 = arith.addi %mul3A_0, %add3A_98 : i32
      %run_scoped3A_100 = arith.constant 1 : i32
      "tpu.region"() ({
        %run_scoped3A_152 = tpu.sem_alloc : memref<!tpu.dma_semaphore, #tpu.memory_space<semaphore_mem>>
        %dma_start3A_153 = arith.constant 0 : i32
        %dma_start3A_154 = tpu.memref_slice %arg11[%run_scoped3A_100, %dma_start3A_153] : memref<2x512xi32, #tpu.memory_space<vmem>> -> memref<1x512xi32, #tpu.memory_space<vmem>>
        %dma_start3A_155 = tpu.memref_squeeze %dma_start3A_154 : memref<1x512xi32, #tpu.memory_space<vmem>> -> memref<512xi32, #tpu.memory_space<vmem>>
        %dma_start3A_156 = arith.constant 0 : i32
        %dma_start3A_157 = tpu.memref_slice %arg2[%add3A_99, %dma_start3A_156] : memref<6272x512xi32, #tpu.memory_space<hbm>> -> memref<1x512xi32, #tpu.memory_space<hbm>>
        %dma_start3A_158 = tpu.memref_squeeze %dma_start3A_157 : memref<1x512xi32, #tpu.memory_space<hbm>> -> memref<512xi32, #tpu.memory_space<hbm>>
        %dma_start3A_159 = arith.constant 0 : i32
        %dma_start3A_160 = tpu.memref_slice %arg11[%run_scoped3A_100, %dma_start3A_159] : memref<2x512xi32, #tpu.memory_space<vmem>> -> memref<1x512xi32, #tpu.memory_space<vmem>>
        %dma_start3A_161 = tpu.memref_squeeze %dma_start3A_160 : memref<1x512xi32, #tpu.memory_space<vmem>> -> memref<512xi32, #tpu.memory_space<vmem>>
        %dma_start3A_162 = arith.constant 0 : i32
        %dma_start3A_163 = tpu.memref_slice %arg2[%add3A_99, %dma_start3A_162] : memref<6272x512xi32, #tpu.memory_space<hbm>> -> memref<1x512xi32, #tpu.memory_space<hbm>>
        %dma_start3A_164 = tpu.memref_squeeze %dma_start3A_163 : memref<1x512xi32, #tpu.memory_space<hbm>> -> memref<512xi32, #tpu.memory_space<hbm>>
        tpu.enqueue_dma source(%dma_start3A_164 : memref<512xi32, #tpu.memory_space<hbm>>) target(%dma_start3A_161 : memref<512xi32, #tpu.memory_space<vmem>>) target_semaphore(%run_scoped3A_152 : memref<!tpu.dma_semaphore, #tpu.memory_space<semaphore_mem>>)
        %dma_wait3A_165 = arith.constant 0 : i32
        %dma_wait3A_166 = tpu.memref_slice %arg11[%run_scoped3A_100, %dma_wait3A_165] : memref<2x512xi32, #tpu.memory_space<vmem>> -> memref<1x512xi32, #tpu.memory_space<vmem>>
        %dma_wait3A_167 = tpu.memref_squeeze %dma_wait3A_166 : memref<1x512xi32, #tpu.memory_space<vmem>> -> memref<512xi32, #tpu.memory_space<vmem>>
        %dma_wait3A_168 = arith.constant 0 : i32
        %dma_wait3A_169 = tpu.memref_slice %arg2[%add3A_99, %dma_wait3A_168] : memref<6272x512xi32, #tpu.memory_space<hbm>> -> memref<1x512xi32, #tpu.memory_space<hbm>>
        %dma_wait3A_170 = tpu.memref_squeeze %dma_wait3A_169 : memref<1x512xi32, #tpu.memory_space<hbm>> -> memref<512xi32, #tpu.memory_space<hbm>>
        %dma_wait3A_171 = arith.constant 0 : i32
        %dma_wait3A_172 = tpu.memref_slice %arg11[%run_scoped3A_100, %dma_wait3A_171] : memref<2x512xi32, #tpu.memory_space<vmem>> -> memref<1x512xi32, #tpu.memory_space<vmem>>
        %dma_wait3A_173 = tpu.memref_squeeze %dma_wait3A_172 : memref<1x512xi32, #tpu.memory_space<vmem>> -> memref<512xi32, #tpu.memory_space<vmem>>
        %dma_wait3A_174 = arith.constant 0 : i32
        %dma_wait3A_175 = tpu.memref_slice %arg2[%add3A_99, %dma_wait3A_174] : memref<6272x512xi32, #tpu.memory_space<hbm>> -> memref<1x512xi32, #tpu.memory_space<hbm>>
        %dma_wait3A_176 = tpu.memref_squeeze %dma_wait3A_175 : memref<1x512xi32, #tpu.memory_space<hbm>> -> memref<512xi32, #tpu.memory_space<hbm>>
        tpu.wait_dma2 semaphore(%run_scoped3A_152 : memref<!tpu.dma_semaphore, #tpu.memory_space<semaphore_mem>>) src(%dma_wait3A_176 : memref<512xi32, #tpu.memory_space<hbm>>) dst(%dma_wait3A_173 : memref<512xi32, #tpu.memory_space<vmem>>)
        tpu.yield
      }) : () -> ()
      %run_scoped3A_101 = arith.constant 1 : i32
      "tpu.region"() ({
        %run_scoped3A_152 = tpu.sem_alloc : memref<!tpu.dma_semaphore, #tpu.memory_space<semaphore_mem>>
        %dma_start3A_153 = arith.constant 0 : i32
        %dma_start3A_154 = tpu.memref_slice %arg12[%run_scoped3A_101, %dma_start3A_153] : memref<2x512xi32, #tpu.memory_space<vmem>> -> memref<1x512xi32, #tpu.memory_space<vmem>>
        %dma_start3A_155 = tpu.memref_squeeze %dma_start3A_154 : memref<1x512xi32, #tpu.memory_space<vmem>> -> memref<512xi32, #tpu.memory_space<vmem>>
        %dma_start3A_156 = arith.constant 0 : i32
        %dma_start3A_157 = tpu.memref_slice %arg3[%add3A_99, %dma_start3A_156] : memref<6272x512xi32, #tpu.memory_space<hbm>> -> memref<1x512xi32, #tpu.memory_space<hbm>>
        %dma_start3A_158 = tpu.memref_squeeze %dma_start3A_157 : memref<1x512xi32, #tpu.memory_space<hbm>> -> memref<512xi32, #tpu.memory_space<hbm>>
        %dma_start3A_159 = arith.constant 0 : i32
        %dma_start3A_160 = tpu.memref_slice %arg12[%run_scoped3A_101, %dma_start3A_159] : memref<2x512xi32, #tpu.memory_space<vmem>> -> memref<1x512xi32, #tpu.memory_space<vmem>>
        %dma_start3A_161 = tpu.memref_squeeze %dma_start3A_160 : memref<1x512xi32, #tpu.memory_space<vmem>> -> memref<512xi32, #tpu.memory_space<vmem>>
        %dma_start3A_162 = arith.constant 0 : i32
        %dma_start3A_163 = tpu.memref_slice %arg3[%add3A_99, %dma_start3A_162] : memref<6272x512xi32, #tpu.memory_space<hbm>> -> memref<1x512xi32, #tpu.memory_space<hbm>>
        %dma_start3A_164 = tpu.memref_squeeze %dma_start3A_163 : memref<1x512xi32, #tpu.memory_space<hbm>> -> memref<512xi32, #tpu.memory_space<hbm>>
        tpu.enqueue_dma source(%dma_start3A_164 : memref<512xi32, #tpu.memory_space<hbm>>) target(%dma_start3A_161 : memref<512xi32, #tpu.memory_space<vmem>>) target_semaphore(%run_scoped3A_152 : memref<!tpu.dma_semaphore, #tpu.memory_space<semaphore_mem>>)
        %dma_wait3A_165 = arith.constant 0 : i32
        %dma_wait3A_166 = tpu.memref_slice %arg12[%run_scoped3A_101, %dma_wait3A_165] : memref<2x512xi32, #tpu.memory_space<vmem>> -> memref<1x512xi32, #tpu.memory_space<vmem>>
        %dma_wait3A_167 = tpu.memref_squeeze %dma_wait3A_166 : memref<1x512xi32, #tpu.memory_space<vmem>> -> memref<512xi32, #tpu.memory_space<vmem>>
        %dma_wait3A_168 = arith.constant 0 : i32
        %dma_wait3A_169 = tpu.memref_slice %arg3[%add3A_99, %dma_wait3A_168] : memref<6272x512xi32, #tpu.memory_space<hbm>> -> memref<1x512xi32, #tpu.memory_space<hbm>>
        %dma_wait3A_170 = tpu.memref_squeeze %dma_wait3A_169 : memref<1x512xi32, #tpu.memory_space<hbm>> -> memref<512xi32, #tpu.memory_space<hbm>>
        %dma_wait3A_171 = arith.constant 0 : i32
        %dma_wait3A_172 = tpu.memref_slice %arg12[%run_scoped3A_101, %dma_wait3A_171] : memref<2x512xi32, #tpu.memory_space<vmem>> -> memref<1x512xi32, #tpu.memory_space<vmem>>
        %dma_wait3A_173 = tpu.memref_squeeze %dma_wait3A_172 : memref<1x512xi32, #tpu.memory_space<vmem>> -> memref<512xi32, #tpu.memory_space<vmem>>
        %dma_wait3A_174 = arith.constant 0 : i32
        %dma_wait3A_175 = tpu.memref_slice %arg3[%add3A_99, %dma_wait3A_174] : memref<6272x512xi32, #tpu.memory_space<hbm>> -> memref<1x512xi32, #tpu.memory_space<hbm>>
        %dma_wait3A_176 = tpu.memref_squeeze %dma_wait3A_175 : memref<1x512xi32, #tpu.memory_space<hbm>> -> memref<512xi32, #tpu.memory_space<hbm>>
        tpu.wait_dma2 semaphore(%run_scoped3A_152 : memref<!tpu.dma_semaphore, #tpu.memory_space<semaphore_mem>>) src(%dma_wait3A_176 : memref<512xi32, #tpu.memory_space<hbm>>) dst(%dma_wait3A_173 : memref<512xi32, #tpu.memory_space<vmem>>)
        tpu.yield
      }) : () -> ()
      %dma_start3A_102 = arith.constant 1 : i32
      %dma_start3A_103 = arith.constant 1 : i32
      %dma_start3A_104 = arith.constant 0 : i32
      %dma_start3A_105 = arith.constant 0 : i32
      %dma_start3A_106 = tpu.memref_slice %arg13[%dma_start3A_103, %dma_start3A_104, %dma_start3A_105] : memref<2x512x16xf32, #tpu.memory_space<vmem>> -> memref<1x512x16xf32, #tpu.memory_space<vmem>>
      %dma_start3A_107 = tpu.memref_squeeze %dma_start3A_106 : memref<1x512x16xf32, #tpu.memory_space<vmem>> -> memref<512x16xf32, #tpu.memory_space<vmem>>
      %dma_start3A_108 = arith.constant 0 : i32
      %dma_start3A_109 = tpu.memref_slice %arg11[%dma_start3A_102, %dma_start3A_108] : memref<2x512xi32, #tpu.memory_space<vmem>> -> memref<1x512xi32, #tpu.memory_space<vmem>>
      %dma_start3A_110 = tpu.memref_squeeze %dma_start3A_109 : memref<1x512xi32, #tpu.memory_space<vmem>> -> memref<512xi32, #tpu.memory_space<vmem>>
      %dma_start3A_111 = arith.constant 0 : i32
      %dma_start3A_112 = arith.constant 0 : i32
      %dma_start3A_113 = tpu.memref_slice %arg5[%dma_start3A_111, %dma_start3A_112] : memref<100000x16xf32, #tpu.memory_space<hbm>> -> memref<100000x16xf32, #tpu.memory_space<hbm>>
      tpu.enqueue_indirect_dma source(%dma_start3A_113 : memref<100000x16xf32, #tpu.memory_space<hbm>>) target(%dma_start3A_107 : memref<512x16xf32, #tpu.memory_space<vmem>>) offsets(%dma_start3A_110 : memref<512xi32, #tpu.memory_space<vmem>>) semaphore(%arg15 : memref<!tpu.dma_semaphore, #tpu.memory_space<semaphore_mem>>)
      %scan3A_114 = arith.constant 0 : i32
      %scan3A_115 = arith.constant 0 : i32
      %scan3A_116 = arith.constant 196 : i32
      %scan3A_117 = arith.addi %scan3A_115, %scan3A_116 : i32
      %scan3A_118 = arith.constant 1 : i32
      scf.for %scan3A_152 = %scan3A_115 to %scan3A_117 step %scan3A_118  : i32 {
        %mul3A_153 = arith.constant 2 : i32
        %mul3A_154 = arith.muli %scan3A_152, %mul3A_153 : i32
        %add3A_155 = arith.constant 0 : i32
        %add3A_156 = arith.addi %mul3A_154, %add3A_155 : i32
        %dma_wait3A_157 = arith.constant 0 : i32
        %dma_wait3A_158 = arith.constant 0 : i32
        %dma_wait3A_159 = arith.constant 0 : i32
        %dma_wait3A_160 = arith.constant 0 : i32
        %dma_wait3A_161 = tpu.memref_slice %arg13[%dma_wait3A_158, %dma_wait3A_159, %dma_wait3A_160] : memref<2x512x16xf32, #tpu.memory_space<vmem>> -> memref<1x512x16xf32, #tpu.memory_space<vmem>>
        %dma_wait3A_162 = tpu.memref_squeeze %dma_wait3A_161 : memref<1x512x16xf32, #tpu.memory_space<vmem>> -> memref<512x16xf32, #tpu.memory_space<vmem>>
        %dma_wait3A_163 = arith.constant 0 : i32
        %dma_wait3A_164 = tpu.memref_slice %arg11[%dma_wait3A_157, %dma_wait3A_163] : memref<2x512xi32, #tpu.memory_space<vmem>> -> memref<1x512xi32, #tpu.memory_space<vmem>>
        %dma_wait3A_165 = tpu.memref_squeeze %dma_wait3A_164 : memref<1x512xi32, #tpu.memory_space<vmem>> -> memref<512xi32, #tpu.memory_space<vmem>>
        %dma_wait3A_166 = arith.constant 0 : i32
        %dma_wait3A_167 = arith.constant 0 : i32
        %dma_wait3A_168 = tpu.memref_slice %arg5[%dma_wait3A_166, %dma_wait3A_167] : memref<100000x16xf32, #tpu.memory_space<hbm>> -> memref<100000x16xf32, #tpu.memory_space<hbm>>
        tpu.wait_indirect_dma semaphore(%arg14 : memref<!tpu.dma_semaphore, #tpu.memory_space<semaphore_mem>>) src(%dma_wait3A_168 : memref<100000x16xf32, #tpu.memory_space<hbm>>) dst(%dma_wait3A_162 : memref<512x16xf32, #tpu.memory_space<vmem>>)
        %dma_start3A_169 = arith.constant 0 : i32
        %dma_start3A_170 = arith.constant 0 : i32
        %dma_start3A_171 = arith.constant 0 : i32
        %dma_start3A_172 = arith.constant 0 : i32
        %dma_start3A_173 = tpu.memref_slice %arg13[%dma_start3A_169, %dma_start3A_171, %dma_start3A_172] : memref<2x512x16xf32, #tpu.memory_space<vmem>> -> memref<1x512x16xf32, #tpu.memory_space<vmem>>
        %dma_start3A_174 = tpu.memref_squeeze %dma_start3A_173 : memref<1x512x16xf32, #tpu.memory_space<vmem>> -> memref<512x16xf32, #tpu.memory_space<vmem>>
        %dma_start3A_175 = arith.constant 0 : i32
        %dma_start3A_176 = tpu.memref_slice %arg12[%dma_start3A_170, %dma_start3A_175] : memref<2x512xi32, #tpu.memory_space<vmem>> -> memref<1x512xi32, #tpu.memory_space<vmem>>
        %dma_start3A_177 = tpu.memref_squeeze %dma_start3A_176 : memref<1x512xi32, #tpu.memory_space<vmem>> -> memref<512xi32, #tpu.memory_space<vmem>>
        %dma_start3A_178 = arith.constant 0 : i32
        %dma_start3A_179 = arith.constant 0 : i32
        %dma_start3A_180 = tpu.memref_slice %arg10[%dma_start3A_178, %dma_start3A_179] : memref<100224x16xf32, #tpu.memory_space<vmem_shared>> -> memref<100224x16xf32, #tpu.memory_space<vmem_shared>>
        tpu.enqueue_indirect_dma source(%dma_start3A_174 : memref<512x16xf32, #tpu.memory_space<vmem>>) target(%dma_start3A_180 : memref<100224x16xf32, #tpu.memory_space<vmem_shared>>) offsets(%dma_start3A_177 : memref<512xi32, #tpu.memory_space<vmem>>) semaphore(%arg16 : memref<!tpu.dma_semaphore, #tpu.memory_space<semaphore_mem>>) {add = true}
        %add3A_181 = arith.constant 2 : i32
        %add3A_182 = arith.addi %add3A_156, %add3A_181 : i32
        %lt3A = arith.constant 392 : i32
        %lt3A_183 = arith.cmpi slt, %add3A_182, %lt3A : i32
        %convert_element_type3A_184 = arith.extui %lt3A_183 : i1 to i32
        %cond3A_185 = arith.constant 0 : i32
        %cond3A_186 = arith.cmpi ne, %convert_element_type3A_184, %cond3A_185 : i32
        scf.if %cond3A_186 {
          %dma_wait3A_222 = arith.constant 0 : i32
          %dma_wait3A_223 = arith.constant 0 : i32
          %dma_wait3A_224 = arith.constant 0 : i32
          %dma_wait3A_225 = arith.constant 0 : i32
          %dma_wait3A_226 = tpu.memref_slice %arg13[%dma_wait3A_222, %dma_wait3A_224, %dma_wait3A_225] : memref<2x512x16xf32, #tpu.memory_space<vmem>> -> memref<1x512x16xf32, #tpu.memory_space<vmem>>
          %dma_wait3A_227 = tpu.memref_squeeze %dma_wait3A_226 : memref<1x512x16xf32, #tpu.memory_space<vmem>> -> memref<512x16xf32, #tpu.memory_space<vmem>>
          %dma_wait3A_228 = arith.constant 0 : i32
          %dma_wait3A_229 = tpu.memref_slice %arg12[%dma_wait3A_223, %dma_wait3A_228] : memref<2x512xi32, #tpu.memory_space<vmem>> -> memref<1x512xi32, #tpu.memory_space<vmem>>
          %dma_wait3A_230 = tpu.memref_squeeze %dma_wait3A_229 : memref<1x512xi32, #tpu.memory_space<vmem>> -> memref<512xi32, #tpu.memory_space<vmem>>
          %dma_wait3A_231 = arith.constant 0 : i32
          %dma_wait3A_232 = arith.constant 0 : i32
          %dma_wait3A_233 = tpu.memref_slice %arg10[%dma_wait3A_231, %dma_wait3A_232] : memref<100224x16xf32, #tpu.memory_space<vmem_shared>> -> memref<100224x16xf32, #tpu.memory_space<vmem_shared>>
          tpu.wait_indirect_dma semaphore(%arg16 : memref<!tpu.dma_semaphore, #tpu.memory_space<semaphore_mem>>) src(%dma_wait3A_227 : memref<512x16xf32, #tpu.memory_space<vmem>>) dst(%dma_wait3A_233 : memref<100224x16xf32, #tpu.memory_space<vmem_shared>>)
          %add3A_234 = arith.addi %mul3A_0, %add3A_182 : i32
          %run_scoped3A_235 = arith.constant 0 : i32
          "tpu.region"() ({
            %run_scoped3A_249 = tpu.sem_alloc : memref<!tpu.dma_semaphore, #tpu.memory_space<semaphore_mem>>
            %dma_start3A_250 = arith.constant 0 : i32
            %dma_start3A_251 = tpu.memref_slice %arg11[%run_scoped3A_235, %dma_start3A_250] : memref<2x512xi32, #tpu.memory_space<vmem>> -> memref<1x512xi32, #tpu.memory_space<vmem>>
            %dma_start3A_252 = tpu.memref_squeeze %dma_start3A_251 : memref<1x512xi32, #tpu.memory_space<vmem>> -> memref<512xi32, #tpu.memory_space<vmem>>
            %dma_start3A_253 = arith.constant 0 : i32
            %dma_start3A_254 = tpu.memref_slice %arg2[%add3A_234, %dma_start3A_253] : memref<6272x512xi32, #tpu.memory_space<hbm>> -> memref<1x512xi32, #tpu.memory_space<hbm>>
            %dma_start3A_255 = tpu.memref_squeeze %dma_start3A_254 : memref<1x512xi32, #tpu.memory_space<hbm>> -> memref<512xi32, #tpu.memory_space<hbm>>
            %dma_start3A_256 = arith.constant 0 : i32
            %dma_start3A_257 = tpu.memref_slice %arg11[%run_scoped3A_235, %dma_start3A_256] : memref<2x512xi32, #tpu.memory_space<vmem>> -> memref<1x512xi32, #tpu.memory_space<vmem>>
            %dma_start3A_258 = tpu.memref_squeeze %dma_start3A_257 : memref<1x512xi32, #tpu.memory_space<vmem>> -> memref<512xi32, #tpu.memory_space<vmem>>
            %dma_start3A_259 = arith.constant 0 : i32
            %dma_start3A_260 = tpu.memref_slice %arg2[%add3A_234, %dma_start3A_259] : memref<6272x512xi32, #tpu.memory_space<hbm>> -> memref<1x512xi32, #tpu.memory_space<hbm>>
            %dma_start3A_261 = tpu.memref_squeeze %dma_start3A_260 : memref<1x512xi32, #tpu.memory_space<hbm>> -> memref<512xi32, #tpu.memory_space<hbm>>
            tpu.enqueue_dma source(%dma_start3A_261 : memref<512xi32, #tpu.memory_space<hbm>>) target(%dma_start3A_258 : memref<512xi32, #tpu.memory_space<vmem>>) target_semaphore(%run_scoped3A_249 : memref<!tpu.dma_semaphore, #tpu.memory_space<semaphore_mem>>)
            %dma_wait3A_262 = arith.constant 0 : i32
            %dma_wait3A_263 = tpu.memref_slice %arg11[%run_scoped3A_235, %dma_wait3A_262] : memref<2x512xi32, #tpu.memory_space<vmem>> -> memref<1x512xi32, #tpu.memory_space<vmem>>
            %dma_wait3A_264 = tpu.memref_squeeze %dma_wait3A_263 : memref<1x512xi32, #tpu.memory_space<vmem>> -> memref<512xi32, #tpu.memory_space<vmem>>
            %dma_wait3A_265 = arith.constant 0 : i32
            %dma_wait3A_266 = tpu.memref_slice %arg2[%add3A_234, %dma_wait3A_265] : memref<6272x512xi32, #tpu.memory_space<hbm>> -> memref<1x512xi32, #tpu.memory_space<hbm>>
            %dma_wait3A_267 = tpu.memref_squeeze %dma_wait3A_266 : memref<1x512xi32, #tpu.memory_space<hbm>> -> memref<512xi32, #tpu.memory_space<hbm>>
            %dma_wait3A_268 = arith.constant 0 : i32
            %dma_wait3A_269 = tpu.memref_slice %arg11[%run_scoped3A_235, %dma_wait3A_268] : memref<2x512xi32, #tpu.memory_space<vmem>> -> memref<1x512xi32, #tpu.memory_space<vmem>>
            %dma_wait3A_270 = tpu.memref_squeeze %dma_wait3A_269 : memref<1x512xi32, #tpu.memory_space<vmem>> -> memref<512xi32, #tpu.memory_space<vmem>>
            %dma_wait3A_271 = arith.constant 0 : i32
            %dma_wait3A_272 = tpu.memref_slice %arg2[%add3A_234, %dma_wait3A_271] : memref<6272x512xi32, #tpu.memory_space<hbm>> -> memref<1x512xi32, #tpu.memory_space<hbm>>
            %dma_wait3A_273 = tpu.memref_squeeze %dma_wait3A_272 : memref<1x512xi32, #tpu.memory_space<hbm>> -> memref<512xi32, #tpu.memory_space<hbm>>
            tpu.wait_dma2 semaphore(%run_scoped3A_249 : memref<!tpu.dma_semaphore, #tpu.memory_space<semaphore_mem>>) src(%dma_wait3A_273 : memref<512xi32, #tpu.memory_space<hbm>>) dst(%dma_wait3A_270 : memref<512xi32, #tpu.memory_space<vmem>>)
            tpu.yield
          }) : () -> ()
          %run_scoped3A_236 = arith.constant 0 : i32
          "tpu.region"() ({
            %run_scoped3A_249 = tpu.sem_alloc : memref<!tpu.dma_semaphore, #tpu.memory_space<semaphore_mem>>
            %dma_start3A_250 = arith.constant 0 : i32
            %dma_start3A_251 = tpu.memref_slice %arg12[%run_scoped3A_236, %dma_start3A_250] : memref<2x512xi32, #tpu.memory_space<vmem>> -> memref<1x512xi32, #tpu.memory_space<vmem>>
            %dma_start3A_252 = tpu.memref_squeeze %dma_start3A_251 : memref<1x512xi32, #tpu.memory_space<vmem>> -> memref<512xi32, #tpu.memory_space<vmem>>
            %dma_start3A_253 = arith.constant 0 : i32
            %dma_start3A_254 = tpu.memref_slice %arg3[%add3A_234, %dma_start3A_253] : memref<6272x512xi32, #tpu.memory_space<hbm>> -> memref<1x512xi32, #tpu.memory_space<hbm>>
            %dma_start3A_255 = tpu.memref_squeeze %dma_start3A_254 : memref<1x512xi32, #tpu.memory_space<hbm>> -> memref<512xi32, #tpu.memory_space<hbm>>
            %dma_start3A_256 = arith.constant 0 : i32
            %dma_start3A_257 = tpu.memref_slice %arg12[%run_scoped3A_236, %dma_start3A_256] : memref<2x512xi32, #tpu.memory_space<vmem>> -> memref<1x512xi32, #tpu.memory_space<vmem>>
            %dma_start3A_258 = tpu.memref_squeeze %dma_start3A_257 : memref<1x512xi32, #tpu.memory_space<vmem>> -> memref<512xi32, #tpu.memory_space<vmem>>
            %dma_start3A_259 = arith.constant 0 : i32
            %dma_start3A_260 = tpu.memref_slice %arg3[%add3A_234, %dma_start3A_259] : memref<6272x512xi32, #tpu.memory_space<hbm>> -> memref<1x512xi32, #tpu.memory_space<hbm>>
            %dma_start3A_261 = tpu.memref_squeeze %dma_start3A_260 : memref<1x512xi32, #tpu.memory_space<hbm>> -> memref<512xi32, #tpu.memory_space<hbm>>
            tpu.enqueue_dma source(%dma_start3A_261 : memref<512xi32, #tpu.memory_space<hbm>>) target(%dma_start3A_258 : memref<512xi32, #tpu.memory_space<vmem>>) target_semaphore(%run_scoped3A_249 : memref<!tpu.dma_semaphore, #tpu.memory_space<semaphore_mem>>)
            %dma_wait3A_262 = arith.constant 0 : i32
            %dma_wait3A_263 = tpu.memref_slice %arg12[%run_scoped3A_236, %dma_wait3A_262] : memref<2x512xi32, #tpu.memory_space<vmem>> -> memref<1x512xi32, #tpu.memory_space<vmem>>
            %dma_wait3A_264 = tpu.memref_squeeze %dma_wait3A_263 : memref<1x512xi32, #tpu.memory_space<vmem>> -> memref<512xi32, #tpu.memory_space<vmem>>
            %dma_wait3A_265 = arith.constant 0 : i32
            %dma_wait3A_266 = tpu.memref_slice %arg3[%add3A_234, %dma_wait3A_265] : memref<6272x512xi32, #tpu.memory_space<hbm>> -> memref<1x512xi32, #tpu.memory_space<hbm>>
            %dma_wait3A_267 = tpu.memref_squeeze %dma_wait3A_266 : memref<1x512xi32, #tpu.memory_space<hbm>> -> memref<512xi32, #tpu.memory_space<hbm>>
            %dma_wait3A_268 = arith.constant 0 : i32
            %dma_wait3A_269 = tpu.memref_slice %arg12[%run_scoped3A_236, %dma_wait3A_268] : memref<2x512xi32, #tpu.memory_space<vmem>> -> memref<1x512xi32, #tpu.memory_space<vmem>>
            %dma_wait3A_270 = tpu.memref_squeeze %dma_wait3A_269 : memref<1x512xi32, #tpu.memory_space<vmem>> -> memref<512xi32, #tpu.memory_space<vmem>>
            %dma_wait3A_271 = arith.constant 0 : i32
            %dma_wait3A_272 = tpu.memref_slice %arg3[%add3A_234, %dma_wait3A_271] : memref<6272x512xi32, #tpu.memory_space<hbm>> -> memref<1x512xi32, #tpu.memory_space<hbm>>
            %dma_wait3A_273 = tpu.memref_squeeze %dma_wait3A_272 : memref<1x512xi32, #tpu.memory_space<hbm>> -> memref<512xi32, #tpu.memory_space<hbm>>
            tpu.wait_dma2 semaphore(%run_scoped3A_249 : memref<!tpu.dma_semaphore, #tpu.memory_space<semaphore_mem>>) src(%dma_wait3A_273 : memref<512xi32, #tpu.memory_space<hbm>>) dst(%dma_wait3A_270 : memref<512xi32, #tpu.memory_space<vmem>>)
            tpu.yield
          }) : () -> ()
          %dma_start3A_237 = arith.constant 0 : i32
          %dma_start3A_238 = arith.constant 0 : i32
          %dma_start3A_239 = arith.constant 0 : i32
          %dma_start3A_240 = arith.constant 0 : i32
          %dma_start3A_241 = tpu.memref_slice %arg13[%dma_start3A_238, %dma_start3A_239, %dma_start3A_240] : memref<2x512x16xf32, #tpu.memory_space<vmem>> -> memref<1x512x16xf32, #tpu.memory_space<vmem>>
          %dma_start3A_242 = tpu.memref_squeeze %dma_start3A_241 : memref<1x512x16xf32, #tpu.memory_space<vmem>> -> memref<512x16xf32, #tpu.memory_space<vmem>>
          %dma_start3A_243 = arith.constant 0 : i32
          %dma_start3A_244 = tpu.memref_slice %arg11[%dma_start3A_237, %dma_start3A_243] : memref<2x512xi32, #tpu.memory_space<vmem>> -> memref<1x512xi32, #tpu.memory_space<vmem>>
          %dma_start3A_245 = tpu.memref_squeeze %dma_start3A_244 : memref<1x512xi32, #tpu.memory_space<vmem>> -> memref<512xi32, #tpu.memory_space<vmem>>
          %dma_start3A_246 = arith.constant 0 : i32
          %dma_start3A_247 = arith.constant 0 : i32
          %dma_start3A_248 = tpu.memref_slice %arg5[%dma_start3A_246, %dma_start3A_247] : memref<100000x16xf32, #tpu.memory_space<hbm>> -> memref<100000x16xf32, #tpu.memory_space<hbm>>
          tpu.enqueue_indirect_dma source(%dma_start3A_248 : memref<100000x16xf32, #tpu.memory_space<hbm>>) target(%dma_start3A_242 : memref<512x16xf32, #tpu.memory_space<vmem>>) offsets(%dma_start3A_245 : memref<512xi32, #tpu.memory_space<vmem>>) semaphore(%arg14 : memref<!tpu.dma_semaphore, #tpu.memory_space<semaphore_mem>>)
        } else {
        }
        %mul3A_187 = arith.constant 2 : i32
        %mul3A_188 = arith.muli %scan3A_152, %mul3A_187 : i32
        %add3A_189 = arith.constant 1 : i32
        %add3A_190 = arith.addi %mul3A_188, %add3A_189 : i32
        %dma_wait3A_191 = arith.constant 1 : i32
        %dma_wait3A_192 = arith.constant 1 : i32
        %dma_wait3A_193 = arith.constant 0 : i32
        %dma_wait3A_194 = arith.constant 0 : i32
        %dma_wait3A_195 = tpu.memref_slice %arg13[%dma_wait3A_192, %dma_wait3A_193, %dma_wait3A_194] : memref<2x512x16xf32, #tpu.memory_space<vmem>> -> memref<1x512x16xf32, #tpu.memory_space<vmem>>
        %dma_wait3A_196 = tpu.memref_squeeze %dma_wait3A_195 : memref<1x512x16xf32, #tpu.memory_space<vmem>> -> memref<512x16xf32, #tpu.memory_space<vmem>>
        %dma_wait3A_197 = arith.constant 0 : i32
        %dma_wait3A_198 = tpu.memref_slice %arg11[%dma_wait3A_191, %dma_wait3A_197] : memref<2x512xi32, #tpu.memory_space<vmem>> -> memref<1x512xi32, #tpu.memory_space<vmem>>
        %dma_wait3A_199 = tpu.memref_squeeze %dma_wait3A_198 : memref<1x512xi32, #tpu.memory_space<vmem>> -> memref<512xi32, #tpu.memory_space<vmem>>
        %dma_wait3A_200 = arith.constant 0 : i32
        %dma_wait3A_201 = arith.constant 0 : i32
        %dma_wait3A_202 = tpu.memref_slice %arg5[%dma_wait3A_200, %dma_wait3A_201] : memref<100000x16xf32, #tpu.memory_space<hbm>> -> memref<100000x16xf32, #tpu.memory_space<hbm>>
        tpu.wait_indirect_dma semaphore(%arg15 : memref<!tpu.dma_semaphore, #tpu.memory_space<semaphore_mem>>) src(%dma_wait3A_202 : memref<100000x16xf32, #tpu.memory_space<hbm>>) dst(%dma_wait3A_196 : memref<512x16xf32, #tpu.memory_space<vmem>>)
        %dma_start3A_203 = arith.constant 1 : i32
        %dma_start3A_204 = arith.constant 1 : i32
        %dma_start3A_205 = arith.constant 0 : i32
        %dma_start3A_206 = arith.constant 0 : i32
        %dma_start3A_207 = tpu.memref_slice %arg13[%dma_start3A_203, %dma_start3A_205, %dma_start3A_206] : memref<2x512x16xf32, #tpu.memory_space<vmem>> -> memref<1x512x16xf32, #tpu.memory_space<vmem>>
        %dma_start3A_208 = tpu.memref_squeeze %dma_start3A_207 : memref<1x512x16xf32, #tpu.memory_space<vmem>> -> memref<512x16xf32, #tpu.memory_space<vmem>>
        %dma_start3A_209 = arith.constant 0 : i32
        %dma_start3A_210 = tpu.memref_slice %arg12[%dma_start3A_204, %dma_start3A_209] : memref<2x512xi32, #tpu.memory_space<vmem>> -> memref<1x512xi32, #tpu.memory_space<vmem>>
        %dma_start3A_211 = tpu.memref_squeeze %dma_start3A_210 : memref<1x512xi32, #tpu.memory_space<vmem>> -> memref<512xi32, #tpu.memory_space<vmem>>
        %dma_start3A_212 = arith.constant 0 : i32
        %dma_start3A_213 = arith.constant 0 : i32
        %dma_start3A_214 = tpu.memref_slice %arg10[%dma_start3A_212, %dma_start3A_213] : memref<100224x16xf32, #tpu.memory_space<vmem_shared>> -> memref<100224x16xf32, #tpu.memory_space<vmem_shared>>
        tpu.enqueue_indirect_dma source(%dma_start3A_208 : memref<512x16xf32, #tpu.memory_space<vmem>>) target(%dma_start3A_214 : memref<100224x16xf32, #tpu.memory_space<vmem_shared>>) offsets(%dma_start3A_211 : memref<512xi32, #tpu.memory_space<vmem>>) semaphore(%arg17 : memref<!tpu.dma_semaphore, #tpu.memory_space<semaphore_mem>>) {add = true}
        %add3A_215 = arith.constant 2 : i32
        %add3A_216 = arith.addi %add3A_190, %add3A_215 : i32
        %lt3A_217 = arith.constant 392 : i32
        %lt3A_218 = arith.cmpi slt, %add3A_216, %lt3A_217 : i32
        %convert_element_type3A_219 = arith.extui %lt3A_218 : i1 to i32
        %cond3A_220 = arith.constant 0 : i32
        %cond3A_221 = arith.cmpi ne, %convert_element_type3A_219, %cond3A_220 : i32
        scf.if %cond3A_221 {
          %dma_wait3A_222 = arith.constant 1 : i32
          %dma_wait3A_223 = arith.constant 1 : i32
          %dma_wait3A_224 = arith.constant 0 : i32
          %dma_wait3A_225 = arith.constant 0 : i32
          %dma_wait3A_226 = tpu.memref_slice %arg13[%dma_wait3A_222, %dma_wait3A_224, %dma_wait3A_225] : memref<2x512x16xf32, #tpu.memory_space<vmem>> -> memref<1x512x16xf32, #tpu.memory_space<vmem>>
          %dma_wait3A_227 = tpu.memref_squeeze %dma_wait3A_226 : memref<1x512x16xf32, #tpu.memory_space<vmem>> -> memref<512x16xf32, #tpu.memory_space<vmem>>
          %dma_wait3A_228 = arith.constant 0 : i32
          %dma_wait3A_229 = tpu.memref_slice %arg12[%dma_wait3A_223, %dma_wait3A_228] : memref<2x512xi32, #tpu.memory_space<vmem>> -> memref<1x512xi32, #tpu.memory_space<vmem>>
          %dma_wait3A_230 = tpu.memref_squeeze %dma_wait3A_229 : memref<1x512xi32, #tpu.memory_space<vmem>> -> memref<512xi32, #tpu.memory_space<vmem>>
          %dma_wait3A_231 = arith.constant 0 : i32
          %dma_wait3A_232 = arith.constant 0 : i32
          %dma_wait3A_233 = tpu.memref_slice %arg10[%dma_wait3A_231, %dma_wait3A_232] : memref<100224x16xf32, #tpu.memory_space<vmem_shared>> -> memref<100224x16xf32, #tpu.memory_space<vmem_shared>>
          tpu.wait_indirect_dma semaphore(%arg17 : memref<!tpu.dma_semaphore, #tpu.memory_space<semaphore_mem>>) src(%dma_wait3A_227 : memref<512x16xf32, #tpu.memory_space<vmem>>) dst(%dma_wait3A_233 : memref<100224x16xf32, #tpu.memory_space<vmem_shared>>)
          %add3A_234 = arith.addi %mul3A_0, %add3A_216 : i32
          %run_scoped3A_235 = arith.constant 1 : i32
          "tpu.region"() ({
            %run_scoped3A_249 = tpu.sem_alloc : memref<!tpu.dma_semaphore, #tpu.memory_space<semaphore_mem>>
            %dma_start3A_250 = arith.constant 0 : i32
            %dma_start3A_251 = tpu.memref_slice %arg11[%run_scoped3A_235, %dma_start3A_250] : memref<2x512xi32, #tpu.memory_space<vmem>> -> memref<1x512xi32, #tpu.memory_space<vmem>>
            %dma_start3A_252 = tpu.memref_squeeze %dma_start3A_251 : memref<1x512xi32, #tpu.memory_space<vmem>> -> memref<512xi32, #tpu.memory_space<vmem>>
            %dma_start3A_253 = arith.constant 0 : i32
            %dma_start3A_254 = tpu.memref_slice %arg2[%add3A_234, %dma_start3A_253] : memref<6272x512xi32, #tpu.memory_space<hbm>> -> memref<1x512xi32, #tpu.memory_space<hbm>>
            %dma_start3A_255 = tpu.memref_squeeze %dma_start3A_254 : memref<1x512xi32, #tpu.memory_space<hbm>> -> memref<512xi32, #tpu.memory_space<hbm>>
            %dma_start3A_256 = arith.constant 0 : i32
            %dma_start3A_257 = tpu.memref_slice %arg11[%run_scoped3A_235, %dma_start3A_256] : memref<2x512xi32, #tpu.memory_space<vmem>> -> memref<1x512xi32, #tpu.memory_space<vmem>>
            %dma_start3A_258 = tpu.memref_squeeze %dma_start3A_257 : memref<1x512xi32, #tpu.memory_space<vmem>> -> memref<512xi32, #tpu.memory_space<vmem>>
            %dma_start3A_259 = arith.constant 0 : i32
            %dma_start3A_260 = tpu.memref_slice %arg2[%add3A_234, %dma_start3A_259] : memref<6272x512xi32, #tpu.memory_space<hbm>> -> memref<1x512xi32, #tpu.memory_space<hbm>>
            %dma_start3A_261 = tpu.memref_squeeze %dma_start3A_260 : memref<1x512xi32, #tpu.memory_space<hbm>> -> memref<512xi32, #tpu.memory_space<hbm>>
            tpu.enqueue_dma source(%dma_start3A_261 : memref<512xi32, #tpu.memory_space<hbm>>) target(%dma_start3A_258 : memref<512xi32, #tpu.memory_space<vmem>>) target_semaphore(%run_scoped3A_249 : memref<!tpu.dma_semaphore, #tpu.memory_space<semaphore_mem>>)
            %dma_wait3A_262 = arith.constant 0 : i32
            %dma_wait3A_263 = tpu.memref_slice %arg11[%run_scoped3A_235, %dma_wait3A_262] : memref<2x512xi32, #tpu.memory_space<vmem>> -> memref<1x512xi32, #tpu.memory_space<vmem>>
            %dma_wait3A_264 = tpu.memref_squeeze %dma_wait3A_263 : memref<1x512xi32, #tpu.memory_space<vmem>> -> memref<512xi32, #tpu.memory_space<vmem>>
            %dma_wait3A_265 = arith.constant 0 : i32
            %dma_wait3A_266 = tpu.memref_slice %arg2[%add3A_234, %dma_wait3A_265] : memref<6272x512xi32, #tpu.memory_space<hbm>> -> memref<1x512xi32, #tpu.memory_space<hbm>>
            %dma_wait3A_267 = tpu.memref_squeeze %dma_wait3A_266 : memref<1x512xi32, #tpu.memory_space<hbm>> -> memref<512xi32, #tpu.memory_space<hbm>>
            %dma_wait3A_268 = arith.constant 0 : i32
            %dma_wait3A_269 = tpu.memref_slice %arg11[%run_scoped3A_235, %dma_wait3A_268] : memref<2x512xi32, #tpu.memory_space<vmem>> -> memref<1x512xi32, #tpu.memory_space<vmem>>
            %dma_wait3A_270 = tpu.memref_squeeze %dma_wait3A_269 : memref<1x512xi32, #tpu.memory_space<vmem>> -> memref<512xi32, #tpu.memory_space<vmem>>
            %dma_wait3A_271 = arith.constant 0 : i32
            %dma_wait3A_272 = tpu.memref_slice %arg2[%add3A_234, %dma_wait3A_271] : memref<6272x512xi32, #tpu.memory_space<hbm>> -> memref<1x512xi32, #tpu.memory_space<hbm>>
            %dma_wait3A_273 = tpu.memref_squeeze %dma_wait3A_272 : memref<1x512xi32, #tpu.memory_space<hbm>> -> memref<512xi32, #tpu.memory_space<hbm>>
            tpu.wait_dma2 semaphore(%run_scoped3A_249 : memref<!tpu.dma_semaphore, #tpu.memory_space<semaphore_mem>>) src(%dma_wait3A_273 : memref<512xi32, #tpu.memory_space<hbm>>) dst(%dma_wait3A_270 : memref<512xi32, #tpu.memory_space<vmem>>)
            tpu.yield
          }) : () -> ()
          %run_scoped3A_236 = arith.constant 1 : i32
          "tpu.region"() ({
            %run_scoped3A_249 = tpu.sem_alloc : memref<!tpu.dma_semaphore, #tpu.memory_space<semaphore_mem>>
            %dma_start3A_250 = arith.constant 0 : i32
            %dma_start3A_251 = tpu.memref_slice %arg12[%run_scoped3A_236, %dma_start3A_250] : memref<2x512xi32, #tpu.memory_space<vmem>> -> memref<1x512xi32, #tpu.memory_space<vmem>>
            %dma_start3A_252 = tpu.memref_squeeze %dma_start3A_251 : memref<1x512xi32, #tpu.memory_space<vmem>> -> memref<512xi32, #tpu.memory_space<vmem>>
            %dma_start3A_253 = arith.constant 0 : i32
            %dma_start3A_254 = tpu.memref_slice %arg3[%add3A_234, %dma_start3A_253] : memref<6272x512xi32, #tpu.memory_space<hbm>> -> memref<1x512xi32, #tpu.memory_space<hbm>>
            %dma_start3A_255 = tpu.memref_squeeze %dma_start3A_254 : memref<1x512xi32, #tpu.memory_space<hbm>> -> memref<512xi32, #tpu.memory_space<hbm>>
            %dma_start3A_256 = arith.constant 0 : i32
            %dma_start3A_257 = tpu.memref_slice %arg12[%run_scoped3A_236, %dma_start3A_256] : memref<2x512xi32, #tpu.memory_space<vmem>> -> memref<1x512xi32, #tpu.memory_space<vmem>>
            %dma_start3A_258 = tpu.memref_squeeze %dma_start3A_257 : memref<1x512xi32, #tpu.memory_space<vmem>> -> memref<512xi32, #tpu.memory_space<vmem>>
            %dma_start3A_259 = arith.constant 0 : i32
            %dma_start3A_260 = tpu.memref_slice %arg3[%add3A_234, %dma_start3A_259] : memref<6272x512xi32, #tpu.memory_space<hbm>> -> memref<1x512xi32, #tpu.memory_space<hbm>>
            %dma_start3A_261 = tpu.memref_squeeze %dma_start3A_260 : memref<1x512xi32, #tpu.memory_space<hbm>> -> memref<512xi32, #tpu.memory_space<hbm>>
            tpu.enqueue_dma source(%dma_start3A_261 : memref<512xi32, #tpu.memory_space<hbm>>) target(%dma_start3A_258 : memref<512xi32, #tpu.memory_space<vmem>>) target_semaphore(%run_scoped3A_249 : memref<!tpu.dma_semaphore, #tpu.memory_space<semaphore_mem>>)
            %dma_wait3A_262 = arith.constant 0 : i32
            %dma_wait3A_263 = tpu.memref_slice %arg12[%run_scoped3A_236, %dma_wait3A_262] : memref<2x512xi32, #tpu.memory_space<vmem>> -> memref<1x512xi32, #tpu.memory_space<vmem>>
            %dma_wait3A_264 = tpu.memref_squeeze %dma_wait3A_263 : memref<1x512xi32, #tpu.memory_space<vmem>> -> memref<512xi32, #tpu.memory_space<vmem>>
            %dma_wait3A_265 = arith.constant 0 : i32
            %dma_wait3A_266 = tpu.memref_slice %arg3[%add3A_234, %dma_wait3A_265] : memref<6272x512xi32, #tpu.memory_space<hbm>> -> memref<1x512xi32, #tpu.memory_space<hbm>>
            %dma_wait3A_267 = tpu.memref_squeeze %dma_wait3A_266 : memref<1x512xi32, #tpu.memory_space<hbm>> -> memref<512xi32, #tpu.memory_space<hbm>>
            %dma_wait3A_268 = arith.constant 0 : i32
            %dma_wait3A_269 = tpu.memref_slice %arg12[%run_scoped3A_236, %dma_wait3A_268] : memref<2x512xi32, #tpu.memory_space<vmem>> -> memref<1x512xi32, #tpu.memory_space<vmem>>
            %dma_wait3A_270 = tpu.memref_squeeze %dma_wait3A_269 : memref<1x512xi32, #tpu.memory_space<vmem>> -> memref<512xi32, #tpu.memory_space<vmem>>
            %dma_wait3A_271 = arith.constant 0 : i32
            %dma_wait3A_272 = tpu.memref_slice %arg3[%add3A_234, %dma_wait3A_271] : memref<6272x512xi32, #tpu.memory_space<hbm>> -> memref<1x512xi32, #tpu.memory_space<hbm>>
            %dma_wait3A_273 = tpu.memref_squeeze %dma_wait3A_272 : memref<1x512xi32, #tpu.memory_space<hbm>> -> memref<512xi32, #tpu.memory_space<hbm>>
            tpu.wait_dma2 semaphore(%run_scoped3A_249 : memref<!tpu.dma_semaphore, #tpu.memory_space<semaphore_mem>>) src(%dma_wait3A_273 : memref<512xi32, #tpu.memory_space<hbm>>) dst(%dma_wait3A_270 : memref<512xi32, #tpu.memory_space<vmem>>)
            tpu.yield
          }) : () -> ()
          %dma_start3A_237 = arith.constant 1 : i32
          %dma_start3A_238 = arith.constant 1 : i32
          %dma_start3A_239 = arith.constant 0 : i32
          %dma_start3A_240 = arith.constant 0 : i32
          %dma_start3A_241 = tpu.memref_slice %arg13[%dma_start3A_238, %dma_start3A_239, %dma_start3A_240] : memref<2x512x16xf32, #tpu.memory_space<vmem>> -> memref<1x512x16xf32, #tpu.memory_space<vmem>>
          %dma_start3A_242 = tpu.memref_squeeze %dma_start3A_241 : memref<1x512x16xf32, #tpu.memory_space<vmem>> -> memref<512x16xf32, #tpu.memory_space<vmem>>
          %dma_start3A_243 = arith.constant 0 : i32
          %dma_start3A_244 = tpu.memref_slice %arg11[%dma_start3A_237, %dma_start3A_243] : memref<2x512xi32, #tpu.memory_space<vmem>> -> memref<1x512xi32, #tpu.memory_space<vmem>>
          %dma_start3A_245 = tpu.memref_squeeze %dma_start3A_244 : memref<1x512xi32, #tpu.memory_space<vmem>> -> memref<512xi32, #tpu.memory_space<vmem>>
          %dma_start3A_246 = arith.constant 0 : i32
          %dma_start3A_247 = arith.constant 0 : i32
          %dma_start3A_248 = tpu.memref_slice %arg5[%dma_start3A_246, %dma_start3A_247] : memref<100000x16xf32, #tpu.memory_space<hbm>> -> memref<100000x16xf32, #tpu.memory_space<hbm>>
          tpu.enqueue_indirect_dma source(%dma_start3A_248 : memref<100000x16xf32, #tpu.memory_space<hbm>>) target(%dma_start3A_242 : memref<512x16xf32, #tpu.memory_space<vmem>>) offsets(%dma_start3A_245 : memref<512xi32, #tpu.memory_space<vmem>>) semaphore(%arg15 : memref<!tpu.dma_semaphore, #tpu.memory_space<semaphore_mem>>)
        } else {
        }
      }
      %scan3A_119 = arith.constant 196 : i32
      %dma_wait3A_120 = arith.constant 0 : i32
      %dma_wait3A_121 = arith.constant 0 : i32
      %dma_wait3A_122 = arith.constant 0 : i32
      %dma_wait3A_123 = arith.constant 0 : i32
      %dma_wait3A_124 = tpu.memref_slice %arg13[%dma_wait3A_120, %dma_wait3A_122, %dma_wait3A_123] : memref<2x512x16xf32, #tpu.memory_space<vmem>> -> memref<1x512x16xf32, #tpu.memory_space<vmem>>
      %dma_wait3A_125 = tpu.memref_squeeze %dma_wait3A_124 : memref<1x512x16xf32, #tpu.memory_space<vmem>> -> memref<512x16xf32, #tpu.memory_space<vmem>>
      %dma_wait3A_126 = arith.constant 0 : i32
      %dma_wait3A_127 = tpu.memref_slice %arg12[%dma_wait3A_121, %dma_wait3A_126] : memref<2x512xi32, #tpu.memory_space<vmem>> -> memref<1x512xi32, #tpu.memory_space<vmem>>
      %dma_wait3A_128 = tpu.memref_squeeze %dma_wait3A_127 : memref<1x512xi32, #tpu.memory_space<vmem>> -> memref<512xi32, #tpu.memory_space<vmem>>
      %dma_wait3A_129 = arith.constant 0 : i32
      %dma_wait3A_130 = arith.constant 0 : i32
      %dma_wait3A_131 = tpu.memref_slice %arg10[%dma_wait3A_129, %dma_wait3A_130] : memref<100224x16xf32, #tpu.memory_space<vmem_shared>> -> memref<100224x16xf32, #tpu.memory_space<vmem_shared>>
      tpu.wait_indirect_dma semaphore(%arg16 : memref<!tpu.dma_semaphore, #tpu.memory_space<semaphore_mem>>) src(%dma_wait3A_125 : memref<512x16xf32, #tpu.memory_space<vmem>>) dst(%dma_wait3A_131 : memref<100224x16xf32, #tpu.memory_space<vmem_shared>>)
      %dma_wait3A_132 = arith.constant 1 : i32
      %dma_wait3A_133 = arith.constant 1 : i32
      %dma_wait3A_134 = arith.constant 0 : i32
      %dma_wait3A_135 = arith.constant 0 : i32
      %dma_wait3A_136 = tpu.memref_slice %arg13[%dma_wait3A_132, %dma_wait3A_134, %dma_wait3A_135] : memref<2x512x16xf32, #tpu.memory_space<vmem>> -> memref<1x512x16xf32, #tpu.memory_space<vmem>>
      %dma_wait3A_137 = tpu.memref_squeeze %dma_wait3A_136 : memref<1x512x16xf32, #tpu.memory_space<vmem>> -> memref<512x16xf32, #tpu.memory_space<vmem>>
      %dma_wait3A_138 = arith.constant 0 : i32
      %dma_wait3A_139 = tpu.memref_slice %arg12[%dma_wait3A_133, %dma_wait3A_138] : memref<2x512xi32, #tpu.memory_space<vmem>> -> memref<1x512xi32, #tpu.memory_space<vmem>>
      %dma_wait3A_140 = tpu.memref_squeeze %dma_wait3A_139 : memref<1x512xi32, #tpu.memory_space<vmem>> -> memref<512xi32, #tpu.memory_space<vmem>>
      %dma_wait3A_141 = arith.constant 0 : i32
      %dma_wait3A_142 = arith.constant 0 : i32
      %dma_wait3A_143 = tpu.memref_slice %arg10[%dma_wait3A_141, %dma_wait3A_142] : memref<100224x16xf32, #tpu.memory_space<vmem_shared>> -> memref<100224x16xf32, #tpu.memory_space<vmem_shared>>
      tpu.wait_indirect_dma semaphore(%arg17 : memref<!tpu.dma_semaphore, #tpu.memory_space<semaphore_mem>>) src(%dma_wait3A_137 : memref<512x16xf32, #tpu.memory_space<vmem>>) dst(%dma_wait3A_143 : memref<100224x16xf32, #tpu.memory_space<vmem_shared>>)
      %barrier3A_144 = arith.constant 0 : index
      tpu.barrier barrier_id(%barrier3A_144)
      %mul3A_145 = arith.constant 6264 : i32
      %mul3A_146 = arith.muli %arg1, %mul3A_145 : i32
      %mul3A_147 = arith.constant 6264 : i32
      %mul3A_148 = arith.muli %arg1, %mul3A_147 : i32
      %add3A_149 = arith.constant 100224 : i32
      %add3A_150 = arith.addi %add3A_149, %mul3A_148 : i32
      "tpu.region"() ({
        %run_scoped3A_152 = tpu.sem_alloc : memref<!tpu.dma_semaphore, #tpu.memory_space<semaphore_mem>>
        %dma_start3A_153 = arith.constant 0 : i32
        %dma_start3A_154 = tpu.memref_slice %arg9[%add3A_150, %dma_start3A_153] : memref<400896x16xf32, #tpu.memory_space<hbm>> -> memref<6264x16xf32, #tpu.memory_space<hbm>>
        %dma_start3A_155 = arith.constant 0 : i32
        %dma_start3A_156 = tpu.memref_slice %arg10[%mul3A_146, %dma_start3A_155] : memref<100224x16xf32, #tpu.memory_space<vmem_shared>> -> memref<6264x16xf32, #tpu.memory_space<vmem_shared>>
        tpu.enqueue_dma source(%dma_start3A_156 : memref<6264x16xf32, #tpu.memory_space<vmem_shared>>) target(%dma_start3A_154 : memref<6264x16xf32, #tpu.memory_space<hbm>>) target_semaphore(%run_scoped3A_152 : memref<!tpu.dma_semaphore, #tpu.memory_space<semaphore_mem>>)
        %dma_wait3A_157 = arith.constant 0 : i32
        %dma_wait3A_158 = tpu.memref_slice %arg9[%add3A_150, %dma_wait3A_157] : memref<400896x16xf32, #tpu.memory_space<hbm>> -> memref<6264x16xf32, #tpu.memory_space<hbm>>
        %dma_wait3A_159 = arith.constant 0 : i32
        %dma_wait3A_160 = tpu.memref_slice %arg10[%mul3A_146, %dma_wait3A_159] : memref<100224x16xf32, #tpu.memory_space<vmem_shared>> -> memref<6264x16xf32, #tpu.memory_space<vmem_shared>>
        tpu.wait_dma2 semaphore(%run_scoped3A_152 : memref<!tpu.dma_semaphore, #tpu.memory_space<semaphore_mem>>) src(%dma_wait3A_160 : memref<6264x16xf32, #tpu.memory_space<vmem_shared>>) dst(%dma_wait3A_158 : memref<6264x16xf32, #tpu.memory_space<hbm>>)
        tpu.yield
      }) : () -> ()
      %barrier3A_151 = arith.constant 0 : index
      tpu.barrier barrier_id(%barrier3A_151)
    } else {
    }
    %eq3A_3 = arith.constant 1 : i32
    %eq3A_4 = arith.cmpi eq, %arg0, %eq3A_3 : i32
    %convert_element_type3A_5 = arith.extui %eq3A_4 : i1 to i32
    %cond3A_6 = arith.constant 0 : i32
    %cond3A_7 = arith.cmpi ne, %convert_element_type3A_5, %cond3A_6 : i32
    scf.if %cond3A_7 {
      %mul3A_8 = arith.constant 6264 : i32
      %mul3A_9 = arith.muli %arg1, %mul3A_8 : i32
      %mul3A_10 = arith.constant 6264 : i32
      %mul3A_11 = arith.muli %arg1, %mul3A_10 : i32
      "tpu.region"() ({
        %run_scoped3A_152 = tpu.sem_alloc : memref<!tpu.dma_semaphore, #tpu.memory_space<semaphore_mem>>
        %dma_start3A_153 = arith.constant 0 : i32
        %dma_start3A_154 = tpu.memref_slice %arg10[%mul3A_11, %dma_start3A_153] : memref<100224x16xf32, #tpu.memory_space<vmem_shared>> -> memref<6264x16xf32, #tpu.memory_space<vmem_shared>>
        %dma_start3A_155 = arith.constant 0 : i32
        %dma_start3A_156 = tpu.memref_slice %arg8[%mul3A_9, %dma_start3A_155] : memref<100224x16xf32, #tpu.memory_space<hbm>> -> memref<6264x16xf32, #tpu.memory_space<hbm>>
        tpu.enqueue_dma source(%dma_start3A_156 : memref<6264x16xf32, #tpu.memory_space<hbm>>) target(%dma_start3A_154 : memref<6264x16xf32, #tpu.memory_space<vmem_shared>>) target_semaphore(%run_scoped3A_152 : memref<!tpu.dma_semaphore, #tpu.memory_space<semaphore_mem>>)
        %dma_wait3A_157 = arith.constant 0 : i32
        %dma_wait3A_158 = tpu.memref_slice %arg10[%mul3A_11, %dma_wait3A_157] : memref<100224x16xf32, #tpu.memory_space<vmem_shared>> -> memref<6264x16xf32, #tpu.memory_space<vmem_shared>>
        %dma_wait3A_159 = arith.constant 0 : i32
        %dma_wait3A_160 = tpu.memref_slice %arg8[%mul3A_9, %dma_wait3A_159] : memref<100224x16xf32, #tpu.memory_space<hbm>> -> memref<6264x16xf32, #tpu.memory_space<hbm>>
        tpu.wait_dma2 semaphore(%run_scoped3A_152 : memref<!tpu.dma_semaphore, #tpu.memory_space<semaphore_mem>>) src(%dma_wait3A_160 : memref<6264x16xf32, #tpu.memory_space<hbm>>) dst(%dma_wait3A_158 : memref<6264x16xf32, #tpu.memory_space<vmem_shared>>)
        tpu.yield
      }) : () -> ()
      %barrier3A = arith.constant 0 : index
      tpu.barrier barrier_id(%barrier3A)
      %add3A = arith.constant 0 : i32
      %add3A_12 = arith.addi %mul3A_0, %add3A : i32
      %run_scoped3A = arith.constant 0 : i32
      "tpu.region"() ({
        %run_scoped3A_152 = tpu.sem_alloc : memref<!tpu.dma_semaphore, #tpu.memory_space<semaphore_mem>>
        %dma_start3A_153 = arith.constant 0 : i32
        %dma_start3A_154 = tpu.memref_slice %arg11[%run_scoped3A, %dma_start3A_153] : memref<2x512xi32, #tpu.memory_space<vmem>> -> memref<1x512xi32, #tpu.memory_space<vmem>>
        %dma_start3A_155 = tpu.memref_squeeze %dma_start3A_154 : memref<1x512xi32, #tpu.memory_space<vmem>> -> memref<512xi32, #tpu.memory_space<vmem>>
        %dma_start3A_156 = arith.constant 0 : i32
        %dma_start3A_157 = tpu.memref_slice %arg2[%add3A_12, %dma_start3A_156] : memref<6272x512xi32, #tpu.memory_space<hbm>> -> memref<1x512xi32, #tpu.memory_space<hbm>>
        %dma_start3A_158 = tpu.memref_squeeze %dma_start3A_157 : memref<1x512xi32, #tpu.memory_space<hbm>> -> memref<512xi32, #tpu.memory_space<hbm>>
        %dma_start3A_159 = arith.constant 0 : i32
        %dma_start3A_160 = tpu.memref_slice %arg11[%run_scoped3A, %dma_start3A_159] : memref<2x512xi32, #tpu.memory_space<vmem>> -> memref<1x512xi32, #tpu.memory_space<vmem>>
        %dma_start3A_161 = tpu.memref_squeeze %dma_start3A_160 : memref<1x512xi32, #tpu.memory_space<vmem>> -> memref<512xi32, #tpu.memory_space<vmem>>
        %dma_start3A_162 = arith.constant 0 : i32
        %dma_start3A_163 = tpu.memref_slice %arg2[%add3A_12, %dma_start3A_162] : memref<6272x512xi32, #tpu.memory_space<hbm>> -> memref<1x512xi32, #tpu.memory_space<hbm>>
        %dma_start3A_164 = tpu.memref_squeeze %dma_start3A_163 : memref<1x512xi32, #tpu.memory_space<hbm>> -> memref<512xi32, #tpu.memory_space<hbm>>
        tpu.enqueue_dma source(%dma_start3A_164 : memref<512xi32, #tpu.memory_space<hbm>>) target(%dma_start3A_161 : memref<512xi32, #tpu.memory_space<vmem>>) target_semaphore(%run_scoped3A_152 : memref<!tpu.dma_semaphore, #tpu.memory_space<semaphore_mem>>)
        %dma_wait3A_165 = arith.constant 0 : i32
        %dma_wait3A_166 = tpu.memref_slice %arg11[%run_scoped3A, %dma_wait3A_165] : memref<2x512xi32, #tpu.memory_space<vmem>> -> memref<1x512xi32, #tpu.memory_space<vmem>>
        %dma_wait3A_167 = tpu.memref_squeeze %dma_wait3A_166 : memref<1x512xi32, #tpu.memory_space<vmem>> -> memref<512xi32, #tpu.memory_space<vmem>>
        %dma_wait3A_168 = arith.constant 0 : i32
        %dma_wait3A_169 = tpu.memref_slice %arg2[%add3A_12, %dma_wait3A_168] : memref<6272x512xi32, #tpu.memory_space<hbm>> -> memref<1x512xi32, #tpu.memory_space<hbm>>
        %dma_wait3A_170 = tpu.memref_squeeze %dma_wait3A_169 : memref<1x512xi32, #tpu.memory_space<hbm>> -> memref<512xi32, #tpu.memory_space<hbm>>
        %dma_wait3A_171 = arith.constant 0 : i32
        %dma_wait3A_172 = tpu.memref_slice %arg11[%run_scoped3A, %dma_wait3A_171] : memref<2x512xi32, #tpu.memory_space<vmem>> -> memref<1x512xi32, #tpu.memory_space<vmem>>
        %dma_wait3A_173 = tpu.memref_squeeze %dma_wait3A_172 : memref<1x512xi32, #tpu.memory_space<vmem>> -> memref<512xi32, #tpu.memory_space<vmem>>
        %dma_wait3A_174 = arith.constant 0 : i32
        %dma_wait3A_175 = tpu.memref_slice %arg2[%add3A_12, %dma_wait3A_174] : memref<6272x512xi32, #tpu.memory_space<hbm>> -> memref<1x512xi32, #tpu.memory_space<hbm>>
        %dma_wait3A_176 = tpu.memref_squeeze %dma_wait3A_175 : memref<1x512xi32, #tpu.memory_space<hbm>> -> memref<512xi32, #tpu.memory_space<hbm>>
        tpu.wait_dma2 semaphore(%run_scoped3A_152 : memref<!tpu.dma_semaphore, #tpu.memory_space<semaphore_mem>>) src(%dma_wait3A_176 : memref<512xi32, #tpu.memory_space<hbm>>) dst(%dma_wait3A_173 : memref<512xi32, #tpu.memory_space<vmem>>)
        tpu.yield
      }) : () -> ()
      %run_scoped3A_13 = arith.constant 0 : i32
      "tpu.region"() ({
        %run_scoped3A_152 = tpu.sem_alloc : memref<!tpu.dma_semaphore, #tpu.memory_space<semaphore_mem>>
        %dma_start3A_153 = arith.constant 0 : i32
        %dma_start3A_154 = tpu.memref_slice %arg12[%run_scoped3A_13, %dma_start3A_153] : memref<2x512xi32, #tpu.memory_space<vmem>> -> memref<1x512xi32, #tpu.memory_space<vmem>>
        %dma_start3A_155 = tpu.memref_squeeze %dma_start3A_154 : memref<1x512xi32, #tpu.memory_space<vmem>> -> memref<512xi32, #tpu.memory_space<vmem>>
        %dma_start3A_156 = arith.constant 0 : i32
        %dma_start3A_157 = tpu.memref_slice %arg3[%add3A_12, %dma_start3A_156] : memref<6272x512xi32, #tpu.memory_space<hbm>> -> memref<1x512xi32, #tpu.memory_space<hbm>>
        %dma_start3A_158 = tpu.memref_squeeze %dma_start3A_157 : memref<1x512xi32, #tpu.memory_space<hbm>> -> memref<512xi32, #tpu.memory_space<hbm>>
        %dma_start3A_159 = arith.constant 0 : i32
        %dma_start3A_160 = tpu.memref_slice %arg12[%run_scoped3A_13, %dma_start3A_159] : memref<2x512xi32, #tpu.memory_space<vmem>> -> memref<1x512xi32, #tpu.memory_space<vmem>>
        %dma_start3A_161 = tpu.memref_squeeze %dma_start3A_160 : memref<1x512xi32, #tpu.memory_space<vmem>> -> memref<512xi32, #tpu.memory_space<vmem>>
        %dma_start3A_162 = arith.constant 0 : i32
        %dma_start3A_163 = tpu.memref_slice %arg3[%add3A_12, %dma_start3A_162] : memref<6272x512xi32, #tpu.memory_space<hbm>> -> memref<1x512xi32, #tpu.memory_space<hbm>>
        %dma_start3A_164 = tpu.memref_squeeze %dma_start3A_163 : memref<1x512xi32, #tpu.memory_space<hbm>> -> memref<512xi32, #tpu.memory_space<hbm>>
        tpu.enqueue_dma source(%dma_start3A_164 : memref<512xi32, #tpu.memory_space<hbm>>) target(%dma_start3A_161 : memref<512xi32, #tpu.memory_space<vmem>>) target_semaphore(%run_scoped3A_152 : memref<!tpu.dma_semaphore, #tpu.memory_space<semaphore_mem>>)
        %dma_wait3A_165 = arith.constant 0 : i32
        %dma_wait3A_166 = tpu.memref_slice %arg12[%run_scoped3A_13, %dma_wait3A_165] : memref<2x512xi32, #tpu.memory_space<vmem>> -> memref<1x512xi32, #tpu.memory_space<vmem>>
        %dma_wait3A_167 = tpu.memref_squeeze %dma_wait3A_166 : memref<1x512xi32, #tpu.memory_space<vmem>> -> memref<512xi32, #tpu.memory_space<vmem>>
        %dma_wait3A_168 = arith.constant 0 : i32
        %dma_wait3A_169 = tpu.memref_slice %arg3[%add3A_12, %dma_wait3A_168] : memref<6272x512xi32, #tpu.memory_space<hbm>> -> memref<1x512xi32, #tpu.memory_space<hbm>>
        %dma_wait3A_170 = tpu.memref_squeeze %dma_wait3A_169 : memref<1x512xi32, #tpu.memory_space<hbm>> -> memref<512xi32, #tpu.memory_space<hbm>>
        %dma_wait3A_171 = arith.constant 0 : i32
        %dma_wait3A_172 = tpu.memref_slice %arg12[%run_scoped3A_13, %dma_wait3A_171] : memref<2x512xi32, #tpu.memory_space<vmem>> -> memref<1x512xi32, #tpu.memory_space<vmem>>
        %dma_wait3A_173 = tpu.memref_squeeze %dma_wait3A_172 : memref<1x512xi32, #tpu.memory_space<vmem>> -> memref<512xi32, #tpu.memory_space<vmem>>
        %dma_wait3A_174 = arith.constant 0 : i32
        %dma_wait3A_175 = tpu.memref_slice %arg3[%add3A_12, %dma_wait3A_174] : memref<6272x512xi32, #tpu.memory_space<hbm>> -> memref<1x512xi32, #tpu.memory_space<hbm>>
        %dma_wait3A_176 = tpu.memref_squeeze %dma_wait3A_175 : memref<1x512xi32, #tpu.memory_space<hbm>> -> memref<512xi32, #tpu.memory_space<hbm>>
        tpu.wait_dma2 semaphore(%run_scoped3A_152 : memref<!tpu.dma_semaphore, #tpu.memory_space<semaphore_mem>>) src(%dma_wait3A_176 : memref<512xi32, #tpu.memory_space<hbm>>) dst(%dma_wait3A_173 : memref<512xi32, #tpu.memory_space<vmem>>)
        tpu.yield
      }) : () -> ()
      %dma_start3A = arith.constant 0 : i32
      %dma_start3A_14 = arith.constant 0 : i32
      %dma_start3A_15 = arith.constant 0 : i32
      %dma_start3A_16 = arith.constant 0 : i32
      %dma_start3A_17 = tpu.memref_slice %arg13[%dma_start3A_14, %dma_start3A_15, %dma_start3A_16] : memref<2x512x16xf32, #tpu.memory_space<vmem>> -> memref<1x512x16xf32, #tpu.memory_space<vmem>>
      %dma_start3A_18 = tpu.memref_squeeze %dma_start3A_17 : memref<1x512x16xf32, #tpu.memory_space<vmem>> -> memref<512x16xf32, #tpu.memory_space<vmem>>
      %dma_start3A_19 = arith.constant 0 : i32
      %dma_start3A_20 = tpu.memref_slice %arg11[%dma_start3A, %dma_start3A_19] : memref<2x512xi32, #tpu.memory_space<vmem>> -> memref<1x512xi32, #tpu.memory_space<vmem>>
      %dma_start3A_21 = tpu.memref_squeeze %dma_start3A_20 : memref<1x512xi32, #tpu.memory_space<vmem>> -> memref<512xi32, #tpu.memory_space<vmem>>
      %dma_start3A_22 = arith.constant 0 : i32
      %dma_start3A_23 = arith.constant 0 : i32
      %dma_start3A_24 = tpu.memref_slice %arg6[%dma_start3A_22, %dma_start3A_23] : memref<100000x16xf32, #tpu.memory_space<hbm>> -> memref<100000x16xf32, #tpu.memory_space<hbm>>
      tpu.enqueue_indirect_dma source(%dma_start3A_24 : memref<100000x16xf32, #tpu.memory_space<hbm>>) target(%dma_start3A_18 : memref<512x16xf32, #tpu.memory_space<vmem>>) offsets(%dma_start3A_21 : memref<512xi32, #tpu.memory_space<vmem>>) semaphore(%arg14 : memref<!tpu.dma_semaphore, #tpu.memory_space<semaphore_mem>>)
      %add3A_25 = arith.constant 1 : i32
      %add3A_26 = arith.addi %mul3A_0, %add3A_25 : i32
      %run_scoped3A_27 = arith.constant 1 : i32
      "tpu.region"() ({
        %run_scoped3A_152 = tpu.sem_alloc : memref<!tpu.dma_semaphore, #tpu.memory_space<semaphore_mem>>
        %dma_start3A_153 = arith.constant 0 : i32
        %dma_start3A_154 = tpu.memref_slice %arg11[%run_scoped3A_27, %dma_start3A_153] : memref<2x512xi32, #tpu.memory_space<vmem>> -> memref<1x512xi32, #tpu.memory_space<vmem>>
        %dma_start3A_155 = tpu.memref_squeeze %dma_start3A_154 : memref<1x512xi32, #tpu.memory_space<vmem>> -> memref<512xi32, #tpu.memory_space<vmem>>
        %dma_start3A_156 = arith.constant 0 : i32
        %dma_start3A_157 = tpu.memref_slice %arg2[%add3A_26, %dma_start3A_156] : memref<6272x512xi32, #tpu.memory_space<hbm>> -> memref<1x512xi32, #tpu.memory_space<hbm>>
        %dma_start3A_158 = tpu.memref_squeeze %dma_start3A_157 : memref<1x512xi32, #tpu.memory_space<hbm>> -> memref<512xi32, #tpu.memory_space<hbm>>
        %dma_start3A_159 = arith.constant 0 : i32
        %dma_start3A_160 = tpu.memref_slice %arg11[%run_scoped3A_27, %dma_start3A_159] : memref<2x512xi32, #tpu.memory_space<vmem>> -> memref<1x512xi32, #tpu.memory_space<vmem>>
        %dma_start3A_161 = tpu.memref_squeeze %dma_start3A_160 : memref<1x512xi32, #tpu.memory_space<vmem>> -> memref<512xi32, #tpu.memory_space<vmem>>
        %dma_start3A_162 = arith.constant 0 : i32
        %dma_start3A_163 = tpu.memref_slice %arg2[%add3A_26, %dma_start3A_162] : memref<6272x512xi32, #tpu.memory_space<hbm>> -> memref<1x512xi32, #tpu.memory_space<hbm>>
        %dma_start3A_164 = tpu.memref_squeeze %dma_start3A_163 : memref<1x512xi32, #tpu.memory_space<hbm>> -> memref<512xi32, #tpu.memory_space<hbm>>
        tpu.enqueue_dma source(%dma_start3A_164 : memref<512xi32, #tpu.memory_space<hbm>>) target(%dma_start3A_161 : memref<512xi32, #tpu.memory_space<vmem>>) target_semaphore(%run_scoped3A_152 : memref<!tpu.dma_semaphore, #tpu.memory_space<semaphore_mem>>)
        %dma_wait3A_165 = arith.constant 0 : i32
        %dma_wait3A_166 = tpu.memref_slice %arg11[%run_scoped3A_27, %dma_wait3A_165] : memref<2x512xi32, #tpu.memory_space<vmem>> -> memref<1x512xi32, #tpu.memory_space<vmem>>
        %dma_wait3A_167 = tpu.memref_squeeze %dma_wait3A_166 : memref<1x512xi32, #tpu.memory_space<vmem>> -> memref<512xi32, #tpu.memory_space<vmem>>
        %dma_wait3A_168 = arith.constant 0 : i32
        %dma_wait3A_169 = tpu.memref_slice %arg2[%add3A_26, %dma_wait3A_168] : memref<6272x512xi32, #tpu.memory_space<hbm>> -> memref<1x512xi32, #tpu.memory_space<hbm>>
        %dma_wait3A_170 = tpu.memref_squeeze %dma_wait3A_169 : memref<1x512xi32, #tpu.memory_space<hbm>> -> memref<512xi32, #tpu.memory_space<hbm>>
        %dma_wait3A_171 = arith.constant 0 : i32
        %dma_wait3A_172 = tpu.memref_slice %arg11[%run_scoped3A_27, %dma_wait3A_171] : memref<2x512xi32, #tpu.memory_space<vmem>> -> memref<1x512xi32, #tpu.memory_space<vmem>>
        %dma_wait3A_173 = tpu.memref_squeeze %dma_wait3A_172 : memref<1x512xi32, #tpu.memory_space<vmem>> -> memref<512xi32, #tpu.memory_space<vmem>>
        %dma_wait3A_174 = arith.constant 0 : i32
        %dma_wait3A_175 = tpu.memref_slice %arg2[%add3A_26, %dma_wait3A_174] : memref<6272x512xi32, #tpu.memory_space<hbm>> -> memref<1x512xi32, #tpu.memory_space<hbm>>
        %dma_wait3A_176 = tpu.memref_squeeze %dma_wait3A_175 : memref<1x512xi32, #tpu.memory_space<hbm>> -> memref<512xi32, #tpu.memory_space<hbm>>
        tpu.wait_dma2 semaphore(%run_scoped3A_152 : memref<!tpu.dma_semaphore, #tpu.memory_space<semaphore_mem>>) src(%dma_wait3A_176 : memref<512xi32, #tpu.memory_space<hbm>>) dst(%dma_wait3A_173 : memref<512xi32, #tpu.memory_space<vmem>>)
        tpu.yield
      }) : () -> ()
      %run_scoped3A_28 = arith.constant 1 : i32
      "tpu.region"() ({
        %run_scoped3A_152 = tpu.sem_alloc : memref<!tpu.dma_semaphore, #tpu.memory_space<semaphore_mem>>
        %dma_start3A_153 = arith.constant 0 : i32
        %dma_start3A_154 = tpu.memref_slice %arg12[%run_scoped3A_28, %dma_start3A_153] : memref<2x512xi32, #tpu.memory_space<vmem>> -> memref<1x512xi32, #tpu.memory_space<vmem>>
        %dma_start3A_155 = tpu.memref_squeeze %dma_start3A_154 : memref<1x512xi32, #tpu.memory_space<vmem>> -> memref<512xi32, #tpu.memory_space<vmem>>
        %dma_start3A_156 = arith.constant 0 : i32
        %dma_start3A_157 = tpu.memref_slice %arg3[%add3A_26, %dma_start3A_156] : memref<6272x512xi32, #tpu.memory_space<hbm>> -> memref<1x512xi32, #tpu.memory_space<hbm>>
        %dma_start3A_158 = tpu.memref_squeeze %dma_start3A_157 : memref<1x512xi32, #tpu.memory_space<hbm>> -> memref<512xi32, #tpu.memory_space<hbm>>
        %dma_start3A_159 = arith.constant 0 : i32
        %dma_start3A_160 = tpu.memref_slice %arg12[%run_scoped3A_28, %dma_start3A_159] : memref<2x512xi32, #tpu.memory_space<vmem>> -> memref<1x512xi32, #tpu.memory_space<vmem>>
        %dma_start3A_161 = tpu.memref_squeeze %dma_start3A_160 : memref<1x512xi32, #tpu.memory_space<vmem>> -> memref<512xi32, #tpu.memory_space<vmem>>
        %dma_start3A_162 = arith.constant 0 : i32
        %dma_start3A_163 = tpu.memref_slice %arg3[%add3A_26, %dma_start3A_162] : memref<6272x512xi32, #tpu.memory_space<hbm>> -> memref<1x512xi32, #tpu.memory_space<hbm>>
        %dma_start3A_164 = tpu.memref_squeeze %dma_start3A_163 : memref<1x512xi32, #tpu.memory_space<hbm>> -> memref<512xi32, #tpu.memory_space<hbm>>
        tpu.enqueue_dma source(%dma_start3A_164 : memref<512xi32, #tpu.memory_space<hbm>>) target(%dma_start3A_161 : memref<512xi32, #tpu.memory_space<vmem>>) target_semaphore(%run_scoped3A_152 : memref<!tpu.dma_semaphore, #tpu.memory_space<semaphore_mem>>)
        %dma_wait3A_165 = arith.constant 0 : i32
        %dma_wait3A_166 = tpu.memref_slice %arg12[%run_scoped3A_28, %dma_wait3A_165] : memref<2x512xi32, #tpu.memory_space<vmem>> -> memref<1x512xi32, #tpu.memory_space<vmem>>
        %dma_wait3A_167 = tpu.memref_squeeze %dma_wait3A_166 : memref<1x512xi32, #tpu.memory_space<vmem>> -> memref<512xi32, #tpu.memory_space<vmem>>
        %dma_wait3A_168 = arith.constant 0 : i32
        %dma_wait3A_169 = tpu.memref_slice %arg3[%add3A_26, %dma_wait3A_168] : memref<6272x512xi32, #tpu.memory_space<hbm>> -> memref<1x512xi32, #tpu.memory_space<hbm>>
        %dma_wait3A_170 = tpu.memref_squeeze %dma_wait3A_169 : memref<1x512xi32, #tpu.memory_space<hbm>> -> memref<512xi32, #tpu.memory_space<hbm>>
        %dma_wait3A_171 = arith.constant 0 : i32
        %dma_wait3A_172 = tpu.memref_slice %arg12[%run_scoped3A_28, %dma_wait3A_171] : memref<2x512xi32, #tpu.memory_space<vmem>> -> memref<1x512xi32, #tpu.memory_space<vmem>>
        %dma_wait3A_173 = tpu.memref_squeeze %dma_wait3A_172 : memref<1x512xi32, #tpu.memory_space<vmem>> -> memref<512xi32, #tpu.memory_space<vmem>>
        %dma_wait3A_174 = arith.constant 0 : i32
        %dma_wait3A_175 = tpu.memref_slice %arg3[%add3A_26, %dma_wait3A_174] : memref<6272x512xi32, #tpu.memory_space<hbm>> -> memref<1x512xi32, #tpu.memory_space<hbm>>
        %dma_wait3A_176 = tpu.memref_squeeze %dma_wait3A_175 : memref<1x512xi32, #tpu.memory_space<hbm>> -> memref<512xi32, #tpu.memory_space<hbm>>
        tpu.wait_dma2 semaphore(%run_scoped3A_152 : memref<!tpu.dma_semaphore, #tpu.memory_space<semaphore_mem>>) src(%dma_wait3A_176 : memref<512xi32, #tpu.memory_space<hbm>>) dst(%dma_wait3A_173 : memref<512xi32, #tpu.memory_space<vmem>>)
        tpu.yield
      }) : () -> ()
      %dma_start3A_29 = arith.constant 1 : i32
      %dma_start3A_30 = arith.constant 1 : i32
      %dma_start3A_31 = arith.constant 0 : i32
      %dma_start3A_32 = arith.constant 0 : i32
      %dma_start3A_33 = tpu.memref_slice %arg13[%dma_start3A_30, %dma_start3A_31, %dma_start3A_32] : memref<2x512x16xf32, #tpu.memory_space<vmem>> -> memref<1x512x16xf32, #tpu.memory_space<vmem>>
      %dma_start3A_34 = tpu.memref_squeeze %dma_start3A_33 : memref<1x512x16xf32, #tpu.memory_space<vmem>> -> memref<512x16xf32, #tpu.memory_space<vmem>>
      %dma_start3A_35 = arith.constant 0 : i32
      %dma_start3A_36 = tpu.memref_slice %arg11[%dma_start3A_29, %dma_start3A_35] : memref<2x512xi32, #tpu.memory_space<vmem>> -> memref<1x512xi32, #tpu.memory_space<vmem>>
      %dma_start3A_37 = tpu.memref_squeeze %dma_start3A_36 : memref<1x512xi32, #tpu.memory_space<vmem>> -> memref<512xi32, #tpu.memory_space<vmem>>
      %dma_start3A_38 = arith.constant 0 : i32
      %dma_start3A_39 = arith.constant 0 : i32
      %dma_start3A_40 = tpu.memref_slice %arg6[%dma_start3A_38, %dma_start3A_39] : memref<100000x16xf32, #tpu.memory_space<hbm>> -> memref<100000x16xf32, #tpu.memory_space<hbm>>
      tpu.enqueue_indirect_dma source(%dma_start3A_40 : memref<100000x16xf32, #tpu.memory_space<hbm>>) target(%dma_start3A_34 : memref<512x16xf32, #tpu.memory_space<vmem>>) offsets(%dma_start3A_37 : memref<512xi32, #tpu.memory_space<vmem>>) semaphore(%arg15 : memref<!tpu.dma_semaphore, #tpu.memory_space<semaphore_mem>>)
      %scan3A = arith.constant 0 : i32
      %scan3A_41 = arith.constant 0 : i32
      %scan3A_42 = arith.constant 196 : i32
      %scan3A_43 = arith.addi %scan3A_41, %scan3A_42 : i32
      %scan3A_44 = arith.constant 1 : i32
      scf.for %scan3A_152 = %scan3A_41 to %scan3A_43 step %scan3A_44  : i32 {
        %mul3A_153 = arith.constant 2 : i32
        %mul3A_154 = arith.muli %scan3A_152, %mul3A_153 : i32
        %add3A_155 = arith.constant 0 : i32
        %add3A_156 = arith.addi %mul3A_154, %add3A_155 : i32
        %dma_wait3A_157 = arith.constant 0 : i32
        %dma_wait3A_158 = arith.constant 0 : i32
        %dma_wait3A_159 = arith.constant 0 : i32
        %dma_wait3A_160 = arith.constant 0 : i32
        %dma_wait3A_161 = tpu.memref_slice %arg13[%dma_wait3A_158, %dma_wait3A_159, %dma_wait3A_160] : memref<2x512x16xf32, #tpu.memory_space<vmem>> -> memref<1x512x16xf32, #tpu.memory_space<vmem>>
        %dma_wait3A_162 = tpu.memref_squeeze %dma_wait3A_161 : memref<1x512x16xf32, #tpu.memory_space<vmem>> -> memref<512x16xf32, #tpu.memory_space<vmem>>
        %dma_wait3A_163 = arith.constant 0 : i32
        %dma_wait3A_164 = tpu.memref_slice %arg11[%dma_wait3A_157, %dma_wait3A_163] : memref<2x512xi32, #tpu.memory_space<vmem>> -> memref<1x512xi32, #tpu.memory_space<vmem>>
        %dma_wait3A_165 = tpu.memref_squeeze %dma_wait3A_164 : memref<1x512xi32, #tpu.memory_space<vmem>> -> memref<512xi32, #tpu.memory_space<vmem>>
        %dma_wait3A_166 = arith.constant 0 : i32
        %dma_wait3A_167 = arith.constant 0 : i32
        %dma_wait3A_168 = tpu.memref_slice %arg6[%dma_wait3A_166, %dma_wait3A_167] : memref<100000x16xf32, #tpu.memory_space<hbm>> -> memref<100000x16xf32, #tpu.memory_space<hbm>>
        tpu.wait_indirect_dma semaphore(%arg14 : memref<!tpu.dma_semaphore, #tpu.memory_space<semaphore_mem>>) src(%dma_wait3A_168 : memref<100000x16xf32, #tpu.memory_space<hbm>>) dst(%dma_wait3A_162 : memref<512x16xf32, #tpu.memory_space<vmem>>)
        %dma_start3A_169 = arith.constant 0 : i32
        %dma_start3A_170 = arith.constant 0 : i32
        %dma_start3A_171 = arith.constant 0 : i32
        %dma_start3A_172 = arith.constant 0 : i32
        %dma_start3A_173 = tpu.memref_slice %arg13[%dma_start3A_169, %dma_start3A_171, %dma_start3A_172] : memref<2x512x16xf32, #tpu.memory_space<vmem>> -> memref<1x512x16xf32, #tpu.memory_space<vmem>>
        %dma_start3A_174 = tpu.memref_squeeze %dma_start3A_173 : memref<1x512x16xf32, #tpu.memory_space<vmem>> -> memref<512x16xf32, #tpu.memory_space<vmem>>
        %dma_start3A_175 = arith.constant 0 : i32
        %dma_start3A_176 = tpu.memref_slice %arg12[%dma_start3A_170, %dma_start3A_175] : memref<2x512xi32, #tpu.memory_space<vmem>> -> memref<1x512xi32, #tpu.memory_space<vmem>>
        %dma_start3A_177 = tpu.memref_squeeze %dma_start3A_176 : memref<1x512xi32, #tpu.memory_space<vmem>> -> memref<512xi32, #tpu.memory_space<vmem>>
        %dma_start3A_178 = arith.constant 0 : i32
        %dma_start3A_179 = arith.constant 0 : i32
        %dma_start3A_180 = tpu.memref_slice %arg10[%dma_start3A_178, %dma_start3A_179] : memref<100224x16xf32, #tpu.memory_space<vmem_shared>> -> memref<100224x16xf32, #tpu.memory_space<vmem_shared>>
        tpu.enqueue_indirect_dma source(%dma_start3A_174 : memref<512x16xf32, #tpu.memory_space<vmem>>) target(%dma_start3A_180 : memref<100224x16xf32, #tpu.memory_space<vmem_shared>>) offsets(%dma_start3A_177 : memref<512xi32, #tpu.memory_space<vmem>>) semaphore(%arg16 : memref<!tpu.dma_semaphore, #tpu.memory_space<semaphore_mem>>) {add = true}
        %add3A_181 = arith.constant 2 : i32
        %add3A_182 = arith.addi %add3A_156, %add3A_181 : i32
        %lt3A = arith.constant 392 : i32
        %lt3A_183 = arith.cmpi slt, %add3A_182, %lt3A : i32
        %convert_element_type3A_184 = arith.extui %lt3A_183 : i1 to i32
        %cond3A_185 = arith.constant 0 : i32
        %cond3A_186 = arith.cmpi ne, %convert_element_type3A_184, %cond3A_185 : i32
        scf.if %cond3A_186 {
          %dma_wait3A_222 = arith.constant 0 : i32
          %dma_wait3A_223 = arith.constant 0 : i32
          %dma_wait3A_224 = arith.constant 0 : i32
          %dma_wait3A_225 = arith.constant 0 : i32
          %dma_wait3A_226 = tpu.memref_slice %arg13[%dma_wait3A_222, %dma_wait3A_224, %dma_wait3A_225] : memref<2x512x16xf32, #tpu.memory_space<vmem>> -> memref<1x512x16xf32, #tpu.memory_space<vmem>>
          %dma_wait3A_227 = tpu.memref_squeeze %dma_wait3A_226 : memref<1x512x16xf32, #tpu.memory_space<vmem>> -> memref<512x16xf32, #tpu.memory_space<vmem>>
          %dma_wait3A_228 = arith.constant 0 : i32
          %dma_wait3A_229 = tpu.memref_slice %arg12[%dma_wait3A_223, %dma_wait3A_228] : memref<2x512xi32, #tpu.memory_space<vmem>> -> memref<1x512xi32, #tpu.memory_space<vmem>>
          %dma_wait3A_230 = tpu.memref_squeeze %dma_wait3A_229 : memref<1x512xi32, #tpu.memory_space<vmem>> -> memref<512xi32, #tpu.memory_space<vmem>>
          %dma_wait3A_231 = arith.constant 0 : i32
          %dma_wait3A_232 = arith.constant 0 : i32
          %dma_wait3A_233 = tpu.memref_slice %arg10[%dma_wait3A_231, %dma_wait3A_232] : memref<100224x16xf32, #tpu.memory_space<vmem_shared>> -> memref<100224x16xf32, #tpu.memory_space<vmem_shared>>
          tpu.wait_indirect_dma semaphore(%arg16 : memref<!tpu.dma_semaphore, #tpu.memory_space<semaphore_mem>>) src(%dma_wait3A_227 : memref<512x16xf32, #tpu.memory_space<vmem>>) dst(%dma_wait3A_233 : memref<100224x16xf32, #tpu.memory_space<vmem_shared>>)
          %add3A_234 = arith.addi %mul3A_0, %add3A_182 : i32
          %run_scoped3A_235 = arith.constant 0 : i32
          "tpu.region"() ({
            %run_scoped3A_249 = tpu.sem_alloc : memref<!tpu.dma_semaphore, #tpu.memory_space<semaphore_mem>>
            %dma_start3A_250 = arith.constant 0 : i32
            %dma_start3A_251 = tpu.memref_slice %arg11[%run_scoped3A_235, %dma_start3A_250] : memref<2x512xi32, #tpu.memory_space<vmem>> -> memref<1x512xi32, #tpu.memory_space<vmem>>
            %dma_start3A_252 = tpu.memref_squeeze %dma_start3A_251 : memref<1x512xi32, #tpu.memory_space<vmem>> -> memref<512xi32, #tpu.memory_space<vmem>>
            %dma_start3A_253 = arith.constant 0 : i32
            %dma_start3A_254 = tpu.memref_slice %arg2[%add3A_234, %dma_start3A_253] : memref<6272x512xi32, #tpu.memory_space<hbm>> -> memref<1x512xi32, #tpu.memory_space<hbm>>
            %dma_start3A_255 = tpu.memref_squeeze %dma_start3A_254 : memref<1x512xi32, #tpu.memory_space<hbm>> -> memref<512xi32, #tpu.memory_space<hbm>>
            %dma_start3A_256 = arith.constant 0 : i32
            %dma_start3A_257 = tpu.memref_slice %arg11[%run_scoped3A_235, %dma_start3A_256] : memref<2x512xi32, #tpu.memory_space<vmem>> -> memref<1x512xi32, #tpu.memory_space<vmem>>
            %dma_start3A_258 = tpu.memref_squeeze %dma_start3A_257 : memref<1x512xi32, #tpu.memory_space<vmem>> -> memref<512xi32, #tpu.memory_space<vmem>>
            %dma_start3A_259 = arith.constant 0 : i32
            %dma_start3A_260 = tpu.memref_slice %arg2[%add3A_234, %dma_start3A_259] : memref<6272x512xi32, #tpu.memory_space<hbm>> -> memref<1x512xi32, #tpu.memory_space<hbm>>
            %dma_start3A_261 = tpu.memref_squeeze %dma_start3A_260 : memref<1x512xi32, #tpu.memory_space<hbm>> -> memref<512xi32, #tpu.memory_space<hbm>>
            tpu.enqueue_dma source(%dma_start3A_261 : memref<512xi32, #tpu.memory_space<hbm>>) target(%dma_start3A_258 : memref<512xi32, #tpu.memory_space<vmem>>) target_semaphore(%run_scoped3A_249 : memref<!tpu.dma_semaphore, #tpu.memory_space<semaphore_mem>>)
            %dma_wait3A_262 = arith.constant 0 : i32
            %dma_wait3A_263 = tpu.memref_slice %arg11[%run_scoped3A_235, %dma_wait3A_262] : memref<2x512xi32, #tpu.memory_space<vmem>> -> memref<1x512xi32, #tpu.memory_space<vmem>>
            %dma_wait3A_264 = tpu.memref_squeeze %dma_wait3A_263 : memref<1x512xi32, #tpu.memory_space<vmem>> -> memref<512xi32, #tpu.memory_space<vmem>>
            %dma_wait3A_265 = arith.constant 0 : i32
            %dma_wait3A_266 = tpu.memref_slice %arg2[%add3A_234, %dma_wait3A_265] : memref<6272x512xi32, #tpu.memory_space<hbm>> -> memref<1x512xi32, #tpu.memory_space<hbm>>
            %dma_wait3A_267 = tpu.memref_squeeze %dma_wait3A_266 : memref<1x512xi32, #tpu.memory_space<hbm>> -> memref<512xi32, #tpu.memory_space<hbm>>
            %dma_wait3A_268 = arith.constant 0 : i32
            %dma_wait3A_269 = tpu.memref_slice %arg11[%run_scoped3A_235, %dma_wait3A_268] : memref<2x512xi32, #tpu.memory_space<vmem>> -> memref<1x512xi32, #tpu.memory_space<vmem>>
            %dma_wait3A_270 = tpu.memref_squeeze %dma_wait3A_269 : memref<1x512xi32, #tpu.memory_space<vmem>> -> memref<512xi32, #tpu.memory_space<vmem>>
            %dma_wait3A_271 = arith.constant 0 : i32
            %dma_wait3A_272 = tpu.memref_slice %arg2[%add3A_234, %dma_wait3A_271] : memref<6272x512xi32, #tpu.memory_space<hbm>> -> memref<1x512xi32, #tpu.memory_space<hbm>>
            %dma_wait3A_273 = tpu.memref_squeeze %dma_wait3A_272 : memref<1x512xi32, #tpu.memory_space<hbm>> -> memref<512xi32, #tpu.memory_space<hbm>>
            tpu.wait_dma2 semaphore(%run_scoped3A_249 : memref<!tpu.dma_semaphore, #tpu.memory_space<semaphore_mem>>) src(%dma_wait3A_273 : memref<512xi32, #tpu.memory_space<hbm>>) dst(%dma_wait3A_270 : memref<512xi32, #tpu.memory_space<vmem>>)
            tpu.yield
          }) : () -> ()
          %run_scoped3A_236 = arith.constant 0 : i32
          "tpu.region"() ({
            %run_scoped3A_249 = tpu.sem_alloc : memref<!tpu.dma_semaphore, #tpu.memory_space<semaphore_mem>>
            %dma_start3A_250 = arith.constant 0 : i32
            %dma_start3A_251 = tpu.memref_slice %arg12[%run_scoped3A_236, %dma_start3A_250] : memref<2x512xi32, #tpu.memory_space<vmem>> -> memref<1x512xi32, #tpu.memory_space<vmem>>
            %dma_start3A_252 = tpu.memref_squeeze %dma_start3A_251 : memref<1x512xi32, #tpu.memory_space<vmem>> -> memref<512xi32, #tpu.memory_space<vmem>>
            %dma_start3A_253 = arith.constant 0 : i32
            %dma_start3A_254 = tpu.memref_slice %arg3[%add3A_234, %dma_start3A_253] : memref<6272x512xi32, #tpu.memory_space<hbm>> -> memref<1x512xi32, #tpu.memory_space<hbm>>
            %dma_start3A_255 = tpu.memref_squeeze %dma_start3A_254 : memref<1x512xi32, #tpu.memory_space<hbm>> -> memref<512xi32, #tpu.memory_space<hbm>>
            %dma_start3A_256 = arith.constant 0 : i32
            %dma_start3A_257 = tpu.memref_slice %arg12[%run_scoped3A_236, %dma_start3A_256] : memref<2x512xi32, #tpu.memory_space<vmem>> -> memref<1x512xi32, #tpu.memory_space<vmem>>
            %dma_start3A_258 = tpu.memref_squeeze %dma_start3A_257 : memref<1x512xi32, #tpu.memory_space<vmem>> -> memref<512xi32, #tpu.memory_space<vmem>>
            %dma_start3A_259 = arith.constant 0 : i32
            %dma_start3A_260 = tpu.memref_slice %arg3[%add3A_234, %dma_start3A_259] : memref<6272x512xi32, #tpu.memory_space<hbm>> -> memref<1x512xi32, #tpu.memory_space<hbm>>
            %dma_start3A_261 = tpu.memref_squeeze %dma_start3A_260 : memref<1x512xi32, #tpu.memory_space<hbm>> -> memref<512xi32, #tpu.memory_space<hbm>>
            tpu.enqueue_dma source(%dma_start3A_261 : memref<512xi32, #tpu.memory_space<hbm>>) target(%dma_start3A_258 : memref<512xi32, #tpu.memory_space<vmem>>) target_semaphore(%run_scoped3A_249 : memref<!tpu.dma_semaphore, #tpu.memory_space<semaphore_mem>>)
            %dma_wait3A_262 = arith.constant 0 : i32
            %dma_wait3A_263 = tpu.memref_slice %arg12[%run_scoped3A_236, %dma_wait3A_262] : memref<2x512xi32, #tpu.memory_space<vmem>> -> memref<1x512xi32, #tpu.memory_space<vmem>>
            %dma_wait3A_264 = tpu.memref_squeeze %dma_wait3A_263 : memref<1x512xi32, #tpu.memory_space<vmem>> -> memref<512xi32, #tpu.memory_space<vmem>>
            %dma_wait3A_265 = arith.constant 0 : i32
            %dma_wait3A_266 = tpu.memref_slice %arg3[%add3A_234, %dma_wait3A_265] : memref<6272x512xi32, #tpu.memory_space<hbm>> -> memref<1x512xi32, #tpu.memory_space<hbm>>
            %dma_wait3A_267 = tpu.memref_squeeze %dma_wait3A_266 : memref<1x512xi32, #tpu.memory_space<hbm>> -> memref<512xi32, #tpu.memory_space<hbm>>
            %dma_wait3A_268 = arith.constant 0 : i32
            %dma_wait3A_269 = tpu.memref_slice %arg12[%run_scoped3A_236, %dma_wait3A_268] : memref<2x512xi32, #tpu.memory_space<vmem>> -> memref<1x512xi32, #tpu.memory_space<vmem>>
            %dma_wait3A_270 = tpu.memref_squeeze %dma_wait3A_269 : memref<1x512xi32, #tpu.memory_space<vmem>> -> memref<512xi32, #tpu.memory_space<vmem>>
            %dma_wait3A_271 = arith.constant 0 : i32
            %dma_wait3A_272 = tpu.memref_slice %arg3[%add3A_234, %dma_wait3A_271] : memref<6272x512xi32, #tpu.memory_space<hbm>> -> memref<1x512xi32, #tpu.memory_space<hbm>>
            %dma_wait3A_273 = tpu.memref_squeeze %dma_wait3A_272 : memref<1x512xi32, #tpu.memory_space<hbm>> -> memref<512xi32, #tpu.memory_space<hbm>>
            tpu.wait_dma2 semaphore(%run_scoped3A_249 : memref<!tpu.dma_semaphore, #tpu.memory_space<semaphore_mem>>) src(%dma_wait3A_273 : memref<512xi32, #tpu.memory_space<hbm>>) dst(%dma_wait3A_270 : memref<512xi32, #tpu.memory_space<vmem>>)
            tpu.yield
          }) : () -> ()
          %dma_start3A_237 = arith.constant 0 : i32
          %dma_start3A_238 = arith.constant 0 : i32
          %dma_start3A_239 = arith.constant 0 : i32
          %dma_start3A_240 = arith.constant 0 : i32
          %dma_start3A_241 = tpu.memref_slice %arg13[%dma_start3A_238, %dma_start3A_239, %dma_start3A_240] : memref<2x512x16xf32, #tpu.memory_space<vmem>> -> memref<1x512x16xf32, #tpu.memory_space<vmem>>
          %dma_start3A_242 = tpu.memref_squeeze %dma_start3A_241 : memref<1x512x16xf32, #tpu.memory_space<vmem>> -> memref<512x16xf32, #tpu.memory_space<vmem>>
          %dma_start3A_243 = arith.constant 0 : i32
          %dma_start3A_244 = tpu.memref_slice %arg11[%dma_start3A_237, %dma_start3A_243] : memref<2x512xi32, #tpu.memory_space<vmem>> -> memref<1x512xi32, #tpu.memory_space<vmem>>
          %dma_start3A_245 = tpu.memref_squeeze %dma_start3A_244 : memref<1x512xi32, #tpu.memory_space<vmem>> -> memref<512xi32, #tpu.memory_space<vmem>>
          %dma_start3A_246 = arith.constant 0 : i32
          %dma_start3A_247 = arith.constant 0 : i32
          %dma_start3A_248 = tpu.memref_slice %arg6[%dma_start3A_246, %dma_start3A_247] : memref<100000x16xf32, #tpu.memory_space<hbm>> -> memref<100000x16xf32, #tpu.memory_space<hbm>>
          tpu.enqueue_indirect_dma source(%dma_start3A_248 : memref<100000x16xf32, #tpu.memory_space<hbm>>) target(%dma_start3A_242 : memref<512x16xf32, #tpu.memory_space<vmem>>) offsets(%dma_start3A_245 : memref<512xi32, #tpu.memory_space<vmem>>) semaphore(%arg14 : memref<!tpu.dma_semaphore, #tpu.memory_space<semaphore_mem>>)
        } else {
        }
        %mul3A_187 = arith.constant 2 : i32
        %mul3A_188 = arith.muli %scan3A_152, %mul3A_187 : i32
        %add3A_189 = arith.constant 1 : i32
        %add3A_190 = arith.addi %mul3A_188, %add3A_189 : i32
        %dma_wait3A_191 = arith.constant 1 : i32
        %dma_wait3A_192 = arith.constant 1 : i32
        %dma_wait3A_193 = arith.constant 0 : i32
        %dma_wait3A_194 = arith.constant 0 : i32
        %dma_wait3A_195 = tpu.memref_slice %arg13[%dma_wait3A_192, %dma_wait3A_193, %dma_wait3A_194] : memref<2x512x16xf32, #tpu.memory_space<vmem>> -> memref<1x512x16xf32, #tpu.memory_space<vmem>>
        %dma_wait3A_196 = tpu.memref_squeeze %dma_wait3A_195 : memref<1x512x16xf32, #tpu.memory_space<vmem>> -> memref<512x16xf32, #tpu.memory_space<vmem>>
        %dma_wait3A_197 = arith.constant 0 : i32
        %dma_wait3A_198 = tpu.memref_slice %arg11[%dma_wait3A_191, %dma_wait3A_197] : memref<2x512xi32, #tpu.memory_space<vmem>> -> memref<1x512xi32, #tpu.memory_space<vmem>>
        %dma_wait3A_199 = tpu.memref_squeeze %dma_wait3A_198 : memref<1x512xi32, #tpu.memory_space<vmem>> -> memref<512xi32, #tpu.memory_space<vmem>>
        %dma_wait3A_200 = arith.constant 0 : i32
        %dma_wait3A_201 = arith.constant 0 : i32
        %dma_wait3A_202 = tpu.memref_slice %arg6[%dma_wait3A_200, %dma_wait3A_201] : memref<100000x16xf32, #tpu.memory_space<hbm>> -> memref<100000x16xf32, #tpu.memory_space<hbm>>
        tpu.wait_indirect_dma semaphore(%arg15 : memref<!tpu.dma_semaphore, #tpu.memory_space<semaphore_mem>>) src(%dma_wait3A_202 : memref<100000x16xf32, #tpu.memory_space<hbm>>) dst(%dma_wait3A_196 : memref<512x16xf32, #tpu.memory_space<vmem>>)
        %dma_start3A_203 = arith.constant 1 : i32
        %dma_start3A_204 = arith.constant 1 : i32
        %dma_start3A_205 = arith.constant 0 : i32
        %dma_start3A_206 = arith.constant 0 : i32
        %dma_start3A_207 = tpu.memref_slice %arg13[%dma_start3A_203, %dma_start3A_205, %dma_start3A_206] : memref<2x512x16xf32, #tpu.memory_space<vmem>> -> memref<1x512x16xf32, #tpu.memory_space<vmem>>
        %dma_start3A_208 = tpu.memref_squeeze %dma_start3A_207 : memref<1x512x16xf32, #tpu.memory_space<vmem>> -> memref<512x16xf32, #tpu.memory_space<vmem>>
        %dma_start3A_209 = arith.constant 0 : i32
        %dma_start3A_210 = tpu.memref_slice %arg12[%dma_start3A_204, %dma_start3A_209] : memref<2x512xi32, #tpu.memory_space<vmem>> -> memref<1x512xi32, #tpu.memory_space<vmem>>
        %dma_start3A_211 = tpu.memref_squeeze %dma_start3A_210 : memref<1x512xi32, #tpu.memory_space<vmem>> -> memref<512xi32, #tpu.memory_space<vmem>>
        %dma_start3A_212 = arith.constant 0 : i32
        %dma_start3A_213 = arith.constant 0 : i32
        %dma_start3A_214 = tpu.memref_slice %arg10[%dma_start3A_212, %dma_start3A_213] : memref<100224x16xf32, #tpu.memory_space<vmem_shared>> -> memref<100224x16xf32, #tpu.memory_space<vmem_shared>>
        tpu.enqueue_indirect_dma source(%dma_start3A_208 : memref<512x16xf32, #tpu.memory_space<vmem>>) target(%dma_start3A_214 : memref<100224x16xf32, #tpu.memory_space<vmem_shared>>) offsets(%dma_start3A_211 : memref<512xi32, #tpu.memory_space<vmem>>) semaphore(%arg17 : memref<!tpu.dma_semaphore, #tpu.memory_space<semaphore_mem>>) {add = true}
        %add3A_215 = arith.constant 2 : i32
        %add3A_216 = arith.addi %add3A_190, %add3A_215 : i32
        %lt3A_217 = arith.constant 392 : i32
        %lt3A_218 = arith.cmpi slt, %add3A_216, %lt3A_217 : i32
        %convert_element_type3A_219 = arith.extui %lt3A_218 : i1 to i32
        %cond3A_220 = arith.constant 0 : i32
        %cond3A_221 = arith.cmpi ne, %convert_element_type3A_219, %cond3A_220 : i32
        scf.if %cond3A_221 {
          %dma_wait3A_222 = arith.constant 1 : i32
          %dma_wait3A_223 = arith.constant 1 : i32
          %dma_wait3A_224 = arith.constant 0 : i32
          %dma_wait3A_225 = arith.constant 0 : i32
          %dma_wait3A_226 = tpu.memref_slice %arg13[%dma_wait3A_222, %dma_wait3A_224, %dma_wait3A_225] : memref<2x512x16xf32, #tpu.memory_space<vmem>> -> memref<1x512x16xf32, #tpu.memory_space<vmem>>
          %dma_wait3A_227 = tpu.memref_squeeze %dma_wait3A_226 : memref<1x512x16xf32, #tpu.memory_space<vmem>> -> memref<512x16xf32, #tpu.memory_space<vmem>>
          %dma_wait3A_228 = arith.constant 0 : i32
          %dma_wait3A_229 = tpu.memref_slice %arg12[%dma_wait3A_223, %dma_wait3A_228] : memref<2x512xi32, #tpu.memory_space<vmem>> -> memref<1x512xi32, #tpu.memory_space<vmem>>
          %dma_wait3A_230 = tpu.memref_squeeze %dma_wait3A_229 : memref<1x512xi32, #tpu.memory_space<vmem>> -> memref<512xi32, #tpu.memory_space<vmem>>
          %dma_wait3A_231 = arith.constant 0 : i32
          %dma_wait3A_232 = arith.constant 0 : i32
          %dma_wait3A_233 = tpu.memref_slice %arg10[%dma_wait3A_231, %dma_wait3A_232] : memref<100224x16xf32, #tpu.memory_space<vmem_shared>> -> memref<100224x16xf32, #tpu.memory_space<vmem_shared>>
          tpu.wait_indirect_dma semaphore(%arg17 : memref<!tpu.dma_semaphore, #tpu.memory_space<semaphore_mem>>) src(%dma_wait3A_227 : memref<512x16xf32, #tpu.memory_space<vmem>>) dst(%dma_wait3A_233 : memref<100224x16xf32, #tpu.memory_space<vmem_shared>>)
          %add3A_234 = arith.addi %mul3A_0, %add3A_216 : i32
          %run_scoped3A_235 = arith.constant 1 : i32
          "tpu.region"() ({
            %run_scoped3A_249 = tpu.sem_alloc : memref<!tpu.dma_semaphore, #tpu.memory_space<semaphore_mem>>
            %dma_start3A_250 = arith.constant 0 : i32
            %dma_start3A_251 = tpu.memref_slice %arg11[%run_scoped3A_235, %dma_start3A_250] : memref<2x512xi32, #tpu.memory_space<vmem>> -> memref<1x512xi32, #tpu.memory_space<vmem>>
            %dma_start3A_252 = tpu.memref_squeeze %dma_start3A_251 : memref<1x512xi32, #tpu.memory_space<vmem>> -> memref<512xi32, #tpu.memory_space<vmem>>
            %dma_start3A_253 = arith.constant 0 : i32
            %dma_start3A_254 = tpu.memref_slice %arg2[%add3A_234, %dma_start3A_253] : memref<6272x512xi32, #tpu.memory_space<hbm>> -> memref<1x512xi32, #tpu.memory_space<hbm>>
            %dma_start3A_255 = tpu.memref_squeeze %dma_start3A_254 : memref<1x512xi32, #tpu.memory_space<hbm>> -> memref<512xi32, #tpu.memory_space<hbm>>
            %dma_start3A_256 = arith.constant 0 : i32
            %dma_start3A_257 = tpu.memref_slice %arg11[%run_scoped3A_235, %dma_start3A_256] : memref<2x512xi32, #tpu.memory_space<vmem>> -> memref<1x512xi32, #tpu.memory_space<vmem>>
            %dma_start3A_258 = tpu.memref_squeeze %dma_start3A_257 : memref<1x512xi32, #tpu.memory_space<vmem>> -> memref<512xi32, #tpu.memory_space<vmem>>
            %dma_start3A_259 = arith.constant 0 : i32
            %dma_start3A_260 = tpu.memref_slice %arg2[%add3A_234, %dma_start3A_259] : memref<6272x512xi32, #tpu.memory_space<hbm>> -> memref<1x512xi32, #tpu.memory_space<hbm>>
            %dma_start3A_261 = tpu.memref_squeeze %dma_start3A_260 : memref<1x512xi32, #tpu.memory_space<hbm>> -> memref<512xi32, #tpu.memory_space<hbm>>
            tpu.enqueue_dma source(%dma_start3A_261 : memref<512xi32, #tpu.memory_space<hbm>>) target(%dma_start3A_258 : memref<512xi32, #tpu.memory_space<vmem>>) target_semaphore(%run_scoped3A_249 : memref<!tpu.dma_semaphore, #tpu.memory_space<semaphore_mem>>)
            %dma_wait3A_262 = arith.constant 0 : i32
            %dma_wait3A_263 = tpu.memref_slice %arg11[%run_scoped3A_235, %dma_wait3A_262] : memref<2x512xi32, #tpu.memory_space<vmem>> -> memref<1x512xi32, #tpu.memory_space<vmem>>
            %dma_wait3A_264 = tpu.memref_squeeze %dma_wait3A_263 : memref<1x512xi32, #tpu.memory_space<vmem>> -> memref<512xi32, #tpu.memory_space<vmem>>
            %dma_wait3A_265 = arith.constant 0 : i32
            %dma_wait3A_266 = tpu.memref_slice %arg2[%add3A_234, %dma_wait3A_265] : memref<6272x512xi32, #tpu.memory_space<hbm>> -> memref<1x512xi32, #tpu.memory_space<hbm>>
            %dma_wait3A_267 = tpu.memref_squeeze %dma_wait3A_266 : memref<1x512xi32, #tpu.memory_space<hbm>> -> memref<512xi32, #tpu.memory_space<hbm>>
            %dma_wait3A_268 = arith.constant 0 : i32
            %dma_wait3A_269 = tpu.memref_slice %arg11[%run_scoped3A_235, %dma_wait3A_268] : memref<2x512xi32, #tpu.memory_space<vmem>> -> memref<1x512xi32, #tpu.memory_space<vmem>>
            %dma_wait3A_270 = tpu.memref_squeeze %dma_wait3A_269 : memref<1x512xi32, #tpu.memory_space<vmem>> -> memref<512xi32, #tpu.memory_space<vmem>>
            %dma_wait3A_271 = arith.constant 0 : i32
            %dma_wait3A_272 = tpu.memref_slice %arg2[%add3A_234, %dma_wait3A_271] : memref<6272x512xi32, #tpu.memory_space<hbm>> -> memref<1x512xi32, #tpu.memory_space<hbm>>
            %dma_wait3A_273 = tpu.memref_squeeze %dma_wait3A_272 : memref<1x512xi32, #tpu.memory_space<hbm>> -> memref<512xi32, #tpu.memory_space<hbm>>
            tpu.wait_dma2 semaphore(%run_scoped3A_249 : memref<!tpu.dma_semaphore, #tpu.memory_space<semaphore_mem>>) src(%dma_wait3A_273 : memref<512xi32, #tpu.memory_space<hbm>>) dst(%dma_wait3A_270 : memref<512xi32, #tpu.memory_space<vmem>>)
            tpu.yield
          }) : () -> ()
          %run_scoped3A_236 = arith.constant 1 : i32
          "tpu.region"() ({
            %run_scoped3A_249 = tpu.sem_alloc : memref<!tpu.dma_semaphore, #tpu.memory_space<semaphore_mem>>
            %dma_start3A_250 = arith.constant 0 : i32
            %dma_start3A_251 = tpu.memref_slice %arg12[%run_scoped3A_236, %dma_start3A_250] : memref<2x512xi32, #tpu.memory_space<vmem>> -> memref<1x512xi32, #tpu.memory_space<vmem>>
            %dma_start3A_252 = tpu.memref_squeeze %dma_start3A_251 : memref<1x512xi32, #tpu.memory_space<vmem>> -> memref<512xi32, #tpu.memory_space<vmem>>
            %dma_start3A_253 = arith.constant 0 : i32
            %dma_start3A_254 = tpu.memref_slice %arg3[%add3A_234, %dma_start3A_253] : memref<6272x512xi32, #tpu.memory_space<hbm>> -> memref<1x512xi32, #tpu.memory_space<hbm>>
            %dma_start3A_255 = tpu.memref_squeeze %dma_start3A_254 : memref<1x512xi32, #tpu.memory_space<hbm>> -> memref<512xi32, #tpu.memory_space<hbm>>
            %dma_start3A_256 = arith.constant 0 : i32
            %dma_start3A_257 = tpu.memref_slice %arg12[%run_scoped3A_236, %dma_start3A_256] : memref<2x512xi32, #tpu.memory_space<vmem>> -> memref<1x512xi32, #tpu.memory_space<vmem>>
            %dma_start3A_258 = tpu.memref_squeeze %dma_start3A_257 : memref<1x512xi32, #tpu.memory_space<vmem>> -> memref<512xi32, #tpu.memory_space<vmem>>
            %dma_start3A_259 = arith.constant 0 : i32
            %dma_start3A_260 = tpu.memref_slice %arg3[%add3A_234, %dma_start3A_259] : memref<6272x512xi32, #tpu.memory_space<hbm>> -> memref<1x512xi32, #tpu.memory_space<hbm>>
            %dma_start3A_261 = tpu.memref_squeeze %dma_start3A_260 : memref<1x512xi32, #tpu.memory_space<hbm>> -> memref<512xi32, #tpu.memory_space<hbm>>
            tpu.enqueue_dma source(%dma_start3A_261 : memref<512xi32, #tpu.memory_space<hbm>>) target(%dma_start3A_258 : memref<512xi32, #tpu.memory_space<vmem>>) target_semaphore(%run_scoped3A_249 : memref<!tpu.dma_semaphore, #tpu.memory_space<semaphore_mem>>)
            %dma_wait3A_262 = arith.constant 0 : i32
            %dma_wait3A_263 = tpu.memref_slice %arg12[%run_scoped3A_236, %dma_wait3A_262] : memref<2x512xi32, #tpu.memory_space<vmem>> -> memref<1x512xi32, #tpu.memory_space<vmem>>
            %dma_wait3A_264 = tpu.memref_squeeze %dma_wait3A_263 : memref<1x512xi32, #tpu.memory_space<vmem>> -> memref<512xi32, #tpu.memory_space<vmem>>
            %dma_wait3A_265 = arith.constant 0 : i32
            %dma_wait3A_266 = tpu.memref_slice %arg3[%add3A_234, %dma_wait3A_265] : memref<6272x512xi32, #tpu.memory_space<hbm>> -> memref<1x512xi32, #tpu.memory_space<hbm>>
            %dma_wait3A_267 = tpu.memref_squeeze %dma_wait3A_266 : memref<1x512xi32, #tpu.memory_space<hbm>> -> memref<512xi32, #tpu.memory_space<hbm>>
            %dma_wait3A_268 = arith.constant 0 : i32
            %dma_wait3A_269 = tpu.memref_slice %arg12[%run_scoped3A_236, %dma_wait3A_268] : memref<2x512xi32, #tpu.memory_space<vmem>> -> memref<1x512xi32, #tpu.memory_space<vmem>>
            %dma_wait3A_270 = tpu.memref_squeeze %dma_wait3A_269 : memref<1x512xi32, #tpu.memory_space<vmem>> -> memref<512xi32, #tpu.memory_space<vmem>>
            %dma_wait3A_271 = arith.constant 0 : i32
            %dma_wait3A_272 = tpu.memref_slice %arg3[%add3A_234, %dma_wait3A_271] : memref<6272x512xi32, #tpu.memory_space<hbm>> -> memref<1x512xi32, #tpu.memory_space<hbm>>
            %dma_wait3A_273 = tpu.memref_squeeze %dma_wait3A_272 : memref<1x512xi32, #tpu.memory_space<hbm>> -> memref<512xi32, #tpu.memory_space<hbm>>
            tpu.wait_dma2 semaphore(%run_scoped3A_249 : memref<!tpu.dma_semaphore, #tpu.memory_space<semaphore_mem>>) src(%dma_wait3A_273 : memref<512xi32, #tpu.memory_space<hbm>>) dst(%dma_wait3A_270 : memref<512xi32, #tpu.memory_space<vmem>>)
            tpu.yield
          }) : () -> ()
          %dma_start3A_237 = arith.constant 1 : i32
          %dma_start3A_238 = arith.constant 1 : i32
          %dma_start3A_239 = arith.constant 0 : i32
          %dma_start3A_240 = arith.constant 0 : i32
          %dma_start3A_241 = tpu.memref_slice %arg13[%dma_start3A_238, %dma_start3A_239, %dma_start3A_240] : memref<2x512x16xf32, #tpu.memory_space<vmem>> -> memref<1x512x16xf32, #tpu.memory_space<vmem>>
          %dma_start3A_242 = tpu.memref_squeeze %dma_start3A_241 : memref<1x512x16xf32, #tpu.memory_space<vmem>> -> memref<512x16xf32, #tpu.memory_space<vmem>>
          %dma_start3A_243 = arith.constant 0 : i32
          %dma_start3A_244 = tpu.memref_slice %arg11[%dma_start3A_237, %dma_start3A_243] : memref<2x512xi32, #tpu.memory_space<vmem>> -> memref<1x512xi32, #tpu.memory_space<vmem>>
          %dma_start3A_245 = tpu.memref_squeeze %dma_start3A_244 : memref<1x512xi32, #tpu.memory_space<vmem>> -> memref<512xi32, #tpu.memory_space<vmem>>
          %dma_start3A_246 = arith.constant 0 : i32
          %dma_start3A_247 = arith.constant 0 : i32
          %dma_start3A_248 = tpu.memref_slice %arg6[%dma_start3A_246, %dma_start3A_247] : memref<100000x16xf32, #tpu.memory_space<hbm>> -> memref<100000x16xf32, #tpu.memory_space<hbm>>
          tpu.enqueue_indirect_dma source(%dma_start3A_248 : memref<100000x16xf32, #tpu.memory_space<hbm>>) target(%dma_start3A_242 : memref<512x16xf32, #tpu.memory_space<vmem>>) offsets(%dma_start3A_245 : memref<512xi32, #tpu.memory_space<vmem>>) semaphore(%arg15 : memref<!tpu.dma_semaphore, #tpu.memory_space<semaphore_mem>>)
        } else {
        }
      }
      %scan3A_45 = arith.constant 196 : i32
      %dma_wait3A = arith.constant 0 : i32
      %dma_wait3A_46 = arith.constant 0 : i32
      %dma_wait3A_47 = arith.constant 0 : i32
      %dma_wait3A_48 = arith.constant 0 : i32
      %dma_wait3A_49 = tpu.memref_slice %arg13[%dma_wait3A, %dma_wait3A_47, %dma_wait3A_48] : memref<2x512x16xf32, #tpu.memory_space<vmem>> -> memref<1x512x16xf32, #tpu.memory_space<vmem>>
      %dma_wait3A_50 = tpu.memref_squeeze %dma_wait3A_49 : memref<1x512x16xf32, #tpu.memory_space<vmem>> -> memref<512x16xf32, #tpu.memory_space<vmem>>
      %dma_wait3A_51 = arith.constant 0 : i32
      %dma_wait3A_52 = tpu.memref_slice %arg12[%dma_wait3A_46, %dma_wait3A_51] : memref<2x512xi32, #tpu.memory_space<vmem>> -> memref<1x512xi32, #tpu.memory_space<vmem>>
      %dma_wait3A_53 = tpu.memref_squeeze %dma_wait3A_52 : memref<1x512xi32, #tpu.memory_space<vmem>> -> memref<512xi32, #tpu.memory_space<vmem>>
      %dma_wait3A_54 = arith.constant 0 : i32
      %dma_wait3A_55 = arith.constant 0 : i32
      %dma_wait3A_56 = tpu.memref_slice %arg10[%dma_wait3A_54, %dma_wait3A_55] : memref<100224x16xf32, #tpu.memory_space<vmem_shared>> -> memref<100224x16xf32, #tpu.memory_space<vmem_shared>>
      tpu.wait_indirect_dma semaphore(%arg16 : memref<!tpu.dma_semaphore, #tpu.memory_space<semaphore_mem>>) src(%dma_wait3A_50 : memref<512x16xf32, #tpu.memory_space<vmem>>) dst(%dma_wait3A_56 : memref<100224x16xf32, #tpu.memory_space<vmem_shared>>)
      %dma_wait3A_57 = arith.constant 1 : i32
      %dma_wait3A_58 = arith.constant 1 : i32
      %dma_wait3A_59 = arith.constant 0 : i32
      %dma_wait3A_60 = arith.constant 0 : i32
      %dma_wait3A_61 = tpu.memref_slice %arg13[%dma_wait3A_57, %dma_wait3A_59, %dma_wait3A_60] : memref<2x512x16xf32, #tpu.memory_space<vmem>> -> memref<1x512x16xf32, #tpu.memory_space<vmem>>
      %dma_wait3A_62 = tpu.memref_squeeze %dma_wait3A_61 : memref<1x512x16xf32, #tpu.memory_space<vmem>> -> memref<512x16xf32, #tpu.memory_space<vmem>>
      %dma_wait3A_63 = arith.constant 0 : i32
      %dma_wait3A_64 = tpu.memref_slice %arg12[%dma_wait3A_58, %dma_wait3A_63] : memref<2x512xi32, #tpu.memory_space<vmem>> -> memref<1x512xi32, #tpu.memory_space<vmem>>
      %dma_wait3A_65 = tpu.memref_squeeze %dma_wait3A_64 : memref<1x512xi32, #tpu.memory_space<vmem>> -> memref<512xi32, #tpu.memory_space<vmem>>
      %dma_wait3A_66 = arith.constant 0 : i32
      %dma_wait3A_67 = arith.constant 0 : i32
      %dma_wait3A_68 = tpu.memref_slice %arg10[%dma_wait3A_66, %dma_wait3A_67] : memref<100224x16xf32, #tpu.memory_space<vmem_shared>> -> memref<100224x16xf32, #tpu.memory_space<vmem_shared>>
      tpu.wait_indirect_dma semaphore(%arg17 : memref<!tpu.dma_semaphore, #tpu.memory_space<semaphore_mem>>) src(%dma_wait3A_62 : memref<512x16xf32, #tpu.memory_space<vmem>>) dst(%dma_wait3A_68 : memref<100224x16xf32, #tpu.memory_space<vmem_shared>>)
      %barrier3A_69 = arith.constant 0 : index
      tpu.barrier barrier_id(%barrier3A_69)
      %mul3A_70 = arith.constant 6264 : i32
      %mul3A_71 = arith.muli %arg1, %mul3A_70 : i32
      %mul3A_72 = arith.constant 6264 : i32
      %mul3A_73 = arith.muli %arg1, %mul3A_72 : i32
      %add3A_74 = arith.constant 200448 : i32
      %add3A_75 = arith.addi %add3A_74, %mul3A_73 : i32
      "tpu.region"() ({
        %run_scoped3A_152 = tpu.sem_alloc : memref<!tpu.dma_semaphore, #tpu.memory_space<semaphore_mem>>
        %dma_start3A_153 = arith.constant 0 : i32
        %dma_start3A_154 = tpu.memref_slice %arg9[%add3A_75, %dma_start3A_153] : memref<400896x16xf32, #tpu.memory_space<hbm>> -> memref<6264x16xf32, #tpu.memory_space<hbm>>
        %dma_start3A_155 = arith.constant 0 : i32
        %dma_start3A_156 = tpu.memref_slice %arg10[%mul3A_71, %dma_start3A_155] : memref<100224x16xf32, #tpu.memory_space<vmem_shared>> -> memref<6264x16xf32, #tpu.memory_space<vmem_shared>>
        tpu.enqueue_dma source(%dma_start3A_156 : memref<6264x16xf32, #tpu.memory_space<vmem_shared>>) target(%dma_start3A_154 : memref<6264x16xf32, #tpu.memory_space<hbm>>) target_semaphore(%run_scoped3A_152 : memref<!tpu.dma_semaphore, #tpu.memory_space<semaphore_mem>>)
        %dma_wait3A_157 = arith.constant 0 : i32
        %dma_wait3A_158 = tpu.memref_slice %arg9[%add3A_75, %dma_wait3A_157] : memref<400896x16xf32, #tpu.memory_space<hbm>> -> memref<6264x16xf32, #tpu.memory_space<hbm>>
        %dma_wait3A_159 = arith.constant 0 : i32
        %dma_wait3A_160 = tpu.memref_slice %arg10[%mul3A_71, %dma_wait3A_159] : memref<100224x16xf32, #tpu.memory_space<vmem_shared>> -> memref<6264x16xf32, #tpu.memory_space<vmem_shared>>
        tpu.wait_dma2 semaphore(%run_scoped3A_152 : memref<!tpu.dma_semaphore, #tpu.memory_space<semaphore_mem>>) src(%dma_wait3A_160 : memref<6264x16xf32, #tpu.memory_space<vmem_shared>>) dst(%dma_wait3A_158 : memref<6264x16xf32, #tpu.memory_space<hbm>>)
        tpu.yield
      }) : () -> ()
      %barrier3A_76 = arith.constant 0 : index
      tpu.barrier barrier_id(%barrier3A_76)
      %mul3A_77 = arith.constant 6264 : i32
      %mul3A_78 = arith.muli %arg1, %mul3A_77 : i32
      %mul3A_79 = arith.constant 6264 : i32
      %mul3A_80 = arith.muli %arg1, %mul3A_79 : i32
      "tpu.region"() ({
        %run_scoped3A_152 = tpu.sem_alloc : memref<!tpu.dma_semaphore, #tpu.memory_space<semaphore_mem>>
        %dma_start3A_153 = arith.constant 0 : i32
        %dma_start3A_154 = tpu.memref_slice %arg10[%mul3A_80, %dma_start3A_153] : memref<100224x16xf32, #tpu.memory_space<vmem_shared>> -> memref<6264x16xf32, #tpu.memory_space<vmem_shared>>
        %dma_start3A_155 = arith.constant 0 : i32
        %dma_start3A_156 = tpu.memref_slice %arg8[%mul3A_78, %dma_start3A_155] : memref<100224x16xf32, #tpu.memory_space<hbm>> -> memref<6264x16xf32, #tpu.memory_space<hbm>>
        tpu.enqueue_dma source(%dma_start3A_156 : memref<6264x16xf32, #tpu.memory_space<hbm>>) target(%dma_start3A_154 : memref<6264x16xf32, #tpu.memory_space<vmem_shared>>) target_semaphore(%run_scoped3A_152 : memref<!tpu.dma_semaphore, #tpu.memory_space<semaphore_mem>>)
        %dma_wait3A_157 = arith.constant 0 : i32
        %dma_wait3A_158 = tpu.memref_slice %arg10[%mul3A_80, %dma_wait3A_157] : memref<100224x16xf32, #tpu.memory_space<vmem_shared>> -> memref<6264x16xf32, #tpu.memory_space<vmem_shared>>
        %dma_wait3A_159 = arith.constant 0 : i32
        %dma_wait3A_160 = tpu.memref_slice %arg8[%mul3A_78, %dma_wait3A_159] : memref<100224x16xf32, #tpu.memory_space<hbm>> -> memref<6264x16xf32, #tpu.memory_space<hbm>>
        tpu.wait_dma2 semaphore(%run_scoped3A_152 : memref<!tpu.dma_semaphore, #tpu.memory_space<semaphore_mem>>) src(%dma_wait3A_160 : memref<6264x16xf32, #tpu.memory_space<hbm>>) dst(%dma_wait3A_158 : memref<6264x16xf32, #tpu.memory_space<vmem_shared>>)
        tpu.yield
      }) : () -> ()
      %barrier3A_81 = arith.constant 0 : index
      tpu.barrier barrier_id(%barrier3A_81)
      %add3A_82 = arith.constant 0 : i32
      %add3A_83 = arith.addi %mul3A_0, %add3A_82 : i32
      %run_scoped3A_84 = arith.constant 0 : i32
      "tpu.region"() ({
        %run_scoped3A_152 = tpu.sem_alloc : memref<!tpu.dma_semaphore, #tpu.memory_space<semaphore_mem>>
        %dma_start3A_153 = arith.constant 0 : i32
        %dma_start3A_154 = tpu.memref_slice %arg11[%run_scoped3A_84, %dma_start3A_153] : memref<2x512xi32, #tpu.memory_space<vmem>> -> memref<1x512xi32, #tpu.memory_space<vmem>>
        %dma_start3A_155 = tpu.memref_squeeze %dma_start3A_154 : memref<1x512xi32, #tpu.memory_space<vmem>> -> memref<512xi32, #tpu.memory_space<vmem>>
        %dma_start3A_156 = arith.constant 0 : i32
        %dma_start3A_157 = tpu.memref_slice %arg2[%add3A_83, %dma_start3A_156] : memref<6272x512xi32, #tpu.memory_space<hbm>> -> memref<1x512xi32, #tpu.memory_space<hbm>>
        %dma_start3A_158 = tpu.memref_squeeze %dma_start3A_157 : memref<1x512xi32, #tpu.memory_space<hbm>> -> memref<512xi32, #tpu.memory_space<hbm>>
        %dma_start3A_159 = arith.constant 0 : i32
        %dma_start3A_160 = tpu.memref_slice %arg11[%run_scoped3A_84, %dma_start3A_159] : memref<2x512xi32, #tpu.memory_space<vmem>> -> memref<1x512xi32, #tpu.memory_space<vmem>>
        %dma_start3A_161 = tpu.memref_squeeze %dma_start3A_160 : memref<1x512xi32, #tpu.memory_space<vmem>> -> memref<512xi32, #tpu.memory_space<vmem>>
        %dma_start3A_162 = arith.constant 0 : i32
        %dma_start3A_163 = tpu.memref_slice %arg2[%add3A_83, %dma_start3A_162] : memref<6272x512xi32, #tpu.memory_space<hbm>> -> memref<1x512xi32, #tpu.memory_space<hbm>>
        %dma_start3A_164 = tpu.memref_squeeze %dma_start3A_163 : memref<1x512xi32, #tpu.memory_space<hbm>> -> memref<512xi32, #tpu.memory_space<hbm>>
        tpu.enqueue_dma source(%dma_start3A_164 : memref<512xi32, #tpu.memory_space<hbm>>) target(%dma_start3A_161 : memref<512xi32, #tpu.memory_space<vmem>>) target_semaphore(%run_scoped3A_152 : memref<!tpu.dma_semaphore, #tpu.memory_space<semaphore_mem>>)
        %dma_wait3A_165 = arith.constant 0 : i32
        %dma_wait3A_166 = tpu.memref_slice %arg11[%run_scoped3A_84, %dma_wait3A_165] : memref<2x512xi32, #tpu.memory_space<vmem>> -> memref<1x512xi32, #tpu.memory_space<vmem>>
        %dma_wait3A_167 = tpu.memref_squeeze %dma_wait3A_166 : memref<1x512xi32, #tpu.memory_space<vmem>> -> memref<512xi32, #tpu.memory_space<vmem>>
        %dma_wait3A_168 = arith.constant 0 : i32
        %dma_wait3A_169 = tpu.memref_slice %arg2[%add3A_83, %dma_wait3A_168] : memref<6272x512xi32, #tpu.memory_space<hbm>> -> memref<1x512xi32, #tpu.memory_space<hbm>>
        %dma_wait3A_170 = tpu.memref_squeeze %dma_wait3A_169 : memref<1x512xi32, #tpu.memory_space<hbm>> -> memref<512xi32, #tpu.memory_space<hbm>>
        %dma_wait3A_171 = arith.constant 0 : i32
        %dma_wait3A_172 = tpu.memref_slice %arg11[%run_scoped3A_84, %dma_wait3A_171] : memref<2x512xi32, #tpu.memory_space<vmem>> -> memref<1x512xi32, #tpu.memory_space<vmem>>
        %dma_wait3A_173 = tpu.memref_squeeze %dma_wait3A_172 : memref<1x512xi32, #tpu.memory_space<vmem>> -> memref<512xi32, #tpu.memory_space<vmem>>
        %dma_wait3A_174 = arith.constant 0 : i32
        %dma_wait3A_175 = tpu.memref_slice %arg2[%add3A_83, %dma_wait3A_174] : memref<6272x512xi32, #tpu.memory_space<hbm>> -> memref<1x512xi32, #tpu.memory_space<hbm>>
        %dma_wait3A_176 = tpu.memref_squeeze %dma_wait3A_175 : memref<1x512xi32, #tpu.memory_space<hbm>> -> memref<512xi32, #tpu.memory_space<hbm>>
        tpu.wait_dma2 semaphore(%run_scoped3A_152 : memref<!tpu.dma_semaphore, #tpu.memory_space<semaphore_mem>>) src(%dma_wait3A_176 : memref<512xi32, #tpu.memory_space<hbm>>) dst(%dma_wait3A_173 : memref<512xi32, #tpu.memory_space<vmem>>)
        tpu.yield
      }) : () -> ()
      %run_scoped3A_85 = arith.constant 0 : i32
      "tpu.region"() ({
        %run_scoped3A_152 = tpu.sem_alloc : memref<!tpu.dma_semaphore, #tpu.memory_space<semaphore_mem>>
        %dma_start3A_153 = arith.constant 0 : i32
        %dma_start3A_154 = tpu.memref_slice %arg12[%run_scoped3A_85, %dma_start3A_153] : memref<2x512xi32, #tpu.memory_space<vmem>> -> memref<1x512xi32, #tpu.memory_space<vmem>>
        %dma_start3A_155 = tpu.memref_squeeze %dma_start3A_154 : memref<1x512xi32, #tpu.memory_space<vmem>> -> memref<512xi32, #tpu.memory_space<vmem>>
        %dma_start3A_156 = arith.constant 0 : i32
        %dma_start3A_157 = tpu.memref_slice %arg3[%add3A_83, %dma_start3A_156] : memref<6272x512xi32, #tpu.memory_space<hbm>> -> memref<1x512xi32, #tpu.memory_space<hbm>>
        %dma_start3A_158 = tpu.memref_squeeze %dma_start3A_157 : memref<1x512xi32, #tpu.memory_space<hbm>> -> memref<512xi32, #tpu.memory_space<hbm>>
        %dma_start3A_159 = arith.constant 0 : i32
        %dma_start3A_160 = tpu.memref_slice %arg12[%run_scoped3A_85, %dma_start3A_159] : memref<2x512xi32, #tpu.memory_space<vmem>> -> memref<1x512xi32, #tpu.memory_space<vmem>>
        %dma_start3A_161 = tpu.memref_squeeze %dma_start3A_160 : memref<1x512xi32, #tpu.memory_space<vmem>> -> memref<512xi32, #tpu.memory_space<vmem>>
        %dma_start3A_162 = arith.constant 0 : i32
        %dma_start3A_163 = tpu.memref_slice %arg3[%add3A_83, %dma_start3A_162] : memref<6272x512xi32, #tpu.memory_space<hbm>> -> memref<1x512xi32, #tpu.memory_space<hbm>>
        %dma_start3A_164 = tpu.memref_squeeze %dma_start3A_163 : memref<1x512xi32, #tpu.memory_space<hbm>> -> memref<512xi32, #tpu.memory_space<hbm>>
        tpu.enqueue_dma source(%dma_start3A_164 : memref<512xi32, #tpu.memory_space<hbm>>) target(%dma_start3A_161 : memref<512xi32, #tpu.memory_space<vmem>>) target_semaphore(%run_scoped3A_152 : memref<!tpu.dma_semaphore, #tpu.memory_space<semaphore_mem>>)
        %dma_wait3A_165 = arith.constant 0 : i32
        %dma_wait3A_166 = tpu.memref_slice %arg12[%run_scoped3A_85, %dma_wait3A_165] : memref<2x512xi32, #tpu.memory_space<vmem>> -> memref<1x512xi32, #tpu.memory_space<vmem>>
        %dma_wait3A_167 = tpu.memref_squeeze %dma_wait3A_166 : memref<1x512xi32, #tpu.memory_space<vmem>> -> memref<512xi32, #tpu.memory_space<vmem>>
        %dma_wait3A_168 = arith.constant 0 : i32
        %dma_wait3A_169 = tpu.memref_slice %arg3[%add3A_83, %dma_wait3A_168] : memref<6272x512xi32, #tpu.memory_space<hbm>> -> memref<1x512xi32, #tpu.memory_space<hbm>>
        %dma_wait3A_170 = tpu.memref_squeeze %dma_wait3A_169 : memref<1x512xi32, #tpu.memory_space<hbm>> -> memref<512xi32, #tpu.memory_space<hbm>>
        %dma_wait3A_171 = arith.constant 0 : i32
        %dma_wait3A_172 = tpu.memref_slice %arg12[%run_scoped3A_85, %dma_wait3A_171] : memref<2x512xi32, #tpu.memory_space<vmem>> -> memref<1x512xi32, #tpu.memory_space<vmem>>
        %dma_wait3A_173 = tpu.memref_squeeze %dma_wait3A_172 : memref<1x512xi32, #tpu.memory_space<vmem>> -> memref<512xi32, #tpu.memory_space<vmem>>
        %dma_wait3A_174 = arith.constant 0 : i32
        %dma_wait3A_175 = tpu.memref_slice %arg3[%add3A_83, %dma_wait3A_174] : memref<6272x512xi32, #tpu.memory_space<hbm>> -> memref<1x512xi32, #tpu.memory_space<hbm>>
        %dma_wait3A_176 = tpu.memref_squeeze %dma_wait3A_175 : memref<1x512xi32, #tpu.memory_space<hbm>> -> memref<512xi32, #tpu.memory_space<hbm>>
        tpu.wait_dma2 semaphore(%run_scoped3A_152 : memref<!tpu.dma_semaphore, #tpu.memory_space<semaphore_mem>>) src(%dma_wait3A_176 : memref<512xi32, #tpu.memory_space<hbm>>) dst(%dma_wait3A_173 : memref<512xi32, #tpu.memory_space<vmem>>)
        tpu.yield
      }) : () -> ()
      %dma_start3A_86 = arith.constant 0 : i32
      %dma_start3A_87 = arith.constant 0 : i32
      %dma_start3A_88 = arith.constant 0 : i32
      %dma_start3A_89 = arith.constant 0 : i32
      %dma_start3A_90 = tpu.memref_slice %arg13[%dma_start3A_87, %dma_start3A_88, %dma_start3A_89] : memref<2x512x16xf32, #tpu.memory_space<vmem>> -> memref<1x512x16xf32, #tpu.memory_space<vmem>>
      %dma_start3A_91 = tpu.memref_squeeze %dma_start3A_90 : memref<1x512x16xf32, #tpu.memory_space<vmem>> -> memref<512x16xf32, #tpu.memory_space<vmem>>
      %dma_start3A_92 = arith.constant 0 : i32
      %dma_start3A_93 = tpu.memref_slice %arg11[%dma_start3A_86, %dma_start3A_92] : memref<2x512xi32, #tpu.memory_space<vmem>> -> memref<1x512xi32, #tpu.memory_space<vmem>>
      %dma_start3A_94 = tpu.memref_squeeze %dma_start3A_93 : memref<1x512xi32, #tpu.memory_space<vmem>> -> memref<512xi32, #tpu.memory_space<vmem>>
      %dma_start3A_95 = arith.constant 0 : i32
      %dma_start3A_96 = arith.constant 0 : i32
      %dma_start3A_97 = tpu.memref_slice %arg7[%dma_start3A_95, %dma_start3A_96] : memref<100000x16xf32, #tpu.memory_space<hbm>> -> memref<100000x16xf32, #tpu.memory_space<hbm>>
      tpu.enqueue_indirect_dma source(%dma_start3A_97 : memref<100000x16xf32, #tpu.memory_space<hbm>>) target(%dma_start3A_91 : memref<512x16xf32, #tpu.memory_space<vmem>>) offsets(%dma_start3A_94 : memref<512xi32, #tpu.memory_space<vmem>>) semaphore(%arg14 : memref<!tpu.dma_semaphore, #tpu.memory_space<semaphore_mem>>)
      %add3A_98 = arith.constant 1 : i32
      %add3A_99 = arith.addi %mul3A_0, %add3A_98 : i32
      %run_scoped3A_100 = arith.constant 1 : i32
      "tpu.region"() ({
        %run_scoped3A_152 = tpu.sem_alloc : memref<!tpu.dma_semaphore, #tpu.memory_space<semaphore_mem>>
        %dma_start3A_153 = arith.constant 0 : i32
        %dma_start3A_154 = tpu.memref_slice %arg11[%run_scoped3A_100, %dma_start3A_153] : memref<2x512xi32, #tpu.memory_space<vmem>> -> memref<1x512xi32, #tpu.memory_space<vmem>>
        %dma_start3A_155 = tpu.memref_squeeze %dma_start3A_154 : memref<1x512xi32, #tpu.memory_space<vmem>> -> memref<512xi32, #tpu.memory_space<vmem>>
        %dma_start3A_156 = arith.constant 0 : i32
        %dma_start3A_157 = tpu.memref_slice %arg2[%add3A_99, %dma_start3A_156] : memref<6272x512xi32, #tpu.memory_space<hbm>> -> memref<1x512xi32, #tpu.memory_space<hbm>>
        %dma_start3A_158 = tpu.memref_squeeze %dma_start3A_157 : memref<1x512xi32, #tpu.memory_space<hbm>> -> memref<512xi32, #tpu.memory_space<hbm>>
        %dma_start3A_159 = arith.constant 0 : i32
        %dma_start3A_160 = tpu.memref_slice %arg11[%run_scoped3A_100, %dma_start3A_159] : memref<2x512xi32, #tpu.memory_space<vmem>> -> memref<1x512xi32, #tpu.memory_space<vmem>>
        %dma_start3A_161 = tpu.memref_squeeze %dma_start3A_160 : memref<1x512xi32, #tpu.memory_space<vmem>> -> memref<512xi32, #tpu.memory_space<vmem>>
        %dma_start3A_162 = arith.constant 0 : i32
        %dma_start3A_163 = tpu.memref_slice %arg2[%add3A_99, %dma_start3A_162] : memref<6272x512xi32, #tpu.memory_space<hbm>> -> memref<1x512xi32, #tpu.memory_space<hbm>>
        %dma_start3A_164 = tpu.memref_squeeze %dma_start3A_163 : memref<1x512xi32, #tpu.memory_space<hbm>> -> memref<512xi32, #tpu.memory_space<hbm>>
        tpu.enqueue_dma source(%dma_start3A_164 : memref<512xi32, #tpu.memory_space<hbm>>) target(%dma_start3A_161 : memref<512xi32, #tpu.memory_space<vmem>>) target_semaphore(%run_scoped3A_152 : memref<!tpu.dma_semaphore, #tpu.memory_space<semaphore_mem>>)
        %dma_wait3A_165 = arith.constant 0 : i32
        %dma_wait3A_166 = tpu.memref_slice %arg11[%run_scoped3A_100, %dma_wait3A_165] : memref<2x512xi32, #tpu.memory_space<vmem>> -> memref<1x512xi32, #tpu.memory_space<vmem>>
        %dma_wait3A_167 = tpu.memref_squeeze %dma_wait3A_166 : memref<1x512xi32, #tpu.memory_space<vmem>> -> memref<512xi32, #tpu.memory_space<vmem>>
        %dma_wait3A_168 = arith.constant 0 : i32
        %dma_wait3A_169 = tpu.memref_slice %arg2[%add3A_99, %dma_wait3A_168] : memref<6272x512xi32, #tpu.memory_space<hbm>> -> memref<1x512xi32, #tpu.memory_space<hbm>>
        %dma_wait3A_170 = tpu.memref_squeeze %dma_wait3A_169 : memref<1x512xi32, #tpu.memory_space<hbm>> -> memref<512xi32, #tpu.memory_space<hbm>>
        %dma_wait3A_171 = arith.constant 0 : i32
        %dma_wait3A_172 = tpu.memref_slice %arg11[%run_scoped3A_100, %dma_wait3A_171] : memref<2x512xi32, #tpu.memory_space<vmem>> -> memref<1x512xi32, #tpu.memory_space<vmem>>
        %dma_wait3A_173 = tpu.memref_squeeze %dma_wait3A_172 : memref<1x512xi32, #tpu.memory_space<vmem>> -> memref<512xi32, #tpu.memory_space<vmem>>
        %dma_wait3A_174 = arith.constant 0 : i32
        %dma_wait3A_175 = tpu.memref_slice %arg2[%add3A_99, %dma_wait3A_174] : memref<6272x512xi32, #tpu.memory_space<hbm>> -> memref<1x512xi32, #tpu.memory_space<hbm>>
        %dma_wait3A_176 = tpu.memref_squeeze %dma_wait3A_175 : memref<1x512xi32, #tpu.memory_space<hbm>> -> memref<512xi32, #tpu.memory_space<hbm>>
        tpu.wait_dma2 semaphore(%run_scoped3A_152 : memref<!tpu.dma_semaphore, #tpu.memory_space<semaphore_mem>>) src(%dma_wait3A_176 : memref<512xi32, #tpu.memory_space<hbm>>) dst(%dma_wait3A_173 : memref<512xi32, #tpu.memory_space<vmem>>)
        tpu.yield
      }) : () -> ()
      %run_scoped3A_101 = arith.constant 1 : i32
      "tpu.region"() ({
        %run_scoped3A_152 = tpu.sem_alloc : memref<!tpu.dma_semaphore, #tpu.memory_space<semaphore_mem>>
        %dma_start3A_153 = arith.constant 0 : i32
        %dma_start3A_154 = tpu.memref_slice %arg12[%run_scoped3A_101, %dma_start3A_153] : memref<2x512xi32, #tpu.memory_space<vmem>> -> memref<1x512xi32, #tpu.memory_space<vmem>>
        %dma_start3A_155 = tpu.memref_squeeze %dma_start3A_154 : memref<1x512xi32, #tpu.memory_space<vmem>> -> memref<512xi32, #tpu.memory_space<vmem>>
        %dma_start3A_156 = arith.constant 0 : i32
        %dma_start3A_157 = tpu.memref_slice %arg3[%add3A_99, %dma_start3A_156] : memref<6272x512xi32, #tpu.memory_space<hbm>> -> memref<1x512xi32, #tpu.memory_space<hbm>>
        %dma_start3A_158 = tpu.memref_squeeze %dma_start3A_157 : memref<1x512xi32, #tpu.memory_space<hbm>> -> memref<512xi32, #tpu.memory_space<hbm>>
        %dma_start3A_159 = arith.constant 0 : i32
        %dma_start3A_160 = tpu.memref_slice %arg12[%run_scoped3A_101, %dma_start3A_159] : memref<2x512xi32, #tpu.memory_space<vmem>> -> memref<1x512xi32, #tpu.memory_space<vmem>>
        %dma_start3A_161 = tpu.memref_squeeze %dma_start3A_160 : memref<1x512xi32, #tpu.memory_space<vmem>> -> memref<512xi32, #tpu.memory_space<vmem>>
        %dma_start3A_162 = arith.constant 0 : i32
        %dma_start3A_163 = tpu.memref_slice %arg3[%add3A_99, %dma_start3A_162] : memref<6272x512xi32, #tpu.memory_space<hbm>> -> memref<1x512xi32, #tpu.memory_space<hbm>>
        %dma_start3A_164 = tpu.memref_squeeze %dma_start3A_163 : memref<1x512xi32, #tpu.memory_space<hbm>> -> memref<512xi32, #tpu.memory_space<hbm>>
        tpu.enqueue_dma source(%dma_start3A_164 : memref<512xi32, #tpu.memory_space<hbm>>) target(%dma_start3A_161 : memref<512xi32, #tpu.memory_space<vmem>>) target_semaphore(%run_scoped3A_152 : memref<!tpu.dma_semaphore, #tpu.memory_space<semaphore_mem>>)
        %dma_wait3A_165 = arith.constant 0 : i32
        %dma_wait3A_166 = tpu.memref_slice %arg12[%run_scoped3A_101, %dma_wait3A_165] : memref<2x512xi32, #tpu.memory_space<vmem>> -> memref<1x512xi32, #tpu.memory_space<vmem>>
        %dma_wait3A_167 = tpu.memref_squeeze %dma_wait3A_166 : memref<1x512xi32, #tpu.memory_space<vmem>> -> memref<512xi32, #tpu.memory_space<vmem>>
        %dma_wait3A_168 = arith.constant 0 : i32
        %dma_wait3A_169 = tpu.memref_slice %arg3[%add3A_99, %dma_wait3A_168] : memref<6272x512xi32, #tpu.memory_space<hbm>> -> memref<1x512xi32, #tpu.memory_space<hbm>>
        %dma_wait3A_170 = tpu.memref_squeeze %dma_wait3A_169 : memref<1x512xi32, #tpu.memory_space<hbm>> -> memref<512xi32, #tpu.memory_space<hbm>>
        %dma_wait3A_171 = arith.constant 0 : i32
        %dma_wait3A_172 = tpu.memref_slice %arg12[%run_scoped3A_101, %dma_wait3A_171] : memref<2x512xi32, #tpu.memory_space<vmem>> -> memref<1x512xi32, #tpu.memory_space<vmem>>
        %dma_wait3A_173 = tpu.memref_squeeze %dma_wait3A_172 : memref<1x512xi32, #tpu.memory_space<vmem>> -> memref<512xi32, #tpu.memory_space<vmem>>
        %dma_wait3A_174 = arith.constant 0 : i32
        %dma_wait3A_175 = tpu.memref_slice %arg3[%add3A_99, %dma_wait3A_174] : memref<6272x512xi32, #tpu.memory_space<hbm>> -> memref<1x512xi32, #tpu.memory_space<hbm>>
        %dma_wait3A_176 = tpu.memref_squeeze %dma_wait3A_175 : memref<1x512xi32, #tpu.memory_space<hbm>> -> memref<512xi32, #tpu.memory_space<hbm>>
        tpu.wait_dma2 semaphore(%run_scoped3A_152 : memref<!tpu.dma_semaphore, #tpu.memory_space<semaphore_mem>>) src(%dma_wait3A_176 : memref<512xi32, #tpu.memory_space<hbm>>) dst(%dma_wait3A_173 : memref<512xi32, #tpu.memory_space<vmem>>)
        tpu.yield
      }) : () -> ()
      %dma_start3A_102 = arith.constant 1 : i32
      %dma_start3A_103 = arith.constant 1 : i32
      %dma_start3A_104 = arith.constant 0 : i32
      %dma_start3A_105 = arith.constant 0 : i32
      %dma_start3A_106 = tpu.memref_slice %arg13[%dma_start3A_103, %dma_start3A_104, %dma_start3A_105] : memref<2x512x16xf32, #tpu.memory_space<vmem>> -> memref<1x512x16xf32, #tpu.memory_space<vmem>>
      %dma_start3A_107 = tpu.memref_squeeze %dma_start3A_106 : memref<1x512x16xf32, #tpu.memory_space<vmem>> -> memref<512x16xf32, #tpu.memory_space<vmem>>
      %dma_start3A_108 = arith.constant 0 : i32
      %dma_start3A_109 = tpu.memref_slice %arg11[%dma_start3A_102, %dma_start3A_108] : memref<2x512xi32, #tpu.memory_space<vmem>> -> memref<1x512xi32, #tpu.memory_space<vmem>>
      %dma_start3A_110 = tpu.memref_squeeze %dma_start3A_109 : memref<1x512xi32, #tpu.memory_space<vmem>> -> memref<512xi32, #tpu.memory_space<vmem>>
      %dma_start3A_111 = arith.constant 0 : i32
      %dma_start3A_112 = arith.constant 0 : i32
      %dma_start3A_113 = tpu.memref_slice %arg7[%dma_start3A_111, %dma_start3A_112] : memref<100000x16xf32, #tpu.memory_space<hbm>> -> memref<100000x16xf32, #tpu.memory_space<hbm>>
      tpu.enqueue_indirect_dma source(%dma_start3A_113 : memref<100000x16xf32, #tpu.memory_space<hbm>>) target(%dma_start3A_107 : memref<512x16xf32, #tpu.memory_space<vmem>>) offsets(%dma_start3A_110 : memref<512xi32, #tpu.memory_space<vmem>>) semaphore(%arg15 : memref<!tpu.dma_semaphore, #tpu.memory_space<semaphore_mem>>)
      %scan3A_114 = arith.constant 0 : i32
      %scan3A_115 = arith.constant 0 : i32
      %scan3A_116 = arith.constant 196 : i32
      %scan3A_117 = arith.addi %scan3A_115, %scan3A_116 : i32
      %scan3A_118 = arith.constant 1 : i32
      scf.for %scan3A_152 = %scan3A_115 to %scan3A_117 step %scan3A_118  : i32 {
        %mul3A_153 = arith.constant 2 : i32
        %mul3A_154 = arith.muli %scan3A_152, %mul3A_153 : i32
        %add3A_155 = arith.constant 0 : i32
        %add3A_156 = arith.addi %mul3A_154, %add3A_155 : i32
        %dma_wait3A_157 = arith.constant 0 : i32
        %dma_wait3A_158 = arith.constant 0 : i32
        %dma_wait3A_159 = arith.constant 0 : i32
        %dma_wait3A_160 = arith.constant 0 : i32
        %dma_wait3A_161 = tpu.memref_slice %arg13[%dma_wait3A_158, %dma_wait3A_159, %dma_wait3A_160] : memref<2x512x16xf32, #tpu.memory_space<vmem>> -> memref<1x512x16xf32, #tpu.memory_space<vmem>>
        %dma_wait3A_162 = tpu.memref_squeeze %dma_wait3A_161 : memref<1x512x16xf32, #tpu.memory_space<vmem>> -> memref<512x16xf32, #tpu.memory_space<vmem>>
        %dma_wait3A_163 = arith.constant 0 : i32
        %dma_wait3A_164 = tpu.memref_slice %arg11[%dma_wait3A_157, %dma_wait3A_163] : memref<2x512xi32, #tpu.memory_space<vmem>> -> memref<1x512xi32, #tpu.memory_space<vmem>>
        %dma_wait3A_165 = tpu.memref_squeeze %dma_wait3A_164 : memref<1x512xi32, #tpu.memory_space<vmem>> -> memref<512xi32, #tpu.memory_space<vmem>>
        %dma_wait3A_166 = arith.constant 0 : i32
        %dma_wait3A_167 = arith.constant 0 : i32
        %dma_wait3A_168 = tpu.memref_slice %arg7[%dma_wait3A_166, %dma_wait3A_167] : memref<100000x16xf32, #tpu.memory_space<hbm>> -> memref<100000x16xf32, #tpu.memory_space<hbm>>
        tpu.wait_indirect_dma semaphore(%arg14 : memref<!tpu.dma_semaphore, #tpu.memory_space<semaphore_mem>>) src(%dma_wait3A_168 : memref<100000x16xf32, #tpu.memory_space<hbm>>) dst(%dma_wait3A_162 : memref<512x16xf32, #tpu.memory_space<vmem>>)
        %dma_start3A_169 = arith.constant 0 : i32
        %dma_start3A_170 = arith.constant 0 : i32
        %dma_start3A_171 = arith.constant 0 : i32
        %dma_start3A_172 = arith.constant 0 : i32
        %dma_start3A_173 = tpu.memref_slice %arg13[%dma_start3A_169, %dma_start3A_171, %dma_start3A_172] : memref<2x512x16xf32, #tpu.memory_space<vmem>> -> memref<1x512x16xf32, #tpu.memory_space<vmem>>
        %dma_start3A_174 = tpu.memref_squeeze %dma_start3A_173 : memref<1x512x16xf32, #tpu.memory_space<vmem>> -> memref<512x16xf32, #tpu.memory_space<vmem>>
        %dma_start3A_175 = arith.constant 0 : i32
        %dma_start3A_176 = tpu.memref_slice %arg12[%dma_start3A_170, %dma_start3A_175] : memref<2x512xi32, #tpu.memory_space<vmem>> -> memref<1x512xi32, #tpu.memory_space<vmem>>
        %dma_start3A_177 = tpu.memref_squeeze %dma_start3A_176 : memref<1x512xi32, #tpu.memory_space<vmem>> -> memref<512xi32, #tpu.memory_space<vmem>>
        %dma_start3A_178 = arith.constant 0 : i32
        %dma_start3A_179 = arith.constant 0 : i32
        %dma_start3A_180 = tpu.memref_slice %arg10[%dma_start3A_178, %dma_start3A_179] : memref<100224x16xf32, #tpu.memory_space<vmem_shared>> -> memref<100224x16xf32, #tpu.memory_space<vmem_shared>>
        tpu.enqueue_indirect_dma source(%dma_start3A_174 : memref<512x16xf32, #tpu.memory_space<vmem>>) target(%dma_start3A_180 : memref<100224x16xf32, #tpu.memory_space<vmem_shared>>) offsets(%dma_start3A_177 : memref<512xi32, #tpu.memory_space<vmem>>) semaphore(%arg16 : memref<!tpu.dma_semaphore, #tpu.memory_space<semaphore_mem>>) {add = true}
        %add3A_181 = arith.constant 2 : i32
        %add3A_182 = arith.addi %add3A_156, %add3A_181 : i32
        %lt3A = arith.constant 392 : i32
        %lt3A_183 = arith.cmpi slt, %add3A_182, %lt3A : i32
        %convert_element_type3A_184 = arith.extui %lt3A_183 : i1 to i32
        %cond3A_185 = arith.constant 0 : i32
        %cond3A_186 = arith.cmpi ne, %convert_element_type3A_184, %cond3A_185 : i32
        scf.if %cond3A_186 {
          %dma_wait3A_222 = arith.constant 0 : i32
          %dma_wait3A_223 = arith.constant 0 : i32
          %dma_wait3A_224 = arith.constant 0 : i32
          %dma_wait3A_225 = arith.constant 0 : i32
          %dma_wait3A_226 = tpu.memref_slice %arg13[%dma_wait3A_222, %dma_wait3A_224, %dma_wait3A_225] : memref<2x512x16xf32, #tpu.memory_space<vmem>> -> memref<1x512x16xf32, #tpu.memory_space<vmem>>
          %dma_wait3A_227 = tpu.memref_squeeze %dma_wait3A_226 : memref<1x512x16xf32, #tpu.memory_space<vmem>> -> memref<512x16xf32, #tpu.memory_space<vmem>>
          %dma_wait3A_228 = arith.constant 0 : i32
          %dma_wait3A_229 = tpu.memref_slice %arg12[%dma_wait3A_223, %dma_wait3A_228] : memref<2x512xi32, #tpu.memory_space<vmem>> -> memref<1x512xi32, #tpu.memory_space<vmem>>
          %dma_wait3A_230 = tpu.memref_squeeze %dma_wait3A_229 : memref<1x512xi32, #tpu.memory_space<vmem>> -> memref<512xi32, #tpu.memory_space<vmem>>
          %dma_wait3A_231 = arith.constant 0 : i32
          %dma_wait3A_232 = arith.constant 0 : i32
          %dma_wait3A_233 = tpu.memref_slice %arg10[%dma_wait3A_231, %dma_wait3A_232] : memref<100224x16xf32, #tpu.memory_space<vmem_shared>> -> memref<100224x16xf32, #tpu.memory_space<vmem_shared>>
          tpu.wait_indirect_dma semaphore(%arg16 : memref<!tpu.dma_semaphore, #tpu.memory_space<semaphore_mem>>) src(%dma_wait3A_227 : memref<512x16xf32, #tpu.memory_space<vmem>>) dst(%dma_wait3A_233 : memref<100224x16xf32, #tpu.memory_space<vmem_shared>>)
          %add3A_234 = arith.addi %mul3A_0, %add3A_182 : i32
          %run_scoped3A_235 = arith.constant 0 : i32
          "tpu.region"() ({
            %run_scoped3A_249 = tpu.sem_alloc : memref<!tpu.dma_semaphore, #tpu.memory_space<semaphore_mem>>
            %dma_start3A_250 = arith.constant 0 : i32
            %dma_start3A_251 = tpu.memref_slice %arg11[%run_scoped3A_235, %dma_start3A_250] : memref<2x512xi32, #tpu.memory_space<vmem>> -> memref<1x512xi32, #tpu.memory_space<vmem>>
            %dma_start3A_252 = tpu.memref_squeeze %dma_start3A_251 : memref<1x512xi32, #tpu.memory_space<vmem>> -> memref<512xi32, #tpu.memory_space<vmem>>
            %dma_start3A_253 = arith.constant 0 : i32
            %dma_start3A_254 = tpu.memref_slice %arg2[%add3A_234, %dma_start3A_253] : memref<6272x512xi32, #tpu.memory_space<hbm>> -> memref<1x512xi32, #tpu.memory_space<hbm>>
            %dma_start3A_255 = tpu.memref_squeeze %dma_start3A_254 : memref<1x512xi32, #tpu.memory_space<hbm>> -> memref<512xi32, #tpu.memory_space<hbm>>
            %dma_start3A_256 = arith.constant 0 : i32
            %dma_start3A_257 = tpu.memref_slice %arg11[%run_scoped3A_235, %dma_start3A_256] : memref<2x512xi32, #tpu.memory_space<vmem>> -> memref<1x512xi32, #tpu.memory_space<vmem>>
            %dma_start3A_258 = tpu.memref_squeeze %dma_start3A_257 : memref<1x512xi32, #tpu.memory_space<vmem>> -> memref<512xi32, #tpu.memory_space<vmem>>
            %dma_start3A_259 = arith.constant 0 : i32
            %dma_start3A_260 = tpu.memref_slice %arg2[%add3A_234, %dma_start3A_259] : memref<6272x512xi32, #tpu.memory_space<hbm>> -> memref<1x512xi32, #tpu.memory_space<hbm>>
            %dma_start3A_261 = tpu.memref_squeeze %dma_start3A_260 : memref<1x512xi32, #tpu.memory_space<hbm>> -> memref<512xi32, #tpu.memory_space<hbm>>
            tpu.enqueue_dma source(%dma_start3A_261 : memref<512xi32, #tpu.memory_space<hbm>>) target(%dma_start3A_258 : memref<512xi32, #tpu.memory_space<vmem>>) target_semaphore(%run_scoped3A_249 : memref<!tpu.dma_semaphore, #tpu.memory_space<semaphore_mem>>)
            %dma_wait3A_262 = arith.constant 0 : i32
            %dma_wait3A_263 = tpu.memref_slice %arg11[%run_scoped3A_235, %dma_wait3A_262] : memref<2x512xi32, #tpu.memory_space<vmem>> -> memref<1x512xi32, #tpu.memory_space<vmem>>
            %dma_wait3A_264 = tpu.memref_squeeze %dma_wait3A_263 : memref<1x512xi32, #tpu.memory_space<vmem>> -> memref<512xi32, #tpu.memory_space<vmem>>
            %dma_wait3A_265 = arith.constant 0 : i32
            %dma_wait3A_266 = tpu.memref_slice %arg2[%add3A_234, %dma_wait3A_265] : memref<6272x512xi32, #tpu.memory_space<hbm>> -> memref<1x512xi32, #tpu.memory_space<hbm>>
            %dma_wait3A_267 = tpu.memref_squeeze %dma_wait3A_266 : memref<1x512xi32, #tpu.memory_space<hbm>> -> memref<512xi32, #tpu.memory_space<hbm>>
            %dma_wait3A_268 = arith.constant 0 : i32
            %dma_wait3A_269 = tpu.memref_slice %arg11[%run_scoped3A_235, %dma_wait3A_268] : memref<2x512xi32, #tpu.memory_space<vmem>> -> memref<1x512xi32, #tpu.memory_space<vmem>>
            %dma_wait3A_270 = tpu.memref_squeeze %dma_wait3A_269 : memref<1x512xi32, #tpu.memory_space<vmem>> -> memref<512xi32, #tpu.memory_space<vmem>>
            %dma_wait3A_271 = arith.constant 0 : i32
            %dma_wait3A_272 = tpu.memref_slice %arg2[%add3A_234, %dma_wait3A_271] : memref<6272x512xi32, #tpu.memory_space<hbm>> -> memref<1x512xi32, #tpu.memory_space<hbm>>
            %dma_wait3A_273 = tpu.memref_squeeze %dma_wait3A_272 : memref<1x512xi32, #tpu.memory_space<hbm>> -> memref<512xi32, #tpu.memory_space<hbm>>
            tpu.wait_dma2 semaphore(%run_scoped3A_249 : memref<!tpu.dma_semaphore, #tpu.memory_space<semaphore_mem>>) src(%dma_wait3A_273 : memref<512xi32, #tpu.memory_space<hbm>>) dst(%dma_wait3A_270 : memref<512xi32, #tpu.memory_space<vmem>>)
            tpu.yield
          }) : () -> ()
          %run_scoped3A_236 = arith.constant 0 : i32
          "tpu.region"() ({
            %run_scoped3A_249 = tpu.sem_alloc : memref<!tpu.dma_semaphore, #tpu.memory_space<semaphore_mem>>
            %dma_start3A_250 = arith.constant 0 : i32
            %dma_start3A_251 = tpu.memref_slice %arg12[%run_scoped3A_236, %dma_start3A_250] : memref<2x512xi32, #tpu.memory_space<vmem>> -> memref<1x512xi32, #tpu.memory_space<vmem>>
            %dma_start3A_252 = tpu.memref_squeeze %dma_start3A_251 : memref<1x512xi32, #tpu.memory_space<vmem>> -> memref<512xi32, #tpu.memory_space<vmem>>
            %dma_start3A_253 = arith.constant 0 : i32
            %dma_start3A_254 = tpu.memref_slice %arg3[%add3A_234, %dma_start3A_253] : memref<6272x512xi32, #tpu.memory_space<hbm>> -> memref<1x512xi32, #tpu.memory_space<hbm>>
            %dma_start3A_255 = tpu.memref_squeeze %dma_start3A_254 : memref<1x512xi32, #tpu.memory_space<hbm>> -> memref<512xi32, #tpu.memory_space<hbm>>
            %dma_start3A_256 = arith.constant 0 : i32
            %dma_start3A_257 = tpu.memref_slice %arg12[%run_scoped3A_236, %dma_start3A_256] : memref<2x512xi32, #tpu.memory_space<vmem>> -> memref<1x512xi32, #tpu.memory_space<vmem>>
            %dma_start3A_258 = tpu.memref_squeeze %dma_start3A_257 : memref<1x512xi32, #tpu.memory_space<vmem>> -> memref<512xi32, #tpu.memory_space<vmem>>
            %dma_start3A_259 = arith.constant 0 : i32
            %dma_start3A_260 = tpu.memref_slice %arg3[%add3A_234, %dma_start3A_259] : memref<6272x512xi32, #tpu.memory_space<hbm>> -> memref<1x512xi32, #tpu.memory_space<hbm>>
            %dma_start3A_261 = tpu.memref_squeeze %dma_start3A_260 : memref<1x512xi32, #tpu.memory_space<hbm>> -> memref<512xi32, #tpu.memory_space<hbm>>
            tpu.enqueue_dma source(%dma_start3A_261 : memref<512xi32, #tpu.memory_space<hbm>>) target(%dma_start3A_258 : memref<512xi32, #tpu.memory_space<vmem>>) target_semaphore(%run_scoped3A_249 : memref<!tpu.dma_semaphore, #tpu.memory_space<semaphore_mem>>)
            %dma_wait3A_262 = arith.constant 0 : i32
            %dma_wait3A_263 = tpu.memref_slice %arg12[%run_scoped3A_236, %dma_wait3A_262] : memref<2x512xi32, #tpu.memory_space<vmem>> -> memref<1x512xi32, #tpu.memory_space<vmem>>
            %dma_wait3A_264 = tpu.memref_squeeze %dma_wait3A_263 : memref<1x512xi32, #tpu.memory_space<vmem>> -> memref<512xi32, #tpu.memory_space<vmem>>
            %dma_wait3A_265 = arith.constant 0 : i32
            %dma_wait3A_266 = tpu.memref_slice %arg3[%add3A_234, %dma_wait3A_265] : memref<6272x512xi32, #tpu.memory_space<hbm>> -> memref<1x512xi32, #tpu.memory_space<hbm>>
            %dma_wait3A_267 = tpu.memref_squeeze %dma_wait3A_266 : memref<1x512xi32, #tpu.memory_space<hbm>> -> memref<512xi32, #tpu.memory_space<hbm>>
            %dma_wait3A_268 = arith.constant 0 : i32
            %dma_wait3A_269 = tpu.memref_slice %arg12[%run_scoped3A_236, %dma_wait3A_268] : memref<2x512xi32, #tpu.memory_space<vmem>> -> memref<1x512xi32, #tpu.memory_space<vmem>>
            %dma_wait3A_270 = tpu.memref_squeeze %dma_wait3A_269 : memref<1x512xi32, #tpu.memory_space<vmem>> -> memref<512xi32, #tpu.memory_space<vmem>>
            %dma_wait3A_271 = arith.constant 0 : i32
            %dma_wait3A_272 = tpu.memref_slice %arg3[%add3A_234, %dma_wait3A_271] : memref<6272x512xi32, #tpu.memory_space<hbm>> -> memref<1x512xi32, #tpu.memory_space<hbm>>
            %dma_wait3A_273 = tpu.memref_squeeze %dma_wait3A_272 : memref<1x512xi32, #tpu.memory_space<hbm>> -> memref<512xi32, #tpu.memory_space<hbm>>
            tpu.wait_dma2 semaphore(%run_scoped3A_249 : memref<!tpu.dma_semaphore, #tpu.memory_space<semaphore_mem>>) src(%dma_wait3A_273 : memref<512xi32, #tpu.memory_space<hbm>>) dst(%dma_wait3A_270 : memref<512xi32, #tpu.memory_space<vmem>>)
            tpu.yield
          }) : () -> ()
          %dma_start3A_237 = arith.constant 0 : i32
          %dma_start3A_238 = arith.constant 0 : i32
          %dma_start3A_239 = arith.constant 0 : i32
          %dma_start3A_240 = arith.constant 0 : i32
          %dma_start3A_241 = tpu.memref_slice %arg13[%dma_start3A_238, %dma_start3A_239, %dma_start3A_240] : memref<2x512x16xf32, #tpu.memory_space<vmem>> -> memref<1x512x16xf32, #tpu.memory_space<vmem>>
          %dma_start3A_242 = tpu.memref_squeeze %dma_start3A_241 : memref<1x512x16xf32, #tpu.memory_space<vmem>> -> memref<512x16xf32, #tpu.memory_space<vmem>>
          %dma_start3A_243 = arith.constant 0 : i32
          %dma_start3A_244 = tpu.memref_slice %arg11[%dma_start3A_237, %dma_start3A_243] : memref<2x512xi32, #tpu.memory_space<vmem>> -> memref<1x512xi32, #tpu.memory_space<vmem>>
          %dma_start3A_245 = tpu.memref_squeeze %dma_start3A_244 : memref<1x512xi32, #tpu.memory_space<vmem>> -> memref<512xi32, #tpu.memory_space<vmem>>
          %dma_start3A_246 = arith.constant 0 : i32
          %dma_start3A_247 = arith.constant 0 : i32
          %dma_start3A_248 = tpu.memref_slice %arg7[%dma_start3A_246, %dma_start3A_247] : memref<100000x16xf32, #tpu.memory_space<hbm>> -> memref<100000x16xf32, #tpu.memory_space<hbm>>
          tpu.enqueue_indirect_dma source(%dma_start3A_248 : memref<100000x16xf32, #tpu.memory_space<hbm>>) target(%dma_start3A_242 : memref<512x16xf32, #tpu.memory_space<vmem>>) offsets(%dma_start3A_245 : memref<512xi32, #tpu.memory_space<vmem>>) semaphore(%arg14 : memref<!tpu.dma_semaphore, #tpu.memory_space<semaphore_mem>>)
        } else {
        }
        %mul3A_187 = arith.constant 2 : i32
        %mul3A_188 = arith.muli %scan3A_152, %mul3A_187 : i32
        %add3A_189 = arith.constant 1 : i32
        %add3A_190 = arith.addi %mul3A_188, %add3A_189 : i32
        %dma_wait3A_191 = arith.constant 1 : i32
        %dma_wait3A_192 = arith.constant 1 : i32
        %dma_wait3A_193 = arith.constant 0 : i32
        %dma_wait3A_194 = arith.constant 0 : i32
        %dma_wait3A_195 = tpu.memref_slice %arg13[%dma_wait3A_192, %dma_wait3A_193, %dma_wait3A_194] : memref<2x512x16xf32, #tpu.memory_space<vmem>> -> memref<1x512x16xf32, #tpu.memory_space<vmem>>
        %dma_wait3A_196 = tpu.memref_squeeze %dma_wait3A_195 : memref<1x512x16xf32, #tpu.memory_space<vmem>> -> memref<512x16xf32, #tpu.memory_space<vmem>>
        %dma_wait3A_197 = arith.constant 0 : i32
        %dma_wait3A_198 = tpu.memref_slice %arg11[%dma_wait3A_191, %dma_wait3A_197] : memref<2x512xi32, #tpu.memory_space<vmem>> -> memref<1x512xi32, #tpu.memory_space<vmem>>
        %dma_wait3A_199 = tpu.memref_squeeze %dma_wait3A_198 : memref<1x512xi32, #tpu.memory_space<vmem>> -> memref<512xi32, #tpu.memory_space<vmem>>
        %dma_wait3A_200 = arith.constant 0 : i32
        %dma_wait3A_201 = arith.constant 0 : i32
        %dma_wait3A_202 = tpu.memref_slice %arg7[%dma_wait3A_200, %dma_wait3A_201] : memref<100000x16xf32, #tpu.memory_space<hbm>> -> memref<100000x16xf32, #tpu.memory_space<hbm>>
        tpu.wait_indirect_dma semaphore(%arg15 : memref<!tpu.dma_semaphore, #tpu.memory_space<semaphore_mem>>) src(%dma_wait3A_202 : memref<100000x16xf32, #tpu.memory_space<hbm>>) dst(%dma_wait3A_196 : memref<512x16xf32, #tpu.memory_space<vmem>>)
        %dma_start3A_203 = arith.constant 1 : i32
        %dma_start3A_204 = arith.constant 1 : i32
        %dma_start3A_205 = arith.constant 0 : i32
        %dma_start3A_206 = arith.constant 0 : i32
        %dma_start3A_207 = tpu.memref_slice %arg13[%dma_start3A_203, %dma_start3A_205, %dma_start3A_206] : memref<2x512x16xf32, #tpu.memory_space<vmem>> -> memref<1x512x16xf32, #tpu.memory_space<vmem>>
        %dma_start3A_208 = tpu.memref_squeeze %dma_start3A_207 : memref<1x512x16xf32, #tpu.memory_space<vmem>> -> memref<512x16xf32, #tpu.memory_space<vmem>>
        %dma_start3A_209 = arith.constant 0 : i32
        %dma_start3A_210 = tpu.memref_slice %arg12[%dma_start3A_204, %dma_start3A_209] : memref<2x512xi32, #tpu.memory_space<vmem>> -> memref<1x512xi32, #tpu.memory_space<vmem>>
        %dma_start3A_211 = tpu.memref_squeeze %dma_start3A_210 : memref<1x512xi32, #tpu.memory_space<vmem>> -> memref<512xi32, #tpu.memory_space<vmem>>
        %dma_start3A_212 = arith.constant 0 : i32
        %dma_start3A_213 = arith.constant 0 : i32
        %dma_start3A_214 = tpu.memref_slice %arg10[%dma_start3A_212, %dma_start3A_213] : memref<100224x16xf32, #tpu.memory_space<vmem_shared>> -> memref<100224x16xf32, #tpu.memory_space<vmem_shared>>
        tpu.enqueue_indirect_dma source(%dma_start3A_208 : memref<512x16xf32, #tpu.memory_space<vmem>>) target(%dma_start3A_214 : memref<100224x16xf32, #tpu.memory_space<vmem_shared>>) offsets(%dma_start3A_211 : memref<512xi32, #tpu.memory_space<vmem>>) semaphore(%arg17 : memref<!tpu.dma_semaphore, #tpu.memory_space<semaphore_mem>>) {add = true}
        %add3A_215 = arith.constant 2 : i32
        %add3A_216 = arith.addi %add3A_190, %add3A_215 : i32
        %lt3A_217 = arith.constant 392 : i32
        %lt3A_218 = arith.cmpi slt, %add3A_216, %lt3A_217 : i32
        %convert_element_type3A_219 = arith.extui %lt3A_218 : i1 to i32
        %cond3A_220 = arith.constant 0 : i32
        %cond3A_221 = arith.cmpi ne, %convert_element_type3A_219, %cond3A_220 : i32
        scf.if %cond3A_221 {
          %dma_wait3A_222 = arith.constant 1 : i32
          %dma_wait3A_223 = arith.constant 1 : i32
          %dma_wait3A_224 = arith.constant 0 : i32
          %dma_wait3A_225 = arith.constant 0 : i32
          %dma_wait3A_226 = tpu.memref_slice %arg13[%dma_wait3A_222, %dma_wait3A_224, %dma_wait3A_225] : memref<2x512x16xf32, #tpu.memory_space<vmem>> -> memref<1x512x16xf32, #tpu.memory_space<vmem>>
          %dma_wait3A_227 = tpu.memref_squeeze %dma_wait3A_226 : memref<1x512x16xf32, #tpu.memory_space<vmem>> -> memref<512x16xf32, #tpu.memory_space<vmem>>
          %dma_wait3A_228 = arith.constant 0 : i32
          %dma_wait3A_229 = tpu.memref_slice %arg12[%dma_wait3A_223, %dma_wait3A_228] : memref<2x512xi32, #tpu.memory_space<vmem>> -> memref<1x512xi32, #tpu.memory_space<vmem>>
          %dma_wait3A_230 = tpu.memref_squeeze %dma_wait3A_229 : memref<1x512xi32, #tpu.memory_space<vmem>> -> memref<512xi32, #tpu.memory_space<vmem>>
          %dma_wait3A_231 = arith.constant 0 : i32
          %dma_wait3A_232 = arith.constant 0 : i32
          %dma_wait3A_233 = tpu.memref_slice %arg10[%dma_wait3A_231, %dma_wait3A_232] : memref<100224x16xf32, #tpu.memory_space<vmem_shared>> -> memref<100224x16xf32, #tpu.memory_space<vmem_shared>>
          tpu.wait_indirect_dma semaphore(%arg17 : memref<!tpu.dma_semaphore, #tpu.memory_space<semaphore_mem>>) src(%dma_wait3A_227 : memref<512x16xf32, #tpu.memory_space<vmem>>) dst(%dma_wait3A_233 : memref<100224x16xf32, #tpu.memory_space<vmem_shared>>)
          %add3A_234 = arith.addi %mul3A_0, %add3A_216 : i32
          %run_scoped3A_235 = arith.constant 1 : i32
          "tpu.region"() ({
            %run_scoped3A_249 = tpu.sem_alloc : memref<!tpu.dma_semaphore, #tpu.memory_space<semaphore_mem>>
            %dma_start3A_250 = arith.constant 0 : i32
            %dma_start3A_251 = tpu.memref_slice %arg11[%run_scoped3A_235, %dma_start3A_250] : memref<2x512xi32, #tpu.memory_space<vmem>> -> memref<1x512xi32, #tpu.memory_space<vmem>>
            %dma_start3A_252 = tpu.memref_squeeze %dma_start3A_251 : memref<1x512xi32, #tpu.memory_space<vmem>> -> memref<512xi32, #tpu.memory_space<vmem>>
            %dma_start3A_253 = arith.constant 0 : i32
            %dma_start3A_254 = tpu.memref_slice %arg2[%add3A_234, %dma_start3A_253] : memref<6272x512xi32, #tpu.memory_space<hbm>> -> memref<1x512xi32, #tpu.memory_space<hbm>>
            %dma_start3A_255 = tpu.memref_squeeze %dma_start3A_254 : memref<1x512xi32, #tpu.memory_space<hbm>> -> memref<512xi32, #tpu.memory_space<hbm>>
            %dma_start3A_256 = arith.constant 0 : i32
            %dma_start3A_257 = tpu.memref_slice %arg11[%run_scoped3A_235, %dma_start3A_256] : memref<2x512xi32, #tpu.memory_space<vmem>> -> memref<1x512xi32, #tpu.memory_space<vmem>>
            %dma_start3A_258 = tpu.memref_squeeze %dma_start3A_257 : memref<1x512xi32, #tpu.memory_space<vmem>> -> memref<512xi32, #tpu.memory_space<vmem>>
            %dma_start3A_259 = arith.constant 0 : i32
            %dma_start3A_260 = tpu.memref_slice %arg2[%add3A_234, %dma_start3A_259] : memref<6272x512xi32, #tpu.memory_space<hbm>> -> memref<1x512xi32, #tpu.memory_space<hbm>>
            %dma_start3A_261 = tpu.memref_squeeze %dma_start3A_260 : memref<1x512xi32, #tpu.memory_space<hbm>> -> memref<512xi32, #tpu.memory_space<hbm>>
            tpu.enqueue_dma source(%dma_start3A_261 : memref<512xi32, #tpu.memory_space<hbm>>) target(%dma_start3A_258 : memref<512xi32, #tpu.memory_space<vmem>>) target_semaphore(%run_scoped3A_249 : memref<!tpu.dma_semaphore, #tpu.memory_space<semaphore_mem>>)
            %dma_wait3A_262 = arith.constant 0 : i32
            %dma_wait3A_263 = tpu.memref_slice %arg11[%run_scoped3A_235, %dma_wait3A_262] : memref<2x512xi32, #tpu.memory_space<vmem>> -> memref<1x512xi32, #tpu.memory_space<vmem>>
            %dma_wait3A_264 = tpu.memref_squeeze %dma_wait3A_263 : memref<1x512xi32, #tpu.memory_space<vmem>> -> memref<512xi32, #tpu.memory_space<vmem>>
            %dma_wait3A_265 = arith.constant 0 : i32
            %dma_wait3A_266 = tpu.memref_slice %arg2[%add3A_234, %dma_wait3A_265] : memref<6272x512xi32, #tpu.memory_space<hbm>> -> memref<1x512xi32, #tpu.memory_space<hbm>>
            %dma_wait3A_267 = tpu.memref_squeeze %dma_wait3A_266 : memref<1x512xi32, #tpu.memory_space<hbm>> -> memref<512xi32, #tpu.memory_space<hbm>>
            %dma_wait3A_268 = arith.constant 0 : i32
            %dma_wait3A_269 = tpu.memref_slice %arg11[%run_scoped3A_235, %dma_wait3A_268] : memref<2x512xi32, #tpu.memory_space<vmem>> -> memref<1x512xi32, #tpu.memory_space<vmem>>
            %dma_wait3A_270 = tpu.memref_squeeze %dma_wait3A_269 : memref<1x512xi32, #tpu.memory_space<vmem>> -> memref<512xi32, #tpu.memory_space<vmem>>
            %dma_wait3A_271 = arith.constant 0 : i32
            %dma_wait3A_272 = tpu.memref_slice %arg2[%add3A_234, %dma_wait3A_271] : memref<6272x512xi32, #tpu.memory_space<hbm>> -> memref<1x512xi32, #tpu.memory_space<hbm>>
            %dma_wait3A_273 = tpu.memref_squeeze %dma_wait3A_272 : memref<1x512xi32, #tpu.memory_space<hbm>> -> memref<512xi32, #tpu.memory_space<hbm>>
            tpu.wait_dma2 semaphore(%run_scoped3A_249 : memref<!tpu.dma_semaphore, #tpu.memory_space<semaphore_mem>>) src(%dma_wait3A_273 : memref<512xi32, #tpu.memory_space<hbm>>) dst(%dma_wait3A_270 : memref<512xi32, #tpu.memory_space<vmem>>)
            tpu.yield
          }) : () -> ()
          %run_scoped3A_236 = arith.constant 1 : i32
          "tpu.region"() ({
            %run_scoped3A_249 = tpu.sem_alloc : memref<!tpu.dma_semaphore, #tpu.memory_space<semaphore_mem>>
            %dma_start3A_250 = arith.constant 0 : i32
            %dma_start3A_251 = tpu.memref_slice %arg12[%run_scoped3A_236, %dma_start3A_250] : memref<2x512xi32, #tpu.memory_space<vmem>> -> memref<1x512xi32, #tpu.memory_space<vmem>>
            %dma_start3A_252 = tpu.memref_squeeze %dma_start3A_251 : memref<1x512xi32, #tpu.memory_space<vmem>> -> memref<512xi32, #tpu.memory_space<vmem>>
            %dma_start3A_253 = arith.constant 0 : i32
            %dma_start3A_254 = tpu.memref_slice %arg3[%add3A_234, %dma_start3A_253] : memref<6272x512xi32, #tpu.memory_space<hbm>> -> memref<1x512xi32, #tpu.memory_space<hbm>>
            %dma_start3A_255 = tpu.memref_squeeze %dma_start3A_254 : memref<1x512xi32, #tpu.memory_space<hbm>> -> memref<512xi32, #tpu.memory_space<hbm>>
            %dma_start3A_256 = arith.constant 0 : i32
            %dma_start3A_257 = tpu.memref_slice %arg12[%run_scoped3A_236, %dma_start3A_256] : memref<2x512xi32, #tpu.memory_space<vmem>> -> memref<1x512xi32, #tpu.memory_space<vmem>>
            %dma_start3A_258 = tpu.memref_squeeze %dma_start3A_257 : memref<1x512xi32, #tpu.memory_space<vmem>> -> memref<512xi32, #tpu.memory_space<vmem>>
            %dma_start3A_259 = arith.constant 0 : i32
            %dma_start3A_260 = tpu.memref_slice %arg3[%add3A_234, %dma_start3A_259] : memref<6272x512xi32, #tpu.memory_space<hbm>> -> memref<1x512xi32, #tpu.memory_space<hbm>>
            %dma_start3A_261 = tpu.memref_squeeze %dma_start3A_260 : memref<1x512xi32, #tpu.memory_space<hbm>> -> memref<512xi32, #tpu.memory_space<hbm>>
            tpu.enqueue_dma source(%dma_start3A_261 : memref<512xi32, #tpu.memory_space<hbm>>) target(%dma_start3A_258 : memref<512xi32, #tpu.memory_space<vmem>>) target_semaphore(%run_scoped3A_249 : memref<!tpu.dma_semaphore, #tpu.memory_space<semaphore_mem>>)
            %dma_wait3A_262 = arith.constant 0 : i32
            %dma_wait3A_263 = tpu.memref_slice %arg12[%run_scoped3A_236, %dma_wait3A_262] : memref<2x512xi32, #tpu.memory_space<vmem>> -> memref<1x512xi32, #tpu.memory_space<vmem>>
            %dma_wait3A_264 = tpu.memref_squeeze %dma_wait3A_263 : memref<1x512xi32, #tpu.memory_space<vmem>> -> memref<512xi32, #tpu.memory_space<vmem>>
            %dma_wait3A_265 = arith.constant 0 : i32
            %dma_wait3A_266 = tpu.memref_slice %arg3[%add3A_234, %dma_wait3A_265] : memref<6272x512xi32, #tpu.memory_space<hbm>> -> memref<1x512xi32, #tpu.memory_space<hbm>>
            %dma_wait3A_267 = tpu.memref_squeeze %dma_wait3A_266 : memref<1x512xi32, #tpu.memory_space<hbm>> -> memref<512xi32, #tpu.memory_space<hbm>>
            %dma_wait3A_268 = arith.constant 0 : i32
            %dma_wait3A_269 = tpu.memref_slice %arg12[%run_scoped3A_236, %dma_wait3A_268] : memref<2x512xi32, #tpu.memory_space<vmem>> -> memref<1x512xi32, #tpu.memory_space<vmem>>
            %dma_wait3A_270 = tpu.memref_squeeze %dma_wait3A_269 : memref<1x512xi32, #tpu.memory_space<vmem>> -> memref<512xi32, #tpu.memory_space<vmem>>
            %dma_wait3A_271 = arith.constant 0 : i32
            %dma_wait3A_272 = tpu.memref_slice %arg3[%add3A_234, %dma_wait3A_271] : memref<6272x512xi32, #tpu.memory_space<hbm>> -> memref<1x512xi32, #tpu.memory_space<hbm>>
            %dma_wait3A_273 = tpu.memref_squeeze %dma_wait3A_272 : memref<1x512xi32, #tpu.memory_space<hbm>> -> memref<512xi32, #tpu.memory_space<hbm>>
            tpu.wait_dma2 semaphore(%run_scoped3A_249 : memref<!tpu.dma_semaphore, #tpu.memory_space<semaphore_mem>>) src(%dma_wait3A_273 : memref<512xi32, #tpu.memory_space<hbm>>) dst(%dma_wait3A_270 : memref<512xi32, #tpu.memory_space<vmem>>)
            tpu.yield
          }) : () -> ()
          %dma_start3A_237 = arith.constant 1 : i32
          %dma_start3A_238 = arith.constant 1 : i32
          %dma_start3A_239 = arith.constant 0 : i32
          %dma_start3A_240 = arith.constant 0 : i32
          %dma_start3A_241 = tpu.memref_slice %arg13[%dma_start3A_238, %dma_start3A_239, %dma_start3A_240] : memref<2x512x16xf32, #tpu.memory_space<vmem>> -> memref<1x512x16xf32, #tpu.memory_space<vmem>>
          %dma_start3A_242 = tpu.memref_squeeze %dma_start3A_241 : memref<1x512x16xf32, #tpu.memory_space<vmem>> -> memref<512x16xf32, #tpu.memory_space<vmem>>
          %dma_start3A_243 = arith.constant 0 : i32
          %dma_start3A_244 = tpu.memref_slice %arg11[%dma_start3A_237, %dma_start3A_243] : memref<2x512xi32, #tpu.memory_space<vmem>> -> memref<1x512xi32, #tpu.memory_space<vmem>>
          %dma_start3A_245 = tpu.memref_squeeze %dma_start3A_244 : memref<1x512xi32, #tpu.memory_space<vmem>> -> memref<512xi32, #tpu.memory_space<vmem>>
          %dma_start3A_246 = arith.constant 0 : i32
          %dma_start3A_247 = arith.constant 0 : i32
          %dma_start3A_248 = tpu.memref_slice %arg7[%dma_start3A_246, %dma_start3A_247] : memref<100000x16xf32, #tpu.memory_space<hbm>> -> memref<100000x16xf32, #tpu.memory_space<hbm>>
          tpu.enqueue_indirect_dma source(%dma_start3A_248 : memref<100000x16xf32, #tpu.memory_space<hbm>>) target(%dma_start3A_242 : memref<512x16xf32, #tpu.memory_space<vmem>>) offsets(%dma_start3A_245 : memref<512xi32, #tpu.memory_space<vmem>>) semaphore(%arg15 : memref<!tpu.dma_semaphore, #tpu.memory_space<semaphore_mem>>)
        } else {
        }
      }
      %scan3A_119 = arith.constant 196 : i32
      %dma_wait3A_120 = arith.constant 0 : i32
      %dma_wait3A_121 = arith.constant 0 : i32
      %dma_wait3A_122 = arith.constant 0 : i32
      %dma_wait3A_123 = arith.constant 0 : i32
      %dma_wait3A_124 = tpu.memref_slice %arg13[%dma_wait3A_120, %dma_wait3A_122, %dma_wait3A_123] : memref<2x512x16xf32, #tpu.memory_space<vmem>> -> memref<1x512x16xf32, #tpu.memory_space<vmem>>
      %dma_wait3A_125 = tpu.memref_squeeze %dma_wait3A_124 : memref<1x512x16xf32, #tpu.memory_space<vmem>> -> memref<512x16xf32, #tpu.memory_space<vmem>>
      %dma_wait3A_126 = arith.constant 0 : i32
      %dma_wait3A_127 = tpu.memref_slice %arg12[%dma_wait3A_121, %dma_wait3A_126] : memref<2x512xi32, #tpu.memory_space<vmem>> -> memref<1x512xi32, #tpu.memory_space<vmem>>
      %dma_wait3A_128 = tpu.memref_squeeze %dma_wait3A_127 : memref<1x512xi32, #tpu.memory_space<vmem>> -> memref<512xi32, #tpu.memory_space<vmem>>
      %dma_wait3A_129 = arith.constant 0 : i32
      %dma_wait3A_130 = arith.constant 0 : i32
      %dma_wait3A_131 = tpu.memref_slice %arg10[%dma_wait3A_129, %dma_wait3A_130] : memref<100224x16xf32, #tpu.memory_space<vmem_shared>> -> memref<100224x16xf32, #tpu.memory_space<vmem_shared>>
      tpu.wait_indirect_dma semaphore(%arg16 : memref<!tpu.dma_semaphore, #tpu.memory_space<semaphore_mem>>) src(%dma_wait3A_125 : memref<512x16xf32, #tpu.memory_space<vmem>>) dst(%dma_wait3A_131 : memref<100224x16xf32, #tpu.memory_space<vmem_shared>>)
      %dma_wait3A_132 = arith.constant 1 : i32
      %dma_wait3A_133 = arith.constant 1 : i32
      %dma_wait3A_134 = arith.constant 0 : i32
      %dma_wait3A_135 = arith.constant 0 : i32
      %dma_wait3A_136 = tpu.memref_slice %arg13[%dma_wait3A_132, %dma_wait3A_134, %dma_wait3A_135] : memref<2x512x16xf32, #tpu.memory_space<vmem>> -> memref<1x512x16xf32, #tpu.memory_space<vmem>>
      %dma_wait3A_137 = tpu.memref_squeeze %dma_wait3A_136 : memref<1x512x16xf32, #tpu.memory_space<vmem>> -> memref<512x16xf32, #tpu.memory_space<vmem>>
      %dma_wait3A_138 = arith.constant 0 : i32
      %dma_wait3A_139 = tpu.memref_slice %arg12[%dma_wait3A_133, %dma_wait3A_138] : memref<2x512xi32, #tpu.memory_space<vmem>> -> memref<1x512xi32, #tpu.memory_space<vmem>>
      %dma_wait3A_140 = tpu.memref_squeeze %dma_wait3A_139 : memref<1x512xi32, #tpu.memory_space<vmem>> -> memref<512xi32, #tpu.memory_space<vmem>>
      %dma_wait3A_141 = arith.constant 0 : i32
      %dma_wait3A_142 = arith.constant 0 : i32
      %dma_wait3A_143 = tpu.memref_slice %arg10[%dma_wait3A_141, %dma_wait3A_142] : memref<100224x16xf32, #tpu.memory_space<vmem_shared>> -> memref<100224x16xf32, #tpu.memory_space<vmem_shared>>
      tpu.wait_indirect_dma semaphore(%arg17 : memref<!tpu.dma_semaphore, #tpu.memory_space<semaphore_mem>>) src(%dma_wait3A_137 : memref<512x16xf32, #tpu.memory_space<vmem>>) dst(%dma_wait3A_143 : memref<100224x16xf32, #tpu.memory_space<vmem_shared>>)
      %barrier3A_144 = arith.constant 0 : index
      tpu.barrier barrier_id(%barrier3A_144)
      %mul3A_145 = arith.constant 6264 : i32
      %mul3A_146 = arith.muli %arg1, %mul3A_145 : i32
      %mul3A_147 = arith.constant 6264 : i32
      %mul3A_148 = arith.muli %arg1, %mul3A_147 : i32
      %add3A_149 = arith.constant 300672 : i32
      %add3A_150 = arith.addi %add3A_149, %mul3A_148 : i32
      "tpu.region"() ({
        %run_scoped3A_152 = tpu.sem_alloc : memref<!tpu.dma_semaphore, #tpu.memory_space<semaphore_mem>>
        %dma_start3A_153 = arith.constant 0 : i32
        %dma_start3A_154 = tpu.memref_slice %arg9[%add3A_150, %dma_start3A_153] : memref<400896x16xf32, #tpu.memory_space<hbm>> -> memref<6264x16xf32, #tpu.memory_space<hbm>>
        %dma_start3A_155 = arith.constant 0 : i32
        %dma_start3A_156 = tpu.memref_slice %arg10[%mul3A_146, %dma_start3A_155] : memref<100224x16xf32, #tpu.memory_space<vmem_shared>> -> memref<6264x16xf32, #tpu.memory_space<vmem_shared>>
        tpu.enqueue_dma source(%dma_start3A_156 : memref<6264x16xf32, #tpu.memory_space<vmem_shared>>) target(%dma_start3A_154 : memref<6264x16xf32, #tpu.memory_space<hbm>>) target_semaphore(%run_scoped3A_152 : memref<!tpu.dma_semaphore, #tpu.memory_space<semaphore_mem>>)
        %dma_wait3A_157 = arith.constant 0 : i32
        %dma_wait3A_158 = tpu.memref_slice %arg9[%add3A_150, %dma_wait3A_157] : memref<400896x16xf32, #tpu.memory_space<hbm>> -> memref<6264x16xf32, #tpu.memory_space<hbm>>
        %dma_wait3A_159 = arith.constant 0 : i32
        %dma_wait3A_160 = tpu.memref_slice %arg10[%mul3A_146, %dma_wait3A_159] : memref<100224x16xf32, #tpu.memory_space<vmem_shared>> -> memref<6264x16xf32, #tpu.memory_space<vmem_shared>>
        tpu.wait_dma2 semaphore(%run_scoped3A_152 : memref<!tpu.dma_semaphore, #tpu.memory_space<semaphore_mem>>) src(%dma_wait3A_160 : memref<6264x16xf32, #tpu.memory_space<vmem_shared>>) dst(%dma_wait3A_158 : memref<6264x16xf32, #tpu.memory_space<hbm>>)
        tpu.yield
      }) : () -> ()
      %barrier3A_151 = arith.constant 0 : index
      tpu.barrier barrier_id(%barrier3A_151)
    } else {
    }
    return
  }
}

#map = affine_map<(d0, d1) -> (0, 0)>
module attributes {stable_mosaic.version = 14 : i64} {
  func.func @_agg0_body(%arg0: i32, %arg1: i32, %arg2: memref<6272x512xi32, #tpu.memory_space<hbm>>, %arg3: memref<6272x512xi32, #tpu.memory_space<hbm>>, %arg4: memref<100000x16xf32, #tpu.memory_space<hbm>>, %arg5: memref<100224x16xf32, #tpu.memory_space<hbm>>, %arg6: memref<200448x16xf32, #tpu.memory_space<hbm>>, %arg7: memref<100224x16xf32, #tpu.memory_space<vmem_shared>>, %arg8: memref<2x512xi32, #tpu.memory_space<vmem>>, %arg9: memref<2x512xi32, #tpu.memory_space<vmem>>, %arg10: memref<2x512x16xf32, #tpu.memory_space<vmem>>, %arg11: memref<!tpu.dma_semaphore, #tpu.memory_space<semaphore_mem>>, %arg12: memref<!tpu.dma_semaphore, #tpu.memory_space<semaphore_mem>>, %arg13: memref<!tpu.dma_semaphore, #tpu.memory_space<semaphore_mem>>, %arg14: memref<!tpu.dma_semaphore, #tpu.memory_space<semaphore_mem>>) attributes {dimension_semantics = [#tpu.dimension_semantics<core_parallel>, #tpu.dimension_semantics<subcore_parallel>], iteration_bounds = array<i64: 2, 16>, scalar_prefetch = 0 : i64, scratch_operands = 8 : i64, tpu.core_type = #tpu.core_type<sc_vector_subcore>, window_params = [{transform_indices = #map}, {transform_indices = #map}, {transform_indices = #map}, {transform_indices = #map}, {transform_indices = #map}]} {
    %mul3A = arith.constant 6264 : i32
    %mul3A_0 = arith.muli %arg1, %mul3A : i32
    %mul3A_1 = arith.constant 6264 : i32
    %mul3A_2 = arith.muli %arg1, %mul3A_1 : i32
    "tpu.region"() ({
      %run_scoped3A_73 = tpu.sem_alloc : memref<!tpu.dma_semaphore, #tpu.memory_space<semaphore_mem>>
      %dma_start3A_74 = arith.constant 0 : i32
      %dma_start3A_75 = tpu.memref_slice %arg7[%mul3A_2, %dma_start3A_74] : memref<100224x16xf32, #tpu.memory_space<vmem_shared>> -> memref<6264x16xf32, #tpu.memory_space<vmem_shared>>
      %dma_start3A_76 = arith.constant 0 : i32
      %dma_start3A_77 = tpu.memref_slice %arg5[%mul3A_0, %dma_start3A_76] : memref<100224x16xf32, #tpu.memory_space<hbm>> -> memref<6264x16xf32, #tpu.memory_space<hbm>>
      tpu.enqueue_dma source(%dma_start3A_77 : memref<6264x16xf32, #tpu.memory_space<hbm>>) target(%dma_start3A_75 : memref<6264x16xf32, #tpu.memory_space<vmem_shared>>) target_semaphore(%run_scoped3A_73 : memref<!tpu.dma_semaphore, #tpu.memory_space<semaphore_mem>>)
      %dma_wait3A_78 = arith.constant 0 : i32
      %dma_wait3A_79 = tpu.memref_slice %arg7[%mul3A_2, %dma_wait3A_78] : memref<100224x16xf32, #tpu.memory_space<vmem_shared>> -> memref<6264x16xf32, #tpu.memory_space<vmem_shared>>
      %dma_wait3A_80 = arith.constant 0 : i32
      %dma_wait3A_81 = tpu.memref_slice %arg5[%mul3A_0, %dma_wait3A_80] : memref<100224x16xf32, #tpu.memory_space<hbm>> -> memref<6264x16xf32, #tpu.memory_space<hbm>>
      tpu.wait_dma2 semaphore(%run_scoped3A_73 : memref<!tpu.dma_semaphore, #tpu.memory_space<semaphore_mem>>) src(%dma_wait3A_81 : memref<6264x16xf32, #tpu.memory_space<hbm>>) dst(%dma_wait3A_79 : memref<6264x16xf32, #tpu.memory_space<vmem_shared>>)
      tpu.yield
    }) : () -> ()
    %barrier3A = arith.constant 0 : index
    tpu.barrier barrier_id(%barrier3A)
    %mul3A_3 = arith.constant 16 : i32
    %mul3A_4 = arith.muli %arg0, %mul3A_3 : i32
    %add3A = arith.addi %mul3A_4, %arg1 : i32
    %mul3A_5 = arith.constant 196 : i32
    %mul3A_6 = arith.muli %add3A, %mul3A_5 : i32
    %add3A_7 = arith.constant 0 : i32
    %add3A_8 = arith.addi %mul3A_6, %add3A_7 : i32
    %run_scoped3A = arith.constant 0 : i32
    "tpu.region"() ({
      %run_scoped3A_73 = tpu.sem_alloc : memref<!tpu.dma_semaphore, #tpu.memory_space<semaphore_mem>>
      %dma_start3A_74 = arith.constant 0 : i32
      %dma_start3A_75 = tpu.memref_slice %arg8[%run_scoped3A, %dma_start3A_74] : memref<2x512xi32, #tpu.memory_space<vmem>> -> memref<1x512xi32, #tpu.memory_space<vmem>>
      %dma_start3A_76 = tpu.memref_squeeze %dma_start3A_75 : memref<1x512xi32, #tpu.memory_space<vmem>> -> memref<512xi32, #tpu.memory_space<vmem>>
      %dma_start3A_77 = arith.constant 0 : i32
      %dma_start3A_78 = tpu.memref_slice %arg2[%add3A_8, %dma_start3A_77] : memref<6272x512xi32, #tpu.memory_space<hbm>> -> memref<1x512xi32, #tpu.memory_space<hbm>>
      %dma_start3A_79 = tpu.memref_squeeze %dma_start3A_78 : memref<1x512xi32, #tpu.memory_space<hbm>> -> memref<512xi32, #tpu.memory_space<hbm>>
      %dma_start3A_80 = arith.constant 0 : i32
      %dma_start3A_81 = tpu.memref_slice %arg8[%run_scoped3A, %dma_start3A_80] : memref<2x512xi32, #tpu.memory_space<vmem>> -> memref<1x512xi32, #tpu.memory_space<vmem>>
      %dma_start3A_82 = tpu.memref_squeeze %dma_start3A_81 : memref<1x512xi32, #tpu.memory_space<vmem>> -> memref<512xi32, #tpu.memory_space<vmem>>
      %dma_start3A_83 = arith.constant 0 : i32
      %dma_start3A_84 = tpu.memref_slice %arg2[%add3A_8, %dma_start3A_83] : memref<6272x512xi32, #tpu.memory_space<hbm>> -> memref<1x512xi32, #tpu.memory_space<hbm>>
      %dma_start3A_85 = tpu.memref_squeeze %dma_start3A_84 : memref<1x512xi32, #tpu.memory_space<hbm>> -> memref<512xi32, #tpu.memory_space<hbm>>
      tpu.enqueue_dma source(%dma_start3A_85 : memref<512xi32, #tpu.memory_space<hbm>>) target(%dma_start3A_82 : memref<512xi32, #tpu.memory_space<vmem>>) target_semaphore(%run_scoped3A_73 : memref<!tpu.dma_semaphore, #tpu.memory_space<semaphore_mem>>)
      %dma_wait3A_86 = arith.constant 0 : i32
      %dma_wait3A_87 = tpu.memref_slice %arg8[%run_scoped3A, %dma_wait3A_86] : memref<2x512xi32, #tpu.memory_space<vmem>> -> memref<1x512xi32, #tpu.memory_space<vmem>>
      %dma_wait3A_88 = tpu.memref_squeeze %dma_wait3A_87 : memref<1x512xi32, #tpu.memory_space<vmem>> -> memref<512xi32, #tpu.memory_space<vmem>>
      %dma_wait3A_89 = arith.constant 0 : i32
      %dma_wait3A_90 = tpu.memref_slice %arg2[%add3A_8, %dma_wait3A_89] : memref<6272x512xi32, #tpu.memory_space<hbm>> -> memref<1x512xi32, #tpu.memory_space<hbm>>
      %dma_wait3A_91 = tpu.memref_squeeze %dma_wait3A_90 : memref<1x512xi32, #tpu.memory_space<hbm>> -> memref<512xi32, #tpu.memory_space<hbm>>
      %dma_wait3A_92 = arith.constant 0 : i32
      %dma_wait3A_93 = tpu.memref_slice %arg8[%run_scoped3A, %dma_wait3A_92] : memref<2x512xi32, #tpu.memory_space<vmem>> -> memref<1x512xi32, #tpu.memory_space<vmem>>
      %dma_wait3A_94 = tpu.memref_squeeze %dma_wait3A_93 : memref<1x512xi32, #tpu.memory_space<vmem>> -> memref<512xi32, #tpu.memory_space<vmem>>
      %dma_wait3A_95 = arith.constant 0 : i32
      %dma_wait3A_96 = tpu.memref_slice %arg2[%add3A_8, %dma_wait3A_95] : memref<6272x512xi32, #tpu.memory_space<hbm>> -> memref<1x512xi32, #tpu.memory_space<hbm>>
      %dma_wait3A_97 = tpu.memref_squeeze %dma_wait3A_96 : memref<1x512xi32, #tpu.memory_space<hbm>> -> memref<512xi32, #tpu.memory_space<hbm>>
      tpu.wait_dma2 semaphore(%run_scoped3A_73 : memref<!tpu.dma_semaphore, #tpu.memory_space<semaphore_mem>>) src(%dma_wait3A_97 : memref<512xi32, #tpu.memory_space<hbm>>) dst(%dma_wait3A_94 : memref<512xi32, #tpu.memory_space<vmem>>)
      tpu.yield
    }) : () -> ()
    %run_scoped3A_9 = arith.constant 0 : i32
    "tpu.region"() ({
      %run_scoped3A_73 = tpu.sem_alloc : memref<!tpu.dma_semaphore, #tpu.memory_space<semaphore_mem>>
      %dma_start3A_74 = arith.constant 0 : i32
      %dma_start3A_75 = tpu.memref_slice %arg9[%run_scoped3A_9, %dma_start3A_74] : memref<2x512xi32, #tpu.memory_space<vmem>> -> memref<1x512xi32, #tpu.memory_space<vmem>>
      %dma_start3A_76 = tpu.memref_squeeze %dma_start3A_75 : memref<1x512xi32, #tpu.memory_space<vmem>> -> memref<512xi32, #tpu.memory_space<vmem>>
      %dma_start3A_77 = arith.constant 0 : i32
      %dma_start3A_78 = tpu.memref_slice %arg3[%add3A_8, %dma_start3A_77] : memref<6272x512xi32, #tpu.memory_space<hbm>> -> memref<1x512xi32, #tpu.memory_space<hbm>>
      %dma_start3A_79 = tpu.memref_squeeze %dma_start3A_78 : memref<1x512xi32, #tpu.memory_space<hbm>> -> memref<512xi32, #tpu.memory_space<hbm>>
      %dma_start3A_80 = arith.constant 0 : i32
      %dma_start3A_81 = tpu.memref_slice %arg9[%run_scoped3A_9, %dma_start3A_80] : memref<2x512xi32, #tpu.memory_space<vmem>> -> memref<1x512xi32, #tpu.memory_space<vmem>>
      %dma_start3A_82 = tpu.memref_squeeze %dma_start3A_81 : memref<1x512xi32, #tpu.memory_space<vmem>> -> memref<512xi32, #tpu.memory_space<vmem>>
      %dma_start3A_83 = arith.constant 0 : i32
      %dma_start3A_84 = tpu.memref_slice %arg3[%add3A_8, %dma_start3A_83] : memref<6272x512xi32, #tpu.memory_space<hbm>> -> memref<1x512xi32, #tpu.memory_space<hbm>>
      %dma_start3A_85 = tpu.memref_squeeze %dma_start3A_84 : memref<1x512xi32, #tpu.memory_space<hbm>> -> memref<512xi32, #tpu.memory_space<hbm>>
      tpu.enqueue_dma source(%dma_start3A_85 : memref<512xi32, #tpu.memory_space<hbm>>) target(%dma_start3A_82 : memref<512xi32, #tpu.memory_space<vmem>>) target_semaphore(%run_scoped3A_73 : memref<!tpu.dma_semaphore, #tpu.memory_space<semaphore_mem>>)
      %dma_wait3A_86 = arith.constant 0 : i32
      %dma_wait3A_87 = tpu.memref_slice %arg9[%run_scoped3A_9, %dma_wait3A_86] : memref<2x512xi32, #tpu.memory_space<vmem>> -> memref<1x512xi32, #tpu.memory_space<vmem>>
      %dma_wait3A_88 = tpu.memref_squeeze %dma_wait3A_87 : memref<1x512xi32, #tpu.memory_space<vmem>> -> memref<512xi32, #tpu.memory_space<vmem>>
      %dma_wait3A_89 = arith.constant 0 : i32
      %dma_wait3A_90 = tpu.memref_slice %arg3[%add3A_8, %dma_wait3A_89] : memref<6272x512xi32, #tpu.memory_space<hbm>> -> memref<1x512xi32, #tpu.memory_space<hbm>>
      %dma_wait3A_91 = tpu.memref_squeeze %dma_wait3A_90 : memref<1x512xi32, #tpu.memory_space<hbm>> -> memref<512xi32, #tpu.memory_space<hbm>>
      %dma_wait3A_92 = arith.constant 0 : i32
      %dma_wait3A_93 = tpu.memref_slice %arg9[%run_scoped3A_9, %dma_wait3A_92] : memref<2x512xi32, #tpu.memory_space<vmem>> -> memref<1x512xi32, #tpu.memory_space<vmem>>
      %dma_wait3A_94 = tpu.memref_squeeze %dma_wait3A_93 : memref<1x512xi32, #tpu.memory_space<vmem>> -> memref<512xi32, #tpu.memory_space<vmem>>
      %dma_wait3A_95 = arith.constant 0 : i32
      %dma_wait3A_96 = tpu.memref_slice %arg3[%add3A_8, %dma_wait3A_95] : memref<6272x512xi32, #tpu.memory_space<hbm>> -> memref<1x512xi32, #tpu.memory_space<hbm>>
      %dma_wait3A_97 = tpu.memref_squeeze %dma_wait3A_96 : memref<1x512xi32, #tpu.memory_space<hbm>> -> memref<512xi32, #tpu.memory_space<hbm>>
      tpu.wait_dma2 semaphore(%run_scoped3A_73 : memref<!tpu.dma_semaphore, #tpu.memory_space<semaphore_mem>>) src(%dma_wait3A_97 : memref<512xi32, #tpu.memory_space<hbm>>) dst(%dma_wait3A_94 : memref<512xi32, #tpu.memory_space<vmem>>)
      tpu.yield
    }) : () -> ()
    %dma_start3A = arith.constant 0 : i32
    %dma_start3A_10 = arith.constant 0 : i32
    %dma_start3A_11 = arith.constant 0 : i32
    %dma_start3A_12 = arith.constant 0 : i32
    %dma_start3A_13 = tpu.memref_slice %arg10[%dma_start3A_10, %dma_start3A_11, %dma_start3A_12] : memref<2x512x16xf32, #tpu.memory_space<vmem>> -> memref<1x512x16xf32, #tpu.memory_space<vmem>>
    %dma_start3A_14 = tpu.memref_squeeze %dma_start3A_13 : memref<1x512x16xf32, #tpu.memory_space<vmem>> -> memref<512x16xf32, #tpu.memory_space<vmem>>
    %dma_start3A_15 = arith.constant 0 : i32
    %dma_start3A_16 = tpu.memref_slice %arg8[%dma_start3A, %dma_start3A_15] : memref<2x512xi32, #tpu.memory_space<vmem>> -> memref<1x512xi32, #tpu.memory_space<vmem>>
    %dma_start3A_17 = tpu.memref_squeeze %dma_start3A_16 : memref<1x512xi32, #tpu.memory_space<vmem>> -> memref<512xi32, #tpu.memory_space<vmem>>
    %dma_start3A_18 = arith.constant 0 : i32
    %dma_start3A_19 = arith.constant 0 : i32
    %dma_start3A_20 = tpu.memref_slice %arg4[%dma_start3A_18, %dma_start3A_19] : memref<100000x16xf32, #tpu.memory_space<hbm>> -> memref<100000x16xf32, #tpu.memory_space<hbm>>
    tpu.enqueue_indirect_dma source(%dma_start3A_20 : memref<100000x16xf32, #tpu.memory_space<hbm>>) target(%dma_start3A_14 : memref<512x16xf32, #tpu.memory_space<vmem>>) offsets(%dma_start3A_17 : memref<512xi32, #tpu.memory_space<vmem>>) semaphore(%arg11 : memref<!tpu.dma_semaphore, #tpu.memory_space<semaphore_mem>>)
    %add3A_21 = arith.constant 1 : i32
    %add3A_22 = arith.addi %mul3A_6, %add3A_21 : i32
    %run_scoped3A_23 = arith.constant 1 : i32
    "tpu.region"() ({
      %run_scoped3A_73 = tpu.sem_alloc : memref<!tpu.dma_semaphore, #tpu.memory_space<semaphore_mem>>
      %dma_start3A_74 = arith.constant 0 : i32
      %dma_start3A_75 = tpu.memref_slice %arg8[%run_scoped3A_23, %dma_start3A_74] : memref<2x512xi32, #tpu.memory_space<vmem>> -> memref<1x512xi32, #tpu.memory_space<vmem>>
      %dma_start3A_76 = tpu.memref_squeeze %dma_start3A_75 : memref<1x512xi32, #tpu.memory_space<vmem>> -> memref<512xi32, #tpu.memory_space<vmem>>
      %dma_start3A_77 = arith.constant 0 : i32
      %dma_start3A_78 = tpu.memref_slice %arg2[%add3A_22, %dma_start3A_77] : memref<6272x512xi32, #tpu.memory_space<hbm>> -> memref<1x512xi32, #tpu.memory_space<hbm>>
      %dma_start3A_79 = tpu.memref_squeeze %dma_start3A_78 : memref<1x512xi32, #tpu.memory_space<hbm>> -> memref<512xi32, #tpu.memory_space<hbm>>
      %dma_start3A_80 = arith.constant 0 : i32
      %dma_start3A_81 = tpu.memref_slice %arg8[%run_scoped3A_23, %dma_start3A_80] : memref<2x512xi32, #tpu.memory_space<vmem>> -> memref<1x512xi32, #tpu.memory_space<vmem>>
      %dma_start3A_82 = tpu.memref_squeeze %dma_start3A_81 : memref<1x512xi32, #tpu.memory_space<vmem>> -> memref<512xi32, #tpu.memory_space<vmem>>
      %dma_start3A_83 = arith.constant 0 : i32
      %dma_start3A_84 = tpu.memref_slice %arg2[%add3A_22, %dma_start3A_83] : memref<6272x512xi32, #tpu.memory_space<hbm>> -> memref<1x512xi32, #tpu.memory_space<hbm>>
      %dma_start3A_85 = tpu.memref_squeeze %dma_start3A_84 : memref<1x512xi32, #tpu.memory_space<hbm>> -> memref<512xi32, #tpu.memory_space<hbm>>
      tpu.enqueue_dma source(%dma_start3A_85 : memref<512xi32, #tpu.memory_space<hbm>>) target(%dma_start3A_82 : memref<512xi32, #tpu.memory_space<vmem>>) target_semaphore(%run_scoped3A_73 : memref<!tpu.dma_semaphore, #tpu.memory_space<semaphore_mem>>)
      %dma_wait3A_86 = arith.constant 0 : i32
      %dma_wait3A_87 = tpu.memref_slice %arg8[%run_scoped3A_23, %dma_wait3A_86] : memref<2x512xi32, #tpu.memory_space<vmem>> -> memref<1x512xi32, #tpu.memory_space<vmem>>
      %dma_wait3A_88 = tpu.memref_squeeze %dma_wait3A_87 : memref<1x512xi32, #tpu.memory_space<vmem>> -> memref<512xi32, #tpu.memory_space<vmem>>
      %dma_wait3A_89 = arith.constant 0 : i32
      %dma_wait3A_90 = tpu.memref_slice %arg2[%add3A_22, %dma_wait3A_89] : memref<6272x512xi32, #tpu.memory_space<hbm>> -> memref<1x512xi32, #tpu.memory_space<hbm>>
      %dma_wait3A_91 = tpu.memref_squeeze %dma_wait3A_90 : memref<1x512xi32, #tpu.memory_space<hbm>> -> memref<512xi32, #tpu.memory_space<hbm>>
      %dma_wait3A_92 = arith.constant 0 : i32
      %dma_wait3A_93 = tpu.memref_slice %arg8[%run_scoped3A_23, %dma_wait3A_92] : memref<2x512xi32, #tpu.memory_space<vmem>> -> memref<1x512xi32, #tpu.memory_space<vmem>>
      %dma_wait3A_94 = tpu.memref_squeeze %dma_wait3A_93 : memref<1x512xi32, #tpu.memory_space<vmem>> -> memref<512xi32, #tpu.memory_space<vmem>>
      %dma_wait3A_95 = arith.constant 0 : i32
      %dma_wait3A_96 = tpu.memref_slice %arg2[%add3A_22, %dma_wait3A_95] : memref<6272x512xi32, #tpu.memory_space<hbm>> -> memref<1x512xi32, #tpu.memory_space<hbm>>
      %dma_wait3A_97 = tpu.memref_squeeze %dma_wait3A_96 : memref<1x512xi32, #tpu.memory_space<hbm>> -> memref<512xi32, #tpu.memory_space<hbm>>
      tpu.wait_dma2 semaphore(%run_scoped3A_73 : memref<!tpu.dma_semaphore, #tpu.memory_space<semaphore_mem>>) src(%dma_wait3A_97 : memref<512xi32, #tpu.memory_space<hbm>>) dst(%dma_wait3A_94 : memref<512xi32, #tpu.memory_space<vmem>>)
      tpu.yield
    }) : () -> ()
    %run_scoped3A_24 = arith.constant 1 : i32
    "tpu.region"() ({
      %run_scoped3A_73 = tpu.sem_alloc : memref<!tpu.dma_semaphore, #tpu.memory_space<semaphore_mem>>
      %dma_start3A_74 = arith.constant 0 : i32
      %dma_start3A_75 = tpu.memref_slice %arg9[%run_scoped3A_24, %dma_start3A_74] : memref<2x512xi32, #tpu.memory_space<vmem>> -> memref<1x512xi32, #tpu.memory_space<vmem>>
      %dma_start3A_76 = tpu.memref_squeeze %dma_start3A_75 : memref<1x512xi32, #tpu.memory_space<vmem>> -> memref<512xi32, #tpu.memory_space<vmem>>
      %dma_start3A_77 = arith.constant 0 : i32
      %dma_start3A_78 = tpu.memref_slice %arg3[%add3A_22, %dma_start3A_77] : memref<6272x512xi32, #tpu.memory_space<hbm>> -> memref<1x512xi32, #tpu.memory_space<hbm>>
      %dma_start3A_79 = tpu.memref_squeeze %dma_start3A_78 : memref<1x512xi32, #tpu.memory_space<hbm>> -> memref<512xi32, #tpu.memory_space<hbm>>
      %dma_start3A_80 = arith.constant 0 : i32
      %dma_start3A_81 = tpu.memref_slice %arg9[%run_scoped3A_24, %dma_start3A_80] : memref<2x512xi32, #tpu.memory_space<vmem>> -> memref<1x512xi32, #tpu.memory_space<vmem>>
      %dma_start3A_82 = tpu.memref_squeeze %dma_start3A_81 : memref<1x512xi32, #tpu.memory_space<vmem>> -> memref<512xi32, #tpu.memory_space<vmem>>
      %dma_start3A_83 = arith.constant 0 : i32
      %dma_start3A_84 = tpu.memref_slice %arg3[%add3A_22, %dma_start3A_83] : memref<6272x512xi32, #tpu.memory_space<hbm>> -> memref<1x512xi32, #tpu.memory_space<hbm>>
      %dma_start3A_85 = tpu.memref_squeeze %dma_start3A_84 : memref<1x512xi32, #tpu.memory_space<hbm>> -> memref<512xi32, #tpu.memory_space<hbm>>
      tpu.enqueue_dma source(%dma_start3A_85 : memref<512xi32, #tpu.memory_space<hbm>>) target(%dma_start3A_82 : memref<512xi32, #tpu.memory_space<vmem>>) target_semaphore(%run_scoped3A_73 : memref<!tpu.dma_semaphore, #tpu.memory_space<semaphore_mem>>)
      %dma_wait3A_86 = arith.constant 0 : i32
      %dma_wait3A_87 = tpu.memref_slice %arg9[%run_scoped3A_24, %dma_wait3A_86] : memref<2x512xi32, #tpu.memory_space<vmem>> -> memref<1x512xi32, #tpu.memory_space<vmem>>
      %dma_wait3A_88 = tpu.memref_squeeze %dma_wait3A_87 : memref<1x512xi32, #tpu.memory_space<vmem>> -> memref<512xi32, #tpu.memory_space<vmem>>
      %dma_wait3A_89 = arith.constant 0 : i32
      %dma_wait3A_90 = tpu.memref_slice %arg3[%add3A_22, %dma_wait3A_89] : memref<6272x512xi32, #tpu.memory_space<hbm>> -> memref<1x512xi32, #tpu.memory_space<hbm>>
      %dma_wait3A_91 = tpu.memref_squeeze %dma_wait3A_90 : memref<1x512xi32, #tpu.memory_space<hbm>> -> memref<512xi32, #tpu.memory_space<hbm>>
      %dma_wait3A_92 = arith.constant 0 : i32
      %dma_wait3A_93 = tpu.memref_slice %arg9[%run_scoped3A_24, %dma_wait3A_92] : memref<2x512xi32, #tpu.memory_space<vmem>> -> memref<1x512xi32, #tpu.memory_space<vmem>>
      %dma_wait3A_94 = tpu.memref_squeeze %dma_wait3A_93 : memref<1x512xi32, #tpu.memory_space<vmem>> -> memref<512xi32, #tpu.memory_space<vmem>>
      %dma_wait3A_95 = arith.constant 0 : i32
      %dma_wait3A_96 = tpu.memref_slice %arg3[%add3A_22, %dma_wait3A_95] : memref<6272x512xi32, #tpu.memory_space<hbm>> -> memref<1x512xi32, #tpu.memory_space<hbm>>
      %dma_wait3A_97 = tpu.memref_squeeze %dma_wait3A_96 : memref<1x512xi32, #tpu.memory_space<hbm>> -> memref<512xi32, #tpu.memory_space<hbm>>
      tpu.wait_dma2 semaphore(%run_scoped3A_73 : memref<!tpu.dma_semaphore, #tpu.memory_space<semaphore_mem>>) src(%dma_wait3A_97 : memref<512xi32, #tpu.memory_space<hbm>>) dst(%dma_wait3A_94 : memref<512xi32, #tpu.memory_space<vmem>>)
      tpu.yield
    }) : () -> ()
    %dma_start3A_25 = arith.constant 1 : i32
    %dma_start3A_26 = arith.constant 1 : i32
    %dma_start3A_27 = arith.constant 0 : i32
    %dma_start3A_28 = arith.constant 0 : i32
    %dma_start3A_29 = tpu.memref_slice %arg10[%dma_start3A_26, %dma_start3A_27, %dma_start3A_28] : memref<2x512x16xf32, #tpu.memory_space<vmem>> -> memref<1x512x16xf32, #tpu.memory_space<vmem>>
    %dma_start3A_30 = tpu.memref_squeeze %dma_start3A_29 : memref<1x512x16xf32, #tpu.memory_space<vmem>> -> memref<512x16xf32, #tpu.memory_space<vmem>>
    %dma_start3A_31 = arith.constant 0 : i32
    %dma_start3A_32 = tpu.memref_slice %arg8[%dma_start3A_25, %dma_start3A_31] : memref<2x512xi32, #tpu.memory_space<vmem>> -> memref<1x512xi32, #tpu.memory_space<vmem>>
    %dma_start3A_33 = tpu.memref_squeeze %dma_start3A_32 : memref<1x512xi32, #tpu.memory_space<vmem>> -> memref<512xi32, #tpu.memory_space<vmem>>
    %dma_start3A_34 = arith.constant 0 : i32
    %dma_start3A_35 = arith.constant 0 : i32
    %dma_start3A_36 = tpu.memref_slice %arg4[%dma_start3A_34, %dma_start3A_35] : memref<100000x16xf32, #tpu.memory_space<hbm>> -> memref<100000x16xf32, #tpu.memory_space<hbm>>
    tpu.enqueue_indirect_dma source(%dma_start3A_36 : memref<100000x16xf32, #tpu.memory_space<hbm>>) target(%dma_start3A_30 : memref<512x16xf32, #tpu.memory_space<vmem>>) offsets(%dma_start3A_33 : memref<512xi32, #tpu.memory_space<vmem>>) semaphore(%arg12 : memref<!tpu.dma_semaphore, #tpu.memory_space<semaphore_mem>>)
    %scan3A = arith.constant 0 : i32
    %scan3A_37 = arith.constant 0 : i32
    %scan3A_38 = arith.constant 98 : i32
    %scan3A_39 = arith.addi %scan3A_37, %scan3A_38 : i32
    %scan3A_40 = arith.constant 1 : i32
    scf.for %scan3A_73 = %scan3A_37 to %scan3A_39 step %scan3A_40  : i32 {
      %mul3A_74 = arith.constant 2 : i32
      %mul3A_75 = arith.muli %scan3A_73, %mul3A_74 : i32
      %add3A_76 = arith.constant 0 : i32
      %add3A_77 = arith.addi %mul3A_75, %add3A_76 : i32
      %dma_wait3A_78 = arith.constant 0 : i32
      %dma_wait3A_79 = arith.constant 0 : i32
      %dma_wait3A_80 = arith.constant 0 : i32
      %dma_wait3A_81 = arith.constant 0 : i32
      %dma_wait3A_82 = tpu.memref_slice %arg10[%dma_wait3A_79, %dma_wait3A_80, %dma_wait3A_81] : memref<2x512x16xf32, #tpu.memory_space<vmem>> -> memref<1x512x16xf32, #tpu.memory_space<vmem>>
      %dma_wait3A_83 = tpu.memref_squeeze %dma_wait3A_82 : memref<1x512x16xf32, #tpu.memory_space<vmem>> -> memref<512x16xf32, #tpu.memory_space<vmem>>
      %dma_wait3A_84 = arith.constant 0 : i32
      %dma_wait3A_85 = tpu.memref_slice %arg8[%dma_wait3A_78, %dma_wait3A_84] : memref<2x512xi32, #tpu.memory_space<vmem>> -> memref<1x512xi32, #tpu.memory_space<vmem>>
      %dma_wait3A_86 = tpu.memref_squeeze %dma_wait3A_85 : memref<1x512xi32, #tpu.memory_space<vmem>> -> memref<512xi32, #tpu.memory_space<vmem>>
      %dma_wait3A_87 = arith.constant 0 : i32
      %dma_wait3A_88 = arith.constant 0 : i32
      %dma_wait3A_89 = tpu.memref_slice %arg4[%dma_wait3A_87, %dma_wait3A_88] : memref<100000x16xf32, #tpu.memory_space<hbm>> -> memref<100000x16xf32, #tpu.memory_space<hbm>>
      tpu.wait_indirect_dma semaphore(%arg11 : memref<!tpu.dma_semaphore, #tpu.memory_space<semaphore_mem>>) src(%dma_wait3A_89 : memref<100000x16xf32, #tpu.memory_space<hbm>>) dst(%dma_wait3A_83 : memref<512x16xf32, #tpu.memory_space<vmem>>)
      %dma_start3A_90 = arith.constant 0 : i32
      %dma_start3A_91 = arith.constant 0 : i32
      %dma_start3A_92 = arith.constant 0 : i32
      %dma_start3A_93 = arith.constant 0 : i32
      %dma_start3A_94 = tpu.memref_slice %arg10[%dma_start3A_90, %dma_start3A_92, %dma_start3A_93] : memref<2x512x16xf32, #tpu.memory_space<vmem>> -> memref<1x512x16xf32, #tpu.memory_space<vmem>>
      %dma_start3A_95 = tpu.memref_squeeze %dma_start3A_94 : memref<1x512x16xf32, #tpu.memory_space<vmem>> -> memref<512x16xf32, #tpu.memory_space<vmem>>
      %dma_start3A_96 = arith.constant 0 : i32
      %dma_start3A_97 = tpu.memref_slice %arg9[%dma_start3A_91, %dma_start3A_96] : memref<2x512xi32, #tpu.memory_space<vmem>> -> memref<1x512xi32, #tpu.memory_space<vmem>>
      %dma_start3A_98 = tpu.memref_squeeze %dma_start3A_97 : memref<1x512xi32, #tpu.memory_space<vmem>> -> memref<512xi32, #tpu.memory_space<vmem>>
      %dma_start3A_99 = arith.constant 0 : i32
      %dma_start3A_100 = arith.constant 0 : i32
      %dma_start3A_101 = tpu.memref_slice %arg7[%dma_start3A_99, %dma_start3A_100] : memref<100224x16xf32, #tpu.memory_space<vmem_shared>> -> memref<100224x16xf32, #tpu.memory_space<vmem_shared>>
      tpu.enqueue_indirect_dma source(%dma_start3A_95 : memref<512x16xf32, #tpu.memory_space<vmem>>) target(%dma_start3A_101 : memref<100224x16xf32, #tpu.memory_space<vmem_shared>>) offsets(%dma_start3A_98 : memref<512xi32, #tpu.memory_space<vmem>>) semaphore(%arg13 : memref<!tpu.dma_semaphore, #tpu.memory_space<semaphore_mem>>) {add = true}
      %add3A_102 = arith.constant 2 : i32
      %add3A_103 = arith.addi %add3A_77, %add3A_102 : i32
      %lt3A = arith.constant 196 : i32
      %lt3A_104 = arith.cmpi slt, %add3A_103, %lt3A : i32
      %convert_element_type3A = arith.extui %lt3A_104 : i1 to i32
      %cond3A = arith.constant 0 : i32
      %cond3A_105 = arith.cmpi ne, %convert_element_type3A, %cond3A : i32
      scf.if %cond3A_105 {
        %dma_wait3A_141 = arith.constant 0 : i32
        %dma_wait3A_142 = arith.constant 0 : i32
        %dma_wait3A_143 = arith.constant 0 : i32
        %dma_wait3A_144 = arith.constant 0 : i32
        %dma_wait3A_145 = tpu.memref_slice %arg10[%dma_wait3A_141, %dma_wait3A_143, %dma_wait3A_144] : memref<2x512x16xf32, #tpu.memory_space<vmem>> -> memref<1x512x16xf32, #tpu.memory_space<vmem>>
        %dma_wait3A_146 = tpu.memref_squeeze %dma_wait3A_145 : memref<1x512x16xf32, #tpu.memory_space<vmem>> -> memref<512x16xf32, #tpu.memory_space<vmem>>
        %dma_wait3A_147 = arith.constant 0 : i32
        %dma_wait3A_148 = tpu.memref_slice %arg9[%dma_wait3A_142, %dma_wait3A_147] : memref<2x512xi32, #tpu.memory_space<vmem>> -> memref<1x512xi32, #tpu.memory_space<vmem>>
        %dma_wait3A_149 = tpu.memref_squeeze %dma_wait3A_148 : memref<1x512xi32, #tpu.memory_space<vmem>> -> memref<512xi32, #tpu.memory_space<vmem>>
        %dma_wait3A_150 = arith.constant 0 : i32
        %dma_wait3A_151 = arith.constant 0 : i32
        %dma_wait3A_152 = tpu.memref_slice %arg7[%dma_wait3A_150, %dma_wait3A_151] : memref<100224x16xf32, #tpu.memory_space<vmem_shared>> -> memref<100224x16xf32, #tpu.memory_space<vmem_shared>>
        tpu.wait_indirect_dma semaphore(%arg13 : memref<!tpu.dma_semaphore, #tpu.memory_space<semaphore_mem>>) src(%dma_wait3A_146 : memref<512x16xf32, #tpu.memory_space<vmem>>) dst(%dma_wait3A_152 : memref<100224x16xf32, #tpu.memory_space<vmem_shared>>)
        %add3A_153 = arith.addi %mul3A_6, %add3A_103 : i32
        %run_scoped3A_154 = arith.constant 0 : i32
        "tpu.region"() ({
          %run_scoped3A_168 = tpu.sem_alloc : memref<!tpu.dma_semaphore, #tpu.memory_space<semaphore_mem>>
          %dma_start3A_169 = arith.constant 0 : i32
          %dma_start3A_170 = tpu.memref_slice %arg8[%run_scoped3A_154, %dma_start3A_169] : memref<2x512xi32, #tpu.memory_space<vmem>> -> memref<1x512xi32, #tpu.memory_space<vmem>>
          %dma_start3A_171 = tpu.memref_squeeze %dma_start3A_170 : memref<1x512xi32, #tpu.memory_space<vmem>> -> memref<512xi32, #tpu.memory_space<vmem>>
          %dma_start3A_172 = arith.constant 0 : i32
          %dma_start3A_173 = tpu.memref_slice %arg2[%add3A_153, %dma_start3A_172] : memref<6272x512xi32, #tpu.memory_space<hbm>> -> memref<1x512xi32, #tpu.memory_space<hbm>>
          %dma_start3A_174 = tpu.memref_squeeze %dma_start3A_173 : memref<1x512xi32, #tpu.memory_space<hbm>> -> memref<512xi32, #tpu.memory_space<hbm>>
          %dma_start3A_175 = arith.constant 0 : i32
          %dma_start3A_176 = tpu.memref_slice %arg8[%run_scoped3A_154, %dma_start3A_175] : memref<2x512xi32, #tpu.memory_space<vmem>> -> memref<1x512xi32, #tpu.memory_space<vmem>>
          %dma_start3A_177 = tpu.memref_squeeze %dma_start3A_176 : memref<1x512xi32, #tpu.memory_space<vmem>> -> memref<512xi32, #tpu.memory_space<vmem>>
          %dma_start3A_178 = arith.constant 0 : i32
          %dma_start3A_179 = tpu.memref_slice %arg2[%add3A_153, %dma_start3A_178] : memref<6272x512xi32, #tpu.memory_space<hbm>> -> memref<1x512xi32, #tpu.memory_space<hbm>>
          %dma_start3A_180 = tpu.memref_squeeze %dma_start3A_179 : memref<1x512xi32, #tpu.memory_space<hbm>> -> memref<512xi32, #tpu.memory_space<hbm>>
          tpu.enqueue_dma source(%dma_start3A_180 : memref<512xi32, #tpu.memory_space<hbm>>) target(%dma_start3A_177 : memref<512xi32, #tpu.memory_space<vmem>>) target_semaphore(%run_scoped3A_168 : memref<!tpu.dma_semaphore, #tpu.memory_space<semaphore_mem>>)
          %dma_wait3A_181 = arith.constant 0 : i32
          %dma_wait3A_182 = tpu.memref_slice %arg8[%run_scoped3A_154, %dma_wait3A_181] : memref<2x512xi32, #tpu.memory_space<vmem>> -> memref<1x512xi32, #tpu.memory_space<vmem>>
          %dma_wait3A_183 = tpu.memref_squeeze %dma_wait3A_182 : memref<1x512xi32, #tpu.memory_space<vmem>> -> memref<512xi32, #tpu.memory_space<vmem>>
          %dma_wait3A_184 = arith.constant 0 : i32
          %dma_wait3A_185 = tpu.memref_slice %arg2[%add3A_153, %dma_wait3A_184] : memref<6272x512xi32, #tpu.memory_space<hbm>> -> memref<1x512xi32, #tpu.memory_space<hbm>>
          %dma_wait3A_186 = tpu.memref_squeeze %dma_wait3A_185 : memref<1x512xi32, #tpu.memory_space<hbm>> -> memref<512xi32, #tpu.memory_space<hbm>>
          %dma_wait3A_187 = arith.constant 0 : i32
          %dma_wait3A_188 = tpu.memref_slice %arg8[%run_scoped3A_154, %dma_wait3A_187] : memref<2x512xi32, #tpu.memory_space<vmem>> -> memref<1x512xi32, #tpu.memory_space<vmem>>
          %dma_wait3A_189 = tpu.memref_squeeze %dma_wait3A_188 : memref<1x512xi32, #tpu.memory_space<vmem>> -> memref<512xi32, #tpu.memory_space<vmem>>
          %dma_wait3A_190 = arith.constant 0 : i32
          %dma_wait3A_191 = tpu.memref_slice %arg2[%add3A_153, %dma_wait3A_190] : memref<6272x512xi32, #tpu.memory_space<hbm>> -> memref<1x512xi32, #tpu.memory_space<hbm>>
          %dma_wait3A_192 = tpu.memref_squeeze %dma_wait3A_191 : memref<1x512xi32, #tpu.memory_space<hbm>> -> memref<512xi32, #tpu.memory_space<hbm>>
          tpu.wait_dma2 semaphore(%run_scoped3A_168 : memref<!tpu.dma_semaphore, #tpu.memory_space<semaphore_mem>>) src(%dma_wait3A_192 : memref<512xi32, #tpu.memory_space<hbm>>) dst(%dma_wait3A_189 : memref<512xi32, #tpu.memory_space<vmem>>)
          tpu.yield
        }) : () -> ()
        %run_scoped3A_155 = arith.constant 0 : i32
        "tpu.region"() ({
          %run_scoped3A_168 = tpu.sem_alloc : memref<!tpu.dma_semaphore, #tpu.memory_space<semaphore_mem>>
          %dma_start3A_169 = arith.constant 0 : i32
          %dma_start3A_170 = tpu.memref_slice %arg9[%run_scoped3A_155, %dma_start3A_169] : memref<2x512xi32, #tpu.memory_space<vmem>> -> memref<1x512xi32, #tpu.memory_space<vmem>>
          %dma_start3A_171 = tpu.memref_squeeze %dma_start3A_170 : memref<1x512xi32, #tpu.memory_space<vmem>> -> memref<512xi32, #tpu.memory_space<vmem>>
          %dma_start3A_172 = arith.constant 0 : i32
          %dma_start3A_173 = tpu.memref_slice %arg3[%add3A_153, %dma_start3A_172] : memref<6272x512xi32, #tpu.memory_space<hbm>> -> memref<1x512xi32, #tpu.memory_space<hbm>>
          %dma_start3A_174 = tpu.memref_squeeze %dma_start3A_173 : memref<1x512xi32, #tpu.memory_space<hbm>> -> memref<512xi32, #tpu.memory_space<hbm>>
          %dma_start3A_175 = arith.constant 0 : i32
          %dma_start3A_176 = tpu.memref_slice %arg9[%run_scoped3A_155, %dma_start3A_175] : memref<2x512xi32, #tpu.memory_space<vmem>> -> memref<1x512xi32, #tpu.memory_space<vmem>>
          %dma_start3A_177 = tpu.memref_squeeze %dma_start3A_176 : memref<1x512xi32, #tpu.memory_space<vmem>> -> memref<512xi32, #tpu.memory_space<vmem>>
          %dma_start3A_178 = arith.constant 0 : i32
          %dma_start3A_179 = tpu.memref_slice %arg3[%add3A_153, %dma_start3A_178] : memref<6272x512xi32, #tpu.memory_space<hbm>> -> memref<1x512xi32, #tpu.memory_space<hbm>>
          %dma_start3A_180 = tpu.memref_squeeze %dma_start3A_179 : memref<1x512xi32, #tpu.memory_space<hbm>> -> memref<512xi32, #tpu.memory_space<hbm>>
          tpu.enqueue_dma source(%dma_start3A_180 : memref<512xi32, #tpu.memory_space<hbm>>) target(%dma_start3A_177 : memref<512xi32, #tpu.memory_space<vmem>>) target_semaphore(%run_scoped3A_168 : memref<!tpu.dma_semaphore, #tpu.memory_space<semaphore_mem>>)
          %dma_wait3A_181 = arith.constant 0 : i32
          %dma_wait3A_182 = tpu.memref_slice %arg9[%run_scoped3A_155, %dma_wait3A_181] : memref<2x512xi32, #tpu.memory_space<vmem>> -> memref<1x512xi32, #tpu.memory_space<vmem>>
          %dma_wait3A_183 = tpu.memref_squeeze %dma_wait3A_182 : memref<1x512xi32, #tpu.memory_space<vmem>> -> memref<512xi32, #tpu.memory_space<vmem>>
          %dma_wait3A_184 = arith.constant 0 : i32
          %dma_wait3A_185 = tpu.memref_slice %arg3[%add3A_153, %dma_wait3A_184] : memref<6272x512xi32, #tpu.memory_space<hbm>> -> memref<1x512xi32, #tpu.memory_space<hbm>>
          %dma_wait3A_186 = tpu.memref_squeeze %dma_wait3A_185 : memref<1x512xi32, #tpu.memory_space<hbm>> -> memref<512xi32, #tpu.memory_space<hbm>>
          %dma_wait3A_187 = arith.constant 0 : i32
          %dma_wait3A_188 = tpu.memref_slice %arg9[%run_scoped3A_155, %dma_wait3A_187] : memref<2x512xi32, #tpu.memory_space<vmem>> -> memref<1x512xi32, #tpu.memory_space<vmem>>
          %dma_wait3A_189 = tpu.memref_squeeze %dma_wait3A_188 : memref<1x512xi32, #tpu.memory_space<vmem>> -> memref<512xi32, #tpu.memory_space<vmem>>
          %dma_wait3A_190 = arith.constant 0 : i32
          %dma_wait3A_191 = tpu.memref_slice %arg3[%add3A_153, %dma_wait3A_190] : memref<6272x512xi32, #tpu.memory_space<hbm>> -> memref<1x512xi32, #tpu.memory_space<hbm>>
          %dma_wait3A_192 = tpu.memref_squeeze %dma_wait3A_191 : memref<1x512xi32, #tpu.memory_space<hbm>> -> memref<512xi32, #tpu.memory_space<hbm>>
          tpu.wait_dma2 semaphore(%run_scoped3A_168 : memref<!tpu.dma_semaphore, #tpu.memory_space<semaphore_mem>>) src(%dma_wait3A_192 : memref<512xi32, #tpu.memory_space<hbm>>) dst(%dma_wait3A_189 : memref<512xi32, #tpu.memory_space<vmem>>)
          tpu.yield
        }) : () -> ()
        %dma_start3A_156 = arith.constant 0 : i32
        %dma_start3A_157 = arith.constant 0 : i32
        %dma_start3A_158 = arith.constant 0 : i32
        %dma_start3A_159 = arith.constant 0 : i32
        %dma_start3A_160 = tpu.memref_slice %arg10[%dma_start3A_157, %dma_start3A_158, %dma_start3A_159] : memref<2x512x16xf32, #tpu.memory_space<vmem>> -> memref<1x512x16xf32, #tpu.memory_space<vmem>>
        %dma_start3A_161 = tpu.memref_squeeze %dma_start3A_160 : memref<1x512x16xf32, #tpu.memory_space<vmem>> -> memref<512x16xf32, #tpu.memory_space<vmem>>
        %dma_start3A_162 = arith.constant 0 : i32
        %dma_start3A_163 = tpu.memref_slice %arg8[%dma_start3A_156, %dma_start3A_162] : memref<2x512xi32, #tpu.memory_space<vmem>> -> memref<1x512xi32, #tpu.memory_space<vmem>>
        %dma_start3A_164 = tpu.memref_squeeze %dma_start3A_163 : memref<1x512xi32, #tpu.memory_space<vmem>> -> memref<512xi32, #tpu.memory_space<vmem>>
        %dma_start3A_165 = arith.constant 0 : i32
        %dma_start3A_166 = arith.constant 0 : i32
        %dma_start3A_167 = tpu.memref_slice %arg4[%dma_start3A_165, %dma_start3A_166] : memref<100000x16xf32, #tpu.memory_space<hbm>> -> memref<100000x16xf32, #tpu.memory_space<hbm>>
        tpu.enqueue_indirect_dma source(%dma_start3A_167 : memref<100000x16xf32, #tpu.memory_space<hbm>>) target(%dma_start3A_161 : memref<512x16xf32, #tpu.memory_space<vmem>>) offsets(%dma_start3A_164 : memref<512xi32, #tpu.memory_space<vmem>>) semaphore(%arg11 : memref<!tpu.dma_semaphore, #tpu.memory_space<semaphore_mem>>)
      } else {
      }
      %mul3A_106 = arith.constant 2 : i32
      %mul3A_107 = arith.muli %scan3A_73, %mul3A_106 : i32
      %add3A_108 = arith.constant 1 : i32
      %add3A_109 = arith.addi %mul3A_107, %add3A_108 : i32
      %dma_wait3A_110 = arith.constant 1 : i32
      %dma_wait3A_111 = arith.constant 1 : i32
      %dma_wait3A_112 = arith.constant 0 : i32
      %dma_wait3A_113 = arith.constant 0 : i32
      %dma_wait3A_114 = tpu.memref_slice %arg10[%dma_wait3A_111, %dma_wait3A_112, %dma_wait3A_113] : memref<2x512x16xf32, #tpu.memory_space<vmem>> -> memref<1x512x16xf32, #tpu.memory_space<vmem>>
      %dma_wait3A_115 = tpu.memref_squeeze %dma_wait3A_114 : memref<1x512x16xf32, #tpu.memory_space<vmem>> -> memref<512x16xf32, #tpu.memory_space<vmem>>
      %dma_wait3A_116 = arith.constant 0 : i32
      %dma_wait3A_117 = tpu.memref_slice %arg8[%dma_wait3A_110, %dma_wait3A_116] : memref<2x512xi32, #tpu.memory_space<vmem>> -> memref<1x512xi32, #tpu.memory_space<vmem>>
      %dma_wait3A_118 = tpu.memref_squeeze %dma_wait3A_117 : memref<1x512xi32, #tpu.memory_space<vmem>> -> memref<512xi32, #tpu.memory_space<vmem>>
      %dma_wait3A_119 = arith.constant 0 : i32
      %dma_wait3A_120 = arith.constant 0 : i32
      %dma_wait3A_121 = tpu.memref_slice %arg4[%dma_wait3A_119, %dma_wait3A_120] : memref<100000x16xf32, #tpu.memory_space<hbm>> -> memref<100000x16xf32, #tpu.memory_space<hbm>>
      tpu.wait_indirect_dma semaphore(%arg12 : memref<!tpu.dma_semaphore, #tpu.memory_space<semaphore_mem>>) src(%dma_wait3A_121 : memref<100000x16xf32, #tpu.memory_space<hbm>>) dst(%dma_wait3A_115 : memref<512x16xf32, #tpu.memory_space<vmem>>)
      %dma_start3A_122 = arith.constant 1 : i32
      %dma_start3A_123 = arith.constant 1 : i32
      %dma_start3A_124 = arith.constant 0 : i32
      %dma_start3A_125 = arith.constant 0 : i32
      %dma_start3A_126 = tpu.memref_slice %arg10[%dma_start3A_122, %dma_start3A_124, %dma_start3A_125] : memref<2x512x16xf32, #tpu.memory_space<vmem>> -> memref<1x512x16xf32, #tpu.memory_space<vmem>>
      %dma_start3A_127 = tpu.memref_squeeze %dma_start3A_126 : memref<1x512x16xf32, #tpu.memory_space<vmem>> -> memref<512x16xf32, #tpu.memory_space<vmem>>
      %dma_start3A_128 = arith.constant 0 : i32
      %dma_start3A_129 = tpu.memref_slice %arg9[%dma_start3A_123, %dma_start3A_128] : memref<2x512xi32, #tpu.memory_space<vmem>> -> memref<1x512xi32, #tpu.memory_space<vmem>>
      %dma_start3A_130 = tpu.memref_squeeze %dma_start3A_129 : memref<1x512xi32, #tpu.memory_space<vmem>> -> memref<512xi32, #tpu.memory_space<vmem>>
      %dma_start3A_131 = arith.constant 0 : i32
      %dma_start3A_132 = arith.constant 0 : i32
      %dma_start3A_133 = tpu.memref_slice %arg7[%dma_start3A_131, %dma_start3A_132] : memref<100224x16xf32, #tpu.memory_space<vmem_shared>> -> memref<100224x16xf32, #tpu.memory_space<vmem_shared>>
      tpu.enqueue_indirect_dma source(%dma_start3A_127 : memref<512x16xf32, #tpu.memory_space<vmem>>) target(%dma_start3A_133 : memref<100224x16xf32, #tpu.memory_space<vmem_shared>>) offsets(%dma_start3A_130 : memref<512xi32, #tpu.memory_space<vmem>>) semaphore(%arg14 : memref<!tpu.dma_semaphore, #tpu.memory_space<semaphore_mem>>) {add = true}
      %add3A_134 = arith.constant 2 : i32
      %add3A_135 = arith.addi %add3A_109, %add3A_134 : i32
      %lt3A_136 = arith.constant 196 : i32
      %lt3A_137 = arith.cmpi slt, %add3A_135, %lt3A_136 : i32
      %convert_element_type3A_138 = arith.extui %lt3A_137 : i1 to i32
      %cond3A_139 = arith.constant 0 : i32
      %cond3A_140 = arith.cmpi ne, %convert_element_type3A_138, %cond3A_139 : i32
      scf.if %cond3A_140 {
        %dma_wait3A_141 = arith.constant 1 : i32
        %dma_wait3A_142 = arith.constant 1 : i32
        %dma_wait3A_143 = arith.constant 0 : i32
        %dma_wait3A_144 = arith.constant 0 : i32
        %dma_wait3A_145 = tpu.memref_slice %arg10[%dma_wait3A_141, %dma_wait3A_143, %dma_wait3A_144] : memref<2x512x16xf32, #tpu.memory_space<vmem>> -> memref<1x512x16xf32, #tpu.memory_space<vmem>>
        %dma_wait3A_146 = tpu.memref_squeeze %dma_wait3A_145 : memref<1x512x16xf32, #tpu.memory_space<vmem>> -> memref<512x16xf32, #tpu.memory_space<vmem>>
        %dma_wait3A_147 = arith.constant 0 : i32
        %dma_wait3A_148 = tpu.memref_slice %arg9[%dma_wait3A_142, %dma_wait3A_147] : memref<2x512xi32, #tpu.memory_space<vmem>> -> memref<1x512xi32, #tpu.memory_space<vmem>>
        %dma_wait3A_149 = tpu.memref_squeeze %dma_wait3A_148 : memref<1x512xi32, #tpu.memory_space<vmem>> -> memref<512xi32, #tpu.memory_space<vmem>>
        %dma_wait3A_150 = arith.constant 0 : i32
        %dma_wait3A_151 = arith.constant 0 : i32
        %dma_wait3A_152 = tpu.memref_slice %arg7[%dma_wait3A_150, %dma_wait3A_151] : memref<100224x16xf32, #tpu.memory_space<vmem_shared>> -> memref<100224x16xf32, #tpu.memory_space<vmem_shared>>
        tpu.wait_indirect_dma semaphore(%arg14 : memref<!tpu.dma_semaphore, #tpu.memory_space<semaphore_mem>>) src(%dma_wait3A_146 : memref<512x16xf32, #tpu.memory_space<vmem>>) dst(%dma_wait3A_152 : memref<100224x16xf32, #tpu.memory_space<vmem_shared>>)
        %add3A_153 = arith.addi %mul3A_6, %add3A_135 : i32
        %run_scoped3A_154 = arith.constant 1 : i32
        "tpu.region"() ({
          %run_scoped3A_168 = tpu.sem_alloc : memref<!tpu.dma_semaphore, #tpu.memory_space<semaphore_mem>>
          %dma_start3A_169 = arith.constant 0 : i32
          %dma_start3A_170 = tpu.memref_slice %arg8[%run_scoped3A_154, %dma_start3A_169] : memref<2x512xi32, #tpu.memory_space<vmem>> -> memref<1x512xi32, #tpu.memory_space<vmem>>
          %dma_start3A_171 = tpu.memref_squeeze %dma_start3A_170 : memref<1x512xi32, #tpu.memory_space<vmem>> -> memref<512xi32, #tpu.memory_space<vmem>>
          %dma_start3A_172 = arith.constant 0 : i32
          %dma_start3A_173 = tpu.memref_slice %arg2[%add3A_153, %dma_start3A_172] : memref<6272x512xi32, #tpu.memory_space<hbm>> -> memref<1x512xi32, #tpu.memory_space<hbm>>
          %dma_start3A_174 = tpu.memref_squeeze %dma_start3A_173 : memref<1x512xi32, #tpu.memory_space<hbm>> -> memref<512xi32, #tpu.memory_space<hbm>>
          %dma_start3A_175 = arith.constant 0 : i32
          %dma_start3A_176 = tpu.memref_slice %arg8[%run_scoped3A_154, %dma_start3A_175] : memref<2x512xi32, #tpu.memory_space<vmem>> -> memref<1x512xi32, #tpu.memory_space<vmem>>
          %dma_start3A_177 = tpu.memref_squeeze %dma_start3A_176 : memref<1x512xi32, #tpu.memory_space<vmem>> -> memref<512xi32, #tpu.memory_space<vmem>>
          %dma_start3A_178 = arith.constant 0 : i32
          %dma_start3A_179 = tpu.memref_slice %arg2[%add3A_153, %dma_start3A_178] : memref<6272x512xi32, #tpu.memory_space<hbm>> -> memref<1x512xi32, #tpu.memory_space<hbm>>
          %dma_start3A_180 = tpu.memref_squeeze %dma_start3A_179 : memref<1x512xi32, #tpu.memory_space<hbm>> -> memref<512xi32, #tpu.memory_space<hbm>>
          tpu.enqueue_dma source(%dma_start3A_180 : memref<512xi32, #tpu.memory_space<hbm>>) target(%dma_start3A_177 : memref<512xi32, #tpu.memory_space<vmem>>) target_semaphore(%run_scoped3A_168 : memref<!tpu.dma_semaphore, #tpu.memory_space<semaphore_mem>>)
          %dma_wait3A_181 = arith.constant 0 : i32
          %dma_wait3A_182 = tpu.memref_slice %arg8[%run_scoped3A_154, %dma_wait3A_181] : memref<2x512xi32, #tpu.memory_space<vmem>> -> memref<1x512xi32, #tpu.memory_space<vmem>>
          %dma_wait3A_183 = tpu.memref_squeeze %dma_wait3A_182 : memref<1x512xi32, #tpu.memory_space<vmem>> -> memref<512xi32, #tpu.memory_space<vmem>>
          %dma_wait3A_184 = arith.constant 0 : i32
          %dma_wait3A_185 = tpu.memref_slice %arg2[%add3A_153, %dma_wait3A_184] : memref<6272x512xi32, #tpu.memory_space<hbm>> -> memref<1x512xi32, #tpu.memory_space<hbm>>
          %dma_wait3A_186 = tpu.memref_squeeze %dma_wait3A_185 : memref<1x512xi32, #tpu.memory_space<hbm>> -> memref<512xi32, #tpu.memory_space<hbm>>
          %dma_wait3A_187 = arith.constant 0 : i32
          %dma_wait3A_188 = tpu.memref_slice %arg8[%run_scoped3A_154, %dma_wait3A_187] : memref<2x512xi32, #tpu.memory_space<vmem>> -> memref<1x512xi32, #tpu.memory_space<vmem>>
          %dma_wait3A_189 = tpu.memref_squeeze %dma_wait3A_188 : memref<1x512xi32, #tpu.memory_space<vmem>> -> memref<512xi32, #tpu.memory_space<vmem>>
          %dma_wait3A_190 = arith.constant 0 : i32
          %dma_wait3A_191 = tpu.memref_slice %arg2[%add3A_153, %dma_wait3A_190] : memref<6272x512xi32, #tpu.memory_space<hbm>> -> memref<1x512xi32, #tpu.memory_space<hbm>>
          %dma_wait3A_192 = tpu.memref_squeeze %dma_wait3A_191 : memref<1x512xi32, #tpu.memory_space<hbm>> -> memref<512xi32, #tpu.memory_space<hbm>>
          tpu.wait_dma2 semaphore(%run_scoped3A_168 : memref<!tpu.dma_semaphore, #tpu.memory_space<semaphore_mem>>) src(%dma_wait3A_192 : memref<512xi32, #tpu.memory_space<hbm>>) dst(%dma_wait3A_189 : memref<512xi32, #tpu.memory_space<vmem>>)
          tpu.yield
        }) : () -> ()
        %run_scoped3A_155 = arith.constant 1 : i32
        "tpu.region"() ({
          %run_scoped3A_168 = tpu.sem_alloc : memref<!tpu.dma_semaphore, #tpu.memory_space<semaphore_mem>>
          %dma_start3A_169 = arith.constant 0 : i32
          %dma_start3A_170 = tpu.memref_slice %arg9[%run_scoped3A_155, %dma_start3A_169] : memref<2x512xi32, #tpu.memory_space<vmem>> -> memref<1x512xi32, #tpu.memory_space<vmem>>
          %dma_start3A_171 = tpu.memref_squeeze %dma_start3A_170 : memref<1x512xi32, #tpu.memory_space<vmem>> -> memref<512xi32, #tpu.memory_space<vmem>>
          %dma_start3A_172 = arith.constant 0 : i32
          %dma_start3A_173 = tpu.memref_slice %arg3[%add3A_153, %dma_start3A_172] : memref<6272x512xi32, #tpu.memory_space<hbm>> -> memref<1x512xi32, #tpu.memory_space<hbm>>
          %dma_start3A_174 = tpu.memref_squeeze %dma_start3A_173 : memref<1x512xi32, #tpu.memory_space<hbm>> -> memref<512xi32, #tpu.memory_space<hbm>>
          %dma_start3A_175 = arith.constant 0 : i32
          %dma_start3A_176 = tpu.memref_slice %arg9[%run_scoped3A_155, %dma_start3A_175] : memref<2x512xi32, #tpu.memory_space<vmem>> -> memref<1x512xi32, #tpu.memory_space<vmem>>
          %dma_start3A_177 = tpu.memref_squeeze %dma_start3A_176 : memref<1x512xi32, #tpu.memory_space<vmem>> -> memref<512xi32, #tpu.memory_space<vmem>>
          %dma_start3A_178 = arith.constant 0 : i32
          %dma_start3A_179 = tpu.memref_slice %arg3[%add3A_153, %dma_start3A_178] : memref<6272x512xi32, #tpu.memory_space<hbm>> -> memref<1x512xi32, #tpu.memory_space<hbm>>
          %dma_start3A_180 = tpu.memref_squeeze %dma_start3A_179 : memref<1x512xi32, #tpu.memory_space<hbm>> -> memref<512xi32, #tpu.memory_space<hbm>>
          tpu.enqueue_dma source(%dma_start3A_180 : memref<512xi32, #tpu.memory_space<hbm>>) target(%dma_start3A_177 : memref<512xi32, #tpu.memory_space<vmem>>) target_semaphore(%run_scoped3A_168 : memref<!tpu.dma_semaphore, #tpu.memory_space<semaphore_mem>>)
          %dma_wait3A_181 = arith.constant 0 : i32
          %dma_wait3A_182 = tpu.memref_slice %arg9[%run_scoped3A_155, %dma_wait3A_181] : memref<2x512xi32, #tpu.memory_space<vmem>> -> memref<1x512xi32, #tpu.memory_space<vmem>>
          %dma_wait3A_183 = tpu.memref_squeeze %dma_wait3A_182 : memref<1x512xi32, #tpu.memory_space<vmem>> -> memref<512xi32, #tpu.memory_space<vmem>>
          %dma_wait3A_184 = arith.constant 0 : i32
          %dma_wait3A_185 = tpu.memref_slice %arg3[%add3A_153, %dma_wait3A_184] : memref<6272x512xi32, #tpu.memory_space<hbm>> -> memref<1x512xi32, #tpu.memory_space<hbm>>
          %dma_wait3A_186 = tpu.memref_squeeze %dma_wait3A_185 : memref<1x512xi32, #tpu.memory_space<hbm>> -> memref<512xi32, #tpu.memory_space<hbm>>
          %dma_wait3A_187 = arith.constant 0 : i32
          %dma_wait3A_188 = tpu.memref_slice %arg9[%run_scoped3A_155, %dma_wait3A_187] : memref<2x512xi32, #tpu.memory_space<vmem>> -> memref<1x512xi32, #tpu.memory_space<vmem>>
          %dma_wait3A_189 = tpu.memref_squeeze %dma_wait3A_188 : memref<1x512xi32, #tpu.memory_space<vmem>> -> memref<512xi32, #tpu.memory_space<vmem>>
          %dma_wait3A_190 = arith.constant 0 : i32
          %dma_wait3A_191 = tpu.memref_slice %arg3[%add3A_153, %dma_wait3A_190] : memref<6272x512xi32, #tpu.memory_space<hbm>> -> memref<1x512xi32, #tpu.memory_space<hbm>>
          %dma_wait3A_192 = tpu.memref_squeeze %dma_wait3A_191 : memref<1x512xi32, #tpu.memory_space<hbm>> -> memref<512xi32, #tpu.memory_space<hbm>>
          tpu.wait_dma2 semaphore(%run_scoped3A_168 : memref<!tpu.dma_semaphore, #tpu.memory_space<semaphore_mem>>) src(%dma_wait3A_192 : memref<512xi32, #tpu.memory_space<hbm>>) dst(%dma_wait3A_189 : memref<512xi32, #tpu.memory_space<vmem>>)
          tpu.yield
        }) : () -> ()
        %dma_start3A_156 = arith.constant 1 : i32
        %dma_start3A_157 = arith.constant 1 : i32
        %dma_start3A_158 = arith.constant 0 : i32
        %dma_start3A_159 = arith.constant 0 : i32
        %dma_start3A_160 = tpu.memref_slice %arg10[%dma_start3A_157, %dma_start3A_158, %dma_start3A_159] : memref<2x512x16xf32, #tpu.memory_space<vmem>> -> memref<1x512x16xf32, #tpu.memory_space<vmem>>
        %dma_start3A_161 = tpu.memref_squeeze %dma_start3A_160 : memref<1x512x16xf32, #tpu.memory_space<vmem>> -> memref<512x16xf32, #tpu.memory_space<vmem>>
        %dma_start3A_162 = arith.constant 0 : i32
        %dma_start3A_163 = tpu.memref_slice %arg8[%dma_start3A_156, %dma_start3A_162] : memref<2x512xi32, #tpu.memory_space<vmem>> -> memref<1x512xi32, #tpu.memory_space<vmem>>
        %dma_start3A_164 = tpu.memref_squeeze %dma_start3A_163 : memref<1x512xi32, #tpu.memory_space<vmem>> -> memref<512xi32, #tpu.memory_space<vmem>>
        %dma_start3A_165 = arith.constant 0 : i32
        %dma_start3A_166 = arith.constant 0 : i32
        %dma_start3A_167 = tpu.memref_slice %arg4[%dma_start3A_165, %dma_start3A_166] : memref<100000x16xf32, #tpu.memory_space<hbm>> -> memref<100000x16xf32, #tpu.memory_space<hbm>>
        tpu.enqueue_indirect_dma source(%dma_start3A_167 : memref<100000x16xf32, #tpu.memory_space<hbm>>) target(%dma_start3A_161 : memref<512x16xf32, #tpu.memory_space<vmem>>) offsets(%dma_start3A_164 : memref<512xi32, #tpu.memory_space<vmem>>) semaphore(%arg12 : memref<!tpu.dma_semaphore, #tpu.memory_space<semaphore_mem>>)
      } else {
      }
    }
    %scan3A_41 = arith.constant 98 : i32
    %dma_wait3A = arith.constant 0 : i32
    %dma_wait3A_42 = arith.constant 0 : i32
    %dma_wait3A_43 = arith.constant 0 : i32
    %dma_wait3A_44 = arith.constant 0 : i32
    %dma_wait3A_45 = tpu.memref_slice %arg10[%dma_wait3A, %dma_wait3A_43, %dma_wait3A_44] : memref<2x512x16xf32, #tpu.memory_space<vmem>> -> memref<1x512x16xf32, #tpu.memory_space<vmem>>
    %dma_wait3A_46 = tpu.memref_squeeze %dma_wait3A_45 : memref<1x512x16xf32, #tpu.memory_space<vmem>> -> memref<512x16xf32, #tpu.memory_space<vmem>>
    %dma_wait3A_47 = arith.constant 0 : i32
    %dma_wait3A_48 = tpu.memref_slice %arg9[%dma_wait3A_42, %dma_wait3A_47] : memref<2x512xi32, #tpu.memory_space<vmem>> -> memref<1x512xi32, #tpu.memory_space<vmem>>
    %dma_wait3A_49 = tpu.memref_squeeze %dma_wait3A_48 : memref<1x512xi32, #tpu.memory_space<vmem>> -> memref<512xi32, #tpu.memory_space<vmem>>
    %dma_wait3A_50 = arith.constant 0 : i32
    %dma_wait3A_51 = arith.constant 0 : i32
    %dma_wait3A_52 = tpu.memref_slice %arg7[%dma_wait3A_50, %dma_wait3A_51] : memref<100224x16xf32, #tpu.memory_space<vmem_shared>> -> memref<100224x16xf32, #tpu.memory_space<vmem_shared>>
    tpu.wait_indirect_dma semaphore(%arg13 : memref<!tpu.dma_semaphore, #tpu.memory_space<semaphore_mem>>) src(%dma_wait3A_46 : memref<512x16xf32, #tpu.memory_space<vmem>>) dst(%dma_wait3A_52 : memref<100224x16xf32, #tpu.memory_space<vmem_shared>>)
    %dma_wait3A_53 = arith.constant 1 : i32
    %dma_wait3A_54 = arith.constant 1 : i32
    %dma_wait3A_55 = arith.constant 0 : i32
    %dma_wait3A_56 = arith.constant 0 : i32
    %dma_wait3A_57 = tpu.memref_slice %arg10[%dma_wait3A_53, %dma_wait3A_55, %dma_wait3A_56] : memref<2x512x16xf32, #tpu.memory_space<vmem>> -> memref<1x512x16xf32, #tpu.memory_space<vmem>>
    %dma_wait3A_58 = tpu.memref_squeeze %dma_wait3A_57 : memref<1x512x16xf32, #tpu.memory_space<vmem>> -> memref<512x16xf32, #tpu.memory_space<vmem>>
    %dma_wait3A_59 = arith.constant 0 : i32
    %dma_wait3A_60 = tpu.memref_slice %arg9[%dma_wait3A_54, %dma_wait3A_59] : memref<2x512xi32, #tpu.memory_space<vmem>> -> memref<1x512xi32, #tpu.memory_space<vmem>>
    %dma_wait3A_61 = tpu.memref_squeeze %dma_wait3A_60 : memref<1x512xi32, #tpu.memory_space<vmem>> -> memref<512xi32, #tpu.memory_space<vmem>>
    %dma_wait3A_62 = arith.constant 0 : i32
    %dma_wait3A_63 = arith.constant 0 : i32
    %dma_wait3A_64 = tpu.memref_slice %arg7[%dma_wait3A_62, %dma_wait3A_63] : memref<100224x16xf32, #tpu.memory_space<vmem_shared>> -> memref<100224x16xf32, #tpu.memory_space<vmem_shared>>
    tpu.wait_indirect_dma semaphore(%arg14 : memref<!tpu.dma_semaphore, #tpu.memory_space<semaphore_mem>>) src(%dma_wait3A_58 : memref<512x16xf32, #tpu.memory_space<vmem>>) dst(%dma_wait3A_64 : memref<100224x16xf32, #tpu.memory_space<vmem_shared>>)
    %barrier3A_65 = arith.constant 0 : index
    tpu.barrier barrier_id(%barrier3A_65)
    %mul3A_66 = arith.constant 6264 : i32
    %mul3A_67 = arith.muli %arg1, %mul3A_66 : i32
    %mul3A_68 = arith.constant 100224 : i32
    %mul3A_69 = arith.muli %arg0, %mul3A_68 : i32
    %mul3A_70 = arith.constant 6264 : i32
    %mul3A_71 = arith.muli %arg1, %mul3A_70 : i32
    %add3A_72 = arith.addi %mul3A_69, %mul3A_71 : i32
    "tpu.region"() ({
      %run_scoped3A_73 = tpu.sem_alloc : memref<!tpu.dma_semaphore, #tpu.memory_space<semaphore_mem>>
      %dma_start3A_74 = arith.constant 0 : i32
      %dma_start3A_75 = tpu.memref_slice %arg6[%add3A_72, %dma_start3A_74] : memref<200448x16xf32, #tpu.memory_space<hbm>> -> memref<6264x16xf32, #tpu.memory_space<hbm>>
      %dma_start3A_76 = arith.constant 0 : i32
      %dma_start3A_77 = tpu.memref_slice %arg7[%mul3A_67, %dma_start3A_76] : memref<100224x16xf32, #tpu.memory_space<vmem_shared>> -> memref<6264x16xf32, #tpu.memory_space<vmem_shared>>
      tpu.enqueue_dma source(%dma_start3A_77 : memref<6264x16xf32, #tpu.memory_space<vmem_shared>>) target(%dma_start3A_75 : memref<6264x16xf32, #tpu.memory_space<hbm>>) target_semaphore(%run_scoped3A_73 : memref<!tpu.dma_semaphore, #tpu.memory_space<semaphore_mem>>)
      %dma_wait3A_78 = arith.constant 0 : i32
      %dma_wait3A_79 = tpu.memref_slice %arg6[%add3A_72, %dma_wait3A_78] : memref<200448x16xf32, #tpu.memory_space<hbm>> -> memref<6264x16xf32, #tpu.memory_space<hbm>>
      %dma_wait3A_80 = arith.constant 0 : i32
      %dma_wait3A_81 = tpu.memref_slice %arg7[%mul3A_67, %dma_wait3A_80] : memref<100224x16xf32, #tpu.memory_space<vmem_shared>> -> memref<6264x16xf32, #tpu.memory_space<vmem_shared>>
      tpu.wait_dma2 semaphore(%run_scoped3A_73 : memref<!tpu.dma_semaphore, #tpu.memory_space<semaphore_mem>>) src(%dma_wait3A_81 : memref<6264x16xf32, #tpu.memory_space<vmem_shared>>) dst(%dma_wait3A_79 : memref<6264x16xf32, #tpu.memory_space<hbm>>)
      tpu.yield
    }) : () -> ()
    return
  }
}

module attributes {stable_mosaic.version = 14 : i64} {
  func.func @_mlp0_body(%arg0: i32, %arg1: memref<2000x16xf32, #tpu.memory_space<vmem>>, %arg2: memref<2x2000x16xf32, #tpu.memory_space<vmem>>, %arg3: memref<4x64xf32, #tpu.memory_space<vmem>>, %arg4: memref<1x64xf32, #tpu.memory_space<vmem>>, %arg5: memref<64x64xf32, #tpu.memory_space<vmem>>, %arg6: memref<1x64xf32, #tpu.memory_space<vmem>>, %arg7: memref<2000x16xf32, #tpu.memory_space<vmem>>, %arg8: memref<2000x16xf32, #tpu.memory_space<vmem>>, %arg9: memref<2000x16xf32, #tpu.memory_space<vmem>>, %arg10: memref<2000x16xf32, #tpu.memory_space<vmem>>, %arg11: memref<1x4xf32, #tpu.memory_space<vmem>>, %arg12: memref<1x64xf32, #tpu.memory_space<vmem>>) attributes {dimension_semantics = [#tpu.dimension_semantics<arbitrary>], iteration_bounds = array<i64: 50>, scalar_prefetch = 0 : i64, scratch_operands = 0 : i64, tpu.core_type = #tpu.core_type<tc>, window_params = [{transform_indices = @transform_0, window_bounds = array<i64: 2000, 16>}, {transform_indices = @transform_1, window_bounds = array<i64: 2, 2000, 16>}, {pipeline_mode = #tpu.pipeline_mode<synchronous>, transform_indices = @transform_2, window_bounds = array<i64: 4, 64>}, {pipeline_mode = #tpu.pipeline_mode<synchronous>, transform_indices = @transform_3, window_bounds = array<i64: 1, 64>}, {pipeline_mode = #tpu.pipeline_mode<synchronous>, transform_indices = @transform_4, window_bounds = array<i64: 64, 64>}, {pipeline_mode = #tpu.pipeline_mode<synchronous>, transform_indices = @transform_5, window_bounds = array<i64: 1, 64>}, {transform_indices = @transform_6, window_bounds = array<i64: 2000, 16>}, {transform_indices = @transform_7, window_bounds = array<i64: 2000, 16>}, {transform_indices = @transform_8, window_bounds = array<i64: 2000, 16>}, {transform_indices = @transform_9, window_bounds = array<i64: 2000, 16>}, {pipeline_mode = #tpu.pipeline_mode<synchronous>, transform_indices = @transform_10, window_bounds = array<i64: 1, 4>}, {pipeline_mode = #tpu.pipeline_mode<synchronous>, transform_indices = @transform_11, window_bounds = array<i64: 1, 64>}]} {
    %get3A = arith.constant 0 : index
    %get3A_0 = arith.constant 0 : index
    %get3A_1 = arith.constant 0 : index
    %get3A_2 = vector.load %arg2[%get3A, %get3A_0, %get3A_1] : memref<2x2000x16xf32, #tpu.memory_space<vmem>>, vector<1x2000x16xf32>
    %get3A_3 = vector.shape_cast %get3A_2 : vector<1x2000x16xf32> to vector<2000x16xf32>
    %slice3A = vector.extract_strided_slice %get3A_3 {offsets = [0, 0], sizes = [2000, 4], strides = [1, 1]} : vector<2000x16xf32> to vector<2000x4xf32>
    %get3A_4 = arith.constant 1 : index
    %get3A_5 = arith.constant 0 : index
    %get3A_6 = arith.constant 0 : index
    %get3A_7 = vector.load %arg2[%get3A_4, %get3A_5, %get3A_6] : memref<2x2000x16xf32, #tpu.memory_space<vmem>>, vector<1x2000x16xf32>
    %get3A_8 = vector.shape_cast %get3A_7 : vector<1x2000x16xf32> to vector<2000x16xf32>
    %slice3A_9 = vector.extract_strided_slice %get3A_8 {offsets = [0, 0], sizes = [2000, 4], strides = [1, 1]} : vector<2000x16xf32> to vector<2000x4xf32>
    %add3A = arith.addf %slice3A, %slice3A_9 : vector<2000x4xf32>
    %slice3A_10 = vector.extract_strided_slice %add3A {offsets = [0, 3], sizes = [2000, 1], strides = [1, 1]} : vector<2000x4xf32> to vector<2000x1xf32>
    %max3A = arith.constant 1.000000e+00 : f32
    %max3A_11 = vector.broadcast %max3A : f32 to vector<2000x1xf32>
    %max3A_12 = arith.maximumf %slice3A_10, %max3A_11 : vector<2000x1xf32>
    %get3A_13 = arith.constant 0 : index
    %get3A_14 = arith.constant 0 : index
    %get3A_15 = vector.load %arg1[%get3A_13, %get3A_14] : memref<2000x16xf32, #tpu.memory_space<vmem>>, vector<2000x4xf32>
    %div3A = vector.broadcast %max3A_12 : vector<2000x1xf32> to vector<2000x4xf32>
    %div3A_16 = arith.divf %add3A, %div3A : vector<2000x4xf32>
    %add3A_17 = arith.addf %get3A_15, %div3A_16 : vector<2000x4xf32>
    %get3A_18 = arith.constant 0 : index
    %get3A_19 = arith.constant 0 : index
    %get3A_20 = vector.load %arg3[%get3A_18, %get3A_19] : memref<4x64xf32, #tpu.memory_space<vmem>>, vector<4x64xf32>
    %dot_general3A = arith.constant dense<0.000000e+00> : vector<2000x64xf32>
    %dot_general3A_21 = tpu.matmul %add3A_17, %get3A_20, %dot_general3A {dimension_numbers = #tpu.dot_dimension_numbers<[1], [0], [0], [1], [0, 0, 1, 1], [], []>, precision = #tpu.contract_precision<fp32>, transpose_lhs_hint = false} : vector<2000x4xf32>, vector<4x64xf32>, vector<2000x64xf32> -> vector<2000x64xf32>
    %get3A_22 = arith.constant 0 : index
    %get3A_23 = arith.constant 0 : index
    %get3A_24 = vector.load %arg4[%get3A_22, %get3A_23] : memref<1x64xf32, #tpu.memory_space<vmem>>, vector<1x64xf32>
    %add3A_25 = vector.broadcast %get3A_24 : vector<1x64xf32> to vector<2000x64xf32>
    %add3A_26 = arith.addf %dot_general3A_21, %add3A_25 : vector<2000x64xf32>
    %max3A_27 = arith.constant 0.000000e+00 : f32
    %max3A_28 = vector.broadcast %max3A_27 : f32 to vector<2000x64xf32>
    %max3A_29 = arith.maximumf %add3A_26, %max3A_28 : vector<2000x64xf32>
    %get3A_30 = arith.constant 0 : index
    %get3A_31 = arith.constant 0 : index
    %get3A_32 = vector.load %arg5[%get3A_30, %get3A_31] : memref<64x64xf32, #tpu.memory_space<vmem>>, vector<64x64xf32>
    %dot_general3A_33 = arith.constant dense<0.000000e+00> : vector<2000x64xf32>
    %dot_general3A_34 = tpu.matmul %max3A_29, %get3A_32, %dot_general3A_33 {dimension_numbers = #tpu.dot_dimension_numbers<[1], [0], [0], [1], [0, 0, 1, 1], [], []>, precision = #tpu.contract_precision<fp32>, transpose_lhs_hint = false} : vector<2000x64xf32>, vector<64x64xf32>, vector<2000x64xf32> -> vector<2000x64xf32>
    %get3A_35 = arith.constant 0 : index
    %get3A_36 = arith.constant 0 : index
    %get3A_37 = vector.load %arg6[%get3A_35, %get3A_36] : memref<1x64xf32, #tpu.memory_space<vmem>>, vector<1x64xf32>
    %add3A_38 = vector.broadcast %get3A_37 : vector<1x64xf32> to vector<2000x64xf32>
    %add3A_39 = arith.addf %dot_general3A_34, %add3A_38 : vector<2000x64xf32>
    %max3A_40 = arith.constant 0.000000e+00 : f32
    %max3A_41 = vector.broadcast %max3A_40 : f32 to vector<2000x64xf32>
    %max3A_42 = arith.maximumf %add3A_39, %max3A_41 : vector<2000x64xf32>
    %slice3A_43 = vector.extract_strided_slice %max3A_42 {offsets = [0, 0], sizes = [2000, 16], strides = [1, 1]} : vector<2000x64xf32> to vector<2000x16xf32>
    %swap3A = arith.constant 0 : index
    %swap3A_44 = arith.constant 0 : index
    %swap3A_45 = vector.load %arg7[%swap3A, %swap3A_44] : memref<2000x16xf32, #tpu.memory_space<vmem>>, vector<2000x16xf32>
    tpu.vector_store %arg7[%swap3A, %swap3A_44], %slice3A_43 {strides = array<i32>} : memref<2000x16xf32, #tpu.memory_space<vmem>>, vector<2000x16xf32>,
    %slice3A_46 = vector.extract_strided_slice %max3A_42 {offsets = [0, 16], sizes = [2000, 16], strides = [1, 1]} : vector<2000x64xf32> to vector<2000x16xf32>
    %swap3A_47 = arith.constant 0 : index
    %swap3A_48 = arith.constant 0 : index
    %swap3A_49 = vector.load %arg8[%swap3A_47, %swap3A_48] : memref<2000x16xf32, #tpu.memory_space<vmem>>, vector<2000x16xf32>
    tpu.vector_store %arg8[%swap3A_47, %swap3A_48], %slice3A_46 {strides = array<i32>} : memref<2000x16xf32, #tpu.memory_space<vmem>>, vector<2000x16xf32>,
    %slice3A_50 = vector.extract_strided_slice %max3A_42 {offsets = [0, 32], sizes = [2000, 16], strides = [1, 1]} : vector<2000x64xf32> to vector<2000x16xf32>
    %swap3A_51 = arith.constant 0 : index
    %swap3A_52 = arith.constant 0 : index
    %swap3A_53 = vector.load %arg9[%swap3A_51, %swap3A_52] : memref<2000x16xf32, #tpu.memory_space<vmem>>, vector<2000x16xf32>
    tpu.vector_store %arg9[%swap3A_51, %swap3A_52], %slice3A_50 {strides = array<i32>} : memref<2000x16xf32, #tpu.memory_space<vmem>>, vector<2000x16xf32>,
    %slice3A_54 = vector.extract_strided_slice %max3A_42 {offsets = [0, 48], sizes = [2000, 16], strides = [1, 1]} : vector<2000x64xf32> to vector<2000x16xf32>
    %swap3A_55 = arith.constant 0 : index
    %swap3A_56 = arith.constant 0 : index
    %swap3A_57 = vector.load %arg10[%swap3A_55, %swap3A_56] : memref<2000x16xf32, #tpu.memory_space<vmem>>, vector<2000x16xf32>
    tpu.vector_store %arg10[%swap3A_55, %swap3A_56], %slice3A_54 {strides = array<i32>} : memref<2000x16xf32, #tpu.memory_space<vmem>>, vector<2000x16xf32>,
    %eq3A = arith.constant 0 : i32
    %eq3A_58 = arith.cmpi eq, %arg0, %eq3A : i32
    %convert_element_type3A = arith.extui %eq3A_58 : i1 to i32
    %cond3A = arith.constant 0 : i32
    %cond3A_59 = arith.cmpi ne, %convert_element_type3A, %cond3A : i32
    scf.if %cond3A_59 {
      %broadcast_in_dim3A_78 = arith.constant 0.000000e+00 : f32
      %broadcast_in_dim3A_79 = vector.broadcast %broadcast_in_dim3A_78 : f32 to vector<1x4xf32>
      %swap3A_80 = arith.constant 0 : index
      %swap3A_81 = arith.constant 0 : index
      %swap3A_82 = vector.load %arg11[%swap3A_80, %swap3A_81] : memref<1x4xf32, #tpu.memory_space<vmem>>, vector<1x4xf32>
      tpu.vector_store %arg11[%swap3A_80, %swap3A_81], %broadcast_in_dim3A_79 {strides = array<i32>} : memref<1x4xf32, #tpu.memory_space<vmem>>, vector<1x4xf32>,
      %broadcast_in_dim3A_83 = arith.constant 0.000000e+00 : f32
      %broadcast_in_dim3A_84 = vector.broadcast %broadcast_in_dim3A_83 : f32 to vector<1x64xf32>
      %swap3A_85 = arith.constant 0 : index
      %swap3A_86 = arith.constant 0 : index
      %swap3A_87 = vector.load %arg12[%swap3A_85, %swap3A_86] : memref<1x64xf32, #tpu.memory_space<vmem>>, vector<1x64xf32>
      tpu.vector_store %arg12[%swap3A_85, %swap3A_86], %broadcast_in_dim3A_84 {strides = array<i32>} : memref<1x64xf32, #tpu.memory_space<vmem>>, vector<1x64xf32>,
    } else {
    }
    %get3A_60 = arith.constant 0 : index
    %get3A_61 = arith.constant 0 : index
    %get3A_62 = vector.load %arg11[%get3A_60, %get3A_61] : memref<1x4xf32, #tpu.memory_space<vmem>>, vector<1x4xf32>
    %reduce_sum3A = arith.constant dense<0.000000e+00> : vector<4xf32>
    %reduce_sum3A_63 = vector.multi_reduction <add>, %get3A_15, %reduce_sum3A [0] : vector<2000x4xf32> to vector<4xf32>
    %broadcast_in_dim3A = vector.shape_cast %reduce_sum3A_63 : vector<4xf32> to vector<1x4xf32>
    %add3A_64 = arith.addf %get3A_62, %broadcast_in_dim3A : vector<1x4xf32>
    %swap3A_65 = arith.constant 0 : index
    %swap3A_66 = arith.constant 0 : index
    %swap3A_67 = vector.load %arg11[%swap3A_65, %swap3A_66] : memref<1x4xf32, #tpu.memory_space<vmem>>, vector<1x4xf32>
    tpu.vector_store %arg11[%swap3A_65, %swap3A_66], %add3A_64 {strides = array<i32>} : memref<1x4xf32, #tpu.memory_space<vmem>>, vector<1x4xf32>,
    %get3A_68 = arith.constant 0 : index
    %get3A_69 = arith.constant 0 : index
    %get3A_70 = vector.load %arg12[%get3A_68, %get3A_69] : memref<1x64xf32, #tpu.memory_space<vmem>>, vector<1x64xf32>
    %reduce_sum3A_71 = arith.constant dense<0.000000e+00> : vector<64xf32>
    %reduce_sum3A_72 = vector.multi_reduction <add>, %max3A_42, %reduce_sum3A_71 [0] : vector<2000x64xf32> to vector<64xf32>
    %broadcast_in_dim3A_73 = vector.shape_cast %reduce_sum3A_72 : vector<64xf32> to vector<1x64xf32>
    %add3A_74 = arith.addf %get3A_70, %broadcast_in_dim3A_73 : vector<1x64xf32>
    %swap3A_75 = arith.constant 0 : index
    %swap3A_76 = arith.constant 0 : index
    %swap3A_77 = vector.load %arg12[%swap3A_75, %swap3A_76] : memref<1x64xf32, #tpu.memory_space<vmem>>, vector<1x64xf32>
    tpu.vector_store %arg12[%swap3A_75, %swap3A_76], %add3A_74 {strides = array<i32>} : memref<1x64xf32, #tpu.memory_space<vmem>>, vector<1x64xf32>,
    return
  }
  func.func @transform_0(%arg0: i32) -> (i32, i32) {
    %c0_i32 = arith.constant 0 : i32
    %c0_i32_0 = arith.constant 0 : i32
    return %arg0, %c0_i32 : i32, i32
  }
  func.func @transform_1(%arg0: i32) -> (i32, i32, i32) {
    %c0_i32 = arith.constant 0 : i32
    %c0_i32_0 = arith.constant 0 : i32
    %c0_i32_1 = arith.constant 0 : i32
    return %c0_i32, %arg0, %c0_i32_0 : i32, i32, i32
  }
  func.func @transform_2(%arg0: i32) -> (i32, i32) {
    %c0_i32 = arith.constant 0 : i32
    %c0_i32_0 = arith.constant 0 : i32
    %c0_i32_1 = arith.constant 0 : i32
    return %c0_i32, %c0_i32_0 : i32, i32
  }
  func.func @transform_3(%arg0: i32) -> (i32, i32) {
    %c0_i32 = arith.constant 0 : i32
    %c0_i32_0 = arith.constant 0 : i32
    %c0_i32_1 = arith.constant 0 : i32
    return %c0_i32, %c0_i32_0 : i32, i32
  }
  func.func @transform_4(%arg0: i32) -> (i32, i32) {
    %c0_i32 = arith.constant 0 : i32
    %c0_i32_0 = arith.constant 0 : i32
    %c0_i32_1 = arith.constant 0 : i32
    return %c0_i32, %c0_i32_0 : i32, i32
  }
  func.func @transform_5(%arg0: i32) -> (i32, i32) {
    %c0_i32 = arith.constant 0 : i32
    %c0_i32_0 = arith.constant 0 : i32
    %c0_i32_1 = arith.constant 0 : i32
    return %c0_i32, %c0_i32_0 : i32, i32
  }
  func.func @transform_6(%arg0: i32) -> (i32, i32) {
    %c0_i32 = arith.constant 0 : i32
    %c0_i32_0 = arith.constant 0 : i32
    return %arg0, %c0_i32 : i32, i32
  }
  func.func @transform_7(%arg0: i32) -> (i32, i32) {
    %c0_i32 = arith.constant 0 : i32
    %c0_i32_0 = arith.constant 0 : i32
    return %arg0, %c0_i32 : i32, i32
  }
  func.func @transform_8(%arg0: i32) -> (i32, i32) {
    %c0_i32 = arith.constant 0 : i32
    %c0_i32_0 = arith.constant 0 : i32
    return %arg0, %c0_i32 : i32, i32
  }
  func.func @transform_9(%arg0: i32) -> (i32, i32) {
    %c0_i32 = arith.constant 0 : i32
    %c0_i32_0 = arith.constant 0 : i32
    return %arg0, %c0_i32 : i32, i32
  }
  func.func @transform_10(%arg0: i32) -> (i32, i32) {
    %c0_i32 = arith.constant 0 : i32
    %c0_i32_0 = arith.constant 0 : i32
    %c0_i32_1 = arith.constant 0 : i32
    return %c0_i32, %c0_i32_0 : i32, i32
  }
  func.func @transform_11(%arg0: i32) -> (i32, i32) {
    %c0_i32 = arith.constant 0 : i32
    %c0_i32_0 = arith.constant 0 : i32
    %c0_i32_1 = arith.constant 0 : i32
    return %c0_i32, %c0_i32_0 : i32, i32
  }
}

module attributes {stable_mosaic.version = 14 : i64} {
  func.func @_mlp1_body(%arg0: i32, %arg1: memref<2000x16xf32, #tpu.memory_space<vmem>>, %arg2: memref<2000x16xf32, #tpu.memory_space<vmem>>, %arg3: memref<2000x16xf32, #tpu.memory_space<vmem>>, %arg4: memref<2000x16xf32, #tpu.memory_space<vmem>>, %arg5: memref<4x2000x16xf32, #tpu.memory_space<vmem>>, %arg6: memref<2x2000x16xf32, #tpu.memory_space<vmem>>, %arg7: memref<64x64xf32, #tpu.memory_space<vmem>>, %arg8: memref<1x64xf32, #tpu.memory_space<vmem>>, %arg9: memref<64x64xf32, #tpu.memory_space<vmem>>, %arg10: memref<1x64xf32, #tpu.memory_space<vmem>>, %arg11: memref<1x64xf32, #tpu.memory_space<vmem>>) attributes {dimension_semantics = [#tpu.dimension_semantics<arbitrary>], iteration_bounds = array<i64: 50>, scalar_prefetch = 0 : i64, scratch_operands = 0 : i64, tpu.core_type = #tpu.core_type<tc>, window_params = [{transform_indices = @transform_0, window_bounds = array<i64: 2000, 16>}, {transform_indices = @transform_1, window_bounds = array<i64: 2000, 16>}, {transform_indices = @transform_2, window_bounds = array<i64: 2000, 16>}, {transform_indices = @transform_3, window_bounds = array<i64: 2000, 16>}, {transform_indices = @transform_4, window_bounds = array<i64: 4, 2000, 16>}, {transform_indices = @transform_5, window_bounds = array<i64: 2, 2000, 16>}, {pipeline_mode = #tpu.pipeline_mode<synchronous>, transform_indices = @transform_6, window_bounds = array<i64: 64, 64>}, {pipeline_mode = #tpu.pipeline_mode<synchronous>, transform_indices = @transform_7, window_bounds = array<i64: 1, 64>}, {pipeline_mode = #tpu.pipeline_mode<synchronous>, transform_indices = @transform_8, window_bounds = array<i64: 64, 64>}, {pipeline_mode = #tpu.pipeline_mode<synchronous>, transform_indices = @transform_9, window_bounds = array<i64: 1, 64>}, {pipeline_mode = #tpu.pipeline_mode<synchronous>, transform_indices = @transform_10, window_bounds = array<i64: 1, 64>}]} {
    %get3A = arith.constant 0 : index
    %get3A_0 = arith.constant 0 : index
    %get3A_1 = arith.constant 0 : index
    %get3A_2 = vector.load %arg6[%get3A, %get3A_0, %get3A_1] : memref<2x2000x16xf32, #tpu.memory_space<vmem>>, vector<1x2000x16xf32>
    %get3A_3 = vector.shape_cast %get3A_2 : vector<1x2000x16xf32> to vector<2000x16xf32>
    %slice3A = vector.extract_strided_slice %get3A_3 {offsets = [0, 0], sizes = [2000, 4], strides = [1, 1]} : vector<2000x16xf32> to vector<2000x4xf32>
    %get3A_4 = arith.constant 1 : index
    %get3A_5 = arith.constant 0 : index
    %get3A_6 = arith.constant 0 : index
    %get3A_7 = vector.load %arg6[%get3A_4, %get3A_5, %get3A_6] : memref<2x2000x16xf32, #tpu.memory_space<vmem>>, vector<1x2000x16xf32>
    %get3A_8 = vector.shape_cast %get3A_7 : vector<1x2000x16xf32> to vector<2000x16xf32>
    %slice3A_9 = vector.extract_strided_slice %get3A_8 {offsets = [0, 0], sizes = [2000, 4], strides = [1, 1]} : vector<2000x16xf32> to vector<2000x4xf32>
    %add3A = arith.addf %slice3A, %slice3A_9 : vector<2000x4xf32>
    %slice3A_10 = vector.extract_strided_slice %add3A {offsets = [0, 3], sizes = [2000, 1], strides = [1, 1]} : vector<2000x4xf32> to vector<2000x1xf32>
    %max3A = arith.constant 1.000000e+00 : f32
    %max3A_11 = vector.broadcast %max3A : f32 to vector<2000x1xf32>
    %max3A_12 = arith.maximumf %slice3A_10, %max3A_11 : vector<2000x1xf32>
    %get3A_13 = arith.constant 0 : index
    %get3A_14 = arith.constant 0 : index
    %get3A_15 = vector.load %arg1[%get3A_13, %get3A_14] : memref<2000x16xf32, #tpu.memory_space<vmem>>, vector<2000x16xf32>
    %get3A_16 = arith.constant 0 : index
    %get3A_17 = arith.constant 0 : index
    %get3A_18 = vector.load %arg2[%get3A_16, %get3A_17] : memref<2000x16xf32, #tpu.memory_space<vmem>>, vector<2000x16xf32>
    %get3A_19 = arith.constant 0 : index
    %get3A_20 = arith.constant 0 : index
    %get3A_21 = vector.load %arg3[%get3A_19, %get3A_20] : memref<2000x16xf32, #tpu.memory_space<vmem>>, vector<2000x16xf32>
    %get3A_22 = arith.constant 0 : index
    %get3A_23 = arith.constant 0 : index
    %get3A_24 = vector.load %arg4[%get3A_22, %get3A_23] : memref<2000x16xf32, #tpu.memory_space<vmem>>, vector<2000x16xf32>
    %concatenate3A = tpu.concatenate %get3A_15, %get3A_18, %get3A_21, %get3A_24 in 1 : vector<2000x16xf32>, vector<2000x16xf32>, vector<2000x16xf32>, vector<2000x16xf32> -> vector<2000x64xf32>
    %get3A_25 = arith.constant 0 : index
    %get3A_26 = arith.constant 0 : index
    %get3A_27 = arith.constant 0 : index
    %get3A_28 = vector.load %arg5[%get3A_25, %get3A_26, %get3A_27] : memref<4x2000x16xf32, #tpu.memory_space<vmem>>, vector<1x2000x16xf32>
    %get3A_29 = vector.shape_cast %get3A_28 : vector<1x2000x16xf32> to vector<2000x16xf32>
    %get3A_30 = arith.constant 1 : index
    %get3A_31 = arith.constant 0 : index
    %get3A_32 = arith.constant 0 : index
    %get3A_33 = vector.load %arg5[%get3A_30, %get3A_31, %get3A_32] : memref<4x2000x16xf32, #tpu.memory_space<vmem>>, vector<1x2000x16xf32>
    %get3A_34 = vector.shape_cast %get3A_33 : vector<1x2000x16xf32> to vector<2000x16xf32>
    %get3A_35 = arith.constant 2 : index
    %get3A_36 = arith.constant 0 : index
    %get3A_37 = arith.constant 0 : index
    %get3A_38 = vector.load %arg5[%get3A_35, %get3A_36, %get3A_37] : memref<4x2000x16xf32, #tpu.memory_space<vmem>>, vector<1x2000x16xf32>
    %get3A_39 = vector.shape_cast %get3A_38 : vector<1x2000x16xf32> to vector<2000x16xf32>
    %get3A_40 = arith.constant 3 : index
    %get3A_41 = arith.constant 0 : index
    %get3A_42 = arith.constant 0 : index
    %get3A_43 = vector.load %arg5[%get3A_40, %get3A_41, %get3A_42] : memref<4x2000x16xf32, #tpu.memory_space<vmem>>, vector<1x2000x16xf32>
    %get3A_44 = vector.shape_cast %get3A_43 : vector<1x2000x16xf32> to vector<2000x16xf32>
    %concatenate3A_45 = tpu.concatenate %get3A_29, %get3A_34, %get3A_39, %get3A_44 in 1 : vector<2000x16xf32>, vector<2000x16xf32>, vector<2000x16xf32>, vector<2000x16xf32> -> vector<2000x64xf32>
    %div3A = vector.broadcast %max3A_12 : vector<2000x1xf32> to vector<2000x64xf32>
    %div3A_46 = arith.divf %concatenate3A_45, %div3A : vector<2000x64xf32>
    %add3A_47 = arith.addf %concatenate3A, %div3A_46 : vector<2000x64xf32>
    %get3A_48 = arith.constant 0 : index
    %get3A_49 = arith.constant 0 : index
    %get3A_50 = vector.load %arg7[%get3A_48, %get3A_49] : memref<64x64xf32, #tpu.memory_space<vmem>>, vector<64x64xf32>
    %dot_general3A = arith.constant dense<0.000000e+00> : vector<2000x64xf32>
    %dot_general3A_51 = tpu.matmul %add3A_47, %get3A_50, %dot_general3A {dimension_numbers = #tpu.dot_dimension_numbers<[1], [0], [0], [1], [0, 0, 1, 1], [], []>, precision = #tpu.contract_precision<fp32>, transpose_lhs_hint = false} : vector<2000x64xf32>, vector<64x64xf32>, vector<2000x64xf32> -> vector<2000x64xf32>
    %get3A_52 = arith.constant 0 : index
    %get3A_53 = arith.constant 0 : index
    %get3A_54 = vector.load %arg8[%get3A_52, %get3A_53] : memref<1x64xf32, #tpu.memory_space<vmem>>, vector<1x64xf32>
    %add3A_55 = vector.broadcast %get3A_54 : vector<1x64xf32> to vector<2000x64xf32>
    %add3A_56 = arith.addf %dot_general3A_51, %add3A_55 : vector<2000x64xf32>
    %max3A_57 = arith.constant 0.000000e+00 : f32
    %max3A_58 = vector.broadcast %max3A_57 : f32 to vector<2000x64xf32>
    %max3A_59 = arith.maximumf %add3A_56, %max3A_58 : vector<2000x64xf32>
    %get3A_60 = arith.constant 0 : index
    %get3A_61 = arith.constant 0 : index
    %get3A_62 = vector.load %arg9[%get3A_60, %get3A_61] : memref<64x64xf32, #tpu.memory_space<vmem>>, vector<64x64xf32>
    %dot_general3A_63 = arith.constant dense<0.000000e+00> : vector<2000x64xf32>
    %dot_general3A_64 = tpu.matmul %max3A_59, %get3A_62, %dot_general3A_63 {dimension_numbers = #tpu.dot_dimension_numbers<[1], [0], [0], [1], [0, 0, 1, 1], [], []>, precision = #tpu.contract_precision<fp32>, transpose_lhs_hint = false} : vector<2000x64xf32>, vector<64x64xf32>, vector<2000x64xf32> -> vector<2000x64xf32>
    %get3A_65 = arith.constant 0 : index
    %get3A_66 = arith.constant 0 : index
    %get3A_67 = vector.load %arg10[%get3A_65, %get3A_66] : memref<1x64xf32, #tpu.memory_space<vmem>>, vector<1x64xf32>
    %add3A_68 = vector.broadcast %get3A_67 : vector<1x64xf32> to vector<2000x64xf32>
    %add3A_69 = arith.addf %dot_general3A_64, %add3A_68 : vector<2000x64xf32>
    %max3A_70 = arith.constant 0.000000e+00 : f32
    %max3A_71 = vector.broadcast %max3A_70 : f32 to vector<2000x64xf32>
    %max3A_72 = arith.maximumf %add3A_69, %max3A_71 : vector<2000x64xf32>
    %eq3A = arith.constant 0 : i32
    %eq3A_73 = arith.cmpi eq, %arg0, %eq3A : i32
    %convert_element_type3A = arith.extui %eq3A_73 : i1 to i32
    %cond3A = arith.constant 0 : i32
    %cond3A_74 = arith.cmpi ne, %convert_element_type3A, %cond3A : i32
    scf.if %cond3A_74 {
      %broadcast_in_dim3A_82 = arith.constant 0.000000e+00 : f32
      %broadcast_in_dim3A_83 = vector.broadcast %broadcast_in_dim3A_82 : f32 to vector<1x64xf32>
      %swap3A_84 = arith.constant 0 : index
      %swap3A_85 = arith.constant 0 : index
      %swap3A_86 = vector.load %arg11[%swap3A_84, %swap3A_85] : memref<1x64xf32, #tpu.memory_space<vmem>>, vector<1x64xf32>
      tpu.vector_store %arg11[%swap3A_84, %swap3A_85], %broadcast_in_dim3A_83 {strides = array<i32>} : memref<1x64xf32, #tpu.memory_space<vmem>>, vector<1x64xf32>,
    } else {
    }
    %get3A_75 = arith.constant 0 : index
    %get3A_76 = arith.constant 0 : index
    %get3A_77 = vector.load %arg11[%get3A_75, %get3A_76] : memref<1x64xf32, #tpu.memory_space<vmem>>, vector<1x64xf32>
    %reduce_sum3A = arith.constant dense<0.000000e+00> : vector<64xf32>
    %reduce_sum3A_78 = vector.multi_reduction <add>, %max3A_72, %reduce_sum3A [0] : vector<2000x64xf32> to vector<64xf32>
    %broadcast_in_dim3A = vector.shape_cast %reduce_sum3A_78 : vector<64xf32> to vector<1x64xf32>
    %add3A_79 = arith.addf %get3A_77, %broadcast_in_dim3A : vector<1x64xf32>
    %swap3A = arith.constant 0 : index
    %swap3A_80 = arith.constant 0 : index
    %swap3A_81 = vector.load %arg11[%swap3A, %swap3A_80] : memref<1x64xf32, #tpu.memory_space<vmem>>, vector<1x64xf32>
    tpu.vector_store %arg11[%swap3A, %swap3A_80], %add3A_79 {strides = array<i32>} : memref<1x64xf32, #tpu.memory_space<vmem>>, vector<1x64xf32>,
    return
  }
  func.func @transform_0(%arg0: i32) -> (i32, i32) {
    %c0_i32 = arith.constant 0 : i32
    %c0_i32_0 = arith.constant 0 : i32
    return %arg0, %c0_i32 : i32, i32
  }
  func.func @transform_1(%arg0: i32) -> (i32, i32) {
    %c0_i32 = arith.constant 0 : i32
    %c0_i32_0 = arith.constant 0 : i32
    return %arg0, %c0_i32 : i32, i32
  }
  func.func @transform_2(%arg0: i32) -> (i32, i32) {
    %c0_i32 = arith.constant 0 : i32
    %c0_i32_0 = arith.constant 0 : i32
    return %arg0, %c0_i32 : i32, i32
  }
  func.func @transform_3(%arg0: i32) -> (i32, i32) {
    %c0_i32 = arith.constant 0 : i32
    %c0_i32_0 = arith.constant 0 : i32
    return %arg0, %c0_i32 : i32, i32
  }
  func.func @transform_4(%arg0: i32) -> (i32, i32, i32) {
    %c0_i32 = arith.constant 0 : i32
    %c0_i32_0 = arith.constant 0 : i32
    %c0_i32_1 = arith.constant 0 : i32
    return %c0_i32, %arg0, %c0_i32_0 : i32, i32, i32
  }
  func.func @transform_5(%arg0: i32) -> (i32, i32, i32) {
    %c0_i32 = arith.constant 0 : i32
    %c0_i32_0 = arith.constant 0 : i32
    %c0_i32_1 = arith.constant 0 : i32
    return %c0_i32, %arg0, %c0_i32_0 : i32, i32, i32
  }
  func.func @transform_6(%arg0: i32) -> (i32, i32) {
    %c0_i32 = arith.constant 0 : i32
    %c0_i32_0 = arith.constant 0 : i32
    %c0_i32_1 = arith.constant 0 : i32
    return %c0_i32, %c0_i32_0 : i32, i32
  }
  func.func @transform_7(%arg0: i32) -> (i32, i32) {
    %c0_i32 = arith.constant 0 : i32
    %c0_i32_0 = arith.constant 0 : i32
    %c0_i32_1 = arith.constant 0 : i32
    return %c0_i32, %c0_i32_0 : i32, i32
  }
  func.func @transform_8(%arg0: i32) -> (i32, i32) {
    %c0_i32 = arith.constant 0 : i32
    %c0_i32_0 = arith.constant 0 : i32
    %c0_i32_1 = arith.constant 0 : i32
    return %c0_i32, %c0_i32_0 : i32, i32
  }
  func.func @transform_9(%arg0: i32) -> (i32, i32) {
    %c0_i32 = arith.constant 0 : i32
    %c0_i32_0 = arith.constant 0 : i32
    %c0_i32_1 = arith.constant 0 : i32
    return %c0_i32, %c0_i32_0 : i32, i32
  }
  func.func @transform_10(%arg0: i32) -> (i32, i32) {
    %c0_i32 = arith.constant 0 : i32
    %c0_i32_0 = arith.constant 0 : i32
    %c0_i32_1 = arith.constant 0 : i32
    return %c0_i32, %c0_i32_0 : i32, i32
  }
}

module attributes {stable_mosaic.version = 14 : i64} {
  func.func @_head_body(%arg0: i32, %arg1: memref<1x4xf32, #tpu.memory_space<vmem>>, %arg2: memref<1x64xf32, #tpu.memory_space<vmem>>, %arg3: memref<1x64xf32, #tpu.memory_space<vmem>>, %arg4: memref<4x128xf32, #tpu.memory_space<vmem>>, %arg5: memref<64x128xf32, #tpu.memory_space<vmem>>, %arg6: memref<64x128xf32, #tpu.memory_space<vmem>>, %arg7: memref<1x128xf32, #tpu.memory_space<vmem>>, %arg8: memref<1x128xf32, #tpu.memory_space<vmem>>, %arg9: memref<1x128xf32, #tpu.memory_space<vmem>>, %arg10: memref<128x256xf32, #tpu.memory_space<vmem>>, %arg11: memref<1x256xf32, #tpu.memory_space<vmem>>, %arg12: memref<256x128xf32, #tpu.memory_space<vmem>>, %arg13: memref<1x128xf32, #tpu.memory_space<vmem>>, %arg14: memref<256x128xf32, #tpu.memory_space<vmem>>, %arg15: memref<1x128xf32, #tpu.memory_space<vmem>>, %arg16: memref<1x128xf32, #tpu.memory_space<vmem>>, %arg17: memref<1x128xf32, #tpu.memory_space<vmem>>) attributes {dimension_semantics = [#tpu.dimension_semantics<arbitrary>], iteration_bounds = array<i64: 1>, scalar_prefetch = 0 : i64, scratch_operands = 0 : i64, tpu.core_type = #tpu.core_type<tc>, window_params = [{pipeline_mode = #tpu.pipeline_mode<synchronous>, transform_indices = @transform_0, window_bounds = array<i64: 1, 4>}, {pipeline_mode = #tpu.pipeline_mode<synchronous>, transform_indices = @transform_1, window_bounds = array<i64: 1, 64>}, {pipeline_mode = #tpu.pipeline_mode<synchronous>, transform_indices = @transform_2, window_bounds = array<i64: 1, 64>}, {pipeline_mode = #tpu.pipeline_mode<synchronous>, transform_indices = @transform_3, window_bounds = array<i64: 4, 128>}, {pipeline_mode = #tpu.pipeline_mode<synchronous>, transform_indices = @transform_4, window_bounds = array<i64: 64, 128>}, {pipeline_mode = #tpu.pipeline_mode<synchronous>, transform_indices = @transform_5, window_bounds = array<i64: 64, 128>}, {pipeline_mode = #tpu.pipeline_mode<synchronous>, transform_indices = @transform_6, window_bounds = array<i64: 1, 128>}, {pipeline_mode = #tpu.pipeline_mode<synchronous>, transform_indices = @transform_7, window_bounds = array<i64: 1, 128>}, {pipeline_mode = #tpu.pipeline_mode<synchronous>, transform_indices = @transform_8, window_bounds = array<i64: 1, 128>}, {pipeline_mode = #tpu.pipeline_mode<synchronous>, transform_indices = @transform_9, window_bounds = array<i64: 128, 256>}, {pipeline_mode = #tpu.pipeline_mode<synchronous>, transform_indices = @transform_10, window_bounds = array<i64: 1, 256>}, {pipeline_mode = #tpu.pipeline_mode<synchronous>, transform_indices = @transform_11, window_bounds = array<i64: 256, 128>}, {pipeline_mode = #tpu.pipeline_mode<synchronous>, transform_indices = @transform_12, window_bounds = array<i64: 1, 128>}, {pipeline_mode = #tpu.pipeline_mode<synchronous>, transform_indices = @transform_13, window_bounds = array<i64: 256, 128>}, {pipeline_mode = #tpu.pipeline_mode<synchronous>, transform_indices = @transform_14, window_bounds = array<i64: 1, 128>}, {pipeline_mode = #tpu.pipeline_mode<synchronous>, transform_indices = @transform_15, window_bounds = array<i64: 1, 128>}, {pipeline_mode = #tpu.pipeline_mode<synchronous>, transform_indices = @transform_16, window_bounds = array<i64: 1, 128>}]} {
    %get3A = arith.constant 0 : index
    %get3A_0 = arith.constant 0 : index
    %get3A_1 = vector.load %arg1[%get3A, %get3A_0] : memref<1x4xf32, #tpu.memory_space<vmem>>, vector<1x4xf32>
    %get3A_2 = arith.constant 0 : index
    %get3A_3 = arith.constant 0 : index
    %get3A_4 = vector.load %arg4[%get3A_2, %get3A_3] : memref<4x128xf32, #tpu.memory_space<vmem>>, vector<4x128xf32>
    %dot_general3A = arith.constant dense<0.000000e+00> : vector<1x128xf32>
    %dot_general3A_5 = tpu.matmul %get3A_1, %get3A_4, %dot_general3A {dimension_numbers = #tpu.dot_dimension_numbers<[1], [0], [0], [1], [0, 0, 1, 1], [], []>, precision = #tpu.contract_precision<fp32>, transpose_lhs_hint = false} : vector<1x4xf32>, vector<4x128xf32>, vector<1x128xf32> -> vector<1x128xf32>
    %get3A_6 = arith.constant 0 : index
    %get3A_7 = arith.constant 0 : index
    %get3A_8 = vector.load %arg2[%get3A_6, %get3A_7] : memref<1x64xf32, #tpu.memory_space<vmem>>, vector<1x64xf32>
    %get3A_9 = arith.constant 0 : index
    %get3A_10 = arith.constant 0 : index
    %get3A_11 = vector.load %arg5[%get3A_9, %get3A_10] : memref<64x128xf32, #tpu.memory_space<vmem>>, vector<64x128xf32>
    %dot_general3A_12 = arith.constant dense<0.000000e+00> : vector<1x128xf32>
    %dot_general3A_13 = tpu.matmul %get3A_8, %get3A_11, %dot_general3A_12 {dimension_numbers = #tpu.dot_dimension_numbers<[1], [0], [0], [1], [0, 0, 1, 1], [], []>, precision = #tpu.contract_precision<fp32>, transpose_lhs_hint = false} : vector<1x64xf32>, vector<64x128xf32>, vector<1x128xf32> -> vector<1x128xf32>
    %add3A = arith.addf %dot_general3A_5, %dot_general3A_13 : vector<1x128xf32>
    %get3A_14 = arith.constant 0 : index
    %get3A_15 = arith.constant 0 : index
    %get3A_16 = vector.load %arg3[%get3A_14, %get3A_15] : memref<1x64xf32, #tpu.memory_space<vmem>>, vector<1x64xf32>
    %get3A_17 = arith.constant 0 : index
    %get3A_18 = arith.constant 0 : index
    %get3A_19 = vector.load %arg6[%get3A_17, %get3A_18] : memref<64x128xf32, #tpu.memory_space<vmem>>, vector<64x128xf32>
    %dot_general3A_20 = arith.constant dense<0.000000e+00> : vector<1x128xf32>
    %dot_general3A_21 = tpu.matmul %get3A_16, %get3A_19, %dot_general3A_20 {dimension_numbers = #tpu.dot_dimension_numbers<[1], [0], [0], [1], [0, 0, 1, 1], [], []>, precision = #tpu.contract_precision<fp32>, transpose_lhs_hint = false} : vector<1x64xf32>, vector<64x128xf32>, vector<1x128xf32> -> vector<1x128xf32>
    %add3A_22 = arith.addf %add3A, %dot_general3A_21 : vector<1x128xf32>
    %get3A_23 = arith.constant 0 : index
    %get3A_24 = arith.constant 0 : index
    %get3A_25 = vector.load %arg7[%get3A_23, %get3A_24] : memref<1x128xf32, #tpu.memory_space<vmem>>, vector<1x128xf32>
    %add3A_26 = arith.addf %add3A_22, %get3A_25 : vector<1x128xf32>
    %reduce_sum3A = arith.constant dense<0.000000e+00> : vector<1xf32>
    %reduce_sum3A_27 = vector.multi_reduction <add>, %add3A_26, %reduce_sum3A [1] : vector<1x128xf32> to vector<1xf32>
    %broadcast_in_dim3A = vector.shape_cast %reduce_sum3A_27 : vector<1xf32> to vector<1x1xf32>
    %div3A = arith.constant 1.280000e+02 : f32
    %div3A_28 = vector.broadcast %div3A : f32 to vector<1x1xf32>
    %div3A_29 = arith.divf %broadcast_in_dim3A, %div3A_28 : vector<1x1xf32>
    %sub3A = vector.broadcast %div3A_29 : vector<1x1xf32> to vector<1x128xf32>
    %sub3A_30 = arith.subf %add3A_26, %sub3A : vector<1x128xf32>
    %mul3A = arith.mulf %sub3A_30, %sub3A_30 : vector<1x128xf32>
    %reduce_sum3A_31 = arith.constant dense<0.000000e+00> : vector<1xf32>
    %reduce_sum3A_32 = vector.multi_reduction <add>, %mul3A, %reduce_sum3A_31 [1] : vector<1x128xf32> to vector<1xf32>
    %broadcast_in_dim3A_33 = vector.shape_cast %reduce_sum3A_32 : vector<1xf32> to vector<1x1xf32>
    %div3A_34 = arith.constant 1.280000e+02 : f32
    %div3A_35 = vector.broadcast %div3A_34 : f32 to vector<1x1xf32>
    %div3A_36 = arith.divf %broadcast_in_dim3A_33, %div3A_35 : vector<1x1xf32>
    %add3A_37 = arith.constant 9.99999974E-6 : f32
    %add3A_38 = vector.broadcast %add3A_37 : f32 to vector<1x1xf32>
    %add3A_39 = arith.addf %div3A_36, %add3A_38 : vector<1x1xf32>
    %rsqrt3A = math.rsqrt %add3A_39 : vector<1x1xf32>
    %mul3A_40 = vector.broadcast %rsqrt3A : vector<1x1xf32> to vector<1x128xf32>
    %mul3A_41 = arith.mulf %sub3A_30, %mul3A_40 : vector<1x128xf32>
    %get3A_42 = arith.constant 0 : index
    %get3A_43 = arith.constant 0 : index
    %get3A_44 = vector.load %arg8[%get3A_42, %get3A_43] : memref<1x128xf32, #tpu.memory_space<vmem>>, vector<1x128xf32>
    %mul3A_45 = arith.mulf %mul3A_41, %get3A_44 : vector<1x128xf32>
    %get3A_46 = arith.constant 0 : index
    %get3A_47 = arith.constant 0 : index
    %get3A_48 = vector.load %arg9[%get3A_46, %get3A_47] : memref<1x128xf32, #tpu.memory_space<vmem>>, vector<1x128xf32>
    %add3A_49 = arith.addf %mul3A_45, %get3A_48 : vector<1x128xf32>
    %get3A_50 = arith.constant 0 : index
    %get3A_51 = arith.constant 0 : index
    %get3A_52 = vector.load %arg10[%get3A_50, %get3A_51] : memref<128x256xf32, #tpu.memory_space<vmem>>, vector<128x256xf32>
    %dot_general3A_53 = arith.constant dense<0.000000e+00> : vector<1x256xf32>
    %dot_general3A_54 = tpu.matmul %add3A_49, %get3A_52, %dot_general3A_53 {dimension_numbers = #tpu.dot_dimension_numbers<[1], [0], [0], [1], [0, 0, 1, 1], [], []>, precision = #tpu.contract_precision<fp32>, transpose_lhs_hint = false} : vector<1x128xf32>, vector<128x256xf32>, vector<1x256xf32> -> vector<1x256xf32>
    %get3A_55 = arith.constant 0 : index
    %get3A_56 = arith.constant 0 : index
    %get3A_57 = vector.load %arg11[%get3A_55, %get3A_56] : memref<1x256xf32, #tpu.memory_space<vmem>>, vector<1x256xf32>
    %add3A_58 = arith.addf %dot_general3A_54, %get3A_57 : vector<1x256xf32>
    %gt3A = arith.constant 0.000000e+00 : f32
    %gt3A_59 = vector.broadcast %gt3A : f32 to vector<1x256xf32>
    %gt3A_60 = arith.cmpf ogt, %add3A_58, %gt3A_59 : vector<1x256xf32>
    %exp3A = math.exp %add3A_58 : vector<1x256xf32>
    %sub3A_61 = arith.constant 1.000000e+00 : f32
    %sub3A_62 = vector.broadcast %sub3A_61 : f32 to vector<1x256xf32>
    %sub3A_63 = arith.subf %exp3A, %sub3A_62 : vector<1x256xf32>
    %mul3A_64 = arith.constant 1.67326319 : f32
    %mul3A_65 = vector.broadcast %mul3A_64 : f32 to vector<1x256xf32>
    %mul3A_66 = arith.mulf %mul3A_65, %sub3A_63 : vector<1x256xf32>
    %select_n3A = arith.select %gt3A_60, %add3A_58, %mul3A_66 : vector<1x256xi1>, vector<1x256xf32>
    %mul3A_67 = arith.constant 1.05070102 : f32
    %mul3A_68 = vector.broadcast %mul3A_67 : f32 to vector<1x256xf32>
    %mul3A_69 = arith.mulf %mul3A_68, %select_n3A : vector<1x256xf32>
    %get3A_70 = arith.constant 0 : index
    %get3A_71 = arith.constant 0 : index
    %get3A_72 = vector.load %arg12[%get3A_70, %get3A_71] : memref<256x128xf32, #tpu.memory_space<vmem>>, vector<256x128xf32>
    %dot_general3A_73 = arith.constant dense<0.000000e+00> : vector<1x128xf32>
    %dot_general3A_74 = tpu.matmul %mul3A_69, %get3A_72, %dot_general3A_73 {dimension_numbers = #tpu.dot_dimension_numbers<[1], [0], [0], [1], [0, 0, 1, 1], [], []>, precision = #tpu.contract_precision<fp32>, transpose_lhs_hint = false} : vector<1x256xf32>, vector<256x128xf32>, vector<1x128xf32> -> vector<1x128xf32>
    %get3A_75 = arith.constant 0 : index
    %get3A_76 = arith.constant 0 : index
    %get3A_77 = vector.load %arg13[%get3A_75, %get3A_76] : memref<1x128xf32, #tpu.memory_space<vmem>>, vector<1x128xf32>
    %add3A_78 = arith.addf %dot_general3A_74, %get3A_77 : vector<1x128xf32>
    %swap3A = arith.constant 0 : index
    %swap3A_79 = arith.constant 0 : index
    %swap3A_80 = vector.load %arg16[%swap3A, %swap3A_79] : memref<1x128xf32, #tpu.memory_space<vmem>>, vector<1x128xf32>
    tpu.vector_store %arg16[%swap3A, %swap3A_79], %add3A_78 {strides = array<i32>} : memref<1x128xf32, #tpu.memory_space<vmem>>, vector<1x128xf32>,
    %get3A_81 = arith.constant 0 : index
    %get3A_82 = arith.constant 0 : index
    %get3A_83 = vector.load %arg14[%get3A_81, %get3A_82] : memref<256x128xf32, #tpu.memory_space<vmem>>, vector<256x128xf32>
    %dot_general3A_84 = arith.constant dense<0.000000e+00> : vector<1x128xf32>
    %dot_general3A_85 = tpu.matmul %mul3A_69, %get3A_83, %dot_general3A_84 {dimension_numbers = #tpu.dot_dimension_numbers<[1], [0], [0], [1], [0, 0, 1, 1], [], []>, precision = #tpu.contract_precision<fp32>, transpose_lhs_hint = false} : vector<1x256xf32>, vector<256x128xf32>, vector<1x128xf32> -> vector<1x128xf32>
    %get3A_86 = arith.constant 0 : index
    %get3A_87 = arith.constant 0 : index
    %get3A_88 = vector.load %arg15[%get3A_86, %get3A_87] : memref<1x128xf32, #tpu.memory_space<vmem>>, vector<1x128xf32>
    %add3A_89 = arith.addf %dot_general3A_85, %get3A_88 : vector<1x128xf32>
    %swap3A_90 = arith.constant 0 : index
    %swap3A_91 = arith.constant 0 : index
    %swap3A_92 = vector.load %arg17[%swap3A_90, %swap3A_91] : memref<1x128xf32, #tpu.memory_space<vmem>>, vector<1x128xf32>
    tpu.vector_store %arg17[%swap3A_90, %swap3A_91], %add3A_89 {strides = array<i32>} : memref<1x128xf32, #tpu.memory_space<vmem>>, vector<1x128xf32>,
    return
  }
  func.func @transform_0(%arg0: i32) -> (i32, i32) {
    %c0_i32 = arith.constant 0 : i32
    %c0_i32_0 = arith.constant 0 : i32
    %c0_i32_1 = arith.constant 0 : i32
    return %c0_i32, %c0_i32_0 : i32, i32
  }
  func.func @transform_1(%arg0: i32) -> (i32, i32) {
    %c0_i32 = arith.constant 0 : i32
    %c0_i32_0 = arith.constant 0 : i32
    %c0_i32_1 = arith.constant 0 : i32
    return %c0_i32, %c0_i32_0 : i32, i32
  }
  func.func @transform_2(%arg0: i32) -> (i32, i32) {
    %c0_i32 = arith.constant 0 : i32
    %c0_i32_0 = arith.constant 0 : i32
    %c0_i32_1 = arith.constant 0 : i32
    return %c0_i32, %c0_i32_0 : i32, i32
  }
  func.func @transform_3(%arg0: i32) -> (i32, i32) {
    %c0_i32 = arith.constant 0 : i32
    %c0_i32_0 = arith.constant 0 : i32
    %c0_i32_1 = arith.constant 0 : i32
    return %c0_i32, %c0_i32_0 : i32, i32
  }
  func.func @transform_4(%arg0: i32) -> (i32, i32) {
    %c0_i32 = arith.constant 0 : i32
    %c0_i32_0 = arith.constant 0 : i32
    %c0_i32_1 = arith.constant 0 : i32
    return %c0_i32, %c0_i32_0 : i32, i32
  }
  func.func @transform_5(%arg0: i32) -> (i32, i32) {
    %c0_i32 = arith.constant 0 : i32
    %c0_i32_0 = arith.constant 0 : i32
    %c0_i32_1 = arith.constant 0 : i32
    return %c0_i32, %c0_i32_0 : i32, i32
  }
  func.func @transform_6(%arg0: i32) -> (i32, i32) {
    %c0_i32 = arith.constant 0 : i32
    %c0_i32_0 = arith.constant 0 : i32
    %c0_i32_1 = arith.constant 0 : i32
    return %c0_i32, %c0_i32_0 : i32, i32
  }
  func.func @transform_7(%arg0: i32) -> (i32, i32) {
    %c0_i32 = arith.constant 0 : i32
    %c0_i32_0 = arith.constant 0 : i32
    %c0_i32_1 = arith.constant 0 : i32
    return %c0_i32, %c0_i32_0 : i32, i32
  }
  func.func @transform_8(%arg0: i32) -> (i32, i32) {
    %c0_i32 = arith.constant 0 : i32
    %c0_i32_0 = arith.constant 0 : i32
    %c0_i32_1 = arith.constant 0 : i32
    return %c0_i32, %c0_i32_0 : i32, i32
  }
  func.func @transform_9(%arg0: i32) -> (i32, i32) {
    %c0_i32 = arith.constant 0 : i32
    %c0_i32_0 = arith.constant 0 : i32
    %c0_i32_1 = arith.constant 0 : i32
    return %c0_i32, %c0_i32_0 : i32, i32
  }
  func.func @transform_10(%arg0: i32) -> (i32, i32) {
    %c0_i32 = arith.constant 0 : i32
    %c0_i32_0 = arith.constant 0 : i32
    %c0_i32_1 = arith.constant 0 : i32
    return %c0_i32, %c0_i32_0 : i32, i32
  }
  func.func @transform_11(%arg0: i32) -> (i32, i32) {
    %c0_i32 = arith.constant 0 : i32
    %c0_i32_0 = arith.constant 0 : i32
    %c0_i32_1 = arith.constant 0 : i32
    return %c0_i32, %c0_i32_0 : i32, i32
  }
  func.func @transform_12(%arg0: i32) -> (i32, i32) {
    %c0_i32 = arith.constant 0 : i32
    %c0_i32_0 = arith.constant 0 : i32
    %c0_i32_1 = arith.constant 0 : i32
    return %c0_i32, %c0_i32_0 : i32, i32
  }
  func.func @transform_13(%arg0: i32) -> (i32, i32) {
    %c0_i32 = arith.constant 0 : i32
    %c0_i32_0 = arith.constant 0 : i32
    %c0_i32_1 = arith.constant 0 : i32
    return %c0_i32, %c0_i32_0 : i32, i32
  }
  func.func @transform_14(%arg0: i32) -> (i32, i32) {
    %c0_i32 = arith.constant 0 : i32
    %c0_i32_0 = arith.constant 0 : i32
    %c0_i32_1 = arith.constant 0 : i32
    return %c0_i32, %c0_i32_0 : i32, i32
  }
  func.func @transform_15(%arg0: i32) -> (i32, i32) {
    %c0_i32 = arith.constant 0 : i32
    %c0_i32_0 = arith.constant 0 : i32
    %c0_i32_1 = arith.constant 0 : i32
    return %c0_i32, %c0_i32_0 : i32, i32
  }
  func.func @transform_16(%arg0: i32) -> (i32, i32) {
    %c0_i32 = arith.constant 0 : i32
    %c0_i32_0 = arith.constant 0 : i32
    %c0_i32_1 = arith.constant 0 : i32
    return %c0_i32, %c0_i32_0 : i32, i32
  }
}

</mosaic_0001>

<sc_bundles>
// kernel: kernel.10.cloned.1.call-start
scs
__scs_entry_jumppad:
0x0: {  	(pc) =	sbr.rel $0x88, $3  }
0x1: {  	(tag) =	ssettag $0x0;
	lr =	simm.s32 $0x1  }
0x2: {  	[smem:$0x3F81] =	sst lr;
	_ =	strace $0xD0000000  }
0x3: {  	_ = 	snop  }
0x4: {  	_ = 	snop  }
0x5: {  	_ = 	snop  }
0x6: {  	_ = 	snop  }
0x7: {  	_ = 	snop  }
__scs_overlays_trampoline_lowered:
0x8: {  	[smem:$0x3F90] =	sst s0  }
0x9: {  	[smem:$0x3F91] =	sst s1  }
0xa: {  	[smem:$0x3F92] =	sst s2  }
0xb: {  	[smem:$0x3F93] =	sst s3  }
0xc: {  	[smem:$0x3F94] =	sst s4  }
0xd: {  	[smem:$0x3F95] =	sst s5  }
0xe: {  	[smem:$0x3F96] =	sst s6  }
0xf: {  	[smem:$0x3F97] =	sst s7  }
0x10: {  	[smem:$0x3F98] =	sst s8  }
0x11: {  	[smem:$0x3F99] =	sst s9;
	s0 =	simm.s32 @!p0 $0x0  }
0x12: {  	s1 =	sld [smem:$0x3F7F];
	s0 =	simm.s32 @p0 $0x1  }
0x13: {  	[smem:$0x3F9A] =	sst s0;
	s0 =	simm.s32 @!p1 $0x0  }
0x14: {  	s2 =	sld [smem:$0x3F7E];
	s0 =	simm.s32 @p1 $0x1  }
0x15: {  	[smem:$0x3F9B] =	sst s0;
	s0 =	simm.s32 @!p2 $0x0  }
0x16: {  	s3 =	sld [smem:$0x3FDB];
	s0 =	simm.s32 @p2 $0x1  }
0x17: {  	s4 =	simm.s32 $0x1BF5;
	[smem:$0x3F9D] =	sst s0  }
0x18: {  	s0 =	sld [smem:$0x3F80];
	_ =	swait.ge [sflag:s4], $0x0  }
0x19: {  	s7 =	sld [smem:$0x3F81]  }
0x1a: {  	s8 =	sadd.s32 $0xFFFFE003, lr  }
0x1b: {  	s9 =	sadd.s32 $0xFFFFFEF7, lr;
	s5 =	simm.s32 $0xFFFFFFFF;
	p2 =	slt.u32 s8, $0xFFFFF086  }
0x1c: {  	p1 =	slt.u32 s9, $0xF7A;
	s5 =	simm.s32 @!p2 $0x0  }
0x1d: {  	s5 =	simm.s32 @p1 $0x1;
	p0 =	seq.s32 s7, s2  }
0x1e: {  	s7 =	smul.u32 @!p0 $0xF7A, s2;
	p2 =	seq.s32 @!p0 s5, $0x0  }
0x1f: {  	s9 =	smul.u32 $0xF7A, s1;
	s8 =	simm.s32 @!p0 $0x1BF5;
	p2 =	por !p2, p0  }
0x20: {  	[sflag:s8] =	ssyncset.s32 @!p0 $0xFFFFF086;
	s6 =	sadd.s32 @!p0 s3, s7;
	s7 =	simm.s32 @!p0 $0x108  }
0x21: {  	s3 =	sadd.s32 s3, s9;
	s6 =	sadd.s32 @!p0 $0x88, s6;
	s7 =	simm.s32 @p2 $0x1082  }
0x22: {  	[simem:s7], [sflag:s8] =	dma.local @!p0 [hbm:s6], $0xF7A  }
0x23: {  	s9 =	sor.u32 $0xD0000000, s2;
	s6 =	simm.s32 $0x108;
	_ =	swait.ge @!p0 [sflag:s8], $0x0  }
0x24: {  	s3 =	sadd.s32 $0x88, s3;
	s6 =	simm.s32 @!p1 $0x1082;
	[sflag:s4] =	ssyncset.s32 $0xFFFFF086  }
0x25: {  	[simem:s6], [sflag:s4] =	dma.local [hbm:s3], $0xF7A  }
0x26: {  	[smem:$0x3F81] =	sst s1;
	(tag) =	ssettag s2;
	_ =	strace s9  }
0x27: {  	s1 =	sld [smem:$0x3F91]  }
0x28: {  	s2 =	sld [smem:$0x3F92]  }
0x29: {  	s4 =	sld [smem:$0x3F94]  }
0x2a: {  	p0 =	seq.s32 s5, $0x0;
	s5 =	sld [smem:$0x3F95]  }
0x2b: {  	s6 =	sld [smem:$0x3F96]  }
0x2c: {  	s7 =	sld [smem:$0x3F97]  }
0x2d: {  	s3 =	simm.s32 $0x108;
	s8 =	sld [smem:$0x3F98]  }
0x2e: {  	s3 =	simm.s32 @!p0 $0x1082;
	s9 =	sld [smem:$0x3F99]  }
0x2f: {  	lr =	sadd.s32 s0, s3;
	s0 =	sld [smem:$0x3F90]  }
0x30: {  	s3 =	sld [smem:$0x3F93]  }
0x31: {  	[smem:$0x3F9C] =	sst s10  }
0x32: {  	s10 =	sld [smem:$0x3F9A];
	_ =	sdelay $0x3  }
0x33: {  	p0 =	seq.s32 s10, $0x1;
	s10 =	sld [smem:$0x3F9C];
	_ =	sdelay $0x3  }
0x34: {  	[smem:$0x3F9C] =	sst s10  }
0x35: {  	s10 =	sld [smem:$0x3F9B];
	_ =	sdelay $0x3  }
0x36: {  	p1 =	seq.s32 s10, $0x1;
	s10 =	sld [smem:$0x3F9C];
	_ =	sdelay $0x3  }
0x37: {  	[smem:$0x3F9C] =	sst s10  }
0x38: {  	s10 =	sld [smem:$0x3F9D]  }
0x39: {  	_ = 	snop;
	(pc) =	sbr.ind lr, $3  }
0x3a: {  	_ = 	snop  }
0x3b: {  	_ = 	snop  }
0x3c: {  	p2 =	seq.s32 s10, $0x1;
	s10 =	sld [smem:$0x3F9C]  }
0x3d: {  	_ =	shalt  }
0x3e: {  	_ =	shalt  }
0x3f: {  	_ =	shalt  }
0x40: {  	_ =	shalt  }
0x41: {  	_ =	shalt  }
0x42: {  	_ =	shalt  }
0x43: {  	_ =	shalt  }
0x44: {  	_ =	shalt  }
0x45: {  	_ =	shalt  }
0x46: {  	_ =	shalt  }
0x47: {  	_ =	shalt  }
0x48: {  	_ =	shalt  }
0x49: {  	_ =	shalt  }
0x4a: {  	_ =	shalt  }
0x4b: {  	_ =	shalt  }
0x4c: {  	_ =	shalt  }
0x4d: {  	_ =	shalt  }
0x4e: {  	_ =	shalt  }
0x4f: {  	_ =	shalt  }
0x50: {  	_ =	shalt  }
0x51: {  	_ =	shalt  }
0x52: {  	_ =	shalt  }
0x53: {  	_ =	shalt  }
0x54: {  	_ =	shalt  }
0x55: {  	_ =	shalt  }
0x56: {  	_ =	shalt  }
0x57: {  	_ =	shalt  }
0x58: {  	_ =	shalt  }
0x59: {  	_ =	shalt  }
0x5a: {  	_ =	shalt  }
0x5b: {  	_ =	shalt  }
0x5c: {  	_ =	shalt  }
0x5d: {  	_ =	shalt  }
0x5e: {  	_ =	shalt  }
0x5f: {  	_ =	shalt  }
0x60: {  	_ =	shalt  }
0x61: {  	_ =	shalt  }
0x62: {  	_ =	shalt  }
0x63: {  	_ =	shalt  }
0x64: {  	_ =	shalt  }
0x65: {  	_ =	shalt  }
0x66: {  	_ =	shalt  }
0x67: {  	_ =	shalt  }
0x68: {  	_ =	shalt  }
0x69: {  	_ =	shalt  }
0x6a: {  	_ =	shalt  }
0x6b: {  	_ =	shalt  }
0x6c: {  	_ =	shalt  }
0x6d: {  	_ =	shalt  }
0x6e: {  	_ =	shalt  }
0x6f: {  	_ =	shalt  }
0x70: {  	_ =	shalt  }
0x71: {  	_ =	shalt  }
0x72: {  	_ =	shalt  }
0x73: {  	_ =	shalt  }
0x74: {  	_ =	shalt  }
0x75: {  	_ =	shalt  }
0x76: {  	_ =	shalt  }
0x77: {  	_ =	shalt  }
0x78: {  	_ =	shalt  }
0x79: {  	_ =	shalt  }
0x7a: {  	_ =	shalt  }
0x7b: {  	_ =	shalt  }
0x7c: {  	_ =	shalt  }
0x7d: {  	_ =	shalt  }
0x7e: {  	_ =	shalt  }
0x7f: {  	_ =	shalt  }
0x80: {  	_ =	shalt  }
0x81: {  	_ =	shalt  }
0x82: {  	_ =	shalt  }
0x83: {  	_ =	shalt  }
0x84: {  	_ =	shalt  }
0x85: {  	_ =	shalt  }
0x86: {  	_ =	shalt  }
0x87: {  	_ =	shalt  }
.Lfunc_end0:
.L_simem_size_0:
called_computation.1_lowered:
.L_overlay_start_0:
0x88: {  	s2 =	sld [smem:$0x3FD9]  }
0x89: {  	s3 =	sld [smem:$0x3FFE];
	_ =	sdelay $0x1  }
0x8a: {  	s1 =	srdreg.scid  }
0x8b: {  	s0 =	sand.u32 $0x1, s1  }
0x8c: {  	s16 =	sshll.u32 s0, $0xA;
	s2 =	sadd.s32 s3, s2  }
0x8d: {  	s2 =	sadd.s32 s2, s16  }
0x8e: {  	[smem:$0x3FA8] =	sst s2  }
0x8f: {  	_ = 	snop  }
0x90: {  	(tm) =	ssettm $0x1  }
0x91: {  	s17 =	sld [smem:$0x3FFB];
	_ =	sdelay $0x3  }
0x92: {  	_ =	strace s17  }
0x93: {  	s2 =	sld [smem:$0x3FFC];
	_ =	sdelay $0x3  }
0x94: {  	_ =	strace s2  }
0x95: {  	s2 =	sld [smem:$0x3FFD];
	_ =	sdelay $0x3  }
0x96: {  	_ =	strace s2  }
0x97: {  	_ =	strace $0x8FFFFFFF  }
0x98: {  	s18 =	sld [smem:$0x3FDB];
	_ =	sdelay $0x1  }
0x99: {  	s19 =	simm.s32 $_scs_section_size  }
0x9a: {  	s4 =	simm.s32 $_size__tile_overlayer_lowered;
	s5 =	simm.s32 $_tile_overlayer_lowered  }
0x9b: {  	s22 =	simm.s32 $0x1BFF;
	s21 =	sshll.u32 s5, $0x1;
	s2 =	sadd.s32 s19, s18  }
0x9c: {  	s6 =	simm.s32 $0x0;
	s20 =	sshll.u32 s4, $0x1;
	s4 =	sadd.s32 s21, s2  }
0x9d: {  	[timem:s6], [sflag:s22] =	dma.local [hbm:s4], s20  }
0x9e: {  	_ =	swait.ge [sflag:s22], s20  }
0x9f: {  	s3 =	ssub.s32 $0x0, s20;
	[sflag:s22] =	ssyncset.done $0x0  }
0xa0: {  	[sflag:s22] =	ssyncadd.s32 s3;
	_ =	sdelay $0x1  }
0xa1: {  	s23 =	simm.s32 $0x1B8B  }
0xa2: {  	_ =	swait.ge [sflag:s23], $0x1  }
0xa3: {  	[sflag:s23] =	ssyncset.done $0x0  }
0xa4: {  	s25 =	simm.s32 $0x1B8E;
	s24 =	sld [smem:$0x3FFE];
	[sflag:s23] =	ssyncadd.s32 $0xFFFFFFFF  }
0xa5: {  	s26 =	simm.s32 $execute0_lowered;
	[smem:$0x3FD2] =	sst s25  }
0xa6: {  	s4 =	sshll.u32 s26, $0x1;
	_ =	strace $0x80000049;
	[dreg:$0x1] =	wrdreg $0xFFFFFFFF  }
0xa7: {  	s28 =	simm.s32 $_size_execute0_lowered;
	s2 =	sadd.s32 s2, s4;
	[dreg:$0x0] =	wrdreg $0x0  }
0xa8: {  	s4 =	sshll.u32 s28, $0x1;
	[dreg:$0x2] =	wrdreg s2  }
0xa9: {  	[dreg:$0x3] =	wrdreg s4  }
0xaa: {  	[dreg:$0x4] =	wrdreg $0xC0  }
0xab: {  	_ =	task [dreg:s6], $0x5FFFF  }
0xac: {  	[dreg:$0x1] =	wrdreg $0xFFFFFFFF  }
0xad: {  	[dreg:$0x0] =	wrdreg $0x60  }
0xae: {  	[dreg:$0x2] =	wrdreg s24  }
0xaf: {  	[dreg:$0x3] =	wrdreg $0x0  }
0xb0: {  	[dreg:$0x4] =	wrdreg $0x9  }
0xb1: {  	_ =	task.clear_ibuf [dreg:s6], $0x5FFFF;
	_ =	strace $0x90000049  }
0xb2: {  	s29 =	simm.s32 $0x9;
	_ =	strace $0x8000004B  }
0xb3: {  	_ =	swait.ge [sflag:s29], $0x1  }
0xb4: {  	[sflag:s29] =	ssyncadd.s32 $0xFFFFFFFF  }
0xb5: {  	_ =	strace $0x9000004B  }
0xb6: {  	_ =	sfence  }
0xb7: {  	s30 =	sld [smem:$0x0];
	_ =	sdelay $0x2  }
0xb8: {  	s31 =	sshll.u32 s1, $0xD;
	s1 =	sshrl.u32 s1, $0x2  }
0xb9: {  	s3 =	sand.u32 $0x4000, s31;
	s1 =	sadd.s32 s1, s30  }
0xba: {  	s0 =	sor.u32 s3, s0;
	s1 =	sshll.u32 s1, $0x11  }
0xbb: {  	s0 =	sor.u32 s1, s0  }
0xbc: {  	s0 =	sadd.s32 $0x8F2B, s0  }
0xbd: {  	[sflag:s0] =	ssyncadd.remote.s32 $0x1  }
0xbe: {  	_ =	sfence.sel $0xFFFF  }
0xbf: {  	[dreg:$0x0] =	wrdreg $0xFFFFFFFF;
	(pc) =	sbr.abs _section_cstart, $3  }
0xc0: {  	[dreg:$0x1] =	wrdreg $0xFFFFFFFF  }
0xc1: {  	_ =	task.clear_ibuf [dreg:s6], $0x2FFFF;
	_ =	strace $0x9FFFFFFF  }
0xc2: {  	(tm) =	ssettm $0x7FFFFFFF  }
0xc3: {  	_ =	shalt  }
tec
execute0_lowered:
.L_overlay_start_1:
0x0: {  	(tag) =	ssettag $0x1  }
0x1: {  	s0 =	rddreg [dreg:$0x0]  }
0x2: {  	s1 =	rddreg [dreg:$0x1];
	s3 =	simm.s32 $0x0  }
0x3: {  	s18 =	stileid.u32;
	s7 =	srdreg.scid;
	s21 =	simm.s32 $0x5  }
0x4: {  	s28 =	simm.s32 $0x18D80;
	s29 =	simm.s32 $0x1AF80;
	s30 =	simm.s32 $0x1  }
0x5: {  	s31 =	simm.s32 $0x3;
	s2 =	sadd.s32 $0x1BD600, s0;
	s14 =	sadd.s32 $0x21F600, s0  }
0x6: {  	[smem:$0x7FF] =	sst s3;
	s15 =	smul.u32 $0x18780, s18;
	s4 =	sadd.s32 $0x2B2600, s0  }
0x7: {  	s5 =	sadd.s32 $0x2E3400, s0;
	s6 =	sadd.s32 $0x5E00, s0;
	s9 =	sand.u32 $0x1, s7  }
0x8: {  	s7 =	sadd.s32 $0x36C00, s0;
	s8 =	sadd.s32 $0x67A00, s0;
	s12 =	smul.u32 $0x6200, s18  }
0x9: {  	s26 =	sshll.u32 s18, $0x6;
	_ =	strace $0x8000004A;
	s11 =	ssub.s32 $0x2, s9  }
0xa: {  	p0 =	seq.s32 s9, $0x1;
	s19 =	sor.u32 $0x1C05, s26;
	s26 =	simm.s32 $0x18980  }
0xb: {  	s13 =	sshrl.u32 s15, $0x3;
	s22 =	sshrl.u32 s11, $0x1;
	s16 =	sadd.s32 s15, s1  }
0xc: {  	s17 =	sor.u32 $0x40, s12;
	s24 =	sadd.s32 $0x187800, s15;
	s25 =	sadd.s32 $0x496800, s15  }
0xd: {  	s10 =	sadd.s32 s13, s0;
	s0 =	ssub.s32 s11, s22;
	s11 =	sadd.s32 s14, s12  }
0xe: {  	s23 =	sadd.s32 s8, s13;
	s14 =	sadd.s32 s14, s17;
	[dreg:$0x4] =	wrdreg s24  }
0xf: {  	[dreg:$0x6] =	wrdreg s25;
	s20 =	sshrl.u32 s16, $0x3;
	s22 =	simm.s32 $0x18780  }
.Ltmp0:
0x10: {  	s24 =	simm.s32 $0x200;
	s25 =	simm.s32 $0x18F80;
	(pc) =	sbr.rel .LBB2_1-.Ltmp0, $4  }
0x11: {  	s16 =	simm.s32 $0x0;
	s9 =	sadd.s32 $0x281600, s10;
	s10 =	sadd.s32 s2, s12  }
0x12: {  	s12 =	sadd.s32 s2, s17;
	[dreg:$0x3] =	wrdreg s23;
	s2 =	sadd.s32 $0x61E00, s23  }
0x13: {  	s0 =	smax.u32 s0, $0x1;
	s23 =	simm.s32 $0x18B80;
	[dreg:$0x5] =	wrdreg s2  }
0x14: {  	[dreg:$0x7] =	wrdreg s0;
	s0 =	simm.s32 $0x2;
	s2 =	simm.s32 $0x4  }
.LBB2_11:
0x15: {  	[tilespmem:s29], [sflag:$0x2] =	stream.indirect.gather [hbm4b:s7+s24], $0x10, s26, s24, $0xb8;
	[tilespmem:$0x1CF80] =	vst v63  }
0x16: {  	s15 =	rddreg [dreg:$0x6]  }
.LBB2_12:
0x17: {  	_ =	swait.ge [sflag:s30], $0x2000  }
0x18: {  	[sflag:s30] =	ssyncset.done $0x0  }
0x19: {  	[sflag:s30] =	ssyncadd.s32 $0xFFFFE000  }
0x1a: {  	[spmem:s1] =	stream.indirect.scatter.add.f32 [tilespmem:s25], [sflag:$0x3], $0x10, s23, s24, $0xb8;
	[tilespmem:$0x1CF80] =	vst v63  }
0x1b: {  	_ =	swait.ge [sflag:s0], $0x2000  }
0x1c: {  	[sflag:s0] =	ssyncset.done $0x0  }
0x1d: {  	[sflag:s0] =	ssyncadd.s32 $0xFFFFE000  }
0x1e: {  	[spmem:s1] =	stream.indirect.scatter.add.f32 [tilespmem:s29], [sflag:$0x4], $0x10, s28, s24, $0xb8;
	[tilespmem:$0x1CF80] =	vst v63  }
0x1f: {  	_ =	swait.ge [sflag:s31], $0x2000  }
0x20: {  	[sflag:s31] =	ssyncset.done $0x0  }
0x21: {  	[sflag:s31] =	ssyncadd.s32 $0xFFFFE000  }
0x22: {  	_ =	swait.ge [sflag:s2], $0x2000  }
0x23: {  	[sflag:s2] =	ssyncset.done $0x0  }
0x24: {  	s13 =	sshrl.u32 s15, $0x3;
	[sflag:s2] =	ssyncadd.s32 $0xFFFFE000  }
0x25: {  	s13 =	sadd.s32 s8, s13;
	[bflag:$0x0] =	sbarrier.arrive $0xFFFF  }
0x26: {  	[hbm:s13], [sflag:s19] =	dma.local [spmem:s20], $0x30F0  }
0x27: {  	_ =	swait.ge [sflag:s21], $0x30F0  }
0x28: {  	s16 =	sadd.s32 $0x1, s16;
	s18 =	rddreg [dreg:$0x7]  }
0x29: {  	p1 =	sne.s32 s16, s18  }
.Ltmp1:
0x2a: {  	_ = 	snop;
	(pc) =	sbr.rel @!p1 .LBB2_13-.Ltmp1, $3  }
0x2b: {  	[sflag:s21] =	ssyncset.done $0x0  }
0x2c: {  	[sflag:s21] =	ssyncadd.s32 $0xFFFFCF10  }
0x2d: {  	[bflag:$0x0] =	sbarrier.arrive $0xFFFF;
	_ =	sdelay $0x1  }
.LBB2_1:
0x2e: {  	[spmem:s20], [sflag:s19] =	dma.local [hbm:s9], $0x30F0  }
0x2f: {  	_ =	swait.ge [sflag:s21], $0x30F0  }
0x30: {  	[sflag:s21] =	ssyncset.done $0x0  }
0x31: {  	[sflag:s21] =	ssyncadd.s32 $0xFFFFCF10  }
0x32: {  	[bflag:$0x0] =	sbarrier.arrive $0xFFFF  }
0x33: {  	[tilespmem:s22], [sflag:$0x5] =	stream.linear.gather [hbm4b:s10+s3], $0x200, $0x38;
	[tilespmem:$0x1CF80] =	vst v63  }
0x34: {  	_ =	swait.ge [sflag:s21], $0x200  }
0x35: {  	[sflag:s21] =	ssyncset.done $0x0  }
.Ltmp2:
0x36: {  	[sflag:s21] =	ssyncadd.s32 $0xFFFFFE00;
	(pc) =	sbr.rel @!p0 .LBB2_2-.Ltmp2, $4  }
0x37: {  	[tilespmem:s23], [sflag:$0x5] =	stream.linear.gather [hbm4b:s11+s3], $0x200, $0x38;
	[tilespmem:$0x1CF80] =	vst v63  }
0x38: {  	_ =	swait.ge [sflag:s21], $0x200  }
0x39: {  	[sflag:s21] =	ssyncset.done $0x0  }
0x3a: {  	[sflag:s21] =	ssyncadd.s32 $0xFFFFFE00  }
0x3b: {  	[tilespmem:s25], [sflag:$0x1] =	stream.indirect.gather [hbm4b:s6+s24], $0x10, s22, s24, $0xb8;
	[tilespmem:$0x1CF80] =	vst v63  }
0x3c: {  	_ = 	snop  }
0x3d: {  	[tilespmem:s26], [sflag:$0x5] =	stream.linear.gather [hbm4b:s12+s3], $0x200, $0x38;
	[tilespmem:$0x1CF80] =	vst v63  }
0x3e: {  	_ =	swait.ge [sflag:s21], $0x200  }
0x3f: {  	[sflag:s21] =	ssyncset.done $0x0  }
0x40: {  	[sflag:s21] =	ssyncadd.s32 $0xFFFFFE00  }
0x41: {  	[tilespmem:s28], [sflag:$0x5] =	stream.linear.gather [hbm4b:s14+s3], $0x200, $0x38;
	[tilespmem:$0x1CF80] =	vst v63  }
0x42: {  	_ =	swait.ge [sflag:s21], $0x200  }
0x43: {  	[sflag:s21] =	ssyncset.done $0x0  }
0x44: {  	[sflag:s21] =	ssyncadd.s32 $0xFFFFFE00  }
0x45: {  	[tilespmem:s29], [sflag:$0x2] =	stream.indirect.gather [hbm4b:s6+s24], $0x10, s26, s24, $0xb8;
	[tilespmem:$0x1CF80] =	vst v63  }
0x46: {  	_ =	swait.ge [sflag:s30], $0x2000  }
0x47: {  	[sflag:s30] =	ssyncset.done $0x0  }
0x48: {  	[sflag:s30] =	ssyncadd.s32 $0xFFFFE000  }
0x49: {  	[spmem:s1] =	stream.indirect.scatter.add.f32 [tilespmem:s25], [sflag:$0x3], $0x10, s23, s24, $0xb8;
	[tilespmem:$0x1CF80] =	vst v63  }
0x4a: {  	_ =	swait.ge [sflag:s31], $0x2000  }
0x4b: {  	s13 =	sadd.s32 $0xFFFF9E80, s10;
	[sflag:s31] =	ssyncset.done $0x0  }
0x4c: {  	s15 =	sadd.s32 $0x6200, s13;
	[sflag:s31] =	ssyncadd.s32 $0xFFFFE000  }
0x4d: {  	[tilespmem:s22], [sflag:$0x5] =	stream.linear.gather [hbm4b:s15+s3], $0x200, $0x38;
	[tilespmem:$0x1CF80] =	vst v63  }
0x4e: {  	_ =	swait.ge [sflag:s21], $0x200  }
0x4f: {  	s18 =	sadd.s32 $0xFFFF9E80, s11;
	[sflag:s21] =	ssyncset.done $0x0  }
0x50: {  	s17 =	sadd.s32 $0x6200, s18;
	[sflag:s21] =	ssyncadd.s32 $0xFFFFFE00  }
0x51: {  	[tilespmem:s23], [sflag:$0x5] =	stream.linear.gather [hbm4b:s17+s3], $0x200, $0x38;
	[tilespmem:$0x1CF80] =	vst v63  }
0x52: {  	_ =	swait.ge [sflag:s21], $0x200  }
0x53: {  	[sflag:s21] =	ssyncset.done $0x0  }
0x54: {  	[sflag:s21] =	ssyncadd.s32 $0xFFFFFE00  }
0x55: {  	[tilespmem:s25], [sflag:$0x1] =	stream.indirect.gather [hbm4b:s6+s24], $0x10, s22, s24, $0xb8;
	[tilespmem:$0x1CF80] =	vst v63  }
0x56: {  	_ =	swait.ge [sflag:s0], $0x2000  }
0x57: {  	[sflag:s0] =	ssyncset.done $0x0  }
0x58: {  	[sflag:s0] =	ssyncadd.s32 $0xFFFFE000  }
0x59: {  	[spmem:s1] =	stream.indirect.scatter.add.f32 [tilespmem:s29], [sflag:$0x4], $0x10, s28, s24, $0xb8;
	[tilespmem:$0x1CF80] =	vst v63  }
0x5a: {  	_ =	swait.ge [sflag:s2], $0x2000  }
0x5b: {  	[sflag:s2] =	ssyncset.done $0x0  }
0x5c: {  	s13 =	sadd.s32 $0x6240, s13;
	[sflag:s2] =	ssyncadd.s32 $0xFFFFE000  }
0x5d: {  	[tilespmem:s26], [sflag:$0x5] =	stream.linear.gather [hbm4b:s13+s3], $0x200, $0x38;
	[tilespmem:$0x1CF80] =	vst v63  }
0x5e: {  	_ =	swait.ge [sflag:s21], $0x200  }
0x5f: {  	[sflag:s21] =	ssyncset.done $0x0  }
0x60: {  	s18 =	sadd.s32 $0x6240, s18;
	[sflag:s21] =	ssyncadd.s32 $0xFFFFFE00  }
0x61: {  	[tilespmem:s28], [sflag:$0x5] =	stream.linear.gather [hbm4b:s18+s3], $0x200, $0x38;
	[tilespmem:$0x1CF80] =	vst v63  }
0x62: {  	_ =	swait.ge [sflag:s21], $0x200  }
0x63: {  	[sflag:s21] =	ssyncset.done $0x0  }
0x64: {  	s15 =	simm.s32 $0xFFFF9F00;
	[sflag:s21] =	ssyncadd.s32 $0xFFFFFE00  }
.LBB2_8:
0x65: {  	[tilespmem:s29], [sflag:$0x2] =	stream.indirect.gather [hbm4b:s6+s24], $0x10, s26, s24, $0xb8;
	[tilespmem:$0x1CF80] =	vst v63  }
0x66: {  	s13 =	smov.u32 s15  }
0x67: {  	p1 =	sne.s32 s15, $0xFFFFFF80;
	s15 =	sadd.s32 $0x80, s15;
	_ =	swait.ge [sflag:s30], $0x2000  }
0x68: {  	[sflag:s30] =	ssyncset.done $0x0  }
0x69: {  	[sflag:s30] =	ssyncadd.s32 $0xFFFFE000  }
0x6a: {  	[spmem:s1] =	stream.indirect.scatter.add.f32 [tilespmem:s25], [sflag:$0x3], $0x10, s23, s24, $0xb8;
	[tilespmem:$0x1CF80] =	vst v63  }
0x6b: {  	_ =	swait.ge [sflag:s31], $0x2000  }
0x6c: {  	s17 =	sadd.s32 s13, s10;
	[sflag:s31] =	ssyncset.done $0x0  }
0x6d: {  	s18 =	sadd.s32 $0x6200, s17;
	[sflag:s31] =	ssyncadd.s32 $0xFFFFE000  }
0x6e: {  	[tilespmem:s22], [sflag:$0x5] =	stream.linear.gather [hbm4b:s18+s3], $0x200, $0x38;
	[tilespmem:$0x1CF80] =	vst v63  }
0x6f: {  	_ =	swait.ge [sflag:s21], $0x200  }
0x70: {  	s13 =	sadd.s32 s13, s11;
	[sflag:s21] =	ssyncset.done $0x0  }
0x71: {  	s18 =	sadd.s32 $0x6200, s13;
	[sflag:s21] =	ssyncadd.s32 $0xFFFFFE00  }
0x72: {  	[tilespmem:s23], [sflag:$0x5] =	stream.linear.gather [hbm4b:s18+s3], $0x200, $0x38;
	[tilespmem:$0x1CF80] =	vst v63  }
0x73: {  	_ =	swait.ge [sflag:s21], $0x200  }
0x74: {  	[sflag:s21] =	ssyncset.done $0x0  }
0x75: {  	[sflag:s21] =	ssyncadd.s32 $0xFFFFFE00  }
0x76: {  	[tilespmem:s25], [sflag:$0x1] =	stream.indirect.gather [hbm4b:s6+s24], $0x10, s22, s24, $0xb8;
	[tilespmem:$0x1CF80] =	vst v63  }
0x77: {  	_ =	swait.ge [sflag:s0], $0x2000  }
0x78: {  	[sflag:s0] =	ssyncset.done $0x0  }
0x79: {  	[sflag:s0] =	ssyncadd.s32 $0xFFFFE000  }
0x7a: {  	[spmem:s1] =	stream.indirect.scatter.add.f32 [tilespmem:s29], [sflag:$0x4], $0x10, s28, s24, $0xb8;
	[tilespmem:$0x1CF80] =	vst v63  }
0x7b: {  	_ =	swait.ge [sflag:s2], $0x2000  }
0x7c: {  	[sflag:s2] =	ssyncset.done $0x0  }
0x7d: {  	s17 =	sadd.s32 $0x6240, s17;
	[sflag:s2] =	ssyncadd.s32 $0xFFFFE000  }
0x7e: {  	[tilespmem:s26], [sflag:$0x5] =	stream.linear.gather [hbm4b:s17+s3], $0x200, $0x38;
	[tilespmem:$0x1CF80] =	vst v63  }
0x7f: {  	_ =	swait.ge [sflag:s21], $0x200  }
0x80: {  	[sflag:s21] =	ssyncset.done $0x0  }
.Ltmp3:
0x81: {  	s13 =	sadd.s32 $0x6240, s13;
	[sflag:s21] =	ssyncadd.s32 $0xFFFFFE00;
	(pc) =	sbr.rel @p1 .LBB2_8-.Ltmp3, $4  }
0x82: {  	[tilespmem:s28], [sflag:$0x5] =	stream.linear.gather [hbm4b:s13+s3], $0x200, $0x38;
	[tilespmem:$0x1CF80] =	vst v63  }
0x83: {  	_ =	swait.ge [sflag:s21], $0x200  }
0x84: {  	[sflag:s21] =	ssyncset.done $0x0  }
0x85: {  	[sflag:s21] =	ssyncadd.s32 $0xFFFFFE00  }
0x86: {  	[tilespmem:s29], [sflag:$0x2] =	stream.indirect.gather [hbm4b:s6+s24], $0x10, s26, s24, $0xb8;
	[tilespmem:$0x1CF80] =	vst v63  }
0x87: {  	_ =	swait.ge [sflag:s30], $0x2000  }
0x88: {  	[sflag:s30] =	ssyncset.done $0x0  }
0x89: {  	[sflag:s30] =	ssyncadd.s32 $0xFFFFE000  }
0x8a: {  	[spmem:s1] =	stream.indirect.scatter.add.f32 [tilespmem:s25], [sflag:$0x3], $0x10, s23, s24, $0xb8;
	[tilespmem:$0x1CF80] =	vst v63  }
0x8b: {  	_ =	swait.ge [sflag:s0], $0x2000  }
0x8c: {  	[sflag:s0] =	ssyncset.done $0x0  }
0x8d: {  	[sflag:s0] =	ssyncadd.s32 $0xFFFFE000  }
0x8e: {  	[spmem:s1] =	stream.indirect.scatter.add.f32 [tilespmem:s29], [sflag:$0x4], $0x10, s28, s24, $0xb8;
	[tilespmem:$0x1CF80] =	vst v63  }
0x8f: {  	_ =	swait.ge [sflag:s31], $0x2000  }
0x90: {  	[sflag:s31] =	ssyncset.done $0x0  }
0x91: {  	[sflag:s31] =	ssyncadd.s32 $0xFFFFE000  }
0x92: {  	_ =	swait.ge [sflag:s2], $0x2000  }
0x93: {  	[sflag:s2] =	ssyncset.done $0x0  }
0x94: {  	[sflag:s2] =	ssyncadd.s32 $0xFFFFE000  }
0x95: {  	[bflag:$0x0] =	sbarrier.arrive $0xFFFF  }
0x96: {  	s13 =	rddreg [dreg:$0x5]  }
0x97: {  	[hbm:s13], [sflag:s19] =	dma.local [spmem:s20], $0x30F0  }
0x98: {  	_ =	swait.ge [sflag:s21], $0x30F0  }
0x99: {  	[sflag:s21] =	ssyncset.done $0x0  }
0x9a: {  	[sflag:s21] =	ssyncadd.s32 $0xFFFFCF10  }
0x9b: {  	[bflag:$0x0] =	sbarrier.arrive $0xFFFF  }
0x9c: {  	[spmem:s20], [sflag:s19] =	dma.local [hbm:s9], $0x30F0  }
0x9d: {  	_ =	swait.ge [sflag:s21], $0x30F0  }
0x9e: {  	[sflag:s21] =	ssyncset.done $0x0  }
0x9f: {  	[sflag:s21] =	ssyncadd.s32 $0xFFFFCF10  }
0xa0: {  	[bflag:$0x0] =	sbarrier.arrive $0xFFFF  }
0xa1: {  	[tilespmem:s22], [sflag:$0x5] =	stream.linear.gather [hbm4b:s10+s3], $0x200, $0x38;
	[tilespmem:$0x1CF80] =	vst v63  }
0xa2: {  	_ =	swait.ge [sflag:s21], $0x200  }
0xa3: {  	[sflag:s21] =	ssyncset.done $0x0  }
0xa4: {  	[sflag:s21] =	ssyncadd.s32 $0xFFFFFE00  }
0xa5: {  	[tilespmem:s23], [sflag:$0x5] =	stream.linear.gather [hbm4b:s11+s3], $0x200, $0x38;
	[tilespmem:$0x1CF80] =	vst v63  }
0xa6: {  	_ =	swait.ge [sflag:s21], $0x200  }
0xa7: {  	[sflag:s21] =	ssyncset.done $0x0  }
0xa8: {  	[sflag:s21] =	ssyncadd.s32 $0xFFFFFE00  }
0xa9: {  	[tilespmem:s25], [sflag:$0x1] =	stream.indirect.gather [hbm4b:s7+s24], $0x10, s22, s24, $0xb8;
	[tilespmem:$0x1CF80] =	vst v63  }
0xaa: {  	_ = 	snop  }
0xab: {  	[tilespmem:s26], [sflag:$0x5] =	stream.linear.gather [hbm4b:s12+s3], $0x200, $0x38;
	[tilespmem:$0x1CF80] =	vst v63  }
0xac: {  	_ =	swait.ge [sflag:s21], $0x200  }
0xad: {  	[sflag:s21] =	ssyncset.done $0x0  }
0xae: {  	[sflag:s21] =	ssyncadd.s32 $0xFFFFFE00  }
0xaf: {  	[tilespmem:s28], [sflag:$0x5] =	stream.linear.gather [hbm4b:s14+s3], $0x200, $0x38;
	[tilespmem:$0x1CF80] =	vst v63  }
0xb0: {  	_ =	swait.ge [sflag:s21], $0x200  }
0xb1: {  	[sflag:s21] =	ssyncset.done $0x0  }
0xb2: {  	[sflag:s21] =	ssyncadd.s32 $0xFFFFFE00  }
0xb3: {  	[tilespmem:s29], [sflag:$0x2] =	stream.indirect.gather [hbm4b:s7+s24], $0x10, s26, s24, $0xb8;
	[tilespmem:$0x1CF80] =	vst v63  }
0xb4: {  	_ =	swait.ge [sflag:s30], $0x2000  }
0xb5: {  	[sflag:s30] =	ssyncset.done $0x0  }
0xb6: {  	[sflag:s30] =	ssyncadd.s32 $0xFFFFE000  }
0xb7: {  	[spmem:s1] =	stream.indirect.scatter.add.f32 [tilespmem:s25], [sflag:$0x3], $0x10, s23, s24, $0xb8;
	[tilespmem:$0x1CF80] =	vst v63  }
0xb8: {  	_ =	swait.ge [sflag:s31], $0x2000  }
0xb9: {  	s13 =	sadd.s32 $0xFFFF9E80, s10;
	[sflag:s31] =	ssyncset.done $0x0  }
0xba: {  	s15 =	sadd.s32 $0x6200, s13;
	[sflag:s31] =	ssyncadd.s32 $0xFFFFE000  }
0xbb: {  	[tilespmem:s22], [sflag:$0x5] =	stream.linear.gather [hbm4b:s15+s3], $0x200, $0x38;
	[tilespmem:$0x1CF80] =	vst v63  }
0xbc: {  	_ =	swait.ge [sflag:s21], $0x200  }
0xbd: {  	s18 =	sadd.s32 $0xFFFF9E80, s11;
	[sflag:s21] =	ssyncset.done $0x0  }
0xbe: {  	s17 =	sadd.s32 $0x6200, s18;
	[sflag:s21] =	ssyncadd.s32 $0xFFFFFE00  }
0xbf: {  	[tilespmem:s23], [sflag:$0x5] =	stream.linear.gather [hbm4b:s17+s3], $0x200, $0x38;
	[tilespmem:$0x1CF80] =	vst v63  }
0xc0: {  	_ =	swait.ge [sflag:s21], $0x200  }
0xc1: {  	[sflag:s21] =	ssyncset.done $0x0  }
0xc2: {  	[sflag:s21] =	ssyncadd.s32 $0xFFFFFE00  }
0xc3: {  	[tilespmem:s25], [sflag:$0x1] =	stream.indirect.gather [hbm4b:s7+s24], $0x10, s22, s24, $0xb8;
	[tilespmem:$0x1CF80] =	vst v63  }
0xc4: {  	_ =	swait.ge [sflag:s0], $0x2000  }
0xc5: {  	[sflag:s0] =	ssyncset.done $0x0  }
0xc6: {  	[sflag:s0] =	ssyncadd.s32 $0xFFFFE000  }
0xc7: {  	[spmem:s1] =	stream.indirect.scatter.add.f32 [tilespmem:s29], [sflag:$0x4], $0x10, s28, s24, $0xb8;
	[tilespmem:$0x1CF80] =	vst v63  }
0xc8: {  	_ =	swait.ge [sflag:s2], $0x2000  }
0xc9: {  	[sflag:s2] =	ssyncset.done $0x0  }
0xca: {  	s13 =	sadd.s32 $0x6240, s13;
	[sflag:s2] =	ssyncadd.s32 $0xFFFFE000  }
0xcb: {  	[tilespmem:s26], [sflag:$0x5] =	stream.linear.gather [hbm4b:s13+s3], $0x200, $0x38;
	[tilespmem:$0x1CF80] =	vst v63  }
0xcc: {  	_ =	swait.ge [sflag:s21], $0x200  }
0xcd: {  	[sflag:s21] =	ssyncset.done $0x0  }
0xce: {  	s18 =	sadd.s32 $0x6240, s18;
	[sflag:s21] =	ssyncadd.s32 $0xFFFFFE00  }
0xcf: {  	[tilespmem:s28], [sflag:$0x5] =	stream.linear.gather [hbm4b:s18+s3], $0x200, $0x38;
	[tilespmem:$0x1CF80] =	vst v63  }
0xd0: {  	_ =	swait.ge [sflag:s21], $0x200  }
0xd1: {  	[sflag:s21] =	ssyncset.done $0x0  }
0xd2: {  	s15 =	simm.s32 $0xFFFF9F00;
	[sflag:s21] =	ssyncadd.s32 $0xFFFFFE00  }
.LBB2_10:
0xd3: {  	[tilespmem:s29], [sflag:$0x2] =	stream.indirect.gather [hbm4b:s7+s24], $0x10, s26, s24, $0xb8;
	[tilespmem:$0x1CF80] =	vst v63  }
0xd4: {  	s13 =	smov.u32 s15  }
0xd5: {  	p1 =	sne.s32 s15, $0xFFFFFF80;
	s15 =	sadd.s32 $0x80, s15;
	_ =	swait.ge [sflag:s30], $0x2000  }
0xd6: {  	[sflag:s30] =	ssyncset.done $0x0  }
0xd7: {  	[sflag:s30] =	ssyncadd.s32 $0xFFFFE000  }
0xd8: {  	[spmem:s1] =	stream.indirect.scatter.add.f32 [tilespmem:s25], [sflag:$0x3], $0x10, s23, s24, $0xb8;
	[tilespmem:$0x1CF80] =	vst v63  }
0xd9: {  	_ =	swait.ge [sflag:s31], $0x2000  }
0xda: {  	s17 =	sadd.s32 s13, s10;
	[sflag:s31] =	ssyncset.done $0x0  }
0xdb: {  	s18 =	sadd.s32 $0x6200, s17;
	[sflag:s31] =	ssyncadd.s32 $0xFFFFE000  }
0xdc: {  	[tilespmem:s22], [sflag:$0x5] =	stream.linear.gather [hbm4b:s18+s3], $0x200, $0x38;
	[tilespmem:$0x1CF80] =	vst v63  }
0xdd: {  	_ =	swait.ge [sflag:s21], $0x200  }
0xde: {  	s13 =	sadd.s32 s13, s11;
	[sflag:s21] =	ssyncset.done $0x0  }
0xdf: {  	s18 =	sadd.s32 $0x6200, s13;
	[sflag:s21] =	ssyncadd.s32 $0xFFFFFE00  }
0xe0: {  	[tilespmem:s23], [sflag:$0x5] =	stream.linear.gather [hbm4b:s18+s3], $0x200, $0x38;
	[tilespmem:$0x1CF80] =	vst v63  }
0xe1: {  	_ =	swait.ge [sflag:s21], $0x200  }
0xe2: {  	[sflag:s21] =	ssyncset.done $0x0  }
0xe3: {  	[sflag:s21] =	ssyncadd.s32 $0xFFFFFE00  }
0xe4: {  	[tilespmem:s25], [sflag:$0x1] =	stream.indirect.gather [hbm4b:s7+s24], $0x10, s22, s24, $0xb8;
	[tilespmem:$0x1CF80] =	vst v63  }
0xe5: {  	_ =	swait.ge [sflag:s0], $0x2000  }
0xe6: {  	[sflag:s0] =	ssyncset.done $0x0  }
0xe7: {  	[sflag:s0] =	ssyncadd.s32 $0xFFFFE000  }
0xe8: {  	[spmem:s1] =	stream.indirect.scatter.add.f32 [tilespmem:s29], [sflag:$0x4], $0x10, s28, s24, $0xb8;
	[tilespmem:$0x1CF80] =	vst v63  }
0xe9: {  	_ =	swait.ge [sflag:s2], $0x2000  }
0xea: {  	[sflag:s2] =	ssyncset.done $0x0  }
0xeb: {  	s17 =	sadd.s32 $0x6240, s17;
	[sflag:s2] =	ssyncadd.s32 $0xFFFFE000  }
0xec: {  	[tilespmem:s26], [sflag:$0x5] =	stream.linear.gather [hbm4b:s17+s3], $0x200, $0x38;
	[tilespmem:$0x1CF80] =	vst v63  }
0xed: {  	_ =	swait.ge [sflag:s21], $0x200  }
0xee: {  	[sflag:s21] =	ssyncset.done $0x0  }
.Ltmp4:
0xef: {  	s13 =	sadd.s32 $0x6240, s13;
	[sflag:s21] =	ssyncadd.s32 $0xFFFFFE00;
	(pc) =	sbr.rel @p1 .LBB2_10-.Ltmp4, $4  }
0xf0: {  	[tilespmem:s28], [sflag:$0x5] =	stream.linear.gather [hbm4b:s13+s3], $0x200, $0x38;
	[tilespmem:$0x1CF80] =	vst v63  }
0xf1: {  	_ =	swait.ge [sflag:s21], $0x200  }
0xf2: {  	[sflag:s21] =	ssyncset.done $0x0  }
0xf3: {  	[sflag:s21] =	ssyncadd.s32 $0xFFFFFE00  }
.Ltmp5:
0xf4: {  	_ = 	snop;
	(pc) =	sbr.rel .LBB2_11-.Ltmp5, $1  }
0xf5: {  	_ =	sdelay $0x3  }
.LBB2_2:
0xf6: {  	[tilespmem:s25], [sflag:$0x1] =	stream.indirect.gather [hbm4b:s4+s24], $0x10, s22, s24, $0xb8;
	[tilespmem:$0x1CF80] =	vst v63  }
0xf7: {  	_ = 	snop  }
0xf8: {  	[tilespmem:s26], [sflag:$0x5] =	stream.linear.gather [hbm4b:s12+s3], $0x200, $0x38;
	[tilespmem:$0x1CF80] =	vst v63  }
0xf9: {  	_ =	swait.ge [sflag:s21], $0x200  }
0xfa: {  	[sflag:s21] =	ssyncset.done $0x0  }
0xfb: {  	[sflag:s21] =	ssyncadd.s32 $0xFFFFFE00  }
0xfc: {  	[tilespmem:s28], [sflag:$0x5] =	stream.linear.gather [hbm4b:s14+s3], $0x200, $0x38;
	[tilespmem:$0x1CF80] =	vst v63  }
0xfd: {  	_ =	swait.ge [sflag:s21], $0x200  }
0xfe: {  	[sflag:s21] =	ssyncset.done $0x0  }
0xff: {  	[sflag:s21] =	ssyncadd.s32 $0xFFFFFE00  }
0x100: {  	[tilespmem:s29], [sflag:$0x2] =	stream.indirect.gather [hbm4b:s4+s24], $0x10, s26, s24, $0xb8;
	[tilespmem:$0x1CF80] =	vst v63  }
0x101: {  	_ =	swait.ge [sflag:s30], $0x2000  }
0x102: {  	[sflag:s30] =	ssyncset.done $0x0  }
0x103: {  	[sflag:s30] =	ssyncadd.s32 $0xFFFFE000  }
0x104: {  	[spmem:s1] =	stream.indirect.scatter.add.f32 [tilespmem:s25], [sflag:$0x3], $0x10, s23, s24, $0xb8;
	[tilespmem:$0x1CF80] =	vst v63  }
0x105: {  	_ =	swait.ge [sflag:s31], $0x2000  }
0x106: {  	s15 =	sadd.s32 $0xFFFF9E80, s10;
	[sflag:s31] =	ssyncset.done $0x0  }
0x107: {  	s17 =	sadd.s32 $0x6200, s15;
	[sflag:s31] =	ssyncadd.s32 $0xFFFFE000  }
0x108: {  	[tilespmem:s22], [sflag:$0x5] =	stream.linear.gather [hbm4b:s17+s3], $0x200, $0x38;
	[tilespmem:$0x1CF80] =	vst v63  }
0x109: {  	_ =	swait.ge [sflag:s21], $0x200  }
0x10a: {  	s18 =	sadd.s32 $0xFFFF9E80, s11;
	[sflag:s21] =	ssyncset.done $0x0  }
0x10b: {  	s13 =	sadd.s32 $0x6200, s18;
	[sflag:s21] =	ssyncadd.s32 $0xFFFFFE00  }
0x10c: {  	[tilespmem:s23], [sflag:$0x5] =	stream.linear.gather [hbm4b:s13+s3], $0x200, $0x38;
	[tilespmem:$0x1CF80] =	vst v63  }
0x10d: {  	_ =	swait.ge [sflag:s21], $0x200  }
0x10e: {  	[sflag:s21] =	ssyncset.done $0x0  }
0x10f: {  	[sflag:s21] =	ssyncadd.s32 $0xFFFFFE00  }
0x110: {  	[tilespmem:s25], [sflag:$0x1] =	stream.indirect.gather [hbm4b:s4+s24], $0x10, s22, s24, $0xb8;
	[tilespmem:$0x1CF80] =	vst v63  }
0x111: {  	_ =	swait.ge [sflag:s0], $0x2000  }
0x112: {  	[sflag:s0] =	ssyncset.done $0x0  }
0x113: {  	[sflag:s0] =	ssyncadd.s32 $0xFFFFE000  }
0x114: {  	[spmem:s1] =	stream.indirect.scatter.add.f32 [tilespmem:s29], [sflag:$0x4], $0x10, s28, s24, $0xb8;
	[tilespmem:$0x1CF80] =	vst v63  }
0x115: {  	_ =	swait.ge [sflag:s2], $0x2000  }
0x116: {  	[sflag:s2] =	ssyncset.done $0x0  }
0x117: {  	s15 =	sadd.s32 $0x6240, s15;
	[sflag:s2] =	ssyncadd.s32 $0xFFFFE000  }
0x118: {  	[tilespmem:s26], [sflag:$0x5] =	stream.linear.gather [hbm4b:s15+s3], $0x200, $0x38;
	[tilespmem:$0x1CF80] =	vst v63  }
0x119: {  	_ =	swait.ge [sflag:s21], $0x200  }
0x11a: {  	[sflag:s21] =	ssyncset.done $0x0  }
0x11b: {  	s18 =	sadd.s32 $0x6240, s18;
	[sflag:s21] =	ssyncadd.s32 $0xFFFFFE00  }
0x11c: {  	[tilespmem:s28], [sflag:$0x5] =	stream.linear.gather [hbm4b:s18+s3], $0x200, $0x38;
	[tilespmem:$0x1CF80] =	vst v63  }
0x11d: {  	_ =	swait.ge [sflag:s21], $0x200  }
0x11e: {  	[sflag:s21] =	ssyncset.done $0x0  }
0x11f: {  	s15 =	simm.s32 $0xFFFF9F00;
	[sflag:s21] =	ssyncadd.s32 $0xFFFFFE00  }
.LBB2_3:
0x120: {  	[tilespmem:s29], [sflag:$0x2] =	stream.indirect.gather [hbm4b:s4+s24], $0x10, s26, s24, $0xb8;
	[tilespmem:$0x1CF80] =	vst v63  }
0x121: {  	s13 =	smov.u32 s15  }
0x122: {  	p1 =	sne.s32 s15, $0xFFFFFF80;
	s15 =	sadd.s32 $0x80, s15;
	_ =	swait.ge [sflag:s30], $0x2000  }
0x123: {  	[sflag:s30] =	ssyncset.done $0x0  }
0x124: {  	[sflag:s30] =	ssyncadd.s32 $0xFFFFE000  }
0x125: {  	[spmem:s1] =	stream.indirect.scatter.add.f32 [tilespmem:s25], [sflag:$0x3], $0x10, s23, s24, $0xb8;
	[tilespmem:$0x1CF80] =	vst v63  }
0x126: {  	_ =	swait.ge [sflag:s31], $0x2000  }
0x127: {  	s17 =	sadd.s32 s13, s10;
	[sflag:s31] =	ssyncset.done $0x0  }
0x128: {  	s18 =	sadd.s32 $0x6200, s17;
	[sflag:s31] =	ssyncadd.s32 $0xFFFFE000  }
0x129: {  	[tilespmem:s22], [sflag:$0x5] =	stream.linear.gather [hbm4b:s18+s3], $0x200, $0x38;
	[tilespmem:$0x1CF80] =	vst v63  }
0x12a: {  	_ =	swait.ge [sflag:s21], $0x200  }
0x12b: {  	s13 =	sadd.s32 s13, s11;
	[sflag:s21] =	ssyncset.done $0x0  }
0x12c: {  	s18 =	sadd.s32 $0x6200, s13;
	[sflag:s21] =	ssyncadd.s32 $0xFFFFFE00  }
0x12d: {  	[tilespmem:s23], [sflag:$0x5] =	stream.linear.gather [hbm4b:s18+s3], $0x200, $0x38;
	[tilespmem:$0x1CF80] =	vst v63  }
0x12e: {  	_ =	swait.ge [sflag:s21], $0x200  }
0x12f: {  	[sflag:s21] =	ssyncset.done $0x0  }
0x130: {  	[sflag:s21] =	ssyncadd.s32 $0xFFFFFE00  }
0x131: {  	[tilespmem:s25], [sflag:$0x1] =	stream.indirect.gather [hbm4b:s4+s24], $0x10, s22, s24, $0xb8;
	[tilespmem:$0x1CF80] =	vst v63  }
0x132: {  	_ =	swait.ge [sflag:s0], $0x2000  }
0x133: {  	[sflag:s0] =	ssyncset.done $0x0  }
0x134: {  	[sflag:s0] =	ssyncadd.s32 $0xFFFFE000  }
0x135: {  	[spmem:s1] =	stream.indirect.scatter.add.f32 [tilespmem:s29], [sflag:$0x4], $0x10, s28, s24, $0xb8;
	[tilespmem:$0x1CF80] =	vst v63  }
0x136: {  	_ =	swait.ge [sflag:s2], $0x2000  }
0x137: {  	[sflag:s2] =	ssyncset.done $0x0  }
0x138: {  	s17 =	sadd.s32 $0x6240, s17;
	[sflag:s2] =	ssyncadd.s32 $0xFFFFE000  }
0x139: {  	[tilespmem:s26], [sflag:$0x5] =	stream.linear.gather [hbm4b:s17+s3], $0x200, $0x38;
	[tilespmem:$0x1CF80] =	vst v63  }
0x13a: {  	_ =	swait.ge [sflag:s21], $0x200  }
0x13b: {  	[sflag:s21] =	ssyncset.done $0x0  }
.Ltmp6:
0x13c: {  	s13 =	sadd.s32 $0x6240, s13;
	[sflag:s21] =	ssyncadd.s32 $0xFFFFFE00;
	(pc) =	sbr.rel @p1 .LBB2_3-.Ltmp6, $4  }
0x13d: {  	[tilespmem:s28], [sflag:$0x5] =	stream.linear.gather [hbm4b:s13+s3], $0x200, $0x38;
	[tilespmem:$0x1CF80] =	vst v63  }
0x13e: {  	_ =	swait.ge [sflag:s21], $0x200  }
0x13f: {  	[sflag:s21] =	ssyncset.done $0x0  }
0x140: {  	[sflag:s21] =	ssyncadd.s32 $0xFFFFFE00  }
0x141: {  	[tilespmem:s29], [sflag:$0x2] =	stream.indirect.gather [hbm4b:s4+s24], $0x10, s26, s24, $0xb8;
	[tilespmem:$0x1CF80] =	vst v63  }
0x142: {  	_ =	swait.ge [sflag:s30], $0x2000  }
0x143: {  	[sflag:s30] =	ssyncset.done $0x0  }
0x144: {  	[sflag:s30] =	ssyncadd.s32 $0xFFFFE000  }
0x145: {  	[spmem:s1] =	stream.indirect.scatter.add.f32 [tilespmem:s25], [sflag:$0x3], $0x10, s23, s24, $0xb8;
	[tilespmem:$0x1CF80] =	vst v63  }
0x146: {  	_ =	swait.ge [sflag:s0], $0x2000  }
0x147: {  	[sflag:s0] =	ssyncset.done $0x0  }
0x148: {  	[sflag:s0] =	ssyncadd.s32 $0xFFFFE000  }
0x149: {  	[spmem:s1] =	stream.indirect.scatter.add.f32 [tilespmem:s29], [sflag:$0x4], $0x10, s28, s24, $0xb8;
	[tilespmem:$0x1CF80] =	vst v63  }
0x14a: {  	_ =	swait.ge [sflag:s31], $0x2000  }
0x14b: {  	[sflag:s31] =	ssyncset.done $0x0  }
0x14c: {  	[sflag:s31] =	ssyncadd.s32 $0xFFFFE000  }
0x14d: {  	_ =	swait.ge [sflag:s2], $0x2000  }
0x14e: {  	[sflag:s2] =	ssyncset.done $0x0  }
0x14f: {  	[sflag:s2] =	ssyncadd.s32 $0xFFFFE000  }
0x150: {  	[bflag:$0x0] =	sbarrier.arrive $0xFFFF  }
0x151: {  	s13 =	rddreg [dreg:$0x3]  }
0x152: {  	[hbm:s13], [sflag:s19] =	dma.local [spmem:s20], $0x30F0  }
0x153: {  	_ =	swait.ge [sflag:s21], $0x30F0  }
0x154: {  	[sflag:s21] =	ssyncset.done $0x0  }
0x155: {  	[sflag:s21] =	ssyncadd.s32 $0xFFFFCF10  }
0x156: {  	[bflag:$0x0] =	sbarrier.arrive $0xFFFF  }
0x157: {  	[spmem:s20], [sflag:s19] =	dma.local [hbm:s9], $0x30F0  }
0x158: {  	_ =	swait.ge [sflag:s21], $0x30F0  }
0x159: {  	[sflag:s21] =	ssyncset.done $0x0  }
0x15a: {  	[sflag:s21] =	ssyncadd.s32 $0xFFFFCF10  }
0x15b: {  	[bflag:$0x0] =	sbarrier.arrive $0xFFFF  }
0x15c: {  	[tilespmem:s22], [sflag:$0x5] =	stream.linear.gather [hbm4b:s10+s3], $0x200, $0x38;
	[tilespmem:$0x1CF80] =	vst v63  }
0x15d: {  	_ =	swait.ge [sflag:s21], $0x200  }
0x15e: {  	[sflag:s21] =	ssyncset.done $0x0  }
0x15f: {  	[sflag:s21] =	ssyncadd.s32 $0xFFFFFE00  }
0x160: {  	[tilespmem:s23], [sflag:$0x5] =	stream.linear.gather [hbm4b:s11+s3], $0x200, $0x38;
	[tilespmem:$0x1CF80] =	vst v63  }
0x161: {  	_ =	swait.ge [sflag:s21], $0x200  }
0x162: {  	[sflag:s21] =	ssyncset.done $0x0  }
0x163: {  	[sflag:s21] =	ssyncadd.s32 $0xFFFFFE00  }
0x164: {  	[tilespmem:s25], [sflag:$0x1] =	stream.indirect.gather [hbm4b:s5+s24], $0x10, s22, s24, $0xb8;
	[tilespmem:$0x1CF80] =	vst v63  }
0x165: {  	_ = 	snop  }
0x166: {  	[tilespmem:s26], [sflag:$0x5] =	stream.linear.gather [hbm4b:s12+s3], $0x200, $0x38;
	[tilespmem:$0x1CF80] =	vst v63  }
0x167: {  	_ =	swait.ge [sflag:s21], $0x200  }
0x168: {  	[sflag:s21] =	ssyncset.done $0x0  }
0x169: {  	[sflag:s21] =	ssyncadd.s32 $0xFFFFFE00  }
0x16a: {  	[tilespmem:s28], [sflag:$0x5] =	stream.linear.gather [hbm4b:s14+s3], $0x200, $0x38;
	[tilespmem:$0x1CF80] =	vst v63  }
0x16b: {  	_ =	swait.ge [sflag:s21], $0x200  }
0x16c: {  	[sflag:s21] =	ssyncset.done $0x0  }
0x16d: {  	[sflag:s21] =	ssyncadd.s32 $0xFFFFFE00  }
0x16e: {  	[tilespmem:s29], [sflag:$0x2] =	stream.indirect.gather [hbm4b:s5+s24], $0x10, s26, s24, $0xb8;
	[tilespmem:$0x1CF80] =	vst v63  }
0x16f: {  	_ =	swait.ge [sflag:s30], $0x2000  }
0x170: {  	[sflag:s30] =	ssyncset.done $0x0  }
0x171: {  	[sflag:s30] =	ssyncadd.s32 $0xFFFFE000  }
0x172: {  	[spmem:s1] =	stream.indirect.scatter.add.f32 [tilespmem:s25], [sflag:$0x3], $0x10, s23, s24, $0xb8;
	[tilespmem:$0x1CF80] =	vst v63  }
0x173: {  	_ =	swait.ge [sflag:s31], $0x2000  }
0x174: {  	s13 =	sadd.s32 $0xFFFF9E80, s10;
	[sflag:s31] =	ssyncset.done $0x0  }
0x175: {  	s15 =	sadd.s32 $0x6200, s13;
	[sflag:s31] =	ssyncadd.s32 $0xFFFFE000  }
0x176: {  	[tilespmem:s22], [sflag:$0x5] =	stream.linear.gather [hbm4b:s15+s3], $0x200, $0x38;
	[tilespmem:$0x1CF80] =	vst v63  }
0x177: {  	_ =	swait.ge [sflag:s21], $0x200  }
0x178: {  	s18 =	sadd.s32 $0xFFFF9E80, s11;
	[sflag:s21] =	ssyncset.done $0x0  }
0x179: {  	s17 =	sadd.s32 $0x6200, s18;
	[sflag:s21] =	ssyncadd.s32 $0xFFFFFE00  }
0x17a: {  	[tilespmem:s23], [sflag:$0x5] =	stream.linear.gather [hbm4b:s17+s3], $0x200, $0x38;
	[tilespmem:$0x1CF80] =	vst v63  }
0x17b: {  	_ =	swait.ge [sflag:s21], $0x200  }
0x17c: {  	[sflag:s21] =	ssyncset.done $0x0  }
0x17d: {  	[sflag:s21] =	ssyncadd.s32 $0xFFFFFE00  }
0x17e: {  	[tilespmem:s25], [sflag:$0x1] =	stream.indirect.gather [hbm4b:s5+s24], $0x10, s22, s24, $0xb8;
	[tilespmem:$0x1CF80] =	vst v63  }
0x17f: {  	_ =	swait.ge [sflag:s0], $0x2000  }
0x180: {  	[sflag:s0] =	ssyncset.done $0x0  }
0x181: {  	[sflag:s0] =	ssyncadd.s32 $0xFFFFE000  }
0x182: {  	[spmem:s1] =	stream.indirect.scatter.add.f32 [tilespmem:s29], [sflag:$0x4], $0x10, s28, s24, $0xb8;
	[tilespmem:$0x1CF80] =	vst v63  }
0x183: {  	_ =	swait.ge [sflag:s2], $0x2000  }
0x184: {  	[sflag:s2] =	ssyncset.done $0x0  }
0x185: {  	s13 =	sadd.s32 $0x6240, s13;
	[sflag:s2] =	ssyncadd.s32 $0xFFFFE000  }
0x186: {  	[tilespmem:s26], [sflag:$0x5] =	stream.linear.gather [hbm4b:s13+s3], $0x200, $0x38;
	[tilespmem:$0x1CF80] =	vst v63  }
0x187: {  	_ =	swait.ge [sflag:s21], $0x200  }
0x188: {  	[sflag:s21] =	ssyncset.done $0x0  }
0x189: {  	s18 =	sadd.s32 $0x6240, s18;
	[sflag:s21] =	ssyncadd.s32 $0xFFFFFE00  }
0x18a: {  	[tilespmem:s28], [sflag:$0x5] =	stream.linear.gather [hbm4b:s18+s3], $0x200, $0x38;
	[tilespmem:$0x1CF80] =	vst v63  }
0x18b: {  	_ =	swait.ge [sflag:s21], $0x200  }
0x18c: {  	[sflag:s21] =	ssyncset.done $0x0  }
0x18d: {  	s15 =	simm.s32 $0xFFFF9F00;
	[sflag:s21] =	ssyncadd.s32 $0xFFFFFE00  }
.LBB2_5:
0x18e: {  	[tilespmem:s29], [sflag:$0x2] =	stream.indirect.gather [hbm4b:s5+s24], $0x10, s26, s24, $0xb8;
	[tilespmem:$0x1CF80] =	vst v63  }
0x18f: {  	s13 =	smov.u32 s15  }
0x190: {  	p1 =	seq.s32 s15, $0xFFFFFF80;
	s15 =	sadd.s32 $0x80, s15;
	_ =	swait.ge [sflag:s30], $0x2000  }
0x191: {  	[sflag:s30] =	ssyncset.done $0x0  }
0x192: {  	[sflag:s30] =	ssyncadd.s32 $0xFFFFE000  }
0x193: {  	[spmem:s1] =	stream.indirect.scatter.add.f32 [tilespmem:s25], [sflag:$0x3], $0x10, s23, s24, $0xb8;
	[tilespmem:$0x1CF80] =	vst v63  }
0x194: {  	_ =	swait.ge [sflag:s31], $0x2000  }
0x195: {  	s17 =	sadd.s32 s13, s10;
	[sflag:s31] =	ssyncset.done $0x0  }
0x196: {  	s18 =	sadd.s32 $0x6200, s17;
	[sflag:s31] =	ssyncadd.s32 $0xFFFFE000  }
0x197: {  	[tilespmem:s22], [sflag:$0x5] =	stream.linear.gather [hbm4b:s18+s3], $0x200, $0x38;
	[tilespmem:$0x1CF80] =	vst v63  }
0x198: {  	_ =	swait.ge [sflag:s21], $0x200  }
0x199: {  	s13 =	sadd.s32 s13, s11;
	[sflag:s21] =	ssyncset.done $0x0  }
0x19a: {  	s18 =	sadd.s32 $0x6200, s13;
	[sflag:s21] =	ssyncadd.s32 $0xFFFFFE00  }
0x19b: {  	[tilespmem:s23], [sflag:$0x5] =	stream.linear.gather [hbm4b:s18+s3], $0x200, $0x38;
	[tilespmem:$0x1CF80] =	vst v63  }
0x19c: {  	_ =	swait.ge [sflag:s21], $0x200  }
0x19d: {  	[sflag:s21] =	ssyncset.done $0x0  }
0x19e: {  	[sflag:s21] =	ssyncadd.s32 $0xFFFFFE00  }
0x19f: {  	[tilespmem:s25], [sflag:$0x1] =	stream.indirect.gather [hbm4b:s5+s24], $0x10, s22, s24, $0xb8;
	[tilespmem:$0x1CF80] =	vst v63  }
0x1a0: {  	_ =	swait.ge [sflag:s0], $0x2000  }
0x1a1: {  	[sflag:s0] =	ssyncset.done $0x0  }
0x1a2: {  	[sflag:s0] =	ssyncadd.s32 $0xFFFFE000  }
0x1a3: {  	[spmem:s1] =	stream.indirect.scatter.add.f32 [tilespmem:s29], [sflag:$0x4], $0x10, s28, s24, $0xb8;
	[tilespmem:$0x1CF80] =	vst v63  }
0x1a4: {  	_ =	swait.ge [sflag:s2], $0x2000  }
0x1a5: {  	[sflag:s2] =	ssyncset.done $0x0  }
0x1a6: {  	s17 =	sadd.s32 $0x6240, s17;
	[sflag:s2] =	ssyncadd.s32 $0xFFFFE000  }
0x1a7: {  	[tilespmem:s26], [sflag:$0x5] =	stream.linear.gather [hbm4b:s17+s3], $0x200, $0x38;
	[tilespmem:$0x1CF80] =	vst v63  }
0x1a8: {  	_ =	swait.ge [sflag:s21], $0x200  }
0x1a9: {  	[sflag:s21] =	ssyncset.done $0x0  }
.Ltmp7:
0x1aa: {  	s13 =	sadd.s32 $0x6240, s13;
	[sflag:s21] =	ssyncadd.s32 $0xFFFFFE00;
	(pc) =	sbr.rel @!p1 .LBB2_5-.Ltmp7, $4  }
0x1ab: {  	[tilespmem:s28], [sflag:$0x5] =	stream.linear.gather [hbm4b:s13+s3], $0x200, $0x38;
	[tilespmem:$0x1CF80] =	vst v63  }
0x1ac: {  	_ =	swait.ge [sflag:s21], $0x200  }
0x1ad: {  	[sflag:s21] =	ssyncset.done $0x0  }
0x1ae: {  	[sflag:s21] =	ssyncadd.s32 $0xFFFFFE00  }
.Ltmp8:
0x1af: {  	(pc) =	sbr.rel .LBB2_12-.Ltmp8, $3  }
0x1b0: {  	_ =	sdelay $0x1  }
0x1b1: {  	[tilespmem:s29], [sflag:$0x2] =	stream.indirect.gather [hbm4b:s5+s24], $0x10, s26, s24, $0xb8;
	[tilespmem:$0x1CF80] =	vst v63  }
0x1b2: {  	s15 =	rddreg [dreg:$0x4]  }
.LBB2_13:
0x1b3: {  	_ =	sfence.sel $0x180000  }
0x1b4: {  	[bflag:$0x0] =	sbarrier.arrive $0xFFFF  }
0x1b5: {  	_ =	strace $0x9000004A  }
0x1b6: {  	s0 =	stileid.u32;
	[bflag:$0x2] =	sbarrier.arrive $0xFFFF  }
0x1b7: {  	p0 =	sne.s32 s0, $0x0;
	s0 =	rddreg [dreg:$0x2]  }
0x1b8: {  	s0 =	sadd.s32 @!p0 $0x100000, s0  }
0x1b9: {  	[sflag:s0] =	ssyncadd.tile.s32 @!p0 $0x1;
	_ =	shalt  }
.Lfunc_end2:
_tile_overlayer_lowered:
.L_overlay_start_2:
0x1ba: {  	(tag) =	ssettag $0x2  }
0x1bb: {  	s0 =	rddreg [dreg:$0x0];
	s2 =	stileid.u32  }
0x1bc: {  	s1 =	rddreg [dreg:$0x1];
	p0 =	sne.s32 s2, $0x0  }
0x1bd: {  	s3 =	rddreg [dreg:$0x2];
	[bflag:$0x3] =	sbarrier.arrive $0xFFFF;
	s2 =	simm.s32 @!p0 $0x1C05  }
0x1be: {  	[timem:s3], [sflag:s2] =	dma.local @!p0 [hbm:s0], s1  }
0x1bf: {  	s0 =	simm.s32 @!p0 $0x5  }
0x1c0: {  	_ =	swait.ge @!p0 [sflag:s0], s1  }
0x1c1: {  	s1 =	ssub.s32 @!p0 $0x0, s1;
	[sflag:s0] =	ssyncset.done @!p0 $0x0  }
0x1c2: {  	[sflag:s0] =	ssyncadd.s32 @!p0 s1  }
0x1c3: {  	[bflag:$0x3] =	sbarrier.arrive $0xFFFF  }
0x1c4: {  	_ =	shalt  }

// kernel: kernel.7.cloned.1.call-start
scs
__scs_entry_jumppad:
0x0: {  	(pc) =	sbr.rel $0x88, $3  }
0x1: {  	(tag) =	ssettag $0x0;
	lr =	simm.s32 $0x1  }
0x2: {  	[smem:$0x3F81] =	sst lr;
	_ =	strace $0xD0000000  }
0x3: {  	_ = 	snop  }
0x4: {  	_ = 	snop  }
0x5: {  	_ = 	snop  }
0x6: {  	_ = 	snop  }
0x7: {  	_ = 	snop  }
__scs_overlays_trampoline_lowered:
0x8: {  	[smem:$0x3F90] =	sst s0  }
0x9: {  	[smem:$0x3F91] =	sst s1  }
0xa: {  	[smem:$0x3F92] =	sst s2  }
0xb: {  	[smem:$0x3F93] =	sst s3  }
0xc: {  	[smem:$0x3F94] =	sst s4  }
0xd: {  	[smem:$0x3F95] =	sst s5  }
0xe: {  	[smem:$0x3F96] =	sst s6  }
0xf: {  	[smem:$0x3F97] =	sst s7  }
0x10: {  	[smem:$0x3F98] =	sst s8  }
0x11: {  	[smem:$0x3F99] =	sst s9;
	s0 =	simm.s32 @!p0 $0x0  }
0x12: {  	s1 =	sld [smem:$0x3F7F];
	s0 =	simm.s32 @p0 $0x1  }
0x13: {  	[smem:$0x3F9A] =	sst s0;
	s0 =	simm.s32 @!p1 $0x0  }
0x14: {  	s2 =	sld [smem:$0x3F7E];
	s0 =	simm.s32 @p1 $0x1  }
0x15: {  	[smem:$0x3F9B] =	sst s0;
	s0 =	simm.s32 @!p2 $0x0  }
0x16: {  	s3 =	sld [smem:$0x3FDB];
	s0 =	simm.s32 @p2 $0x1  }
0x17: {  	s4 =	simm.s32 $0x1BF5;
	[smem:$0x3F9D] =	sst s0  }
0x18: {  	s0 =	sld [smem:$0x3F80];
	_ =	swait.ge [sflag:s4], $0x0  }
0x19: {  	s7 =	sld [smem:$0x3F81]  }
0x1a: {  	s8 =	sadd.s32 $0xFFFFE003, lr  }
0x1b: {  	s9 =	sadd.s32 $0xFFFFFEF7, lr;
	s5 =	simm.s32 $0xFFFFFFFF;
	p2 =	slt.u32 s8, $0xFFFFF086  }
0x1c: {  	p1 =	slt.u32 s9, $0xF7A;
	s5 =	simm.s32 @!p2 $0x0  }
0x1d: {  	s5 =	simm.s32 @p1 $0x1;
	p0 =	seq.s32 s7, s2  }
0x1e: {  	s7 =	smul.u32 @!p0 $0xF7A, s2;
	p2 =	seq.s32 @!p0 s5, $0x0  }
0x1f: {  	s9 =	smul.u32 $0xF7A, s1;
	s8 =	simm.s32 @!p0 $0x1BF5;
	p2 =	por !p2, p0  }
0x20: {  	[sflag:s8] =	ssyncset.s32 @!p0 $0xFFFFF086;
	s6 =	sadd.s32 @!p0 s3, s7;
	s7 =	simm.s32 @!p0 $0x108  }
0x21: {  	s3 =	sadd.s32 s3, s9;
	s6 =	sadd.s32 @!p0 $0x88, s6;
	s7 =	simm.s32 @p2 $0x1082  }
0x22: {  	[simem:s7], [sflag:s8] =	dma.local @!p0 [hbm:s6], $0xF7A  }
0x23: {  	s9 =	sor.u32 $0xD0000000, s2;
	s6 =	simm.s32 $0x108;
	_ =	swait.ge @!p0 [sflag:s8], $0x0  }
0x24: {  	s3 =	sadd.s32 $0x88, s3;
	s6 =	simm.s32 @!p1 $0x1082;
	[sflag:s4] =	ssyncset.s32 $0xFFFFF086  }
0x25: {  	[simem:s6], [sflag:s4] =	dma.local [hbm:s3], $0xF7A  }
0x26: {  	[smem:$0x3F81] =	sst s1;
	(tag) =	ssettag s2;
	_ =	strace s9  }
0x27: {  	s1 =	sld [smem:$0x3F91]  }
0x28: {  	s2 =	sld [smem:$0x3F92]  }
0x29: {  	s4 =	sld [smem:$0x3F94]  }
0x2a: {  	p0 =	seq.s32 s5, $0x0;
	s5 =	sld [smem:$0x3F95]  }
0x2b: {  	s6 =	sld [smem:$0x3F96]  }
0x2c: {  	s7 =	sld [smem:$0x3F97]  }
0x2d: {  	s3 =	simm.s32 $0x108;
	s8 =	sld [smem:$0x3F98]  }
0x2e: {  	s3 =	simm.s32 @!p0 $0x1082;
	s9 =	sld [smem:$0x3F99]  }
0x2f: {  	lr =	sadd.s32 s0, s3;
	s0 =	sld [smem:$0x3F90]  }
0x30: {  	s3 =	sld [smem:$0x3F93]  }
0x31: {  	[smem:$0x3F9C] =	sst s10  }
0x32: {  	s10 =	sld [smem:$0x3F9A];
	_ =	sdelay $0x3  }
0x33: {  	p0 =	seq.s32 s10, $0x1;
	s10 =	sld [smem:$0x3F9C];
	_ =	sdelay $0x3  }
0x34: {  	[smem:$0x3F9C] =	sst s10  }
0x35: {  	s10 =	sld [smem:$0x3F9B];
	_ =	sdelay $0x3  }
0x36: {  	p1 =	seq.s32 s10, $0x1;
	s10 =	sld [smem:$0x3F9C];
	_ =	sdelay $0x3  }
0x37: {  	[smem:$0x3F9C] =	sst s10  }
0x38: {  	s10 =	sld [smem:$0x3F9D]  }
0x39: {  	_ = 	snop;
	(pc) =	sbr.ind lr, $3  }
0x3a: {  	_ = 	snop  }
0x3b: {  	_ = 	snop  }
0x3c: {  	p2 =	seq.s32 s10, $0x1;
	s10 =	sld [smem:$0x3F9C]  }
0x3d: {  	_ =	shalt  }
0x3e: {  	_ =	shalt  }
0x3f: {  	_ =	shalt  }
0x40: {  	_ =	shalt  }
0x41: {  	_ =	shalt  }
0x42: {  	_ =	shalt  }
0x43: {  	_ =	shalt  }
0x44: {  	_ =	shalt  }
0x45: {  	_ =	shalt  }
0x46: {  	_ =	shalt  }
0x47: {  	_ =	shalt  }
0x48: {  	_ =	shalt  }
0x49: {  	_ =	shalt  }
0x4a: {  	_ =	shalt  }
0x4b: {  	_ =	shalt  }
0x4c: {  	_ =	shalt  }
0x4d: {  	_ =	shalt  }
0x4e: {  	_ =	shalt  }
0x4f: {  	_ =	shalt  }
0x50: {  	_ =	shalt  }
0x51: {  	_ =	shalt  }
0x52: {  	_ =	shalt  }
0x53: {  	_ =	shalt  }
0x54: {  	_ =	shalt  }
0x55: {  	_ =	shalt  }
0x56: {  	_ =	shalt  }
0x57: {  	_ =	shalt  }
0x58: {  	_ =	shalt  }
0x59: {  	_ =	shalt  }
0x5a: {  	_ =	shalt  }
0x5b: {  	_ =	shalt  }
0x5c: {  	_ =	shalt  }
0x5d: {  	_ =	shalt  }
0x5e: {  	_ =	shalt  }
0x5f: {  	_ =	shalt  }
0x60: {  	_ =	shalt  }
0x61: {  	_ =	shalt  }
0x62: {  	_ =	shalt  }
0x63: {  	_ =	shalt  }
0x64: {  	_ =	shalt  }
0x65: {  	_ =	shalt  }
0x66: {  	_ =	shalt  }
0x67: {  	_ =	shalt  }
0x68: {  	_ =	shalt  }
0x69: {  	_ =	shalt  }
0x6a: {  	_ =	shalt  }
0x6b: {  	_ =	shalt  }
0x6c: {  	_ =	shalt  }
0x6d: {  	_ =	shalt  }
0x6e: {  	_ =	shalt  }
0x6f: {  	_ =	shalt  }
0x70: {  	_ =	shalt  }
0x71: {  	_ =	shalt  }
0x72: {  	_ =	shalt  }
0x73: {  	_ =	shalt  }
0x74: {  	_ =	shalt  }
0x75: {  	_ =	shalt  }
0x76: {  	_ =	shalt  }
0x77: {  	_ =	shalt  }
0x78: {  	_ =	shalt  }
0x79: {  	_ =	shalt  }
0x7a: {  	_ =	shalt  }
0x7b: {  	_ =	shalt  }
0x7c: {  	_ =	shalt  }
0x7d: {  	_ =	shalt  }
0x7e: {  	_ =	shalt  }
0x7f: {  	_ =	shalt  }
0x80: {  	_ =	shalt  }
0x81: {  	_ =	shalt  }
0x82: {  	_ =	shalt  }
0x83: {  	_ =	shalt  }
0x84: {  	_ =	shalt  }
0x85: {  	_ =	shalt  }
0x86: {  	_ =	shalt  }
0x87: {  	_ =	shalt  }
.Lfunc_end0:
.L_simem_size_0:
called_computation_lowered:
.L_overlay_start_0:
0x88: {  	s2 =	sld [smem:$0x3FD9]  }
0x89: {  	s3 =	sld [smem:$0x3FFE];
	_ =	sdelay $0x1  }
0x8a: {  	s1 =	srdreg.scid  }
0x8b: {  	s0 =	sand.u32 $0x1, s1  }
0x8c: {  	s16 =	sshll.u32 s0, $0xA;
	s2 =	sadd.s32 s3, s2  }
0x8d: {  	s2 =	sadd.s32 s2, s16  }
0x8e: {  	[smem:$0x3FA8] =	sst s2  }
0x8f: {  	_ = 	snop  }
0x90: {  	(tm) =	ssettm $0x1  }
0x91: {  	s17 =	sld [smem:$0x3FFB];
	_ =	sdelay $0x3  }
0x92: {  	_ =	strace s17  }
0x93: {  	s2 =	sld [smem:$0x3FFC];
	_ =	sdelay $0x3  }
0x94: {  	_ =	strace s2  }
0x95: {  	s2 =	sld [smem:$0x3FFD];
	_ =	sdelay $0x3  }
0x96: {  	_ =	strace s2  }
0x97: {  	_ =	strace $0x8FFFFFFF  }
0x98: {  	s18 =	sld [smem:$0x3FDB];
	_ =	sdelay $0x1  }
0x99: {  	s19 =	simm.s32 $_scs_section_size  }
0x9a: {  	s4 =	simm.s32 $_size__tile_overlayer_lowered;
	s5 =	simm.s32 $_tile_overlayer_lowered  }
0x9b: {  	s22 =	simm.s32 $0x1BFF;
	s21 =	sshll.u32 s5, $0x1;
	s2 =	sadd.s32 s19, s18  }
0x9c: {  	s6 =	simm.s32 $0x0;
	s20 =	sshll.u32 s4, $0x1;
	s4 =	sadd.s32 s21, s2  }
0x9d: {  	[timem:s6], [sflag:s22] =	dma.local [hbm:s4], s20  }
0x9e: {  	_ =	swait.ge [sflag:s22], s20  }
0x9f: {  	s3 =	ssub.s32 $0x0, s20;
	[sflag:s22] =	ssyncset.done $0x0  }
0xa0: {  	[sflag:s22] =	ssyncadd.s32 s3;
	_ =	sdelay $0x1  }
0xa1: {  	s23 =	simm.s32 $0x1B8B  }
0xa2: {  	_ =	swait.ge [sflag:s23], $0x1  }
0xa3: {  	[sflag:s23] =	ssyncset.done $0x0  }
0xa4: {  	s25 =	simm.s32 $0x1B8E;
	s24 =	sld [smem:$0x3FFE];
	[sflag:s23] =	ssyncadd.s32 $0xFFFFFFFF  }
0xa5: {  	s26 =	simm.s32 $execute0_lowered;
	[smem:$0x3FD2] =	sst s25  }
0xa6: {  	s4 =	sshll.u32 s26, $0x1;
	_ =	strace $0x80000046;
	[dreg:$0x1] =	wrdreg $0xFFFFFFFF  }
0xa7: {  	s28 =	simm.s32 $_size_execute0_lowered;
	s2 =	sadd.s32 s2, s4;
	[dreg:$0x0] =	wrdreg $0x0  }
0xa8: {  	s4 =	sshll.u32 s28, $0x1;
	[dreg:$0x2] =	wrdreg s2  }
0xa9: {  	[dreg:$0x3] =	wrdreg s4  }
0xaa: {  	[dreg:$0x4] =	wrdreg $0xC0  }
0xab: {  	_ =	task [dreg:s6], $0x5FFFF  }
0xac: {  	[dreg:$0x1] =	wrdreg $0xFFFFFFFF  }
0xad: {  	[dreg:$0x0] =	wrdreg $0x60  }
0xae: {  	[dreg:$0x2] =	wrdreg s24  }
0xaf: {  	[dreg:$0x3] =	wrdreg $0x0  }
0xb0: {  	[dreg:$0x4] =	wrdreg $0x9  }
0xb1: {  	_ =	task.clear_ibuf [dreg:s6], $0x5FFFF;
	_ =	strace $0x90000046  }
0xb2: {  	s29 =	simm.s32 $0x9;
	_ =	strace $0x80000048  }
0xb3: {  	_ =	swait.ge [sflag:s29], $0x1  }
0xb4: {  	[sflag:s29] =	ssyncadd.s32 $0xFFFFFFFF  }
0xb5: {  	_ =	strace $0x90000048  }
0xb6: {  	_ =	sfence  }
0xb7: {  	s30 =	sld [smem:$0x0];
	_ =	sdelay $0x2  }
0xb8: {  	s31 =	sshll.u32 s1, $0xD;
	s1 =	sshrl.u32 s1, $0x2  }
0xb9: {  	s3 =	sand.u32 $0x4000, s31;
	s1 =	sadd.s32 s1, s30  }
0xba: {  	s0 =	sor.u32 s3, s0;
	s1 =	sshll.u32 s1, $0x11  }
0xbb: {  	s0 =	sor.u32 s1, s0  }
0xbc: {  	s0 =	sadd.s32 $0x8F2B, s0  }
0xbd: {  	[sflag:s0] =	ssyncadd.remote.s32 $0x1  }
0xbe: {  	_ =	sfence.sel $0xFFFF  }
0xbf: {  	[dreg:$0x0] =	wrdreg $0xFFFFFFFF;
	(pc) =	sbr.abs _section_cstart, $3  }
0xc0: {  	[dreg:$0x1] =	wrdreg $0xFFFFFFFF  }
0xc1: {  	_ =	task.clear_ibuf [dreg:s6], $0x2FFFF;
	_ =	strace $0x9FFFFFFF  }
0xc2: {  	(tm) =	ssettm $0x7FFFFFFF  }
0xc3: {  	_ =	shalt  }
tec
execute0_lowered:
.L_overlay_start_1:
0x0: {  	(tag) =	ssettag $0x1  }
0x1: {  	s0 =	rddreg [dreg:$0x0]  }
0x2: {  	s1 =	rddreg [dreg:$0x1];
	s3 =	simm.s32 $0x0;
	s2 =	stileid.u32  }
0x3: {  	s4 =	srdreg.scid;
	s18 =	simm.s32 $0x5;
	s19 =	simm.s32 $0x18780  }
0x4: {  	s28 =	simm.s32 $0x3;
	s29 =	simm.s32 $0x2;
	s30 =	simm.s32 $0x4  }
0x5: {  	s31 =	simm.s32 $0x0;
	s15 =	sadd.s32 $0x1BD600, s0;
	s5 =	smul.u32 $0x18780, s2  }
0x6: {  	[smem:$0x7FF] =	sst s3;
	s16 =	sadd.s32 $0x21F600, s0;
	s7 =	smul.u32 $0x30F0, s2  }
0x7: {  	s6 =	sand.u32 $0x1, s4;
	s4 =	sadd.s32 $0x18C800, s0;
	s13 =	smul.u32 $0xC4, s2  }
0x8: {  	s22 =	sshll.u32 s2, $0x6;
	_ =	strace $0x80000047;
	s9 =	smul.u32 $0x30F00, s6  }
0x9: {  	s10 =	ssub.s32 $0x2, s6;
	s11 =	sshll.u32 s6, $0x4;
	s23 =	smul.u32 $0xC40, s6  }
0xa: {  	s6 =	sor.u32 $0x1C05, s22;
	s22 =	simm.s32 $0x18F80;
	s8 =	sshrl.u32 s5, $0x3  }
0xb: {  	s20 =	sshrl.u32 s10, $0x1;
	s11 =	sor.u32 s2, s11;
	s17 =	sadd.s32 s5, s1  }
0xc: {  	s8 =	sadd.s32 s8, s0;
	s7 =	sadd.s32 s7, s9;
	s12 =	ssub.s32 s10, s20  }
0xd: {  	s21 =	smul.u32 $0x3100, s11;
	s13 =	sadd.s32 s13, s23;
	s17 =	sshrl.u32 s17, $0x3  }
0xe: {  	s20 =	simm.s32 $0x18B80;
	s23 =	simm.s32 $0x18980;
	s0 =	sadd.s32 s7, s0  }
0xf: {  	s24 =	sadd.s32 $0x281600, s8;
	s12 =	smax.u32 s12, $0x1;
	s26 =	sshll.u32 s13, $0x6  }
0x10: {  	[dreg:$0x3] =	wrdreg s24;
	s7 =	sadd.s32 s15, s21;
	s8 =	sadd.s32 s16, s21  }
0x11: {  	s25 =	sor.u32 $0x40, s21;
	s11 =	sadd.s32 $0x2B2600, s0;
	s13 =	sadd.s32 s26, s15  }
0x12: {  	s14 =	sadd.s32 s26, s16;
	s0 =	sor.u32 $0x80, s26;
	s21 =	simm.s32 $0x200  }
0x13: {  	s24 =	simm.s32 $0x18D80;
	s26 =	simm.s32 $0x1;
	s9 =	sadd.s32 s15, s25  }
0x14: {  	s10 =	sadd.s32 s16, s25;
	s13 =	sadd.s32 $0xC0, s13;
	s14 =	sadd.s32 $0xC0, s14  }
0x15: {  	s15 =	sadd.s32 s0, s15;
	s16 =	sadd.s32 s0, s16;
	s25 =	simm.s32 $0x1AF80  }
.LBB2_1:
0x16: {  	s0 =	rddreg [dreg:$0x3]  }
0x17: {  	[spmem:s17], [sflag:s6] =	dma.local [hbm:s0], $0x30F0  }
0x18: {  	_ =	swait.ge [sflag:s18], $0x30F0  }
0x19: {  	[sflag:s18] =	ssyncset.done $0x0  }
0x1a: {  	[sflag:s18] =	ssyncadd.s32 $0xFFFFCF10  }
0x1b: {  	[bflag:$0x0] =	sbarrier.arrive $0xFFFF  }
0x1c: {  	[tilespmem:s19], [sflag:$0x5] =	stream.linear.gather [hbm4b:s7+s3], $0x200, $0x38;
	[tilespmem:$0x1CF80] =	vst v63  }
0x1d: {  	_ =	swait.ge [sflag:s18], $0x200  }
0x1e: {  	[sflag:s18] =	ssyncset.done $0x0  }
0x1f: {  	[sflag:s18] =	ssyncadd.s32 $0xFFFFFE00  }
0x20: {  	[tilespmem:s20], [sflag:$0x5] =	stream.linear.gather [hbm4b:s8+s3], $0x200, $0x38;
	[tilespmem:$0x1CF80] =	vst v63  }
0x21: {  	_ =	swait.ge [sflag:s18], $0x200  }
0x22: {  	[sflag:s18] =	ssyncset.done $0x0  }
0x23: {  	[sflag:s18] =	ssyncadd.s32 $0xFFFFFE00  }
0x24: {  	[tilespmem:s22], [sflag:$0x1] =	stream.indirect.gather [hbm4b:s4+s21], $0x10, s19, s21, $0xb8;
	[tilespmem:$0x1CF80] =	vst v63  }
0x25: {  	_ = 	snop  }
0x26: {  	[tilespmem:s23], [sflag:$0x5] =	stream.linear.gather [hbm4b:s9+s3], $0x200, $0x38;
	[tilespmem:$0x1CF80] =	vst v63  }
0x27: {  	_ =	swait.ge [sflag:s18], $0x200  }
0x28: {  	[sflag:s18] =	ssyncset.done $0x0  }
0x29: {  	[sflag:s18] =	ssyncadd.s32 $0xFFFFFE00  }
0x2a: {  	[tilespmem:s24], [sflag:$0x5] =	stream.linear.gather [hbm4b:s10+s3], $0x200, $0x38;
	[tilespmem:$0x1CF80] =	vst v63  }
0x2b: {  	_ =	swait.ge [sflag:s18], $0x200  }
0x2c: {  	[sflag:s18] =	ssyncset.done $0x0  }
0x2d: {  	[sflag:s18] =	ssyncadd.s32 $0xFFFFFE00  }
0x2e: {  	[tilespmem:s25], [sflag:$0x2] =	stream.indirect.gather [hbm4b:s4+s21], $0x10, s23, s21, $0xb8;
	[tilespmem:$0x1CF80] =	vst v63  }
0x2f: {  	_ =	swait.ge [sflag:s26], $0x2000  }
0x30: {  	[sflag:s26] =	ssyncset.done $0x0  }
0x31: {  	[sflag:s26] =	ssyncadd.s32 $0xFFFFE000  }
0x32: {  	[spmem:s1] =	stream.indirect.scatter.add.f32 [tilespmem:s22], [sflag:$0x3], $0x10, s20, s21, $0xb8;
	[tilespmem:$0x1CF80] =	vst v63  }
0x33: {  	_ =	swait.ge [sflag:s28], $0x2000  }
0x34: {  	[sflag:s28] =	ssyncset.done $0x0  }
0x35: {  	s2 =	sadd.s32 $0x0, s15;
	[sflag:s28] =	ssyncadd.s32 $0xFFFFE000  }
0x36: {  	[tilespmem:s19], [sflag:$0x5] =	stream.linear.gather [hbm4b:s2+s3], $0x200, $0x38;
	[tilespmem:$0x1CF80] =	vst v63  }
0x37: {  	_ =	swait.ge [sflag:s18], $0x200  }
0x38: {  	[sflag:s18] =	ssyncset.done $0x0  }
0x39: {  	s5 =	sadd.s32 $0x0, s16;
	[sflag:s18] =	ssyncadd.s32 $0xFFFFFE00  }
0x3a: {  	[tilespmem:s20], [sflag:$0x5] =	stream.linear.gather [hbm4b:s5+s3], $0x200, $0x38;
	[tilespmem:$0x1CF80] =	vst v63  }
0x3b: {  	_ =	swait.ge [sflag:s18], $0x200  }
0x3c: {  	[sflag:s18] =	ssyncset.done $0x0  }
0x3d: {  	[sflag:s18] =	ssyncadd.s32 $0xFFFFFE00  }
0x3e: {  	[tilespmem:s22], [sflag:$0x1] =	stream.indirect.gather [hbm4b:s4+s21], $0x10, s19, s21, $0xb8;
	[tilespmem:$0x1CF80] =	vst v63  }
0x3f: {  	_ =	swait.ge [sflag:s29], $0x2000  }
0x40: {  	[sflag:s29] =	ssyncset.done $0x0  }
0x41: {  	[sflag:s29] =	ssyncadd.s32 $0xFFFFE000  }
0x42: {  	[spmem:s1] =	stream.indirect.scatter.add.f32 [tilespmem:s25], [sflag:$0x4], $0x10, s24, s21, $0xb8;
	[tilespmem:$0x1CF80] =	vst v63  }
0x43: {  	_ =	swait.ge [sflag:s30], $0x2000  }
0x44: {  	[sflag:s30] =	ssyncset.done $0x0  }
0x45: {  	s2 =	sadd.s32 $0x0, s13;
	[sflag:s30] =	ssyncadd.s32 $0xFFFFE000  }
0x46: {  	[tilespmem:s23], [sflag:$0x5] =	stream.linear.gather [hbm4b:s2+s3], $0x200, $0x38;
	[tilespmem:$0x1CF80] =	vst v63  }
0x47: {  	_ =	swait.ge [sflag:s18], $0x200  }
0x48: {  	[sflag:s18] =	ssyncset.done $0x0  }
0x49: {  	s5 =	sadd.s32 $0x0, s14;
	[sflag:s18] =	ssyncadd.s32 $0xFFFFFE00  }
0x4a: {  	[tilespmem:s24], [sflag:$0x5] =	stream.linear.gather [hbm4b:s5+s3], $0x200, $0x38;
	[tilespmem:$0x1CF80] =	vst v63  }
0x4b: {  	_ =	swait.ge [sflag:s18], $0x200  }
0x4c: {  	[sflag:s18] =	ssyncset.done $0x0  }
0x4d: {  	s0 =	simm.s32 $0x80;
	[sflag:s18] =	ssyncadd.s32 $0xFFFFFE00  }
.LBB2_2:
0x4e: {  	[tilespmem:s25], [sflag:$0x2] =	stream.indirect.gather [hbm4b:s4+s21], $0x10, s23, s21, $0xb8;
	[tilespmem:$0x1CF80] =	vst v63  }
0x4f: {  	s2 =	smov.u32 s0  }
0x50: {  	p0 =	sne.s32 s0, $0x3000;
	s0 =	sadd.s32 $0x80, s0;
	_ =	swait.ge [sflag:s26], $0x2000  }
0x51: {  	[sflag:s26] =	ssyncset.done $0x0  }
0x52: {  	[sflag:s26] =	ssyncadd.s32 $0xFFFFE000  }
0x53: {  	[spmem:s1] =	stream.indirect.scatter.add.f32 [tilespmem:s22], [sflag:$0x3], $0x10, s20, s21, $0xb8;
	[tilespmem:$0x1CF80] =	vst v63  }
0x54: {  	_ =	swait.ge [sflag:s28], $0x2000  }
0x55: {  	[sflag:s28] =	ssyncset.done $0x0  }
0x56: {  	s5 =	sadd.s32 s2, s15;
	[sflag:s28] =	ssyncadd.s32 $0xFFFFE000  }
0x57: {  	[tilespmem:s19], [sflag:$0x5] =	stream.linear.gather [hbm4b:s5+s3], $0x200, $0x38;
	[tilespmem:$0x1CF80] =	vst v63  }
0x58: {  	_ =	swait.ge [sflag:s18], $0x200  }
0x59: {  	[sflag:s18] =	ssyncset.done $0x0  }
0x5a: {  	s5 =	sadd.s32 s2, s16;
	[sflag:s18] =	ssyncadd.s32 $0xFFFFFE00  }
0x5b: {  	[tilespmem:s20], [sflag:$0x5] =	stream.linear.gather [hbm4b:s5+s3], $0x200, $0x38;
	[tilespmem:$0x1CF80] =	vst v63  }
0x5c: {  	_ =	swait.ge [sflag:s18], $0x200  }
0x5d: {  	[sflag:s18] =	ssyncset.done $0x0  }
0x5e: {  	[sflag:s18] =	ssyncadd.s32 $0xFFFFFE00  }
0x5f: {  	[tilespmem:s22], [sflag:$0x1] =	stream.indirect.gather [hbm4b:s4+s21], $0x10, s19, s21, $0xb8;
	[tilespmem:$0x1CF80] =	vst v63  }
0x60: {  	_ =	swait.ge [sflag:s29], $0x2000  }
0x61: {  	[sflag:s29] =	ssyncset.done $0x0  }
0x62: {  	[sflag:s29] =	ssyncadd.s32 $0xFFFFE000  }
0x63: {  	[spmem:s1] =	stream.indirect.scatter.add.f32 [tilespmem:s25], [sflag:$0x4], $0x10, s24, s21, $0xb8;
	[tilespmem:$0x1CF80] =	vst v63  }
0x64: {  	_ =	swait.ge [sflag:s30], $0x2000  }
0x65: {  	[sflag:s30] =	ssyncset.done $0x0  }
0x66: {  	s5 =	sadd.s32 s2, s13;
	[sflag:s30] =	ssyncadd.s32 $0xFFFFE000  }
0x67: {  	[tilespmem:s23], [sflag:$0x5] =	stream.linear.gather [hbm4b:s5+s3], $0x200, $0x38;
	[tilespmem:$0x1CF80] =	vst v63  }
0x68: {  	_ =	swait.ge [sflag:s18], $0x200  }
0x69: {  	[sflag:s18] =	ssyncset.done $0x0  }
.Ltmp0:
0x6a: {  	s2 =	sadd.s32 s2, s14;
	[sflag:s18] =	ssyncadd.s32 $0xFFFFFE00;
	(pc) =	sbr.rel @p0 .LBB2_2-.Ltmp0, $4  }
0x6b: {  	[tilespmem:s24], [sflag:$0x5] =	stream.linear.gather [hbm4b:s2+s3], $0x200, $0x38;
	[tilespmem:$0x1CF80] =	vst v63  }
0x6c: {  	_ =	swait.ge [sflag:s18], $0x200  }
0x6d: {  	[sflag:s18] =	ssyncset.done $0x0  }
0x6e: {  	[sflag:s18] =	ssyncadd.s32 $0xFFFFFE00  }
0x6f: {  	[tilespmem:s25], [sflag:$0x2] =	stream.indirect.gather [hbm4b:s4+s21], $0x10, s23, s21, $0xb8;
	[tilespmem:$0x1CF80] =	vst v63  }
0x70: {  	_ =	swait.ge [sflag:s26], $0x2000  }
0x71: {  	[sflag:s26] =	ssyncset.done $0x0  }
0x72: {  	[sflag:s26] =	ssyncadd.s32 $0xFFFFE000  }
0x73: {  	[spmem:s1] =	stream.indirect.scatter.add.f32 [tilespmem:s22], [sflag:$0x3], $0x10, s20, s21, $0xb8;
	[tilespmem:$0x1CF80] =	vst v63  }
0x74: {  	_ =	swait.ge [sflag:s29], $0x2000  }
0x75: {  	[sflag:s29] =	ssyncset.done $0x0  }
0x76: {  	[sflag:s29] =	ssyncadd.s32 $0xFFFFE000  }
0x77: {  	[spmem:s1] =	stream.indirect.scatter.add.f32 [tilespmem:s25], [sflag:$0x4], $0x10, s24, s21, $0xb8;
	[tilespmem:$0x1CF80] =	vst v63  }
0x78: {  	_ =	swait.ge [sflag:s28], $0x2000  }
0x79: {  	[sflag:s28] =	ssyncset.done $0x0  }
0x7a: {  	[sflag:s28] =	ssyncadd.s32 $0xFFFFE000  }
0x7b: {  	_ =	swait.ge [sflag:s30], $0x2000  }
0x7c: {  	s31 =	sadd.s32 $0x1, s31;
	[sflag:s30] =	ssyncset.done $0x0  }
0x7d: {  	p0 =	sne.s32 s31, s12;
	[sflag:s30] =	ssyncadd.s32 $0xFFFFE000  }
.Ltmp1:
0x7e: {  	[bflag:$0x0] =	sbarrier.arrive $0xFFFF;
	(pc) =	sbr.rel @p0 .LBB2_1-.Ltmp1, $4  }
0x7f: {  	[hbm:s11], [sflag:s6] =	dma.local [spmem:s17], $0x30F0  }
0x80: {  	_ =	swait.ge [sflag:s18], $0x30F0  }
0x81: {  	[sflag:s18] =	ssyncset.done $0x0  }
0x82: {  	[sflag:s18] =	ssyncadd.s32 $0xFFFFCF10  }
0x83: {  	_ =	sfence.sel $0x180000  }
0x84: {  	[bflag:$0x0] =	sbarrier.arrive $0xFFFF  }
0x85: {  	_ =	strace $0x90000047  }
0x86: {  	s0 =	stileid.u32;
	[bflag:$0x2] =	sbarrier.arrive $0xFFFF  }
0x87: {  	p0 =	sne.s32 s0, $0x0;
	s0 =	rddreg [dreg:$0x2]  }
0x88: {  	s0 =	sadd.s32 @!p0 $0x100000, s0  }
0x89: {  	[sflag:s0] =	ssyncadd.tile.s32 @!p0 $0x1;
	_ =	shalt  }
.Lfunc_end2:
_tile_overlayer_lowered:
.L_overlay_start_2:
0x8a: {  	(tag) =	ssettag $0x2  }
0x8b: {  	s0 =	rddreg [dreg:$0x0];
	s2 =	stileid.u32  }
0x8c: {  	s1 =	rddreg [dreg:$0x1];
	p0 =	sne.s32 s2, $0x0  }
0x8d: {  	s3 =	rddreg [dreg:$0x2];
	[bflag:$0x3] =	sbarrier.arrive $0xFFFF;
	s2 =	simm.s32 @!p0 $0x1C05  }
0x8e: {  	[timem:s3], [sflag:s2] =	dma.local @!p0 [hbm:s0], s1  }
0x8f: {  	s0 =	simm.s32 @!p0 $0x5  }
0x90: {  	_ =	swait.ge @!p0 [sflag:s0], s1  }
0x91: {  	s1 =	ssub.s32 @!p0 $0x0, s1;
	[sflag:s0] =	ssyncset.done @!p0 $0x0  }
0x92: {  	[sflag:s0] =	ssyncadd.s32 @!p0 s1  }
0x93: {  	[bflag:$0x3] =	sbarrier.arrive $0xFFFF  }
0x94: {  	_ =	shalt  }

</sc_bundles>
